<compile_context>
chip_gen: v7x
topology: tpu7x:2x2x1
jax: 0.10.2.dev20260603
libtpu: 0.0.44.dev20260713+nightly
codegen_flags: <defaults>
</compile_context>

<pallas_src>
import functools

import jax
import jax.numpy as jnp
from jax import lax
from jax.experimental import pallas as pl
from jax.experimental.pallas import tpu as pltpu
from jax.experimental.pallas import tpu_sc as plsc

SEQ = 200
EMB = 64
VOC = 100
BATCH = 4096
SCALE = float(EMB) ** 0.5

NW = 32
BT = BATCH // NW
PAD = 128


def _pos_table():
    pos = jnp.arange(SEQ, dtype=jnp.float32)[:, None]
    div = 10000.0 ** (jnp.arange(0, EMB, 2, dtype=jnp.float32) / EMB)
    pe = jnp.zeros((SEQ, EMB), dtype=jnp.float32)
    pe = pe.at[:, 0::2].set(jnp.sin(pos / div))
    pe = pe.at[:, 1::2].set(jnp.cos(pos / div))
    return pe


def _fused_table(emb_table, pos):
    def body(t_ref, p_ref, o_ref):
        t = t_ref[...] * SCALE
        p = p_ref[...]
        f = p[:, None, :] + t[None, :, :]
        o_ref[...] = jnp.pad(f.reshape(SEQ * VOC, EMB),
                             ((0, 0), (0, PAD - EMB)))

    return pl.pallas_call(
        body,
        out_shape=jax.ShapeDtypeStruct((SEQ * VOC, PAD), jnp.float32),
    )(emb_table, pos)


_mesh = plsc.VectorSubcoreMesh(core_axis_name="c", subcore_axis_name="s")


@functools.partial(
    pl.kernel,
    mesh=_mesh,
    compiler_params=pltpu.CompilerParams(needs_layout_passes=False),
    out_type=jax.ShapeDtypeStruct((SEQ, EMB, BATCH), jnp.float32),
    scratch_types=[
        pltpu.VMEM((BT, SEQ), jnp.int32),
        pltpu.VMEM((4, BT), jnp.int32),
        pltpu.VMEM((BT, PAD), jnp.float32),
        pltpu.VMEM((BT, PAD), jnp.float32),
        pltpu.VMEM((BT, PAD), jnp.float32),
        pltpu.VMEM((BT, PAD), jnp.float32),
        pltpu.VMEM((EMB, BT), jnp.float32),
        pltpu.VMEM((EMB, BT), jnp.float32),
        pltpu.SemaphoreType.DMA,
        pltpu.SemaphoreType.DMA,
        pltpu.SemaphoreType.DMA,
        pltpu.SemaphoreType.DMA,
        pltpu.SemaphoreType.DMA,
        pltpu.SemaphoreType.DMA,
    ],
)
def _sc_embed(tok_hbm, fused_hbm, out_hbm, tok_v, idx_v, rows0, rows1,
              rows2, rows3, trans_a, trans_b, gsem0, gsem1, gsem2, gsem3,
              ssem_a, ssem_b):
    wid = lax.axis_index("s") * 2 + lax.axis_index("c")
    bbase = wid * BT
    pltpu.sync_copy(tok_hbm.at[pl.ds(bbase, BT)], tok_v)
    lane = lax.iota(jnp.int32, 16)

    def compute_idx(idx_ref, s):
        for i in range(BT // 16):
            r = i * 16 + lane
            tk = plsc.load_gather(tok_v, [r, jnp.zeros((16,), jnp.int32) + s])
            idx_ref[pl.ds(i * 16, 16)] = s * VOC + tk

    def fire_gather(idx_ref, rows_ref, sem):
        pltpu.async_copy(fused_hbm.at[idx_ref], rows_ref, sem)

    def drain_gather(rows_ref, sem):
        pltpu.make_async_copy(fused_hbm.at[pl.ds(0, BT)], rows_ref,
                              sem).wait()

    def emit_block(rows_ref, trans_ref, ssem, s):
        @pl.when(s >= 2)
        def _():
            pltpu.make_async_copy(trans_ref,
                                  out_hbm.at[0, :, pl.ds(bbase, BT)],
                                  ssem).wait()

        def kbody(k, carry):
            rot = jnp.bitwise_and(lane + k, 15)
            for t0 in range(0, BT, 16):
                rvec = t0 + lane
                for e0 in range(0, EMB, 16):
                    cvec = e0 + rot
                    v = plsc.load_gather(rows_ref, [rvec, cvec])
                    plsc.store_scatter(trans_ref, [cvec, rvec], v)
            return carry

        lax.fori_loop(0, 16, kbody, 0)
        pltpu.async_copy(trans_ref, out_hbm.at[s, :, pl.ds(bbase, BT)], ssem)

    rows = [rows0, rows1, rows2, rows3]
    gsem = [gsem0, gsem1, gsem2, gsem3]
    trans = [trans_a, trans_b]
    ssem = [ssem_a, ssem_b]

    for j in range(4):
        compute_idx(idx_v.at[j], j)
        fire_gather(idx_v.at[j], rows[j], gsem[j])

    def body(i, carry):
        for j in range(4):
            s = 4 * i + j
            drain_gather(rows[j], gsem[j])
            emit_block(rows[j], trans[j & 1], ssem[j & 1], s)

            @pl.when(s + 4 < SEQ)
            def _(j=j, s=s):
                compute_idx(idx_v.at[j], s + 4)
                fire_gather(idx_v.at[j], rows[j], gsem[j])
        return carry

    lax.fori_loop(0, SEQ // 4, body, 0)

    pltpu.make_async_copy(trans_a, out_hbm.at[0, :, pl.ds(bbase, BT)],
                          ssem_a).wait()
    pltpu.make_async_copy(trans_b, out_hbm.at[0, :, pl.ds(bbase, BT)],
                          ssem_b).wait()


def kernel(tokens, emb_table):
    pos = _pos_table()
    fused = _fused_table(emb_table, pos)
    out_t = _sc_embed(tokens.astype(jnp.int32), fused)
    return out_t.transpose(2, 0, 1)

# --- scband reference (transcript-rebuilt; emitter-appended) ---
"""Pipeline reference for scband-sentence-embedding-81432579932245 (READ-ONLY COPY).

The authoritative reference and input builder live on the scoring server;
editing this copy changes nothing except your own understanding.
"""

import jax, jax.numpy as jnp
import numpy as np

SEQ_LEN = 200
N_EMBD = 64
VOCAB = 100
BATCH = 4096


def make_pos_emb(seq_len, n_embd):
    pos = jnp.arange(seq_len, dtype=jnp.float32)[:, None]
    div_term = 10000.0 ** (jnp.arange(0, n_embd, 2, dtype=jnp.float32) / n_embd)
    pe = jnp.zeros((seq_len, n_embd), dtype=jnp.float32)
    pe = pe.at[:, 0::2].set(jnp.sin(pos / div_term))
    pe = pe.at[:, 1::2].set(jnp.cos(pos / div_term))
    return pe[None]  # [1, seq_len, n_embd]


def setup_inputs(seed: int = 0) -> dict:
    key = jax.random.key(seed)
    k1, k2 = jax.random.split(key)
    tokens = jax.random.randint(k1, (BATCH, SEQ_LEN), 0, VOCAB, dtype=jnp.int64 if jax.config.read('jax_enable_x64') else jnp.int32)
    emb_table = jax.random.normal(k2, (VOCAB, N_EMBD), dtype=jnp.float32)
    return {"tokens": tokens, "emb_table": emb_table}


def reference(tokens, emb_table):
    # nn.Embedding lookup (gather) scaled by sqrt(n_embd)
    tok_emb = jnp.take(emb_table, tokens, axis=0) * (N_EMBD ** 0.5)
    # PositionalEncoding buffer (deterministic, non-learned)
    pos = make_pos_emb(SEQ_LEN, N_EMBD)[:, :tokens.shape[1], :]
    return tok_emb + pos

if __name__ == "__main__":
    import jax
    _d = setup_inputs()
    print(jax.jit(kernel)(*tuple(_d.values())))

</pallas_src>

<mosaic_0001>
#map = affine_map<(d0, d1) -> (0, 0)>
#map1 = affine_map<(d0, d1) -> (0, 0, 0)>
module attributes {stable_mosaic.version = 14 : i64} {
  func.func @_sc_embed(%arg0: i32, %arg1: i32, %arg2: memref<4096x200xi32, #tpu.memory_space<hbm>>, %arg3: memref<20000x128xf32, #tpu.memory_space<hbm>>, %arg4: memref<200x64x4096xf32, #tpu.memory_space<hbm>>, %arg5: memref<128x200xi32, #tpu.memory_space<vmem>>, %arg6: memref<4x128xi32, #tpu.memory_space<vmem>>, %arg7: memref<128x128xf32, #tpu.memory_space<vmem>>, %arg8: memref<128x128xf32, #tpu.memory_space<vmem>>, %arg9: memref<128x128xf32, #tpu.memory_space<vmem>>, %arg10: memref<128x128xf32, #tpu.memory_space<vmem>>, %arg11: memref<64x128xf32, #tpu.memory_space<vmem>>, %arg12: memref<64x128xf32, #tpu.memory_space<vmem>>, %arg13: memref<!tpu.dma_semaphore, #tpu.memory_space<semaphore_mem>>, %arg14: memref<!tpu.dma_semaphore, #tpu.memory_space<semaphore_mem>>, %arg15: memref<!tpu.dma_semaphore, #tpu.memory_space<semaphore_mem>>, %arg16: memref<!tpu.dma_semaphore, #tpu.memory_space<semaphore_mem>>, %arg17: memref<!tpu.dma_semaphore, #tpu.memory_space<semaphore_mem>>, %arg18: memref<!tpu.dma_semaphore, #tpu.memory_space<semaphore_mem>>) attributes {dimension_semantics = [#tpu.dimension_semantics<core_parallel>, #tpu.dimension_semantics<subcore_parallel>], iteration_bounds = array<i64: 2, 16>, scalar_prefetch = 0 : i64, scratch_operands = 14 : i64, tpu.core_type = #tpu.core_type<sc_vector_subcore>, window_params = [{transform_indices = #map}, {transform_indices = #map}, {transform_indices = #map1}]} {
    %mul3A = arith.constant 2 : i32
    %mul3A_0 = arith.muli %arg1, %mul3A : i32
    %add3A = arith.addi %mul3A_0, %arg0 : i32
    %mul3A_1 = arith.constant 128 : i32
    %mul3A_2 = arith.muli %add3A, %mul3A_1 : i32
    "tpu.region"() ({
      %run_scoped3A = tpu.sem_alloc : memref<!tpu.dma_semaphore, #tpu.memory_space<semaphore_mem>>
      %dma_start3A_621 = arith.constant 0 : i32
      %dma_start3A_622 = tpu.memref_slice %arg2[%mul3A_2, %dma_start3A_621] : memref<4096x200xi32, #tpu.memory_space<hbm>> -> memref<128x200xi32, #tpu.memory_space<hbm>>
      %dma_start3A_623 = arith.constant 0 : i32
      %dma_start3A_624 = tpu.memref_slice %arg2[%mul3A_2, %dma_start3A_623] : memref<4096x200xi32, #tpu.memory_space<hbm>> -> memref<128x200xi32, #tpu.memory_space<hbm>>
      tpu.enqueue_dma source(%dma_start3A_624 : memref<128x200xi32, #tpu.memory_space<hbm>>) target(%arg5 : memref<128x200xi32, #tpu.memory_space<vmem>>) target_semaphore(%run_scoped3A : memref<!tpu.dma_semaphore, #tpu.memory_space<semaphore_mem>>)
      %dma_wait3A_625 = arith.constant 0 : i32
      %dma_wait3A_626 = tpu.memref_slice %arg2[%mul3A_2, %dma_wait3A_625] : memref<4096x200xi32, #tpu.memory_space<hbm>> -> memref<128x200xi32, #tpu.memory_space<hbm>>
      %dma_wait3A_627 = arith.constant 0 : i32
      %dma_wait3A_628 = tpu.memref_slice %arg2[%mul3A_2, %dma_wait3A_627] : memref<4096x200xi32, #tpu.memory_space<hbm>> -> memref<128x200xi32, #tpu.memory_space<hbm>>
      tpu.wait_dma2 semaphore(%run_scoped3A : memref<!tpu.dma_semaphore, #tpu.memory_space<semaphore_mem>>) src(%dma_wait3A_628 : memref<128x200xi32, #tpu.memory_space<hbm>>) dst(%arg5 : memref<128x200xi32, #tpu.memory_space<vmem>>)
      tpu.yield
    }) : () -> ()
    %iota3A = tpu.iota {dimensions = array<i32: 0>} : vector<16xi32>
    %add3A_3 = arith.constant 0 : i32
    %add3A_4 = vector.broadcast %add3A_3 : i32 to vector<16xi32>
    %add3A_5 = arith.addi %add3A_4, %iota3A : vector<16xi32>
    %broadcast_in_dim3A = arith.constant 0 : i32
    %broadcast_in_dim3A_6 = vector.broadcast %broadcast_in_dim3A : i32 to vector<16xi32>
    %add3A_7 = arith.constant 0 : i32
    %add3A_8 = vector.broadcast %add3A_7 : i32 to vector<16xi32>
    %add3A_9 = arith.addi %broadcast_in_dim3A_6, %add3A_8 : vector<16xi32>
    %gather3A = tpu.vector_load_idx %arg5[%add3A_5, %add3A_9] : memref<128x200xi32, #tpu.memory_space<vmem>>[vector<16xi32>, vector<16xi32>], vector<16xi32>,
    %add3A_10 = arith.constant 0 : i32
    %add3A_11 = vector.broadcast %add3A_10 : i32 to vector<16xi32>
    %add3A_12 = arith.addi %add3A_11, %gather3A : vector<16xi32>
    %swap3A = arith.constant 0 : i32
    %swap3A_13 = arith.constant 0 : i32
    %swap3A_14 = tpu.memref_slice %arg6[%swap3A, %swap3A_13] : memref<4x128xi32, #tpu.memory_space<vmem>> -> memref<1x128xi32, #tpu.memory_space<vmem>>
    %swap3A_15 = tpu.memref_squeeze %swap3A_14 : memref<1x128xi32, #tpu.memory_space<vmem>> -> memref<128xi32, #tpu.memory_space<vmem>>
    %swap3A_16 = arith.constant 0 : index
    %swap3A_17 = tpu.vector_load %swap3A_15[%swap3A_16] {strides = array<i32>} : memref<128xi32, #tpu.memory_space<vmem>>, vector<16xi32>,
    tpu.vector_store %swap3A_15[%swap3A_16], %add3A_12 {strides = array<i32>} : memref<128xi32, #tpu.memory_space<vmem>>, vector<16xi32>,
    %add3A_18 = arith.constant 16 : i32
    %add3A_19 = vector.broadcast %add3A_18 : i32 to vector<16xi32>
    %add3A_20 = arith.addi %add3A_19, %iota3A : vector<16xi32>
    %broadcast_in_dim3A_21 = arith.constant 0 : i32
    %broadcast_in_dim3A_22 = vector.broadcast %broadcast_in_dim3A_21 : i32 to vector<16xi32>
    %add3A_23 = arith.constant 0 : i32
    %add3A_24 = vector.broadcast %add3A_23 : i32 to vector<16xi32>
    %add3A_25 = arith.addi %broadcast_in_dim3A_22, %add3A_24 : vector<16xi32>
    %gather3A_26 = tpu.vector_load_idx %arg5[%add3A_20, %add3A_25] : memref<128x200xi32, #tpu.memory_space<vmem>>[vector<16xi32>, vector<16xi32>], vector<16xi32>,
    %add3A_27 = arith.constant 0 : i32
    %add3A_28 = vector.broadcast %add3A_27 : i32 to vector<16xi32>
    %add3A_29 = arith.addi %add3A_28, %gather3A_26 : vector<16xi32>
    %swap3A_30 = arith.constant 0 : i32
    %swap3A_31 = arith.constant 0 : i32
    %swap3A_32 = tpu.memref_slice %arg6[%swap3A_30, %swap3A_31] : memref<4x128xi32, #tpu.memory_space<vmem>> -> memref<1x128xi32, #tpu.memory_space<vmem>>
    %swap3A_33 = tpu.memref_squeeze %swap3A_32 : memref<1x128xi32, #tpu.memory_space<vmem>> -> memref<128xi32, #tpu.memory_space<vmem>>
    %swap3A_34 = arith.constant 16 : index
    %swap3A_35 = tpu.vector_load %swap3A_33[%swap3A_34] {strides = array<i32>} : memref<128xi32, #tpu.memory_space<vmem>>, vector<16xi32>,
    tpu.vector_store %swap3A_33[%swap3A_34], %add3A_29 {strides = array<i32>} : memref<128xi32, #tpu.memory_space<vmem>>, vector<16xi32>,
    %add3A_36 = arith.constant 32 : i32
    %add3A_37 = vector.broadcast %add3A_36 : i32 to vector<16xi32>
    %add3A_38 = arith.addi %add3A_37, %iota3A : vector<16xi32>
    %broadcast_in_dim3A_39 = arith.constant 0 : i32
    %broadcast_in_dim3A_40 = vector.broadcast %broadcast_in_dim3A_39 : i32 to vector<16xi32>
    %add3A_41 = arith.constant 0 : i32
    %add3A_42 = vector.broadcast %add3A_41 : i32 to vector<16xi32>
    %add3A_43 = arith.addi %broadcast_in_dim3A_40, %add3A_42 : vector<16xi32>
    %gather3A_44 = tpu.vector_load_idx %arg5[%add3A_38, %add3A_43] : memref<128x200xi32, #tpu.memory_space<vmem>>[vector<16xi32>, vector<16xi32>], vector<16xi32>,
    %add3A_45 = arith.constant 0 : i32
    %add3A_46 = vector.broadcast %add3A_45 : i32 to vector<16xi32>
    %add3A_47 = arith.addi %add3A_46, %gather3A_44 : vector<16xi32>
    %swap3A_48 = arith.constant 0 : i32
    %swap3A_49 = arith.constant 0 : i32
    %swap3A_50 = tpu.memref_slice %arg6[%swap3A_48, %swap3A_49] : memref<4x128xi32, #tpu.memory_space<vmem>> -> memref<1x128xi32, #tpu.memory_space<vmem>>
    %swap3A_51 = tpu.memref_squeeze %swap3A_50 : memref<1x128xi32, #tpu.memory_space<vmem>> -> memref<128xi32, #tpu.memory_space<vmem>>
    %swap3A_52 = arith.constant 32 : index
    %swap3A_53 = tpu.vector_load %swap3A_51[%swap3A_52] {strides = array<i32>} : memref<128xi32, #tpu.memory_space<vmem>>, vector<16xi32>,
    tpu.vector_store %swap3A_51[%swap3A_52], %add3A_47 {strides = array<i32>} : memref<128xi32, #tpu.memory_space<vmem>>, vector<16xi32>,
    %add3A_54 = arith.constant 48 : i32
    %add3A_55 = vector.broadcast %add3A_54 : i32 to vector<16xi32>
    %add3A_56 = arith.addi %add3A_55, %iota3A : vector<16xi32>
    %broadcast_in_dim3A_57 = arith.constant 0 : i32
    %broadcast_in_dim3A_58 = vector.broadcast %broadcast_in_dim3A_57 : i32 to vector<16xi32>
    %add3A_59 = arith.constant 0 : i32
    %add3A_60 = vector.broadcast %add3A_59 : i32 to vector<16xi32>
    %add3A_61 = arith.addi %broadcast_in_dim3A_58, %add3A_60 : vector<16xi32>
    %gather3A_62 = tpu.vector_load_idx %arg5[%add3A_56, %add3A_61] : memref<128x200xi32, #tpu.memory_space<vmem>>[vector<16xi32>, vector<16xi32>], vector<16xi32>,
    %add3A_63 = arith.constant 0 : i32
    %add3A_64 = vector.broadcast %add3A_63 : i32 to vector<16xi32>
    %add3A_65 = arith.addi %add3A_64, %gather3A_62 : vector<16xi32>
    %swap3A_66 = arith.constant 0 : i32
    %swap3A_67 = arith.constant 0 : i32
    %swap3A_68 = tpu.memref_slice %arg6[%swap3A_66, %swap3A_67] : memref<4x128xi32, #tpu.memory_space<vmem>> -> memref<1x128xi32, #tpu.memory_space<vmem>>
    %swap3A_69 = tpu.memref_squeeze %swap3A_68 : memref<1x128xi32, #tpu.memory_space<vmem>> -> memref<128xi32, #tpu.memory_space<vmem>>
    %swap3A_70 = arith.constant 48 : index
    %swap3A_71 = tpu.vector_load %swap3A_69[%swap3A_70] {strides = array<i32>} : memref<128xi32, #tpu.memory_space<vmem>>, vector<16xi32>,
    tpu.vector_store %swap3A_69[%swap3A_70], %add3A_65 {strides = array<i32>} : memref<128xi32, #tpu.memory_space<vmem>>, vector<16xi32>,
    %add3A_72 = arith.constant 64 : i32
    %add3A_73 = vector.broadcast %add3A_72 : i32 to vector<16xi32>
    %add3A_74 = arith.addi %add3A_73, %iota3A : vector<16xi32>
    %broadcast_in_dim3A_75 = arith.constant 0 : i32
    %broadcast_in_dim3A_76 = vector.broadcast %broadcast_in_dim3A_75 : i32 to vector<16xi32>
    %add3A_77 = arith.constant 0 : i32
    %add3A_78 = vector.broadcast %add3A_77 : i32 to vector<16xi32>
    %add3A_79 = arith.addi %broadcast_in_dim3A_76, %add3A_78 : vector<16xi32>
    %gather3A_80 = tpu.vector_load_idx %arg5[%add3A_74, %add3A_79] : memref<128x200xi32, #tpu.memory_space<vmem>>[vector<16xi32>, vector<16xi32>], vector<16xi32>,
    %add3A_81 = arith.constant 0 : i32
    %add3A_82 = vector.broadcast %add3A_81 : i32 to vector<16xi32>
    %add3A_83 = arith.addi %add3A_82, %gather3A_80 : vector<16xi32>
    %swap3A_84 = arith.constant 0 : i32
    %swap3A_85 = arith.constant 0 : i32
    %swap3A_86 = tpu.memref_slice %arg6[%swap3A_84, %swap3A_85] : memref<4x128xi32, #tpu.memory_space<vmem>> -> memref<1x128xi32, #tpu.memory_space<vmem>>
    %swap3A_87 = tpu.memref_squeeze %swap3A_86 : memref<1x128xi32, #tpu.memory_space<vmem>> -> memref<128xi32, #tpu.memory_space<vmem>>
    %swap3A_88 = arith.constant 64 : index
    %swap3A_89 = tpu.vector_load %swap3A_87[%swap3A_88] {strides = array<i32>} : memref<128xi32, #tpu.memory_space<vmem>>, vector<16xi32>,
    tpu.vector_store %swap3A_87[%swap3A_88], %add3A_83 {strides = array<i32>} : memref<128xi32, #tpu.memory_space<vmem>>, vector<16xi32>,
    %add3A_90 = arith.constant 80 : i32
    %add3A_91 = vector.broadcast %add3A_90 : i32 to vector<16xi32>
    %add3A_92 = arith.addi %add3A_91, %iota3A : vector<16xi32>
    %broadcast_in_dim3A_93 = arith.constant 0 : i32
    %broadcast_in_dim3A_94 = vector.broadcast %broadcast_in_dim3A_93 : i32 to vector<16xi32>
    %add3A_95 = arith.constant 0 : i32
    %add3A_96 = vector.broadcast %add3A_95 : i32 to vector<16xi32>
    %add3A_97 = arith.addi %broadcast_in_dim3A_94, %add3A_96 : vector<16xi32>
    %gather3A_98 = tpu.vector_load_idx %arg5[%add3A_92, %add3A_97] : memref<128x200xi32, #tpu.memory_space<vmem>>[vector<16xi32>, vector<16xi32>], vector<16xi32>,
    %add3A_99 = arith.constant 0 : i32
    %add3A_100 = vector.broadcast %add3A_99 : i32 to vector<16xi32>
    %add3A_101 = arith.addi %add3A_100, %gather3A_98 : vector<16xi32>
    %swap3A_102 = arith.constant 0 : i32
    %swap3A_103 = arith.constant 0 : i32
    %swap3A_104 = tpu.memref_slice %arg6[%swap3A_102, %swap3A_103] : memref<4x128xi32, #tpu.memory_space<vmem>> -> memref<1x128xi32, #tpu.memory_space<vmem>>
    %swap3A_105 = tpu.memref_squeeze %swap3A_104 : memref<1x128xi32, #tpu.memory_space<vmem>> -> memref<128xi32, #tpu.memory_space<vmem>>
    %swap3A_106 = arith.constant 80 : index
    %swap3A_107 = tpu.vector_load %swap3A_105[%swap3A_106] {strides = array<i32>} : memref<128xi32, #tpu.memory_space<vmem>>, vector<16xi32>,
    tpu.vector_store %swap3A_105[%swap3A_106], %add3A_101 {strides = array<i32>} : memref<128xi32, #tpu.memory_space<vmem>>, vector<16xi32>,
    %add3A_108 = arith.constant 96 : i32
    %add3A_109 = vector.broadcast %add3A_108 : i32 to vector<16xi32>
    %add3A_110 = arith.addi %add3A_109, %iota3A : vector<16xi32>
    %broadcast_in_dim3A_111 = arith.constant 0 : i32
    %broadcast_in_dim3A_112 = vector.broadcast %broadcast_in_dim3A_111 : i32 to vector<16xi32>
    %add3A_113 = arith.constant 0 : i32
    %add3A_114 = vector.broadcast %add3A_113 : i32 to vector<16xi32>
    %add3A_115 = arith.addi %broadcast_in_dim3A_112, %add3A_114 : vector<16xi32>
    %gather3A_116 = tpu.vector_load_idx %arg5[%add3A_110, %add3A_115] : memref<128x200xi32, #tpu.memory_space<vmem>>[vector<16xi32>, vector<16xi32>], vector<16xi32>,
    %add3A_117 = arith.constant 0 : i32
    %add3A_118 = vector.broadcast %add3A_117 : i32 to vector<16xi32>
    %add3A_119 = arith.addi %add3A_118, %gather3A_116 : vector<16xi32>
    %swap3A_120 = arith.constant 0 : i32
    %swap3A_121 = arith.constant 0 : i32
    %swap3A_122 = tpu.memref_slice %arg6[%swap3A_120, %swap3A_121] : memref<4x128xi32, #tpu.memory_space<vmem>> -> memref<1x128xi32, #tpu.memory_space<vmem>>
    %swap3A_123 = tpu.memref_squeeze %swap3A_122 : memref<1x128xi32, #tpu.memory_space<vmem>> -> memref<128xi32, #tpu.memory_space<vmem>>
    %swap3A_124 = arith.constant 96 : index
    %swap3A_125 = tpu.vector_load %swap3A_123[%swap3A_124] {strides = array<i32>} : memref<128xi32, #tpu.memory_space<vmem>>, vector<16xi32>,
    tpu.vector_store %swap3A_123[%swap3A_124], %add3A_119 {strides = array<i32>} : memref<128xi32, #tpu.memory_space<vmem>>, vector<16xi32>,
    %add3A_126 = arith.constant 112 : i32
    %add3A_127 = vector.broadcast %add3A_126 : i32 to vector<16xi32>
    %add3A_128 = arith.addi %add3A_127, %iota3A : vector<16xi32>
    %broadcast_in_dim3A_129 = arith.constant 0 : i32
    %broadcast_in_dim3A_130 = vector.broadcast %broadcast_in_dim3A_129 : i32 to vector<16xi32>
    %add3A_131 = arith.constant 0 : i32
    %add3A_132 = vector.broadcast %add3A_131 : i32 to vector<16xi32>
    %add3A_133 = arith.addi %broadcast_in_dim3A_130, %add3A_132 : vector<16xi32>
    %gather3A_134 = tpu.vector_load_idx %arg5[%add3A_128, %add3A_133] : memref<128x200xi32, #tpu.memory_space<vmem>>[vector<16xi32>, vector<16xi32>], vector<16xi32>,
    %add3A_135 = arith.constant 0 : i32
    %add3A_136 = vector.broadcast %add3A_135 : i32 to vector<16xi32>
    %add3A_137 = arith.addi %add3A_136, %gather3A_134 : vector<16xi32>
    %swap3A_138 = arith.constant 0 : i32
    %swap3A_139 = arith.constant 0 : i32
    %swap3A_140 = tpu.memref_slice %arg6[%swap3A_138, %swap3A_139] : memref<4x128xi32, #tpu.memory_space<vmem>> -> memref<1x128xi32, #tpu.memory_space<vmem>>
    %swap3A_141 = tpu.memref_squeeze %swap3A_140 : memref<1x128xi32, #tpu.memory_space<vmem>> -> memref<128xi32, #tpu.memory_space<vmem>>
    %swap3A_142 = arith.constant 112 : index
    %swap3A_143 = tpu.vector_load %swap3A_141[%swap3A_142] {strides = array<i32>} : memref<128xi32, #tpu.memory_space<vmem>>, vector<16xi32>,
    tpu.vector_store %swap3A_141[%swap3A_142], %add3A_137 {strides = array<i32>} : memref<128xi32, #tpu.memory_space<vmem>>, vector<16xi32>,
    %dma_start3A = arith.constant 0 : i32
    %dma_start3A_144 = arith.constant 0 : i32
    %dma_start3A_145 = tpu.memref_slice %arg6[%dma_start3A, %dma_start3A_144] : memref<4x128xi32, #tpu.memory_space<vmem>> -> memref<1x128xi32, #tpu.memory_space<vmem>>
    %dma_start3A_146 = tpu.memref_squeeze %dma_start3A_145 : memref<1x128xi32, #tpu.memory_space<vmem>> -> memref<128xi32, #tpu.memory_space<vmem>>
    %dma_start3A_147 = arith.constant 0 : i32
    %dma_start3A_148 = arith.constant 0 : i32
    %dma_start3A_149 = tpu.memref_slice %arg3[%dma_start3A_147, %dma_start3A_148] : memref<20000x128xf32, #tpu.memory_space<hbm>> -> memref<20000x128xf32, #tpu.memory_space<hbm>>
    tpu.enqueue_indirect_dma source(%dma_start3A_149 : memref<20000x128xf32, #tpu.memory_space<hbm>>) target(%arg7 : memref<128x128xf32, #tpu.memory_space<vmem>>) offsets(%dma_start3A_146 : memref<128xi32, #tpu.memory_space<vmem>>) semaphore(%arg13 : memref<!tpu.dma_semaphore, #tpu.memory_space<semaphore_mem>>)
    %add3A_150 = arith.constant 0 : i32
    %add3A_151 = vector.broadcast %add3A_150 : i32 to vector<16xi32>
    %add3A_152 = arith.addi %add3A_151, %iota3A : vector<16xi32>
    %broadcast_in_dim3A_153 = arith.constant 0 : i32
    %broadcast_in_dim3A_154 = vector.broadcast %broadcast_in_dim3A_153 : i32 to vector<16xi32>
    %add3A_155 = arith.constant 1 : i32
    %add3A_156 = vector.broadcast %add3A_155 : i32 to vector<16xi32>
    %add3A_157 = arith.addi %broadcast_in_dim3A_154, %add3A_156 : vector<16xi32>
    %gather3A_158 = tpu.vector_load_idx %arg5[%add3A_152, %add3A_157] : memref<128x200xi32, #tpu.memory_space<vmem>>[vector<16xi32>, vector<16xi32>], vector<16xi32>,
    %add3A_159 = arith.constant 100 : i32
    %add3A_160 = vector.broadcast %add3A_159 : i32 to vector<16xi32>
    %add3A_161 = arith.addi %add3A_160, %gather3A_158 : vector<16xi32>
    %swap3A_162 = arith.constant 1 : i32
    %swap3A_163 = arith.constant 0 : i32
    %swap3A_164 = tpu.memref_slice %arg6[%swap3A_162, %swap3A_163] : memref<4x128xi32, #tpu.memory_space<vmem>> -> memref<1x128xi32, #tpu.memory_space<vmem>>
    %swap3A_165 = tpu.memref_squeeze %swap3A_164 : memref<1x128xi32, #tpu.memory_space<vmem>> -> memref<128xi32, #tpu.memory_space<vmem>>
    %swap3A_166 = arith.constant 0 : index
    %swap3A_167 = tpu.vector_load %swap3A_165[%swap3A_166] {strides = array<i32>} : memref<128xi32, #tpu.memory_space<vmem>>, vector<16xi32>,
    tpu.vector_store %swap3A_165[%swap3A_166], %add3A_161 {strides = array<i32>} : memref<128xi32, #tpu.memory_space<vmem>>, vector<16xi32>,
    %add3A_168 = arith.constant 16 : i32
    %add3A_169 = vector.broadcast %add3A_168 : i32 to vector<16xi32>
    %add3A_170 = arith.addi %add3A_169, %iota3A : vector<16xi32>
    %broadcast_in_dim3A_171 = arith.constant 0 : i32
    %broadcast_in_dim3A_172 = vector.broadcast %broadcast_in_dim3A_171 : i32 to vector<16xi32>
    %add3A_173 = arith.constant 1 : i32
    %add3A_174 = vector.broadcast %add3A_173 : i32 to vector<16xi32>
    %add3A_175 = arith.addi %broadcast_in_dim3A_172, %add3A_174 : vector<16xi32>
    %gather3A_176 = tpu.vector_load_idx %arg5[%add3A_170, %add3A_175] : memref<128x200xi32, #tpu.memory_space<vmem>>[vector<16xi32>, vector<16xi32>], vector<16xi32>,
    %add3A_177 = arith.constant 100 : i32
    %add3A_178 = vector.broadcast %add3A_177 : i32 to vector<16xi32>
    %add3A_179 = arith.addi %add3A_178, %gather3A_176 : vector<16xi32>
    %swap3A_180 = arith.constant 1 : i32
    %swap3A_181 = arith.constant 0 : i32
    %swap3A_182 = tpu.memref_slice %arg6[%swap3A_180, %swap3A_181] : memref<4x128xi32, #tpu.memory_space<vmem>> -> memref<1x128xi32, #tpu.memory_space<vmem>>
    %swap3A_183 = tpu.memref_squeeze %swap3A_182 : memref<1x128xi32, #tpu.memory_space<vmem>> -> memref<128xi32, #tpu.memory_space<vmem>>
    %swap3A_184 = arith.constant 16 : index
    %swap3A_185 = tpu.vector_load %swap3A_183[%swap3A_184] {strides = array<i32>} : memref<128xi32, #tpu.memory_space<vmem>>, vector<16xi32>,
    tpu.vector_store %swap3A_183[%swap3A_184], %add3A_179 {strides = array<i32>} : memref<128xi32, #tpu.memory_space<vmem>>, vector<16xi32>,
    %add3A_186 = arith.constant 32 : i32
    %add3A_187 = vector.broadcast %add3A_186 : i32 to vector<16xi32>
    %add3A_188 = arith.addi %add3A_187, %iota3A : vector<16xi32>
    %broadcast_in_dim3A_189 = arith.constant 0 : i32
    %broadcast_in_dim3A_190 = vector.broadcast %broadcast_in_dim3A_189 : i32 to vector<16xi32>
    %add3A_191 = arith.constant 1 : i32
    %add3A_192 = vector.broadcast %add3A_191 : i32 to vector<16xi32>
    %add3A_193 = arith.addi %broadcast_in_dim3A_190, %add3A_192 : vector<16xi32>
    %gather3A_194 = tpu.vector_load_idx %arg5[%add3A_188, %add3A_193] : memref<128x200xi32, #tpu.memory_space<vmem>>[vector<16xi32>, vector<16xi32>], vector<16xi32>,
    %add3A_195 = arith.constant 100 : i32
    %add3A_196 = vector.broadcast %add3A_195 : i32 to vector<16xi32>
    %add3A_197 = arith.addi %add3A_196, %gather3A_194 : vector<16xi32>
    %swap3A_198 = arith.constant 1 : i32
    %swap3A_199 = arith.constant 0 : i32
    %swap3A_200 = tpu.memref_slice %arg6[%swap3A_198, %swap3A_199] : memref<4x128xi32, #tpu.memory_space<vmem>> -> memref<1x128xi32, #tpu.memory_space<vmem>>
    %swap3A_201 = tpu.memref_squeeze %swap3A_200 : memref<1x128xi32, #tpu.memory_space<vmem>> -> memref<128xi32, #tpu.memory_space<vmem>>
    %swap3A_202 = arith.constant 32 : index
    %swap3A_203 = tpu.vector_load %swap3A_201[%swap3A_202] {strides = array<i32>} : memref<128xi32, #tpu.memory_space<vmem>>, vector<16xi32>,
    tpu.vector_store %swap3A_201[%swap3A_202], %add3A_197 {strides = array<i32>} : memref<128xi32, #tpu.memory_space<vmem>>, vector<16xi32>,
    %add3A_204 = arith.constant 48 : i32
    %add3A_205 = vector.broadcast %add3A_204 : i32 to vector<16xi32>
    %add3A_206 = arith.addi %add3A_205, %iota3A : vector<16xi32>
    %broadcast_in_dim3A_207 = arith.constant 0 : i32
    %broadcast_in_dim3A_208 = vector.broadcast %broadcast_in_dim3A_207 : i32 to vector<16xi32>
    %add3A_209 = arith.constant 1 : i32
    %add3A_210 = vector.broadcast %add3A_209 : i32 to vector<16xi32>
    %add3A_211 = arith.addi %broadcast_in_dim3A_208, %add3A_210 : vector<16xi32>
    %gather3A_212 = tpu.vector_load_idx %arg5[%add3A_206, %add3A_211] : memref<128x200xi32, #tpu.memory_space<vmem>>[vector<16xi32>, vector<16xi32>], vector<16xi32>,
    %add3A_213 = arith.constant 100 : i32
    %add3A_214 = vector.broadcast %add3A_213 : i32 to vector<16xi32>
    %add3A_215 = arith.addi %add3A_214, %gather3A_212 : vector<16xi32>
    %swap3A_216 = arith.constant 1 : i32
    %swap3A_217 = arith.constant 0 : i32
    %swap3A_218 = tpu.memref_slice %arg6[%swap3A_216, %swap3A_217] : memref<4x128xi32, #tpu.memory_space<vmem>> -> memref<1x128xi32, #tpu.memory_space<vmem>>
    %swap3A_219 = tpu.memref_squeeze %swap3A_218 : memref<1x128xi32, #tpu.memory_space<vmem>> -> memref<128xi32, #tpu.memory_space<vmem>>
    %swap3A_220 = arith.constant 48 : index
    %swap3A_221 = tpu.vector_load %swap3A_219[%swap3A_220] {strides = array<i32>} : memref<128xi32, #tpu.memory_space<vmem>>, vector<16xi32>,
    tpu.vector_store %swap3A_219[%swap3A_220], %add3A_215 {strides = array<i32>} : memref<128xi32, #tpu.memory_space<vmem>>, vector<16xi32>,
    %add3A_222 = arith.constant 64 : i32
    %add3A_223 = vector.broadcast %add3A_222 : i32 to vector<16xi32>
    %add3A_224 = arith.addi %add3A_223, %iota3A : vector<16xi32>
    %broadcast_in_dim3A_225 = arith.constant 0 : i32
    %broadcast_in_dim3A_226 = vector.broadcast %broadcast_in_dim3A_225 : i32 to vector<16xi32>
    %add3A_227 = arith.constant 1 : i32
    %add3A_228 = vector.broadcast %add3A_227 : i32 to vector<16xi32>
    %add3A_229 = arith.addi %broadcast_in_dim3A_226, %add3A_228 : vector<16xi32>
    %gather3A_230 = tpu.vector_load_idx %arg5[%add3A_224, %add3A_229] : memref<128x200xi32, #tpu.memory_space<vmem>>[vector<16xi32>, vector<16xi32>], vector<16xi32>,
    %add3A_231 = arith.constant 100 : i32
    %add3A_232 = vector.broadcast %add3A_231 : i32 to vector<16xi32>
    %add3A_233 = arith.addi %add3A_232, %gather3A_230 : vector<16xi32>
    %swap3A_234 = arith.constant 1 : i32
    %swap3A_235 = arith.constant 0 : i32
    %swap3A_236 = tpu.memref_slice %arg6[%swap3A_234, %swap3A_235] : memref<4x128xi32, #tpu.memory_space<vmem>> -> memref<1x128xi32, #tpu.memory_space<vmem>>
    %swap3A_237 = tpu.memref_squeeze %swap3A_236 : memref<1x128xi32, #tpu.memory_space<vmem>> -> memref<128xi32, #tpu.memory_space<vmem>>
    %swap3A_238 = arith.constant 64 : index
    %swap3A_239 = tpu.vector_load %swap3A_237[%swap3A_238] {strides = array<i32>} : memref<128xi32, #tpu.memory_space<vmem>>, vector<16xi32>,
    tpu.vector_store %swap3A_237[%swap3A_238], %add3A_233 {strides = array<i32>} : memref<128xi32, #tpu.memory_space<vmem>>, vector<16xi32>,
    %add3A_240 = arith.constant 80 : i32
    %add3A_241 = vector.broadcast %add3A_240 : i32 to vector<16xi32>
    %add3A_242 = arith.addi %add3A_241, %iota3A : vector<16xi32>
    %broadcast_in_dim3A_243 = arith.constant 0 : i32
    %broadcast_in_dim3A_244 = vector.broadcast %broadcast_in_dim3A_243 : i32 to vector<16xi32>
    %add3A_245 = arith.constant 1 : i32
    %add3A_246 = vector.broadcast %add3A_245 : i32 to vector<16xi32>
    %add3A_247 = arith.addi %broadcast_in_dim3A_244, %add3A_246 : vector<16xi32>
    %gather3A_248 = tpu.vector_load_idx %arg5[%add3A_242, %add3A_247] : memref<128x200xi32, #tpu.memory_space<vmem>>[vector<16xi32>, vector<16xi32>], vector<16xi32>,
    %add3A_249 = arith.constant 100 : i32
    %add3A_250 = vector.broadcast %add3A_249 : i32 to vector<16xi32>
    %add3A_251 = arith.addi %add3A_250, %gather3A_248 : vector<16xi32>
    %swap3A_252 = arith.constant 1 : i32
    %swap3A_253 = arith.constant 0 : i32
    %swap3A_254 = tpu.memref_slice %arg6[%swap3A_252, %swap3A_253] : memref<4x128xi32, #tpu.memory_space<vmem>> -> memref<1x128xi32, #tpu.memory_space<vmem>>
    %swap3A_255 = tpu.memref_squeeze %swap3A_254 : memref<1x128xi32, #tpu.memory_space<vmem>> -> memref<128xi32, #tpu.memory_space<vmem>>
    %swap3A_256 = arith.constant 80 : index
    %swap3A_257 = tpu.vector_load %swap3A_255[%swap3A_256] {strides = array<i32>} : memref<128xi32, #tpu.memory_space<vmem>>, vector<16xi32>,
    tpu.vector_store %swap3A_255[%swap3A_256], %add3A_251 {strides = array<i32>} : memref<128xi32, #tpu.memory_space<vmem>>, vector<16xi32>,
    %add3A_258 = arith.constant 96 : i32
    %add3A_259 = vector.broadcast %add3A_258 : i32 to vector<16xi32>
    %add3A_260 = arith.addi %add3A_259, %iota3A : vector<16xi32>
    %broadcast_in_dim3A_261 = arith.constant 0 : i32
    %broadcast_in_dim3A_262 = vector.broadcast %broadcast_in_dim3A_261 : i32 to vector<16xi32>
    %add3A_263 = arith.constant 1 : i32
    %add3A_264 = vector.broadcast %add3A_263 : i32 to vector<16xi32>
    %add3A_265 = arith.addi %broadcast_in_dim3A_262, %add3A_264 : vector<16xi32>
    %gather3A_266 = tpu.vector_load_idx %arg5[%add3A_260, %add3A_265] : memref<128x200xi32, #tpu.memory_space<vmem>>[vector<16xi32>, vector<16xi32>], vector<16xi32>,
    %add3A_267 = arith.constant 100 : i32
    %add3A_268 = vector.broadcast %add3A_267 : i32 to vector<16xi32>
    %add3A_269 = arith.addi %add3A_268, %gather3A_266 : vector<16xi32>
    %swap3A_270 = arith.constant 1 : i32
    %swap3A_271 = arith.constant 0 : i32
    %swap3A_272 = tpu.memref_slice %arg6[%swap3A_270, %swap3A_271] : memref<4x128xi32, #tpu.memory_space<vmem>> -> memref<1x128xi32, #tpu.memory_space<vmem>>
    %swap3A_273 = tpu.memref_squeeze %swap3A_272 : memref<1x128xi32, #tpu.memory_space<vmem>> -> memref<128xi32, #tpu.memory_space<vmem>>
    %swap3A_274 = arith.constant 96 : index
    %swap3A_275 = tpu.vector_load %swap3A_273[%swap3A_274] {strides = array<i32>} : memref<128xi32, #tpu.memory_space<vmem>>, vector<16xi32>,
    tpu.vector_store %swap3A_273[%swap3A_274], %add3A_269 {strides = array<i32>} : memref<128xi32, #tpu.memory_space<vmem>>, vector<16xi32>,
    %add3A_276 = arith.constant 112 : i32
    %add3A_277 = vector.broadcast %add3A_276 : i32 to vector<16xi32>
    %add3A_278 = arith.addi %add3A_277, %iota3A : vector<16xi32>
    %broadcast_in_dim3A_279 = arith.constant 0 : i32
    %broadcast_in_dim3A_280 = vector.broadcast %broadcast_in_dim3A_279 : i32 to vector<16xi32>
    %add3A_281 = arith.constant 1 : i32
    %add3A_282 = vector.broadcast %add3A_281 : i32 to vector<16xi32>
    %add3A_283 = arith.addi %broadcast_in_dim3A_280, %add3A_282 : vector<16xi32>
    %gather3A_284 = tpu.vector_load_idx %arg5[%add3A_278, %add3A_283] : memref<128x200xi32, #tpu.memory_space<vmem>>[vector<16xi32>, vector<16xi32>], vector<16xi32>,
    %add3A_285 = arith.constant 100 : i32
    %add3A_286 = vector.broadcast %add3A_285 : i32 to vector<16xi32>
    %add3A_287 = arith.addi %add3A_286, %gather3A_284 : vector<16xi32>
    %swap3A_288 = arith.constant 1 : i32
    %swap3A_289 = arith.constant 0 : i32
    %swap3A_290 = tpu.memref_slice %arg6[%swap3A_288, %swap3A_289] : memref<4x128xi32, #tpu.memory_space<vmem>> -> memref<1x128xi32, #tpu.memory_space<vmem>>
    %swap3A_291 = tpu.memref_squeeze %swap3A_290 : memref<1x128xi32, #tpu.memory_space<vmem>> -> memref<128xi32, #tpu.memory_space<vmem>>
    %swap3A_292 = arith.constant 112 : index
    %swap3A_293 = tpu.vector_load %swap3A_291[%swap3A_292] {strides = array<i32>} : memref<128xi32, #tpu.memory_space<vmem>>, vector<16xi32>,
    tpu.vector_store %swap3A_291[%swap3A_292], %add3A_287 {strides = array<i32>} : memref<128xi32, #tpu.memory_space<vmem>>, vector<16xi32>,
    %dma_start3A_294 = arith.constant 1 : i32
    %dma_start3A_295 = arith.constant 0 : i32
    %dma_start3A_296 = tpu.memref_slice %arg6[%dma_start3A_294, %dma_start3A_295] : memref<4x128xi32, #tpu.memory_space<vmem>> -> memref<1x128xi32, #tpu.memory_space<vmem>>
    %dma_start3A_297 = tpu.memref_squeeze %dma_start3A_296 : memref<1x128xi32, #tpu.memory_space<vmem>> -> memref<128xi32, #tpu.memory_space<vmem>>
    %dma_start3A_298 = arith.constant 0 : i32
    %dma_start3A_299 = arith.constant 0 : i32
    %dma_start3A_300 = tpu.memref_slice %arg3[%dma_start3A_298, %dma_start3A_299] : memref<20000x128xf32, #tpu.memory_space<hbm>> -> memref<20000x128xf32, #tpu.memory_space<hbm>>
    tpu.enqueue_indirect_dma source(%dma_start3A_300 : memref<20000x128xf32, #tpu.memory_space<hbm>>) target(%arg8 : memref<128x128xf32, #tpu.memory_space<vmem>>) offsets(%dma_start3A_297 : memref<128xi32, #tpu.memory_space<vmem>>) semaphore(%arg14 : memref<!tpu.dma_semaphore, #tpu.memory_space<semaphore_mem>>)
    %add3A_301 = arith.constant 0 : i32
    %add3A_302 = vector.broadcast %add3A_301 : i32 to vector<16xi32>
    %add3A_303 = arith.addi %add3A_302, %iota3A : vector<16xi32>
    %broadcast_in_dim3A_304 = arith.constant 0 : i32
    %broadcast_in_dim3A_305 = vector.broadcast %broadcast_in_dim3A_304 : i32 to vector<16xi32>
    %add3A_306 = arith.constant 2 : i32
    %add3A_307 = vector.broadcast %add3A_306 : i32 to vector<16xi32>
    %add3A_308 = arith.addi %broadcast_in_dim3A_305, %add3A_307 : vector<16xi32>
    %gather3A_309 = tpu.vector_load_idx %arg5[%add3A_303, %add3A_308] : memref<128x200xi32, #tpu.memory_space<vmem>>[vector<16xi32>, vector<16xi32>], vector<16xi32>,
    %add3A_310 = arith.constant 200 : i32
    %add3A_311 = vector.broadcast %add3A_310 : i32 to vector<16xi32>
    %add3A_312 = arith.addi %add3A_311, %gather3A_309 : vector<16xi32>
    %swap3A_313 = arith.constant 2 : i32
    %swap3A_314 = arith.constant 0 : i32
    %swap3A_315 = tpu.memref_slice %arg6[%swap3A_313, %swap3A_314] : memref<4x128xi32, #tpu.memory_space<vmem>> -> memref<1x128xi32, #tpu.memory_space<vmem>>
    %swap3A_316 = tpu.memref_squeeze %swap3A_315 : memref<1x128xi32, #tpu.memory_space<vmem>> -> memref<128xi32, #tpu.memory_space<vmem>>
    %swap3A_317 = arith.constant 0 : index
    %swap3A_318 = tpu.vector_load %swap3A_316[%swap3A_317] {strides = array<i32>} : memref<128xi32, #tpu.memory_space<vmem>>, vector<16xi32>,
    tpu.vector_store %swap3A_316[%swap3A_317], %add3A_312 {strides = array<i32>} : memref<128xi32, #tpu.memory_space<vmem>>, vector<16xi32>,
    %add3A_319 = arith.constant 16 : i32
    %add3A_320 = vector.broadcast %add3A_319 : i32 to vector<16xi32>
    %add3A_321 = arith.addi %add3A_320, %iota3A : vector<16xi32>
    %broadcast_in_dim3A_322 = arith.constant 0 : i32
    %broadcast_in_dim3A_323 = vector.broadcast %broadcast_in_dim3A_322 : i32 to vector<16xi32>
    %add3A_324 = arith.constant 2 : i32
    %add3A_325 = vector.broadcast %add3A_324 : i32 to vector<16xi32>
    %add3A_326 = arith.addi %broadcast_in_dim3A_323, %add3A_325 : vector<16xi32>
    %gather3A_327 = tpu.vector_load_idx %arg5[%add3A_321, %add3A_326] : memref<128x200xi32, #tpu.memory_space<vmem>>[vector<16xi32>, vector<16xi32>], vector<16xi32>,
    %add3A_328 = arith.constant 200 : i32
    %add3A_329 = vector.broadcast %add3A_328 : i32 to vector<16xi32>
    %add3A_330 = arith.addi %add3A_329, %gather3A_327 : vector<16xi32>
    %swap3A_331 = arith.constant 2 : i32
    %swap3A_332 = arith.constant 0 : i32
    %swap3A_333 = tpu.memref_slice %arg6[%swap3A_331, %swap3A_332] : memref<4x128xi32, #tpu.memory_space<vmem>> -> memref<1x128xi32, #tpu.memory_space<vmem>>
    %swap3A_334 = tpu.memref_squeeze %swap3A_333 : memref<1x128xi32, #tpu.memory_space<vmem>> -> memref<128xi32, #tpu.memory_space<vmem>>
    %swap3A_335 = arith.constant 16 : index
    %swap3A_336 = tpu.vector_load %swap3A_334[%swap3A_335] {strides = array<i32>} : memref<128xi32, #tpu.memory_space<vmem>>, vector<16xi32>,
    tpu.vector_store %swap3A_334[%swap3A_335], %add3A_330 {strides = array<i32>} : memref<128xi32, #tpu.memory_space<vmem>>, vector<16xi32>,
    %add3A_337 = arith.constant 32 : i32
    %add3A_338 = vector.broadcast %add3A_337 : i32 to vector<16xi32>
    %add3A_339 = arith.addi %add3A_338, %iota3A : vector<16xi32>
    %broadcast_in_dim3A_340 = arith.constant 0 : i32
    %broadcast_in_dim3A_341 = vector.broadcast %broadcast_in_dim3A_340 : i32 to vector<16xi32>
    %add3A_342 = arith.constant 2 : i32
    %add3A_343 = vector.broadcast %add3A_342 : i32 to vector<16xi32>
    %add3A_344 = arith.addi %broadcast_in_dim3A_341, %add3A_343 : vector<16xi32>
    %gather3A_345 = tpu.vector_load_idx %arg5[%add3A_339, %add3A_344] : memref<128x200xi32, #tpu.memory_space<vmem>>[vector<16xi32>, vector<16xi32>], vector<16xi32>,
    %add3A_346 = arith.constant 200 : i32
    %add3A_347 = vector.broadcast %add3A_346 : i32 to vector<16xi32>
    %add3A_348 = arith.addi %add3A_347, %gather3A_345 : vector<16xi32>
    %swap3A_349 = arith.constant 2 : i32
    %swap3A_350 = arith.constant 0 : i32
    %swap3A_351 = tpu.memref_slice %arg6[%swap3A_349, %swap3A_350] : memref<4x128xi32, #tpu.memory_space<vmem>> -> memref<1x128xi32, #tpu.memory_space<vmem>>
    %swap3A_352 = tpu.memref_squeeze %swap3A_351 : memref<1x128xi32, #tpu.memory_space<vmem>> -> memref<128xi32, #tpu.memory_space<vmem>>
    %swap3A_353 = arith.constant 32 : index
    %swap3A_354 = tpu.vector_load %swap3A_352[%swap3A_353] {strides = array<i32>} : memref<128xi32, #tpu.memory_space<vmem>>, vector<16xi32>,
    tpu.vector_store %swap3A_352[%swap3A_353], %add3A_348 {strides = array<i32>} : memref<128xi32, #tpu.memory_space<vmem>>, vector<16xi32>,
    %add3A_355 = arith.constant 48 : i32
    %add3A_356 = vector.broadcast %add3A_355 : i32 to vector<16xi32>
    %add3A_357 = arith.addi %add3A_356, %iota3A : vector<16xi32>
    %broadcast_in_dim3A_358 = arith.constant 0 : i32
    %broadcast_in_dim3A_359 = vector.broadcast %broadcast_in_dim3A_358 : i32 to vector<16xi32>
    %add3A_360 = arith.constant 2 : i32
    %add3A_361 = vector.broadcast %add3A_360 : i32 to vector<16xi32>
    %add3A_362 = arith.addi %broadcast_in_dim3A_359, %add3A_361 : vector<16xi32>
    %gather3A_363 = tpu.vector_load_idx %arg5[%add3A_357, %add3A_362] : memref<128x200xi32, #tpu.memory_space<vmem>>[vector<16xi32>, vector<16xi32>], vector<16xi32>,
    %add3A_364 = arith.constant 200 : i32
    %add3A_365 = vector.broadcast %add3A_364 : i32 to vector<16xi32>
    %add3A_366 = arith.addi %add3A_365, %gather3A_363 : vector<16xi32>
    %swap3A_367 = arith.constant 2 : i32
    %swap3A_368 = arith.constant 0 : i32
    %swap3A_369 = tpu.memref_slice %arg6[%swap3A_367, %swap3A_368] : memref<4x128xi32, #tpu.memory_space<vmem>> -> memref<1x128xi32, #tpu.memory_space<vmem>>
    %swap3A_370 = tpu.memref_squeeze %swap3A_369 : memref<1x128xi32, #tpu.memory_space<vmem>> -> memref<128xi32, #tpu.memory_space<vmem>>
    %swap3A_371 = arith.constant 48 : index
    %swap3A_372 = tpu.vector_load %swap3A_370[%swap3A_371] {strides = array<i32>} : memref<128xi32, #tpu.memory_space<vmem>>, vector<16xi32>,
    tpu.vector_store %swap3A_370[%swap3A_371], %add3A_366 {strides = array<i32>} : memref<128xi32, #tpu.memory_space<vmem>>, vector<16xi32>,
    %add3A_373 = arith.constant 64 : i32
    %add3A_374 = vector.broadcast %add3A_373 : i32 to vector<16xi32>
    %add3A_375 = arith.addi %add3A_374, %iota3A : vector<16xi32>
    %broadcast_in_dim3A_376 = arith.constant 0 : i32
    %broadcast_in_dim3A_377 = vector.broadcast %broadcast_in_dim3A_376 : i32 to vector<16xi32>
    %add3A_378 = arith.constant 2 : i32
    %add3A_379 = vector.broadcast %add3A_378 : i32 to vector<16xi32>
    %add3A_380 = arith.addi %broadcast_in_dim3A_377, %add3A_379 : vector<16xi32>
    %gather3A_381 = tpu.vector_load_idx %arg5[%add3A_375, %add3A_380] : memref<128x200xi32, #tpu.memory_space<vmem>>[vector<16xi32>, vector<16xi32>], vector<16xi32>,
    %add3A_382 = arith.constant 200 : i32
    %add3A_383 = vector.broadcast %add3A_382 : i32 to vector<16xi32>
    %add3A_384 = arith.addi %add3A_383, %gather3A_381 : vector<16xi32>
    %swap3A_385 = arith.constant 2 : i32
    %swap3A_386 = arith.constant 0 : i32
    %swap3A_387 = tpu.memref_slice %arg6[%swap3A_385, %swap3A_386] : memref<4x128xi32, #tpu.memory_space<vmem>> -> memref<1x128xi32, #tpu.memory_space<vmem>>
    %swap3A_388 = tpu.memref_squeeze %swap3A_387 : memref<1x128xi32, #tpu.memory_space<vmem>> -> memref<128xi32, #tpu.memory_space<vmem>>
    %swap3A_389 = arith.constant 64 : index
    %swap3A_390 = tpu.vector_load %swap3A_388[%swap3A_389] {strides = array<i32>} : memref<128xi32, #tpu.memory_space<vmem>>, vector<16xi32>,
    tpu.vector_store %swap3A_388[%swap3A_389], %add3A_384 {strides = array<i32>} : memref<128xi32, #tpu.memory_space<vmem>>, vector<16xi32>,
    %add3A_391 = arith.constant 80 : i32
    %add3A_392 = vector.broadcast %add3A_391 : i32 to vector<16xi32>
    %add3A_393 = arith.addi %add3A_392, %iota3A : vector<16xi32>
    %broadcast_in_dim3A_394 = arith.constant 0 : i32
    %broadcast_in_dim3A_395 = vector.broadcast %broadcast_in_dim3A_394 : i32 to vector<16xi32>
    %add3A_396 = arith.constant 2 : i32
    %add3A_397 = vector.broadcast %add3A_396 : i32 to vector<16xi32>
    %add3A_398 = arith.addi %broadcast_in_dim3A_395, %add3A_397 : vector<16xi32>
    %gather3A_399 = tpu.vector_load_idx %arg5[%add3A_393, %add3A_398] : memref<128x200xi32, #tpu.memory_space<vmem>>[vector<16xi32>, vector<16xi32>], vector<16xi32>,
    %add3A_400 = arith.constant 200 : i32
    %add3A_401 = vector.broadcast %add3A_400 : i32 to vector<16xi32>
    %add3A_402 = arith.addi %add3A_401, %gather3A_399 : vector<16xi32>
    %swap3A_403 = arith.constant 2 : i32
    %swap3A_404 = arith.constant 0 : i32
    %swap3A_405 = tpu.memref_slice %arg6[%swap3A_403, %swap3A_404] : memref<4x128xi32, #tpu.memory_space<vmem>> -> memref<1x128xi32, #tpu.memory_space<vmem>>
    %swap3A_406 = tpu.memref_squeeze %swap3A_405 : memref<1x128xi32, #tpu.memory_space<vmem>> -> memref<128xi32, #tpu.memory_space<vmem>>
    %swap3A_407 = arith.constant 80 : index
    %swap3A_408 = tpu.vector_load %swap3A_406[%swap3A_407] {strides = array<i32>} : memref<128xi32, #tpu.memory_space<vmem>>, vector<16xi32>,
    tpu.vector_store %swap3A_406[%swap3A_407], %add3A_402 {strides = array<i32>} : memref<128xi32, #tpu.memory_space<vmem>>, vector<16xi32>,
    %add3A_409 = arith.constant 96 : i32
    %add3A_410 = vector.broadcast %add3A_409 : i32 to vector<16xi32>
    %add3A_411 = arith.addi %add3A_410, %iota3A : vector<16xi32>
    %broadcast_in_dim3A_412 = arith.constant 0 : i32
    %broadcast_in_dim3A_413 = vector.broadcast %broadcast_in_dim3A_412 : i32 to vector<16xi32>
    %add3A_414 = arith.constant 2 : i32
    %add3A_415 = vector.broadcast %add3A_414 : i32 to vector<16xi32>
    %add3A_416 = arith.addi %broadcast_in_dim3A_413, %add3A_415 : vector<16xi32>
    %gather3A_417 = tpu.vector_load_idx %arg5[%add3A_411, %add3A_416] : memref<128x200xi32, #tpu.memory_space<vmem>>[vector<16xi32>, vector<16xi32>], vector<16xi32>,
    %add3A_418 = arith.constant 200 : i32
    %add3A_419 = vector.broadcast %add3A_418 : i32 to vector<16xi32>
    %add3A_420 = arith.addi %add3A_419, %gather3A_417 : vector<16xi32>
    %swap3A_421 = arith.constant 2 : i32
    %swap3A_422 = arith.constant 0 : i32
    %swap3A_423 = tpu.memref_slice %arg6[%swap3A_421, %swap3A_422] : memref<4x128xi32, #tpu.memory_space<vmem>> -> memref<1x128xi32, #tpu.memory_space<vmem>>
    %swap3A_424 = tpu.memref_squeeze %swap3A_423 : memref<1x128xi32, #tpu.memory_space<vmem>> -> memref<128xi32, #tpu.memory_space<vmem>>
    %swap3A_425 = arith.constant 96 : index
    %swap3A_426 = tpu.vector_load %swap3A_424[%swap3A_425] {strides = array<i32>} : memref<128xi32, #tpu.memory_space<vmem>>, vector<16xi32>,
    tpu.vector_store %swap3A_424[%swap3A_425], %add3A_420 {strides = array<i32>} : memref<128xi32, #tpu.memory_space<vmem>>, vector<16xi32>,
    %add3A_427 = arith.constant 112 : i32
    %add3A_428 = vector.broadcast %add3A_427 : i32 to vector<16xi32>
    %add3A_429 = arith.addi %add3A_428, %iota3A : vector<16xi32>
    %broadcast_in_dim3A_430 = arith.constant 0 : i32
    %broadcast_in_dim3A_431 = vector.broadcast %broadcast_in_dim3A_430 : i32 to vector<16xi32>
    %add3A_432 = arith.constant 2 : i32
    %add3A_433 = vector.broadcast %add3A_432 : i32 to vector<16xi32>
    %add3A_434 = arith.addi %broadcast_in_dim3A_431, %add3A_433 : vector<16xi32>
    %gather3A_435 = tpu.vector_load_idx %arg5[%add3A_429, %add3A_434] : memref<128x200xi32, #tpu.memory_space<vmem>>[vector<16xi32>, vector<16xi32>], vector<16xi32>,
    %add3A_436 = arith.constant 200 : i32
    %add3A_437 = vector.broadcast %add3A_436 : i32 to vector<16xi32>
    %add3A_438 = arith.addi %add3A_437, %gather3A_435 : vector<16xi32>
    %swap3A_439 = arith.constant 2 : i32
    %swap3A_440 = arith.constant 0 : i32
    %swap3A_441 = tpu.memref_slice %arg6[%swap3A_439, %swap3A_440] : memref<4x128xi32, #tpu.memory_space<vmem>> -> memref<1x128xi32, #tpu.memory_space<vmem>>
    %swap3A_442 = tpu.memref_squeeze %swap3A_441 : memref<1x128xi32, #tpu.memory_space<vmem>> -> memref<128xi32, #tpu.memory_space<vmem>>
    %swap3A_443 = arith.constant 112 : index
    %swap3A_444 = tpu.vector_load %swap3A_442[%swap3A_443] {strides = array<i32>} : memref<128xi32, #tpu.memory_space<vmem>>, vector<16xi32>,
    tpu.vector_store %swap3A_442[%swap3A_443], %add3A_438 {strides = array<i32>} : memref<128xi32, #tpu.memory_space<vmem>>, vector<16xi32>,
    %dma_start3A_445 = arith.constant 2 : i32
    %dma_start3A_446 = arith.constant 0 : i32
    %dma_start3A_447 = tpu.memref_slice %arg6[%dma_start3A_445, %dma_start3A_446] : memref<4x128xi32, #tpu.memory_space<vmem>> -> memref<1x128xi32, #tpu.memory_space<vmem>>
    %dma_start3A_448 = tpu.memref_squeeze %dma_start3A_447 : memref<1x128xi32, #tpu.memory_space<vmem>> -> memref<128xi32, #tpu.memory_space<vmem>>
    %dma_start3A_449 = arith.constant 0 : i32
    %dma_start3A_450 = arith.constant 0 : i32
    %dma_start3A_451 = tpu.memref_slice %arg3[%dma_start3A_449, %dma_start3A_450] : memref<20000x128xf32, #tpu.memory_space<hbm>> -> memref<20000x128xf32, #tpu.memory_space<hbm>>
    tpu.enqueue_indirect_dma source(%dma_start3A_451 : memref<20000x128xf32, #tpu.memory_space<hbm>>) target(%arg9 : memref<128x128xf32, #tpu.memory_space<vmem>>) offsets(%dma_start3A_448 : memref<128xi32, #tpu.memory_space<vmem>>) semaphore(%arg15 : memref<!tpu.dma_semaphore, #tpu.memory_space<semaphore_mem>>)
    %add3A_452 = arith.constant 0 : i32
    %add3A_453 = vector.broadcast %add3A_452 : i32 to vector<16xi32>
    %add3A_454 = arith.addi %add3A_453, %iota3A : vector<16xi32>
    %broadcast_in_dim3A_455 = arith.constant 0 : i32
    %broadcast_in_dim3A_456 = vector.broadcast %broadcast_in_dim3A_455 : i32 to vector<16xi32>
    %add3A_457 = arith.constant 3 : i32
    %add3A_458 = vector.broadcast %add3A_457 : i32 to vector<16xi32>
    %add3A_459 = arith.addi %broadcast_in_dim3A_456, %add3A_458 : vector<16xi32>
    %gather3A_460 = tpu.vector_load_idx %arg5[%add3A_454, %add3A_459] : memref<128x200xi32, #tpu.memory_space<vmem>>[vector<16xi32>, vector<16xi32>], vector<16xi32>,
    %add3A_461 = arith.constant 300 : i32
    %add3A_462 = vector.broadcast %add3A_461 : i32 to vector<16xi32>
    %add3A_463 = arith.addi %add3A_462, %gather3A_460 : vector<16xi32>
    %swap3A_464 = arith.constant 3 : i32
    %swap3A_465 = arith.constant 0 : i32
    %swap3A_466 = tpu.memref_slice %arg6[%swap3A_464, %swap3A_465] : memref<4x128xi32, #tpu.memory_space<vmem>> -> memref<1x128xi32, #tpu.memory_space<vmem>>
    %swap3A_467 = tpu.memref_squeeze %swap3A_466 : memref<1x128xi32, #tpu.memory_space<vmem>> -> memref<128xi32, #tpu.memory_space<vmem>>
    %swap3A_468 = arith.constant 0 : index
    %swap3A_469 = tpu.vector_load %swap3A_467[%swap3A_468] {strides = array<i32>} : memref<128xi32, #tpu.memory_space<vmem>>, vector<16xi32>,
    tpu.vector_store %swap3A_467[%swap3A_468], %add3A_463 {strides = array<i32>} : memref<128xi32, #tpu.memory_space<vmem>>, vector<16xi32>,
    %add3A_470 = arith.constant 16 : i32
    %add3A_471 = vector.broadcast %add3A_470 : i32 to vector<16xi32>
    %add3A_472 = arith.addi %add3A_471, %iota3A : vector<16xi32>
    %broadcast_in_dim3A_473 = arith.constant 0 : i32
    %broadcast_in_dim3A_474 = vector.broadcast %broadcast_in_dim3A_473 : i32 to vector<16xi32>
    %add3A_475 = arith.constant 3 : i32
    %add3A_476 = vector.broadcast %add3A_475 : i32 to vector<16xi32>
    %add3A_477 = arith.addi %broadcast_in_dim3A_474, %add3A_476 : vector<16xi32>
    %gather3A_478 = tpu.vector_load_idx %arg5[%add3A_472, %add3A_477] : memref<128x200xi32, #tpu.memory_space<vmem>>[vector<16xi32>, vector<16xi32>], vector<16xi32>,
    %add3A_479 = arith.constant 300 : i32
    %add3A_480 = vector.broadcast %add3A_479 : i32 to vector<16xi32>
    %add3A_481 = arith.addi %add3A_480, %gather3A_478 : vector<16xi32>
    %swap3A_482 = arith.constant 3 : i32
    %swap3A_483 = arith.constant 0 : i32
    %swap3A_484 = tpu.memref_slice %arg6[%swap3A_482, %swap3A_483] : memref<4x128xi32, #tpu.memory_space<vmem>> -> memref<1x128xi32, #tpu.memory_space<vmem>>
    %swap3A_485 = tpu.memref_squeeze %swap3A_484 : memref<1x128xi32, #tpu.memory_space<vmem>> -> memref<128xi32, #tpu.memory_space<vmem>>
    %swap3A_486 = arith.constant 16 : index
    %swap3A_487 = tpu.vector_load %swap3A_485[%swap3A_486] {strides = array<i32>} : memref<128xi32, #tpu.memory_space<vmem>>, vector<16xi32>,
    tpu.vector_store %swap3A_485[%swap3A_486], %add3A_481 {strides = array<i32>} : memref<128xi32, #tpu.memory_space<vmem>>, vector<16xi32>,
    %add3A_488 = arith.constant 32 : i32
    %add3A_489 = vector.broadcast %add3A_488 : i32 to vector<16xi32>
    %add3A_490 = arith.addi %add3A_489, %iota3A : vector<16xi32>
    %broadcast_in_dim3A_491 = arith.constant 0 : i32
    %broadcast_in_dim3A_492 = vector.broadcast %broadcast_in_dim3A_491 : i32 to vector<16xi32>
    %add3A_493 = arith.constant 3 : i32
    %add3A_494 = vector.broadcast %add3A_493 : i32 to vector<16xi32>
    %add3A_495 = arith.addi %broadcast_in_dim3A_492, %add3A_494 : vector<16xi32>
    %gather3A_496 = tpu.vector_load_idx %arg5[%add3A_490, %add3A_495] : memref<128x200xi32, #tpu.memory_space<vmem>>[vector<16xi32>, vector<16xi32>], vector<16xi32>,
    %add3A_497 = arith.constant 300 : i32
    %add3A_498 = vector.broadcast %add3A_497 : i32 to vector<16xi32>
    %add3A_499 = arith.addi %add3A_498, %gather3A_496 : vector<16xi32>
    %swap3A_500 = arith.constant 3 : i32
    %swap3A_501 = arith.constant 0 : i32
    %swap3A_502 = tpu.memref_slice %arg6[%swap3A_500, %swap3A_501] : memref<4x128xi32, #tpu.memory_space<vmem>> -> memref<1x128xi32, #tpu.memory_space<vmem>>
    %swap3A_503 = tpu.memref_squeeze %swap3A_502 : memref<1x128xi32, #tpu.memory_space<vmem>> -> memref<128xi32, #tpu.memory_space<vmem>>
    %swap3A_504 = arith.constant 32 : index
    %swap3A_505 = tpu.vector_load %swap3A_503[%swap3A_504] {strides = array<i32>} : memref<128xi32, #tpu.memory_space<vmem>>, vector<16xi32>,
    tpu.vector_store %swap3A_503[%swap3A_504], %add3A_499 {strides = array<i32>} : memref<128xi32, #tpu.memory_space<vmem>>, vector<16xi32>,
    %add3A_506 = arith.constant 48 : i32
    %add3A_507 = vector.broadcast %add3A_506 : i32 to vector<16xi32>
    %add3A_508 = arith.addi %add3A_507, %iota3A : vector<16xi32>
    %broadcast_in_dim3A_509 = arith.constant 0 : i32
    %broadcast_in_dim3A_510 = vector.broadcast %broadcast_in_dim3A_509 : i32 to vector<16xi32>
    %add3A_511 = arith.constant 3 : i32
    %add3A_512 = vector.broadcast %add3A_511 : i32 to vector<16xi32>
    %add3A_513 = arith.addi %broadcast_in_dim3A_510, %add3A_512 : vector<16xi32>
    %gather3A_514 = tpu.vector_load_idx %arg5[%add3A_508, %add3A_513] : memref<128x200xi32, #tpu.memory_space<vmem>>[vector<16xi32>, vector<16xi32>], vector<16xi32>,
    %add3A_515 = arith.constant 300 : i32
    %add3A_516 = vector.broadcast %add3A_515 : i32 to vector<16xi32>
    %add3A_517 = arith.addi %add3A_516, %gather3A_514 : vector<16xi32>
    %swap3A_518 = arith.constant 3 : i32
    %swap3A_519 = arith.constant 0 : i32
    %swap3A_520 = tpu.memref_slice %arg6[%swap3A_518, %swap3A_519] : memref<4x128xi32, #tpu.memory_space<vmem>> -> memref<1x128xi32, #tpu.memory_space<vmem>>
    %swap3A_521 = tpu.memref_squeeze %swap3A_520 : memref<1x128xi32, #tpu.memory_space<vmem>> -> memref<128xi32, #tpu.memory_space<vmem>>
    %swap3A_522 = arith.constant 48 : index
    %swap3A_523 = tpu.vector_load %swap3A_521[%swap3A_522] {strides = array<i32>} : memref<128xi32, #tpu.memory_space<vmem>>, vector<16xi32>,
    tpu.vector_store %swap3A_521[%swap3A_522], %add3A_517 {strides = array<i32>} : memref<128xi32, #tpu.memory_space<vmem>>, vector<16xi32>,
    %add3A_524 = arith.constant 64 : i32
    %add3A_525 = vector.broadcast %add3A_524 : i32 to vector<16xi32>
    %add3A_526 = arith.addi %add3A_525, %iota3A : vector<16xi32>
    %broadcast_in_dim3A_527 = arith.constant 0 : i32
    %broadcast_in_dim3A_528 = vector.broadcast %broadcast_in_dim3A_527 : i32 to vector<16xi32>
    %add3A_529 = arith.constant 3 : i32
    %add3A_530 = vector.broadcast %add3A_529 : i32 to vector<16xi32>
    %add3A_531 = arith.addi %broadcast_in_dim3A_528, %add3A_530 : vector<16xi32>
    %gather3A_532 = tpu.vector_load_idx %arg5[%add3A_526, %add3A_531] : memref<128x200xi32, #tpu.memory_space<vmem>>[vector<16xi32>, vector<16xi32>], vector<16xi32>,
    %add3A_533 = arith.constant 300 : i32
    %add3A_534 = vector.broadcast %add3A_533 : i32 to vector<16xi32>
    %add3A_535 = arith.addi %add3A_534, %gather3A_532 : vector<16xi32>
    %swap3A_536 = arith.constant 3 : i32
    %swap3A_537 = arith.constant 0 : i32
    %swap3A_538 = tpu.memref_slice %arg6[%swap3A_536, %swap3A_537] : memref<4x128xi32, #tpu.memory_space<vmem>> -> memref<1x128xi32, #tpu.memory_space<vmem>>
    %swap3A_539 = tpu.memref_squeeze %swap3A_538 : memref<1x128xi32, #tpu.memory_space<vmem>> -> memref<128xi32, #tpu.memory_space<vmem>>
    %swap3A_540 = arith.constant 64 : index
    %swap3A_541 = tpu.vector_load %swap3A_539[%swap3A_540] {strides = array<i32>} : memref<128xi32, #tpu.memory_space<vmem>>, vector<16xi32>,
    tpu.vector_store %swap3A_539[%swap3A_540], %add3A_535 {strides = array<i32>} : memref<128xi32, #tpu.memory_space<vmem>>, vector<16xi32>,
    %add3A_542 = arith.constant 80 : i32
    %add3A_543 = vector.broadcast %add3A_542 : i32 to vector<16xi32>
    %add3A_544 = arith.addi %add3A_543, %iota3A : vector<16xi32>
    %broadcast_in_dim3A_545 = arith.constant 0 : i32
    %broadcast_in_dim3A_546 = vector.broadcast %broadcast_in_dim3A_545 : i32 to vector<16xi32>
    %add3A_547 = arith.constant 3 : i32
    %add3A_548 = vector.broadcast %add3A_547 : i32 to vector<16xi32>
    %add3A_549 = arith.addi %broadcast_in_dim3A_546, %add3A_548 : vector<16xi32>
    %gather3A_550 = tpu.vector_load_idx %arg5[%add3A_544, %add3A_549] : memref<128x200xi32, #tpu.memory_space<vmem>>[vector<16xi32>, vector<16xi32>], vector<16xi32>,
    %add3A_551 = arith.constant 300 : i32
    %add3A_552 = vector.broadcast %add3A_551 : i32 to vector<16xi32>
    %add3A_553 = arith.addi %add3A_552, %gather3A_550 : vector<16xi32>
    %swap3A_554 = arith.constant 3 : i32
    %swap3A_555 = arith.constant 0 : i32
    %swap3A_556 = tpu.memref_slice %arg6[%swap3A_554, %swap3A_555] : memref<4x128xi32, #tpu.memory_space<vmem>> -> memref<1x128xi32, #tpu.memory_space<vmem>>
    %swap3A_557 = tpu.memref_squeeze %swap3A_556 : memref<1x128xi32, #tpu.memory_space<vmem>> -> memref<128xi32, #tpu.memory_space<vmem>>
    %swap3A_558 = arith.constant 80 : index
    %swap3A_559 = tpu.vector_load %swap3A_557[%swap3A_558] {strides = array<i32>} : memref<128xi32, #tpu.memory_space<vmem>>, vector<16xi32>,
    tpu.vector_store %swap3A_557[%swap3A_558], %add3A_553 {strides = array<i32>} : memref<128xi32, #tpu.memory_space<vmem>>, vector<16xi32>,
    %add3A_560 = arith.constant 96 : i32
    %add3A_561 = vector.broadcast %add3A_560 : i32 to vector<16xi32>
    %add3A_562 = arith.addi %add3A_561, %iota3A : vector<16xi32>
    %broadcast_in_dim3A_563 = arith.constant 0 : i32
    %broadcast_in_dim3A_564 = vector.broadcast %broadcast_in_dim3A_563 : i32 to vector<16xi32>
    %add3A_565 = arith.constant 3 : i32
    %add3A_566 = vector.broadcast %add3A_565 : i32 to vector<16xi32>
    %add3A_567 = arith.addi %broadcast_in_dim3A_564, %add3A_566 : vector<16xi32>
    %gather3A_568 = tpu.vector_load_idx %arg5[%add3A_562, %add3A_567] : memref<128x200xi32, #tpu.memory_space<vmem>>[vector<16xi32>, vector<16xi32>], vector<16xi32>,
    %add3A_569 = arith.constant 300 : i32
    %add3A_570 = vector.broadcast %add3A_569 : i32 to vector<16xi32>
    %add3A_571 = arith.addi %add3A_570, %gather3A_568 : vector<16xi32>
    %swap3A_572 = arith.constant 3 : i32
    %swap3A_573 = arith.constant 0 : i32
    %swap3A_574 = tpu.memref_slice %arg6[%swap3A_572, %swap3A_573] : memref<4x128xi32, #tpu.memory_space<vmem>> -> memref<1x128xi32, #tpu.memory_space<vmem>>
    %swap3A_575 = tpu.memref_squeeze %swap3A_574 : memref<1x128xi32, #tpu.memory_space<vmem>> -> memref<128xi32, #tpu.memory_space<vmem>>
    %swap3A_576 = arith.constant 96 : index
    %swap3A_577 = tpu.vector_load %swap3A_575[%swap3A_576] {strides = array<i32>} : memref<128xi32, #tpu.memory_space<vmem>>, vector<16xi32>,
    tpu.vector_store %swap3A_575[%swap3A_576], %add3A_571 {strides = array<i32>} : memref<128xi32, #tpu.memory_space<vmem>>, vector<16xi32>,
    %add3A_578 = arith.constant 112 : i32
    %add3A_579 = vector.broadcast %add3A_578 : i32 to vector<16xi32>
    %add3A_580 = arith.addi %add3A_579, %iota3A : vector<16xi32>
    %broadcast_in_dim3A_581 = arith.constant 0 : i32
    %broadcast_in_dim3A_582 = vector.broadcast %broadcast_in_dim3A_581 : i32 to vector<16xi32>
    %add3A_583 = arith.constant 3 : i32
    %add3A_584 = vector.broadcast %add3A_583 : i32 to vector<16xi32>
    %add3A_585 = arith.addi %broadcast_in_dim3A_582, %add3A_584 : vector<16xi32>
    %gather3A_586 = tpu.vector_load_idx %arg5[%add3A_580, %add3A_585] : memref<128x200xi32, #tpu.memory_space<vmem>>[vector<16xi32>, vector<16xi32>], vector<16xi32>,
    %add3A_587 = arith.constant 300 : i32
    %add3A_588 = vector.broadcast %add3A_587 : i32 to vector<16xi32>
    %add3A_589 = arith.addi %add3A_588, %gather3A_586 : vector<16xi32>
    %swap3A_590 = arith.constant 3 : i32
    %swap3A_591 = arith.constant 0 : i32
    %swap3A_592 = tpu.memref_slice %arg6[%swap3A_590, %swap3A_591] : memref<4x128xi32, #tpu.memory_space<vmem>> -> memref<1x128xi32, #tpu.memory_space<vmem>>
    %swap3A_593 = tpu.memref_squeeze %swap3A_592 : memref<1x128xi32, #tpu.memory_space<vmem>> -> memref<128xi32, #tpu.memory_space<vmem>>
    %swap3A_594 = arith.constant 112 : index
    %swap3A_595 = tpu.vector_load %swap3A_593[%swap3A_594] {strides = array<i32>} : memref<128xi32, #tpu.memory_space<vmem>>, vector<16xi32>,
    tpu.vector_store %swap3A_593[%swap3A_594], %add3A_589 {strides = array<i32>} : memref<128xi32, #tpu.memory_space<vmem>>, vector<16xi32>,
    %dma_start3A_596 = arith.constant 3 : i32
    %dma_start3A_597 = arith.constant 0 : i32
    %dma_start3A_598 = tpu.memref_slice %arg6[%dma_start3A_596, %dma_start3A_597] : memref<4x128xi32, #tpu.memory_space<vmem>> -> memref<1x128xi32, #tpu.memory_space<vmem>>
    %dma_start3A_599 = tpu.memref_squeeze %dma_start3A_598 : memref<1x128xi32, #tpu.memory_space<vmem>> -> memref<128xi32, #tpu.memory_space<vmem>>
    %dma_start3A_600 = arith.constant 0 : i32
    %dma_start3A_601 = arith.constant 0 : i32
    %dma_start3A_602 = tpu.memref_slice %arg3[%dma_start3A_600, %dma_start3A_601] : memref<20000x128xf32, #tpu.memory_space<hbm>> -> memref<20000x128xf32, #tpu.memory_space<hbm>>
    tpu.enqueue_indirect_dma source(%dma_start3A_602 : memref<20000x128xf32, #tpu.memory_space<hbm>>) target(%arg10 : memref<128x128xf32, #tpu.memory_space<vmem>>) offsets(%dma_start3A_599 : memref<128xi32, #tpu.memory_space<vmem>>) semaphore(%arg16 : memref<!tpu.dma_semaphore, #tpu.memory_space<semaphore_mem>>)
    %scan3A = arith.constant 0 : i32
    %scan3A_603 = arith.constant 0 : i32
    %scan3A_604 = arith.constant 50 : i32
    %scan3A_605 = arith.addi %scan3A_603, %scan3A_604 : i32
    %scan3A_606 = arith.constant 1 : i32
    scf.for %scan3A_621 = %scan3A_603 to %scan3A_605 step %scan3A_606  : i32 {
      %mul3A_622 = arith.constant 4 : i32
      %mul3A_623 = arith.muli %mul3A_622, %scan3A_621 : i32
      %add3A_624 = arith.constant 0 : i32
      %add3A_625 = arith.addi %mul3A_623, %add3A_624 : i32
      %dma_wait3A_626 = arith.constant 0 : i32
      %dma_wait3A_627 = arith.constant 0 : i32
      %dma_wait3A_628 = tpu.memref_slice %arg3[%dma_wait3A_626, %dma_wait3A_627] : memref<20000x128xf32, #tpu.memory_space<hbm>> -> memref<128x128xf32, #tpu.memory_space<hbm>>
      %dma_wait3A_629 = arith.constant 0 : i32
      %dma_wait3A_630 = arith.constant 0 : i32
      %dma_wait3A_631 = tpu.memref_slice %arg3[%dma_wait3A_629, %dma_wait3A_630] : memref<20000x128xf32, #tpu.memory_space<hbm>> -> memref<128x128xf32, #tpu.memory_space<hbm>>
      tpu.wait_dma2 semaphore(%arg13 : memref<!tpu.dma_semaphore, #tpu.memory_space<semaphore_mem>>) src(%dma_wait3A_631 : memref<128x128xf32, #tpu.memory_space<hbm>>) dst(%arg7 : memref<128x128xf32, #tpu.memory_space<vmem>>)
      %ge3A = arith.constant 2 : i32
      %ge3A_632 = arith.cmpi sge, %add3A_625, %ge3A : i32
      %convert_element_type3A = arith.extui %ge3A_632 : i1 to i32
      %cond3A = arith.constant 0 : i32
      %cond3A_633 = arith.cmpi ne, %convert_element_type3A, %cond3A : i32
      scf.if %cond3A_633 {
        %dma_wait3A_754 = arith.constant 0 : i32
        %dma_wait3A_755 = arith.constant 0 : i32
        %dma_wait3A_756 = tpu.memref_slice %arg4[%dma_wait3A_754, %dma_wait3A_755, %mul3A_2] : memref<200x64x4096xf32, #tpu.memory_space<hbm>> -> memref<1x64x128xf32, #tpu.memory_space<hbm>>
        %dma_wait3A_757 = tpu.memref_squeeze %dma_wait3A_756 : memref<1x64x128xf32, #tpu.memory_space<hbm>> -> memref<64x128xf32, #tpu.memory_space<hbm>>
        %dma_wait3A_758 = arith.constant 0 : i32
        %dma_wait3A_759 = tpu.memref_slice %arg4[%dma_wait3A_754, %dma_wait3A_758, %mul3A_2] : memref<200x64x4096xf32, #tpu.memory_space<hbm>> -> memref<1x64x128xf32, #tpu.memory_space<hbm>>
        %dma_wait3A_760 = tpu.memref_squeeze %dma_wait3A_759 : memref<1x64x128xf32, #tpu.memory_space<hbm>> -> memref<64x128xf32, #tpu.memory_space<hbm>>
        tpu.wait_dma2 semaphore(%arg17 : memref<!tpu.dma_semaphore, #tpu.memory_space<semaphore_mem>>) src(%arg11 : memref<64x128xf32, #tpu.memory_space<vmem>>) dst(%dma_wait3A_760 : memref<64x128xf32, #tpu.memory_space<hbm>>)
      } else {
      }
      %scan3A_634 = arith.constant 0 : i32
      %scan3A_635 = arith.constant 0 : i32
      %scan3A_636 = arith.constant 16 : i32
      %scan3A_637 = arith.addi %scan3A_635, %scan3A_636 : i32
      %scan3A_638 = arith.constant 1 : i32
      scf.for %scan3A_754 = %scan3A_635 to %scan3A_637 step %scan3A_638  : i32 {
        %add3A_755 = vector.broadcast %scan3A_754 : i32 to vector<16xi32>
        %add3A_756 = arith.addi %iota3A, %add3A_755 : vector<16xi32>
        %and3A = arith.constant 15 : i32
        %and3A_757 = vector.broadcast %and3A : i32 to vector<16xi32>
        %and3A_758 = arith.andi %add3A_756, %and3A_757 : vector<16xi32>
        %add3A_759 = arith.constant 0 : i32
        %add3A_760 = vector.broadcast %add3A_759 : i32 to vector<16xi32>
        %add3A_761 = arith.addi %add3A_760, %iota3A : vector<16xi32>
        %add3A_762 = arith.constant 0 : i32
        %add3A_763 = vector.broadcast %add3A_762 : i32 to vector<16xi32>
        %add3A_764 = arith.addi %add3A_763, %and3A_758 : vector<16xi32>
        %gather3A_765 = tpu.vector_load_idx %arg7[%add3A_761, %add3A_764] : memref<128x128xf32, #tpu.memory_space<vmem>>[vector<16xi32>, vector<16xi32>], vector<16xf32>,
        tpu.vector_store_idx %arg11[%add3A_764, %add3A_761], %gather3A_765 : memref<64x128xf32, #tpu.memory_space<vmem>>[vector<16xi32>, vector<16xi32>], vector<16xf32>,
        %add3A_766 = arith.constant 16 : i32
        %add3A_767 = vector.broadcast %add3A_766 : i32 to vector<16xi32>
        %add3A_768 = arith.addi %add3A_767, %and3A_758 : vector<16xi32>
        %gather3A_769 = tpu.vector_load_idx %arg7[%add3A_761, %add3A_768] : memref<128x128xf32, #tpu.memory_space<vmem>>[vector<16xi32>, vector<16xi32>], vector<16xf32>,
        tpu.vector_store_idx %arg11[%add3A_768, %add3A_761], %gather3A_769 : memref<64x128xf32, #tpu.memory_space<vmem>>[vector<16xi32>, vector<16xi32>], vector<16xf32>,
        %add3A_770 = arith.constant 32 : i32
        %add3A_771 = vector.broadcast %add3A_770 : i32 to vector<16xi32>
        %add3A_772 = arith.addi %add3A_771, %and3A_758 : vector<16xi32>
        %gather3A_773 = tpu.vector_load_idx %arg7[%add3A_761, %add3A_772] : memref<128x128xf32, #tpu.memory_space<vmem>>[vector<16xi32>, vector<16xi32>], vector<16xf32>,
        tpu.vector_store_idx %arg11[%add3A_772, %add3A_761], %gather3A_773 : memref<64x128xf32, #tpu.memory_space<vmem>>[vector<16xi32>, vector<16xi32>], vector<16xf32>,
        %add3A_774 = arith.constant 48 : i32
        %add3A_775 = vector.broadcast %add3A_774 : i32 to vector<16xi32>
        %add3A_776 = arith.addi %add3A_775, %and3A_758 : vector<16xi32>
        %gather3A_777 = tpu.vector_load_idx %arg7[%add3A_761, %add3A_776] : memref<128x128xf32, #tpu.memory_space<vmem>>[vector<16xi32>, vector<16xi32>], vector<16xf32>,
        tpu.vector_store_idx %arg11[%add3A_776, %add3A_761], %gather3A_777 : memref<64x128xf32, #tpu.memory_space<vmem>>[vector<16xi32>, vector<16xi32>], vector<16xf32>,
        %add3A_778 = arith.constant 16 : i32
        %add3A_779 = vector.broadcast %add3A_778 : i32 to vector<16xi32>
        %add3A_780 = arith.addi %add3A_779, %iota3A : vector<16xi32>
        %add3A_781 = arith.constant 0 : i32
        %add3A_782 = vector.broadcast %add3A_781 : i32 to vector<16xi32>
        %add3A_783 = arith.addi %add3A_782, %and3A_758 : vector<16xi32>
        %gather3A_784 = tpu.vector_load_idx %arg7[%add3A_780, %add3A_783] : memref<128x128xf32, #tpu.memory_space<vmem>>[vector<16xi32>, vector<16xi32>], vector<16xf32>,
        tpu.vector_store_idx %arg11[%add3A_783, %add3A_780], %gather3A_784 : memref<64x128xf32, #tpu.memory_space<vmem>>[vector<16xi32>, vector<16xi32>], vector<16xf32>,
        %add3A_785 = arith.constant 16 : i32
        %add3A_786 = vector.broadcast %add3A_785 : i32 to vector<16xi32>
        %add3A_787 = arith.addi %add3A_786, %and3A_758 : vector<16xi32>
        %gather3A_788 = tpu.vector_load_idx %arg7[%add3A_780, %add3A_787] : memref<128x128xf32, #tpu.memory_space<vmem>>[vector<16xi32>, vector<16xi32>], vector<16xf32>,
        tpu.vector_store_idx %arg11[%add3A_787, %add3A_780], %gather3A_788 : memref<64x128xf32, #tpu.memory_space<vmem>>[vector<16xi32>, vector<16xi32>], vector<16xf32>,
        %add3A_789 = arith.constant 32 : i32
        %add3A_790 = vector.broadcast %add3A_789 : i32 to vector<16xi32>
        %add3A_791 = arith.addi %add3A_790, %and3A_758 : vector<16xi32>
        %gather3A_792 = tpu.vector_load_idx %arg7[%add3A_780, %add3A_791] : memref<128x128xf32, #tpu.memory_space<vmem>>[vector<16xi32>, vector<16xi32>], vector<16xf32>,
        tpu.vector_store_idx %arg11[%add3A_791, %add3A_780], %gather3A_792 : memref<64x128xf32, #tpu.memory_space<vmem>>[vector<16xi32>, vector<16xi32>], vector<16xf32>,
        %add3A_793 = arith.constant 48 : i32
        %add3A_794 = vector.broadcast %add3A_793 : i32 to vector<16xi32>
        %add3A_795 = arith.addi %add3A_794, %and3A_758 : vector<16xi32>
        %gather3A_796 = tpu.vector_load_idx %arg7[%add3A_780, %add3A_795] : memref<128x128xf32, #tpu.memory_space<vmem>>[vector<16xi32>, vector<16xi32>], vector<16xf32>,
        tpu.vector_store_idx %arg11[%add3A_795, %add3A_780], %gather3A_796 : memref<64x128xf32, #tpu.memory_space<vmem>>[vector<16xi32>, vector<16xi32>], vector<16xf32>,
        %add3A_797 = arith.constant 32 : i32
        %add3A_798 = vector.broadcast %add3A_797 : i32 to vector<16xi32>
        %add3A_799 = arith.addi %add3A_798, %iota3A : vector<16xi32>
        %add3A_800 = arith.constant 0 : i32
        %add3A_801 = vector.broadcast %add3A_800 : i32 to vector<16xi32>
        %add3A_802 = arith.addi %add3A_801, %and3A_758 : vector<16xi32>
        %gather3A_803 = tpu.vector_load_idx %arg7[%add3A_799, %add3A_802] : memref<128x128xf32, #tpu.memory_space<vmem>>[vector<16xi32>, vector<16xi32>], vector<16xf32>,
        tpu.vector_store_idx %arg11[%add3A_802, %add3A_799], %gather3A_803 : memref<64x128xf32, #tpu.memory_space<vmem>>[vector<16xi32>, vector<16xi32>], vector<16xf32>,
        %add3A_804 = arith.constant 16 : i32
        %add3A_805 = vector.broadcast %add3A_804 : i32 to vector<16xi32>
        %add3A_806 = arith.addi %add3A_805, %and3A_758 : vector<16xi32>
        %gather3A_807 = tpu.vector_load_idx %arg7[%add3A_799, %add3A_806] : memref<128x128xf32, #tpu.memory_space<vmem>>[vector<16xi32>, vector<16xi32>], vector<16xf32>,
        tpu.vector_store_idx %arg11[%add3A_806, %add3A_799], %gather3A_807 : memref<64x128xf32, #tpu.memory_space<vmem>>[vector<16xi32>, vector<16xi32>], vector<16xf32>,
        %add3A_808 = arith.constant 32 : i32
        %add3A_809 = vector.broadcast %add3A_808 : i32 to vector<16xi32>
        %add3A_810 = arith.addi %add3A_809, %and3A_758 : vector<16xi32>
        %gather3A_811 = tpu.vector_load_idx %arg7[%add3A_799, %add3A_810] : memref<128x128xf32, #tpu.memory_space<vmem>>[vector<16xi32>, vector<16xi32>], vector<16xf32>,
        tpu.vector_store_idx %arg11[%add3A_810, %add3A_799], %gather3A_811 : memref<64x128xf32, #tpu.memory_space<vmem>>[vector<16xi32>, vector<16xi32>], vector<16xf32>,
        %add3A_812 = arith.constant 48 : i32
        %add3A_813 = vector.broadcast %add3A_812 : i32 to vector<16xi32>
        %add3A_814 = arith.addi %add3A_813, %and3A_758 : vector<16xi32>
        %gather3A_815 = tpu.vector_load_idx %arg7[%add3A_799, %add3A_814] : memref<128x128xf32, #tpu.memory_space<vmem>>[vector<16xi32>, vector<16xi32>], vector<16xf32>,
        tpu.vector_store_idx %arg11[%add3A_814, %add3A_799], %gather3A_815 : memref<64x128xf32, #tpu.memory_space<vmem>>[vector<16xi32>, vector<16xi32>], vector<16xf32>,
        %add3A_816 = arith.constant 48 : i32
        %add3A_817 = vector.broadcast %add3A_816 : i32 to vector<16xi32>
        %add3A_818 = arith.addi %add3A_817, %iota3A : vector<16xi32>
        %add3A_819 = arith.constant 0 : i32
        %add3A_820 = vector.broadcast %add3A_819 : i32 to vector<16xi32>
        %add3A_821 = arith.addi %add3A_820, %and3A_758 : vector<16xi32>
        %gather3A_822 = tpu.vector_load_idx %arg7[%add3A_818, %add3A_821] : memref<128x128xf32, #tpu.memory_space<vmem>>[vector<16xi32>, vector<16xi32>], vector<16xf32>,
        tpu.vector_store_idx %arg11[%add3A_821, %add3A_818], %gather3A_822 : memref<64x128xf32, #tpu.memory_space<vmem>>[vector<16xi32>, vector<16xi32>], vector<16xf32>,
        %add3A_823 = arith.constant 16 : i32
        %add3A_824 = vector.broadcast %add3A_823 : i32 to vector<16xi32>
        %add3A_825 = arith.addi %add3A_824, %and3A_758 : vector<16xi32>
        %gather3A_826 = tpu.vector_load_idx %arg7[%add3A_818, %add3A_825] : memref<128x128xf32, #tpu.memory_space<vmem>>[vector<16xi32>, vector<16xi32>], vector<16xf32>,
        tpu.vector_store_idx %arg11[%add3A_825, %add3A_818], %gather3A_826 : memref<64x128xf32, #tpu.memory_space<vmem>>[vector<16xi32>, vector<16xi32>], vector<16xf32>,
        %add3A_827 = arith.constant 32 : i32
        %add3A_828 = vector.broadcast %add3A_827 : i32 to vector<16xi32>
        %add3A_829 = arith.addi %add3A_828, %and3A_758 : vector<16xi32>
        %gather3A_830 = tpu.vector_load_idx %arg7[%add3A_818, %add3A_829] : memref<128x128xf32, #tpu.memory_space<vmem>>[vector<16xi32>, vector<16xi32>], vector<16xf32>,
        tpu.vector_store_idx %arg11[%add3A_829, %add3A_818], %gather3A_830 : memref<64x128xf32, #tpu.memory_space<vmem>>[vector<16xi32>, vector<16xi32>], vector<16xf32>,
        %add3A_831 = arith.constant 48 : i32
        %add3A_832 = vector.broadcast %add3A_831 : i32 to vector<16xi32>
        %add3A_833 = arith.addi %add3A_832, %and3A_758 : vector<16xi32>
        %gather3A_834 = tpu.vector_load_idx %arg7[%add3A_818, %add3A_833] : memref<128x128xf32, #tpu.memory_space<vmem>>[vector<16xi32>, vector<16xi32>], vector<16xf32>,
        tpu.vector_store_idx %arg11[%add3A_833, %add3A_818], %gather3A_834 : memref<64x128xf32, #tpu.memory_space<vmem>>[vector<16xi32>, vector<16xi32>], vector<16xf32>,
        %add3A_835 = arith.constant 64 : i32
        %add3A_836 = vector.broadcast %add3A_835 : i32 to vector<16xi32>
        %add3A_837 = arith.addi %add3A_836, %iota3A : vector<16xi32>
        %add3A_838 = arith.constant 0 : i32
        %add3A_839 = vector.broadcast %add3A_838 : i32 to vector<16xi32>
        %add3A_840 = arith.addi %add3A_839, %and3A_758 : vector<16xi32>
        %gather3A_841 = tpu.vector_load_idx %arg7[%add3A_837, %add3A_840] : memref<128x128xf32, #tpu.memory_space<vmem>>[vector<16xi32>, vector<16xi32>], vector<16xf32>,
        tpu.vector_store_idx %arg11[%add3A_840, %add3A_837], %gather3A_841 : memref<64x128xf32, #tpu.memory_space<vmem>>[vector<16xi32>, vector<16xi32>], vector<16xf32>,
        %add3A_842 = arith.constant 16 : i32
        %add3A_843 = vector.broadcast %add3A_842 : i32 to vector<16xi32>
        %add3A_844 = arith.addi %add3A_843, %and3A_758 : vector<16xi32>
        %gather3A_845 = tpu.vector_load_idx %arg7[%add3A_837, %add3A_844] : memref<128x128xf32, #tpu.memory_space<vmem>>[vector<16xi32>, vector<16xi32>], vector<16xf32>,
        tpu.vector_store_idx %arg11[%add3A_844, %add3A_837], %gather3A_845 : memref<64x128xf32, #tpu.memory_space<vmem>>[vector<16xi32>, vector<16xi32>], vector<16xf32>,
        %add3A_846 = arith.constant 32 : i32
        %add3A_847 = vector.broadcast %add3A_846 : i32 to vector<16xi32>
        %add3A_848 = arith.addi %add3A_847, %and3A_758 : vector<16xi32>
        %gather3A_849 = tpu.vector_load_idx %arg7[%add3A_837, %add3A_848] : memref<128x128xf32, #tpu.memory_space<vmem>>[vector<16xi32>, vector<16xi32>], vector<16xf32>,
        tpu.vector_store_idx %arg11[%add3A_848, %add3A_837], %gather3A_849 : memref<64x128xf32, #tpu.memory_space<vmem>>[vector<16xi32>, vector<16xi32>], vector<16xf32>,
        %add3A_850 = arith.constant 48 : i32
        %add3A_851 = vector.broadcast %add3A_850 : i32 to vector<16xi32>
        %add3A_852 = arith.addi %add3A_851, %and3A_758 : vector<16xi32>
        %gather3A_853 = tpu.vector_load_idx %arg7[%add3A_837, %add3A_852] : memref<128x128xf32, #tpu.memory_space<vmem>>[vector<16xi32>, vector<16xi32>], vector<16xf32>,
        tpu.vector_store_idx %arg11[%add3A_852, %add3A_837], %gather3A_853 : memref<64x128xf32, #tpu.memory_space<vmem>>[vector<16xi32>, vector<16xi32>], vector<16xf32>,
        %add3A_854 = arith.constant 80 : i32
        %add3A_855 = vector.broadcast %add3A_854 : i32 to vector<16xi32>
        %add3A_856 = arith.addi %add3A_855, %iota3A : vector<16xi32>
        %add3A_857 = arith.constant 0 : i32
        %add3A_858 = vector.broadcast %add3A_857 : i32 to vector<16xi32>
        %add3A_859 = arith.addi %add3A_858, %and3A_758 : vector<16xi32>
        %gather3A_860 = tpu.vector_load_idx %arg7[%add3A_856, %add3A_859] : memref<128x128xf32, #tpu.memory_space<vmem>>[vector<16xi32>, vector<16xi32>], vector<16xf32>,
        tpu.vector_store_idx %arg11[%add3A_859, %add3A_856], %gather3A_860 : memref<64x128xf32, #tpu.memory_space<vmem>>[vector<16xi32>, vector<16xi32>], vector<16xf32>,
        %add3A_861 = arith.constant 16 : i32
        %add3A_862 = vector.broadcast %add3A_861 : i32 to vector<16xi32>
        %add3A_863 = arith.addi %add3A_862, %and3A_758 : vector<16xi32>
        %gather3A_864 = tpu.vector_load_idx %arg7[%add3A_856, %add3A_863] : memref<128x128xf32, #tpu.memory_space<vmem>>[vector<16xi32>, vector<16xi32>], vector<16xf32>,
        tpu.vector_store_idx %arg11[%add3A_863, %add3A_856], %gather3A_864 : memref<64x128xf32, #tpu.memory_space<vmem>>[vector<16xi32>, vector<16xi32>], vector<16xf32>,
        %add3A_865 = arith.constant 32 : i32
        %add3A_866 = vector.broadcast %add3A_865 : i32 to vector<16xi32>
        %add3A_867 = arith.addi %add3A_866, %and3A_758 : vector<16xi32>
        %gather3A_868 = tpu.vector_load_idx %arg7[%add3A_856, %add3A_867] : memref<128x128xf32, #tpu.memory_space<vmem>>[vector<16xi32>, vector<16xi32>], vector<16xf32>,
        tpu.vector_store_idx %arg11[%add3A_867, %add3A_856], %gather3A_868 : memref<64x128xf32, #tpu.memory_space<vmem>>[vector<16xi32>, vector<16xi32>], vector<16xf32>,
        %add3A_869 = arith.constant 48 : i32
        %add3A_870 = vector.broadcast %add3A_869 : i32 to vector<16xi32>
        %add3A_871 = arith.addi %add3A_870, %and3A_758 : vector<16xi32>
        %gather3A_872 = tpu.vector_load_idx %arg7[%add3A_856, %add3A_871] : memref<128x128xf32, #tpu.memory_space<vmem>>[vector<16xi32>, vector<16xi32>], vector<16xf32>,
        tpu.vector_store_idx %arg11[%add3A_871, %add3A_856], %gather3A_872 : memref<64x128xf32, #tpu.memory_space<vmem>>[vector<16xi32>, vector<16xi32>], vector<16xf32>,
        %add3A_873 = arith.constant 96 : i32
        %add3A_874 = vector.broadcast %add3A_873 : i32 to vector<16xi32>
        %add3A_875 = arith.addi %add3A_874, %iota3A : vector<16xi32>
        %add3A_876 = arith.constant 0 : i32
        %add3A_877 = vector.broadcast %add3A_876 : i32 to vector<16xi32>
        %add3A_878 = arith.addi %add3A_877, %and3A_758 : vector<16xi32>
        %gather3A_879 = tpu.vector_load_idx %arg7[%add3A_875, %add3A_878] : memref<128x128xf32, #tpu.memory_space<vmem>>[vector<16xi32>, vector<16xi32>], vector<16xf32>,
        tpu.vector_store_idx %arg11[%add3A_878, %add3A_875], %gather3A_879 : memref<64x128xf32, #tpu.memory_space<vmem>>[vector<16xi32>, vector<16xi32>], vector<16xf32>,
        %add3A_880 = arith.constant 16 : i32
        %add3A_881 = vector.broadcast %add3A_880 : i32 to vector<16xi32>
        %add3A_882 = arith.addi %add3A_881, %and3A_758 : vector<16xi32>
        %gather3A_883 = tpu.vector_load_idx %arg7[%add3A_875, %add3A_882] : memref<128x128xf32, #tpu.memory_space<vmem>>[vector<16xi32>, vector<16xi32>], vector<16xf32>,
        tpu.vector_store_idx %arg11[%add3A_882, %add3A_875], %gather3A_883 : memref<64x128xf32, #tpu.memory_space<vmem>>[vector<16xi32>, vector<16xi32>], vector<16xf32>,
        %add3A_884 = arith.constant 32 : i32
        %add3A_885 = vector.broadcast %add3A_884 : i32 to vector<16xi32>
        %add3A_886 = arith.addi %add3A_885, %and3A_758 : vector<16xi32>
        %gather3A_887 = tpu.vector_load_idx %arg7[%add3A_875, %add3A_886] : memref<128x128xf32, #tpu.memory_space<vmem>>[vector<16xi32>, vector<16xi32>], vector<16xf32>,
        tpu.vector_store_idx %arg11[%add3A_886, %add3A_875], %gather3A_887 : memref<64x128xf32, #tpu.memory_space<vmem>>[vector<16xi32>, vector<16xi32>], vector<16xf32>,
        %add3A_888 = arith.constant 48 : i32
        %add3A_889 = vector.broadcast %add3A_888 : i32 to vector<16xi32>
        %add3A_890 = arith.addi %add3A_889, %and3A_758 : vector<16xi32>
        %gather3A_891 = tpu.vector_load_idx %arg7[%add3A_875, %add3A_890] : memref<128x128xf32, #tpu.memory_space<vmem>>[vector<16xi32>, vector<16xi32>], vector<16xf32>,
        tpu.vector_store_idx %arg11[%add3A_890, %add3A_875], %gather3A_891 : memref<64x128xf32, #tpu.memory_space<vmem>>[vector<16xi32>, vector<16xi32>], vector<16xf32>,
        %add3A_892 = arith.constant 112 : i32
        %add3A_893 = vector.broadcast %add3A_892 : i32 to vector<16xi32>
        %add3A_894 = arith.addi %add3A_893, %iota3A : vector<16xi32>
        %add3A_895 = arith.constant 0 : i32
        %add3A_896 = vector.broadcast %add3A_895 : i32 to vector<16xi32>
        %add3A_897 = arith.addi %add3A_896, %and3A_758 : vector<16xi32>
        %gather3A_898 = tpu.vector_load_idx %arg7[%add3A_894, %add3A_897] : memref<128x128xf32, #tpu.memory_space<vmem>>[vector<16xi32>, vector<16xi32>], vector<16xf32>,
        tpu.vector_store_idx %arg11[%add3A_897, %add3A_894], %gather3A_898 : memref<64x128xf32, #tpu.memory_space<vmem>>[vector<16xi32>, vector<16xi32>], vector<16xf32>,
        %add3A_899 = arith.constant 16 : i32
        %add3A_900 = vector.broadcast %add3A_899 : i32 to vector<16xi32>
        %add3A_901 = arith.addi %add3A_900, %and3A_758 : vector<16xi32>
        %gather3A_902 = tpu.vector_load_idx %arg7[%add3A_894, %add3A_901] : memref<128x128xf32, #tpu.memory_space<vmem>>[vector<16xi32>, vector<16xi32>], vector<16xf32>,
        tpu.vector_store_idx %arg11[%add3A_901, %add3A_894], %gather3A_902 : memref<64x128xf32, #tpu.memory_space<vmem>>[vector<16xi32>, vector<16xi32>], vector<16xf32>,
        %add3A_903 = arith.constant 32 : i32
        %add3A_904 = vector.broadcast %add3A_903 : i32 to vector<16xi32>
        %add3A_905 = arith.addi %add3A_904, %and3A_758 : vector<16xi32>
        %gather3A_906 = tpu.vector_load_idx %arg7[%add3A_894, %add3A_905] : memref<128x128xf32, #tpu.memory_space<vmem>>[vector<16xi32>, vector<16xi32>], vector<16xf32>,
        tpu.vector_store_idx %arg11[%add3A_905, %add3A_894], %gather3A_906 : memref<64x128xf32, #tpu.memory_space<vmem>>[vector<16xi32>, vector<16xi32>], vector<16xf32>,
        %add3A_907 = arith.constant 48 : i32
        %add3A_908 = vector.broadcast %add3A_907 : i32 to vector<16xi32>
        %add3A_909 = arith.addi %add3A_908, %and3A_758 : vector<16xi32>
        %gather3A_910 = tpu.vector_load_idx %arg7[%add3A_894, %add3A_909] : memref<128x128xf32, #tpu.memory_space<vmem>>[vector<16xi32>, vector<16xi32>], vector<16xf32>,
        tpu.vector_store_idx %arg11[%add3A_909, %add3A_894], %gather3A_910 : memref<64x128xf32, #tpu.memory_space<vmem>>[vector<16xi32>, vector<16xi32>], vector<16xf32>,
      }
      %scan3A_639 = arith.constant 16 : i32
      %dma_start3A_640 = arith.constant 0 : i32
      %dma_start3A_641 = tpu.memref_slice %arg4[%add3A_625, %dma_start3A_640, %mul3A_2] : memref<200x64x4096xf32, #tpu.memory_space<hbm>> -> memref<1x64x128xf32, #tpu.memory_space<hbm>>
      %dma_start3A_642 = tpu.memref_squeeze %dma_start3A_641 : memref<1x64x128xf32, #tpu.memory_space<hbm>> -> memref<64x128xf32, #tpu.memory_space<hbm>>
      %dma_start3A_643 = arith.constant 0 : i32
      %dma_start3A_644 = tpu.memref_slice %arg4[%add3A_625, %dma_start3A_643, %mul3A_2] : memref<200x64x4096xf32, #tpu.memory_space<hbm>> -> memref<1x64x128xf32, #tpu.memory_space<hbm>>
      %dma_start3A_645 = tpu.memref_squeeze %dma_start3A_644 : memref<1x64x128xf32, #tpu.memory_space<hbm>> -> memref<64x128xf32, #tpu.memory_space<hbm>>
      tpu.enqueue_dma source(%arg11 : memref<64x128xf32, #tpu.memory_space<vmem>>) target(%dma_start3A_645 : memref<64x128xf32, #tpu.memory_space<hbm>>) target_semaphore(%arg17 : memref<!tpu.dma_semaphore, #tpu.memory_space<semaphore_mem>>)
      %add3A_646 = arith.constant 4 : i32
      %add3A_647 = arith.addi %add3A_625, %add3A_646 : i32
      %lt3A = arith.constant 200 : i32
      %lt3A_648 = arith.cmpi slt, %add3A_647, %lt3A : i32
      %convert_element_type3A_649 = arith.extui %lt3A_648 : i1 to i32
      %cond3A_650 = arith.constant 0 : i32
      %cond3A_651 = arith.cmpi ne, %convert_element_type3A_649, %cond3A_650 : i32
      scf.if %cond3A_651 {
        %add3A_754 = arith.constant 4 : i32
        %add3A_755 = arith.addi %add3A_625, %add3A_754 : i32
        %add3A_756 = arith.constant 0 : i32
        %add3A_757 = vector.broadcast %add3A_756 : i32 to vector<16xi32>
        %add3A_758 = arith.addi %add3A_757, %iota3A : vector<16xi32>
        %broadcast_in_dim3A_759 = arith.constant 0 : i32
        %broadcast_in_dim3A_760 = vector.broadcast %broadcast_in_dim3A_759 : i32 to vector<16xi32>
        %add3A_761 = vector.broadcast %add3A_755 : i32 to vector<16xi32>
        %add3A_762 = arith.addi %broadcast_in_dim3A_760, %add3A_761 : vector<16xi32>
        %gather3A_763 = tpu.vector_load_idx %arg5[%add3A_758, %add3A_762] : memref<128x200xi32, #tpu.memory_space<vmem>>[vector<16xi32>, vector<16xi32>], vector<16xi32>,
        %mul3A_764 = arith.constant 100 : i32
        %mul3A_765 = arith.muli %add3A_755, %mul3A_764 : i32
        %add3A_766 = vector.broadcast %mul3A_765 : i32 to vector<16xi32>
        %add3A_767 = arith.addi %add3A_766, %gather3A_763 : vector<16xi32>
        %swap3A_768 = arith.constant 0 : i32
        %swap3A_769 = arith.constant 0 : i32
        %swap3A_770 = tpu.memref_slice %arg6[%swap3A_768, %swap3A_769] : memref<4x128xi32, #tpu.memory_space<vmem>> -> memref<1x128xi32, #tpu.memory_space<vmem>>
        %swap3A_771 = tpu.memref_squeeze %swap3A_770 : memref<1x128xi32, #tpu.memory_space<vmem>> -> memref<128xi32, #tpu.memory_space<vmem>>
        %swap3A_772 = arith.constant 0 : index
        %swap3A_773 = tpu.vector_load %swap3A_771[%swap3A_772] {strides = array<i32>} : memref<128xi32, #tpu.memory_space<vmem>>, vector<16xi32>,
        tpu.vector_store %swap3A_771[%swap3A_772], %add3A_767 {strides = array<i32>} : memref<128xi32, #tpu.memory_space<vmem>>, vector<16xi32>,
        %add3A_774 = arith.constant 16 : i32
        %add3A_775 = vector.broadcast %add3A_774 : i32 to vector<16xi32>
        %add3A_776 = arith.addi %add3A_775, %iota3A : vector<16xi32>
        %broadcast_in_dim3A_777 = arith.constant 0 : i32
        %broadcast_in_dim3A_778 = vector.broadcast %broadcast_in_dim3A_777 : i32 to vector<16xi32>
        %add3A_779 = vector.broadcast %add3A_755 : i32 to vector<16xi32>
        %add3A_780 = arith.addi %broadcast_in_dim3A_778, %add3A_779 : vector<16xi32>
        %gather3A_781 = tpu.vector_load_idx %arg5[%add3A_776, %add3A_780] : memref<128x200xi32, #tpu.memory_space<vmem>>[vector<16xi32>, vector<16xi32>], vector<16xi32>,
        %mul3A_782 = arith.constant 100 : i32
        %mul3A_783 = arith.muli %add3A_755, %mul3A_782 : i32
        %add3A_784 = vector.broadcast %mul3A_783 : i32 to vector<16xi32>
        %add3A_785 = arith.addi %add3A_784, %gather3A_781 : vector<16xi32>
        %swap3A_786 = arith.constant 0 : i32
        %swap3A_787 = arith.constant 0 : i32
        %swap3A_788 = tpu.memref_slice %arg6[%swap3A_786, %swap3A_787] : memref<4x128xi32, #tpu.memory_space<vmem>> -> memref<1x128xi32, #tpu.memory_space<vmem>>
        %swap3A_789 = tpu.memref_squeeze %swap3A_788 : memref<1x128xi32, #tpu.memory_space<vmem>> -> memref<128xi32, #tpu.memory_space<vmem>>
        %swap3A_790 = arith.constant 16 : index
        %swap3A_791 = tpu.vector_load %swap3A_789[%swap3A_790] {strides = array<i32>} : memref<128xi32, #tpu.memory_space<vmem>>, vector<16xi32>,
        tpu.vector_store %swap3A_789[%swap3A_790], %add3A_785 {strides = array<i32>} : memref<128xi32, #tpu.memory_space<vmem>>, vector<16xi32>,
        %add3A_792 = arith.constant 32 : i32
        %add3A_793 = vector.broadcast %add3A_792 : i32 to vector<16xi32>
        %add3A_794 = arith.addi %add3A_793, %iota3A : vector<16xi32>
        %broadcast_in_dim3A_795 = arith.constant 0 : i32
        %broadcast_in_dim3A_796 = vector.broadcast %broadcast_in_dim3A_795 : i32 to vector<16xi32>
        %add3A_797 = vector.broadcast %add3A_755 : i32 to vector<16xi32>
        %add3A_798 = arith.addi %broadcast_in_dim3A_796, %add3A_797 : vector<16xi32>
        %gather3A_799 = tpu.vector_load_idx %arg5[%add3A_794, %add3A_798] : memref<128x200xi32, #tpu.memory_space<vmem>>[vector<16xi32>, vector<16xi32>], vector<16xi32>,
        %mul3A_800 = arith.constant 100 : i32
        %mul3A_801 = arith.muli %add3A_755, %mul3A_800 : i32
        %add3A_802 = vector.broadcast %mul3A_801 : i32 to vector<16xi32>
        %add3A_803 = arith.addi %add3A_802, %gather3A_799 : vector<16xi32>
        %swap3A_804 = arith.constant 0 : i32
        %swap3A_805 = arith.constant 0 : i32
        %swap3A_806 = tpu.memref_slice %arg6[%swap3A_804, %swap3A_805] : memref<4x128xi32, #tpu.memory_space<vmem>> -> memref<1x128xi32, #tpu.memory_space<vmem>>
        %swap3A_807 = tpu.memref_squeeze %swap3A_806 : memref<1x128xi32, #tpu.memory_space<vmem>> -> memref<128xi32, #tpu.memory_space<vmem>>
        %swap3A_808 = arith.constant 32 : index
        %swap3A_809 = tpu.vector_load %swap3A_807[%swap3A_808] {strides = array<i32>} : memref<128xi32, #tpu.memory_space<vmem>>, vector<16xi32>,
        tpu.vector_store %swap3A_807[%swap3A_808], %add3A_803 {strides = array<i32>} : memref<128xi32, #tpu.memory_space<vmem>>, vector<16xi32>,
        %add3A_810 = arith.constant 48 : i32
        %add3A_811 = vector.broadcast %add3A_810 : i32 to vector<16xi32>
        %add3A_812 = arith.addi %add3A_811, %iota3A : vector<16xi32>
        %broadcast_in_dim3A_813 = arith.constant 0 : i32
        %broadcast_in_dim3A_814 = vector.broadcast %broadcast_in_dim3A_813 : i32 to vector<16xi32>
        %add3A_815 = vector.broadcast %add3A_755 : i32 to vector<16xi32>
        %add3A_816 = arith.addi %broadcast_in_dim3A_814, %add3A_815 : vector<16xi32>
        %gather3A_817 = tpu.vector_load_idx %arg5[%add3A_812, %add3A_816] : memref<128x200xi32, #tpu.memory_space<vmem>>[vector<16xi32>, vector<16xi32>], vector<16xi32>,
        %mul3A_818 = arith.constant 100 : i32
        %mul3A_819 = arith.muli %add3A_755, %mul3A_818 : i32
        %add3A_820 = vector.broadcast %mul3A_819 : i32 to vector<16xi32>
        %add3A_821 = arith.addi %add3A_820, %gather3A_817 : vector<16xi32>
        %swap3A_822 = arith.constant 0 : i32
        %swap3A_823 = arith.constant 0 : i32
        %swap3A_824 = tpu.memref_slice %arg6[%swap3A_822, %swap3A_823] : memref<4x128xi32, #tpu.memory_space<vmem>> -> memref<1x128xi32, #tpu.memory_space<vmem>>
        %swap3A_825 = tpu.memref_squeeze %swap3A_824 : memref<1x128xi32, #tpu.memory_space<vmem>> -> memref<128xi32, #tpu.memory_space<vmem>>
        %swap3A_826 = arith.constant 48 : index
        %swap3A_827 = tpu.vector_load %swap3A_825[%swap3A_826] {strides = array<i32>} : memref<128xi32, #tpu.memory_space<vmem>>, vector<16xi32>,
        tpu.vector_store %swap3A_825[%swap3A_826], %add3A_821 {strides = array<i32>} : memref<128xi32, #tpu.memory_space<vmem>>, vector<16xi32>,
        %add3A_828 = arith.constant 64 : i32
        %add3A_829 = vector.broadcast %add3A_828 : i32 to vector<16xi32>
        %add3A_830 = arith.addi %add3A_829, %iota3A : vector<16xi32>
        %broadcast_in_dim3A_831 = arith.constant 0 : i32
        %broadcast_in_dim3A_832 = vector.broadcast %broadcast_in_dim3A_831 : i32 to vector<16xi32>
        %add3A_833 = vector.broadcast %add3A_755 : i32 to vector<16xi32>
        %add3A_834 = arith.addi %broadcast_in_dim3A_832, %add3A_833 : vector<16xi32>
        %gather3A_835 = tpu.vector_load_idx %arg5[%add3A_830, %add3A_834] : memref<128x200xi32, #tpu.memory_space<vmem>>[vector<16xi32>, vector<16xi32>], vector<16xi32>,
        %mul3A_836 = arith.constant 100 : i32
        %mul3A_837 = arith.muli %add3A_755, %mul3A_836 : i32
        %add3A_838 = vector.broadcast %mul3A_837 : i32 to vector<16xi32>
        %add3A_839 = arith.addi %add3A_838, %gather3A_835 : vector<16xi32>
        %swap3A_840 = arith.constant 0 : i32
        %swap3A_841 = arith.constant 0 : i32
        %swap3A_842 = tpu.memref_slice %arg6[%swap3A_840, %swap3A_841] : memref<4x128xi32, #tpu.memory_space<vmem>> -> memref<1x128xi32, #tpu.memory_space<vmem>>
        %swap3A_843 = tpu.memref_squeeze %swap3A_842 : memref<1x128xi32, #tpu.memory_space<vmem>> -> memref<128xi32, #tpu.memory_space<vmem>>
        %swap3A_844 = arith.constant 64 : index
        %swap3A_845 = tpu.vector_load %swap3A_843[%swap3A_844] {strides = array<i32>} : memref<128xi32, #tpu.memory_space<vmem>>, vector<16xi32>,
        tpu.vector_store %swap3A_843[%swap3A_844], %add3A_839 {strides = array<i32>} : memref<128xi32, #tpu.memory_space<vmem>>, vector<16xi32>,
        %add3A_846 = arith.constant 80 : i32
        %add3A_847 = vector.broadcast %add3A_846 : i32 to vector<16xi32>
        %add3A_848 = arith.addi %add3A_847, %iota3A : vector<16xi32>
        %broadcast_in_dim3A_849 = arith.constant 0 : i32
        %broadcast_in_dim3A_850 = vector.broadcast %broadcast_in_dim3A_849 : i32 to vector<16xi32>
        %add3A_851 = vector.broadcast %add3A_755 : i32 to vector<16xi32>
        %add3A_852 = arith.addi %broadcast_in_dim3A_850, %add3A_851 : vector<16xi32>
        %gather3A_853 = tpu.vector_load_idx %arg5[%add3A_848, %add3A_852] : memref<128x200xi32, #tpu.memory_space<vmem>>[vector<16xi32>, vector<16xi32>], vector<16xi32>,
        %mul3A_854 = arith.constant 100 : i32
        %mul3A_855 = arith.muli %add3A_755, %mul3A_854 : i32
        %add3A_856 = vector.broadcast %mul3A_855 : i32 to vector<16xi32>
        %add3A_857 = arith.addi %add3A_856, %gather3A_853 : vector<16xi32>
        %swap3A_858 = arith.constant 0 : i32
        %swap3A_859 = arith.constant 0 : i32
        %swap3A_860 = tpu.memref_slice %arg6[%swap3A_858, %swap3A_859] : memref<4x128xi32, #tpu.memory_space<vmem>> -> memref<1x128xi32, #tpu.memory_space<vmem>>
        %swap3A_861 = tpu.memref_squeeze %swap3A_860 : memref<1x128xi32, #tpu.memory_space<vmem>> -> memref<128xi32, #tpu.memory_space<vmem>>
        %swap3A_862 = arith.constant 80 : index
        %swap3A_863 = tpu.vector_load %swap3A_861[%swap3A_862] {strides = array<i32>} : memref<128xi32, #tpu.memory_space<vmem>>, vector<16xi32>,
        tpu.vector_store %swap3A_861[%swap3A_862], %add3A_857 {strides = array<i32>} : memref<128xi32, #tpu.memory_space<vmem>>, vector<16xi32>,
        %add3A_864 = arith.constant 96 : i32
        %add3A_865 = vector.broadcast %add3A_864 : i32 to vector<16xi32>
        %add3A_866 = arith.addi %add3A_865, %iota3A : vector<16xi32>
        %broadcast_in_dim3A_867 = arith.constant 0 : i32
        %broadcast_in_dim3A_868 = vector.broadcast %broadcast_in_dim3A_867 : i32 to vector<16xi32>
        %add3A_869 = vector.broadcast %add3A_755 : i32 to vector<16xi32>
        %add3A_870 = arith.addi %broadcast_in_dim3A_868, %add3A_869 : vector<16xi32>
        %gather3A_871 = tpu.vector_load_idx %arg5[%add3A_866, %add3A_870] : memref<128x200xi32, #tpu.memory_space<vmem>>[vector<16xi32>, vector<16xi32>], vector<16xi32>,
        %mul3A_872 = arith.constant 100 : i32
        %mul3A_873 = arith.muli %add3A_755, %mul3A_872 : i32
        %add3A_874 = vector.broadcast %mul3A_873 : i32 to vector<16xi32>
        %add3A_875 = arith.addi %add3A_874, %gather3A_871 : vector<16xi32>
        %swap3A_876 = arith.constant 0 : i32
        %swap3A_877 = arith.constant 0 : i32
        %swap3A_878 = tpu.memref_slice %arg6[%swap3A_876, %swap3A_877] : memref<4x128xi32, #tpu.memory_space<vmem>> -> memref<1x128xi32, #tpu.memory_space<vmem>>
        %swap3A_879 = tpu.memref_squeeze %swap3A_878 : memref<1x128xi32, #tpu.memory_space<vmem>> -> memref<128xi32, #tpu.memory_space<vmem>>
        %swap3A_880 = arith.constant 96 : index
        %swap3A_881 = tpu.vector_load %swap3A_879[%swap3A_880] {strides = array<i32>} : memref<128xi32, #tpu.memory_space<vmem>>, vector<16xi32>,
        tpu.vector_store %swap3A_879[%swap3A_880], %add3A_875 {strides = array<i32>} : memref<128xi32, #tpu.memory_space<vmem>>, vector<16xi32>,
        %add3A_882 = arith.constant 112 : i32
        %add3A_883 = vector.broadcast %add3A_882 : i32 to vector<16xi32>
        %add3A_884 = arith.addi %add3A_883, %iota3A : vector<16xi32>
        %broadcast_in_dim3A_885 = arith.constant 0 : i32
        %broadcast_in_dim3A_886 = vector.broadcast %broadcast_in_dim3A_885 : i32 to vector<16xi32>
        %add3A_887 = vector.broadcast %add3A_755 : i32 to vector<16xi32>
        %add3A_888 = arith.addi %broadcast_in_dim3A_886, %add3A_887 : vector<16xi32>
        %gather3A_889 = tpu.vector_load_idx %arg5[%add3A_884, %add3A_888] : memref<128x200xi32, #tpu.memory_space<vmem>>[vector<16xi32>, vector<16xi32>], vector<16xi32>,
        %mul3A_890 = arith.constant 100 : i32
        %mul3A_891 = arith.muli %add3A_755, %mul3A_890 : i32
        %add3A_892 = vector.broadcast %mul3A_891 : i32 to vector<16xi32>
        %add3A_893 = arith.addi %add3A_892, %gather3A_889 : vector<16xi32>
        %swap3A_894 = arith.constant 0 : i32
        %swap3A_895 = arith.constant 0 : i32
        %swap3A_896 = tpu.memref_slice %arg6[%swap3A_894, %swap3A_895] : memref<4x128xi32, #tpu.memory_space<vmem>> -> memref<1x128xi32, #tpu.memory_space<vmem>>
        %swap3A_897 = tpu.memref_squeeze %swap3A_896 : memref<1x128xi32, #tpu.memory_space<vmem>> -> memref<128xi32, #tpu.memory_space<vmem>>
        %swap3A_898 = arith.constant 112 : index
        %swap3A_899 = tpu.vector_load %swap3A_897[%swap3A_898] {strides = array<i32>} : memref<128xi32, #tpu.memory_space<vmem>>, vector<16xi32>,
        tpu.vector_store %swap3A_897[%swap3A_898], %add3A_893 {strides = array<i32>} : memref<128xi32, #tpu.memory_space<vmem>>, vector<16xi32>,
        %dma_start3A_900 = arith.constant 0 : i32
        %dma_start3A_901 = arith.constant 0 : i32
        %dma_start3A_902 = tpu.memref_slice %arg6[%dma_start3A_900, %dma_start3A_901] : memref<4x128xi32, #tpu.memory_space<vmem>> -> memref<1x128xi32, #tpu.memory_space<vmem>>
        %dma_start3A_903 = tpu.memref_squeeze %dma_start3A_902 : memref<1x128xi32, #tpu.memory_space<vmem>> -> memref<128xi32, #tpu.memory_space<vmem>>
        %dma_start3A_904 = arith.constant 0 : i32
        %dma_start3A_905 = arith.constant 0 : i32
        %dma_start3A_906 = tpu.memref_slice %arg3[%dma_start3A_904, %dma_start3A_905] : memref<20000x128xf32, #tpu.memory_space<hbm>> -> memref<20000x128xf32, #tpu.memory_space<hbm>>
        tpu.enqueue_indirect_dma source(%dma_start3A_906 : memref<20000x128xf32, #tpu.memory_space<hbm>>) target(%arg7 : memref<128x128xf32, #tpu.memory_space<vmem>>) offsets(%dma_start3A_903 : memref<128xi32, #tpu.memory_space<vmem>>) semaphore(%arg13 : memref<!tpu.dma_semaphore, #tpu.memory_space<semaphore_mem>>)
      } else {
      }
      %mul3A_652 = arith.constant 4 : i32
      %mul3A_653 = arith.muli %mul3A_652, %scan3A_621 : i32
      %add3A_654 = arith.constant 1 : i32
      %add3A_655 = arith.addi %mul3A_653, %add3A_654 : i32
      %dma_wait3A_656 = arith.constant 0 : i32
      %dma_wait3A_657 = arith.constant 0 : i32
      %dma_wait3A_658 = tpu.memref_slice %arg3[%dma_wait3A_656, %dma_wait3A_657] : memref<20000x128xf32, #tpu.memory_space<hbm>> -> memref<128x128xf32, #tpu.memory_space<hbm>>
      %dma_wait3A_659 = arith.constant 0 : i32
      %dma_wait3A_660 = arith.constant 0 : i32
      %dma_wait3A_661 = tpu.memref_slice %arg3[%dma_wait3A_659, %dma_wait3A_660] : memref<20000x128xf32, #tpu.memory_space<hbm>> -> memref<128x128xf32, #tpu.memory_space<hbm>>
      tpu.wait_dma2 semaphore(%arg14 : memref<!tpu.dma_semaphore, #tpu.memory_space<semaphore_mem>>) src(%dma_wait3A_661 : memref<128x128xf32, #tpu.memory_space<hbm>>) dst(%arg8 : memref<128x128xf32, #tpu.memory_space<vmem>>)
      %ge3A_662 = arith.constant 2 : i32
      %ge3A_663 = arith.cmpi sge, %add3A_655, %ge3A_662 : i32
      %convert_element_type3A_664 = arith.extui %ge3A_663 : i1 to i32
      %cond3A_665 = arith.constant 0 : i32
      %cond3A_666 = arith.cmpi ne, %convert_element_type3A_664, %cond3A_665 : i32
      scf.if %cond3A_666 {
        %dma_wait3A_754 = arith.constant 0 : i32
        %dma_wait3A_755 = arith.constant 0 : i32
        %dma_wait3A_756 = tpu.memref_slice %arg4[%dma_wait3A_754, %dma_wait3A_755, %mul3A_2] : memref<200x64x4096xf32, #tpu.memory_space<hbm>> -> memref<1x64x128xf32, #tpu.memory_space<hbm>>
        %dma_wait3A_757 = tpu.memref_squeeze %dma_wait3A_756 : memref<1x64x128xf32, #tpu.memory_space<hbm>> -> memref<64x128xf32, #tpu.memory_space<hbm>>
        %dma_wait3A_758 = arith.constant 0 : i32
        %dma_wait3A_759 = tpu.memref_slice %arg4[%dma_wait3A_754, %dma_wait3A_758, %mul3A_2] : memref<200x64x4096xf32, #tpu.memory_space<hbm>> -> memref<1x64x128xf32, #tpu.memory_space<hbm>>
        %dma_wait3A_760 = tpu.memref_squeeze %dma_wait3A_759 : memref<1x64x128xf32, #tpu.memory_space<hbm>> -> memref<64x128xf32, #tpu.memory_space<hbm>>
        tpu.wait_dma2 semaphore(%arg18 : memref<!tpu.dma_semaphore, #tpu.memory_space<semaphore_mem>>) src(%arg12 : memref<64x128xf32, #tpu.memory_space<vmem>>) dst(%dma_wait3A_760 : memref<64x128xf32, #tpu.memory_space<hbm>>)
      } else {
      }
      %scan3A_667 = arith.constant 0 : i32
      %scan3A_668 = arith.constant 0 : i32
      %scan3A_669 = arith.constant 16 : i32
      %scan3A_670 = arith.addi %scan3A_668, %scan3A_669 : i32
      %scan3A_671 = arith.constant 1 : i32
      scf.for %scan3A_754 = %scan3A_668 to %scan3A_670 step %scan3A_671  : i32 {
        %add3A_755 = vector.broadcast %scan3A_754 : i32 to vector<16xi32>
        %add3A_756 = arith.addi %iota3A, %add3A_755 : vector<16xi32>
        %and3A = arith.constant 15 : i32
        %and3A_757 = vector.broadcast %and3A : i32 to vector<16xi32>
        %and3A_758 = arith.andi %add3A_756, %and3A_757 : vector<16xi32>
        %add3A_759 = arith.constant 0 : i32
        %add3A_760 = vector.broadcast %add3A_759 : i32 to vector<16xi32>
        %add3A_761 = arith.addi %add3A_760, %iota3A : vector<16xi32>
        %add3A_762 = arith.constant 0 : i32
        %add3A_763 = vector.broadcast %add3A_762 : i32 to vector<16xi32>
        %add3A_764 = arith.addi %add3A_763, %and3A_758 : vector<16xi32>
        %gather3A_765 = tpu.vector_load_idx %arg8[%add3A_761, %add3A_764] : memref<128x128xf32, #tpu.memory_space<vmem>>[vector<16xi32>, vector<16xi32>], vector<16xf32>,
        tpu.vector_store_idx %arg12[%add3A_764, %add3A_761], %gather3A_765 : memref<64x128xf32, #tpu.memory_space<vmem>>[vector<16xi32>, vector<16xi32>], vector<16xf32>,
        %add3A_766 = arith.constant 16 : i32
        %add3A_767 = vector.broadcast %add3A_766 : i32 to vector<16xi32>
        %add3A_768 = arith.addi %add3A_767, %and3A_758 : vector<16xi32>
        %gather3A_769 = tpu.vector_load_idx %arg8[%add3A_761, %add3A_768] : memref<128x128xf32, #tpu.memory_space<vmem>>[vector<16xi32>, vector<16xi32>], vector<16xf32>,
        tpu.vector_store_idx %arg12[%add3A_768, %add3A_761], %gather3A_769 : memref<64x128xf32, #tpu.memory_space<vmem>>[vector<16xi32>, vector<16xi32>], vector<16xf32>,
        %add3A_770 = arith.constant 32 : i32
        %add3A_771 = vector.broadcast %add3A_770 : i32 to vector<16xi32>
        %add3A_772 = arith.addi %add3A_771, %and3A_758 : vector<16xi32>
        %gather3A_773 = tpu.vector_load_idx %arg8[%add3A_761, %add3A_772] : memref<128x128xf32, #tpu.memory_space<vmem>>[vector<16xi32>, vector<16xi32>], vector<16xf32>,
        tpu.vector_store_idx %arg12[%add3A_772, %add3A_761], %gather3A_773 : memref<64x128xf32, #tpu.memory_space<vmem>>[vector<16xi32>, vector<16xi32>], vector<16xf32>,
        %add3A_774 = arith.constant 48 : i32
        %add3A_775 = vector.broadcast %add3A_774 : i32 to vector<16xi32>
        %add3A_776 = arith.addi %add3A_775, %and3A_758 : vector<16xi32>
        %gather3A_777 = tpu.vector_load_idx %arg8[%add3A_761, %add3A_776] : memref<128x128xf32, #tpu.memory_space<vmem>>[vector<16xi32>, vector<16xi32>], vector<16xf32>,
        tpu.vector_store_idx %arg12[%add3A_776, %add3A_761], %gather3A_777 : memref<64x128xf32, #tpu.memory_space<vmem>>[vector<16xi32>, vector<16xi32>], vector<16xf32>,
        %add3A_778 = arith.constant 16 : i32
        %add3A_779 = vector.broadcast %add3A_778 : i32 to vector<16xi32>
        %add3A_780 = arith.addi %add3A_779, %iota3A : vector<16xi32>
        %add3A_781 = arith.constant 0 : i32
        %add3A_782 = vector.broadcast %add3A_781 : i32 to vector<16xi32>
        %add3A_783 = arith.addi %add3A_782, %and3A_758 : vector<16xi32>
        %gather3A_784 = tpu.vector_load_idx %arg8[%add3A_780, %add3A_783] : memref<128x128xf32, #tpu.memory_space<vmem>>[vector<16xi32>, vector<16xi32>], vector<16xf32>,
        tpu.vector_store_idx %arg12[%add3A_783, %add3A_780], %gather3A_784 : memref<64x128xf32, #tpu.memory_space<vmem>>[vector<16xi32>, vector<16xi32>], vector<16xf32>,
        %add3A_785 = arith.constant 16 : i32
        %add3A_786 = vector.broadcast %add3A_785 : i32 to vector<16xi32>
        %add3A_787 = arith.addi %add3A_786, %and3A_758 : vector<16xi32>
        %gather3A_788 = tpu.vector_load_idx %arg8[%add3A_780, %add3A_787] : memref<128x128xf32, #tpu.memory_space<vmem>>[vector<16xi32>, vector<16xi32>], vector<16xf32>,
        tpu.vector_store_idx %arg12[%add3A_787, %add3A_780], %gather3A_788 : memref<64x128xf32, #tpu.memory_space<vmem>>[vector<16xi32>, vector<16xi32>], vector<16xf32>,
        %add3A_789 = arith.constant 32 : i32
        %add3A_790 = vector.broadcast %add3A_789 : i32 to vector<16xi32>
        %add3A_791 = arith.addi %add3A_790, %and3A_758 : vector<16xi32>
        %gather3A_792 = tpu.vector_load_idx %arg8[%add3A_780, %add3A_791] : memref<128x128xf32, #tpu.memory_space<vmem>>[vector<16xi32>, vector<16xi32>], vector<16xf32>,
        tpu.vector_store_idx %arg12[%add3A_791, %add3A_780], %gather3A_792 : memref<64x128xf32, #tpu.memory_space<vmem>>[vector<16xi32>, vector<16xi32>], vector<16xf32>,
        %add3A_793 = arith.constant 48 : i32
        %add3A_794 = vector.broadcast %add3A_793 : i32 to vector<16xi32>
        %add3A_795 = arith.addi %add3A_794, %and3A_758 : vector<16xi32>
        %gather3A_796 = tpu.vector_load_idx %arg8[%add3A_780, %add3A_795] : memref<128x128xf32, #tpu.memory_space<vmem>>[vector<16xi32>, vector<16xi32>], vector<16xf32>,
        tpu.vector_store_idx %arg12[%add3A_795, %add3A_780], %gather3A_796 : memref<64x128xf32, #tpu.memory_space<vmem>>[vector<16xi32>, vector<16xi32>], vector<16xf32>,
        %add3A_797 = arith.constant 32 : i32
        %add3A_798 = vector.broadcast %add3A_797 : i32 to vector<16xi32>
        %add3A_799 = arith.addi %add3A_798, %iota3A : vector<16xi32>
        %add3A_800 = arith.constant 0 : i32
        %add3A_801 = vector.broadcast %add3A_800 : i32 to vector<16xi32>
        %add3A_802 = arith.addi %add3A_801, %and3A_758 : vector<16xi32>
        %gather3A_803 = tpu.vector_load_idx %arg8[%add3A_799, %add3A_802] : memref<128x128xf32, #tpu.memory_space<vmem>>[vector<16xi32>, vector<16xi32>], vector<16xf32>,
        tpu.vector_store_idx %arg12[%add3A_802, %add3A_799], %gather3A_803 : memref<64x128xf32, #tpu.memory_space<vmem>>[vector<16xi32>, vector<16xi32>], vector<16xf32>,
        %add3A_804 = arith.constant 16 : i32
        %add3A_805 = vector.broadcast %add3A_804 : i32 to vector<16xi32>
        %add3A_806 = arith.addi %add3A_805, %and3A_758 : vector<16xi32>
        %gather3A_807 = tpu.vector_load_idx %arg8[%add3A_799, %add3A_806] : memref<128x128xf32, #tpu.memory_space<vmem>>[vector<16xi32>, vector<16xi32>], vector<16xf32>,
        tpu.vector_store_idx %arg12[%add3A_806, %add3A_799], %gather3A_807 : memref<64x128xf32, #tpu.memory_space<vmem>>[vector<16xi32>, vector<16xi32>], vector<16xf32>,
        %add3A_808 = arith.constant 32 : i32
        %add3A_809 = vector.broadcast %add3A_808 : i32 to vector<16xi32>
        %add3A_810 = arith.addi %add3A_809, %and3A_758 : vector<16xi32>
        %gather3A_811 = tpu.vector_load_idx %arg8[%add3A_799, %add3A_810] : memref<128x128xf32, #tpu.memory_space<vmem>>[vector<16xi32>, vector<16xi32>], vector<16xf32>,
        tpu.vector_store_idx %arg12[%add3A_810, %add3A_799], %gather3A_811 : memref<64x128xf32, #tpu.memory_space<vmem>>[vector<16xi32>, vector<16xi32>], vector<16xf32>,
        %add3A_812 = arith.constant 48 : i32
        %add3A_813 = vector.broadcast %add3A_812 : i32 to vector<16xi32>
        %add3A_814 = arith.addi %add3A_813, %and3A_758 : vector<16xi32>
        %gather3A_815 = tpu.vector_load_idx %arg8[%add3A_799, %add3A_814] : memref<128x128xf32, #tpu.memory_space<vmem>>[vector<16xi32>, vector<16xi32>], vector<16xf32>,
        tpu.vector_store_idx %arg12[%add3A_814, %add3A_799], %gather3A_815 : memref<64x128xf32, #tpu.memory_space<vmem>>[vector<16xi32>, vector<16xi32>], vector<16xf32>,
        %add3A_816 = arith.constant 48 : i32
        %add3A_817 = vector.broadcast %add3A_816 : i32 to vector<16xi32>
        %add3A_818 = arith.addi %add3A_817, %iota3A : vector<16xi32>
        %add3A_819 = arith.constant 0 : i32
        %add3A_820 = vector.broadcast %add3A_819 : i32 to vector<16xi32>
        %add3A_821 = arith.addi %add3A_820, %and3A_758 : vector<16xi32>
        %gather3A_822 = tpu.vector_load_idx %arg8[%add3A_818, %add3A_821] : memref<128x128xf32, #tpu.memory_space<vmem>>[vector<16xi32>, vector<16xi32>], vector<16xf32>,
        tpu.vector_store_idx %arg12[%add3A_821, %add3A_818], %gather3A_822 : memref<64x128xf32, #tpu.memory_space<vmem>>[vector<16xi32>, vector<16xi32>], vector<16xf32>,
        %add3A_823 = arith.constant 16 : i32
        %add3A_824 = vector.broadcast %add3A_823 : i32 to vector<16xi32>
        %add3A_825 = arith.addi %add3A_824, %and3A_758 : vector<16xi32>
        %gather3A_826 = tpu.vector_load_idx %arg8[%add3A_818, %add3A_825] : memref<128x128xf32, #tpu.memory_space<vmem>>[vector<16xi32>, vector<16xi32>], vector<16xf32>,
        tpu.vector_store_idx %arg12[%add3A_825, %add3A_818], %gather3A_826 : memref<64x128xf32, #tpu.memory_space<vmem>>[vector<16xi32>, vector<16xi32>], vector<16xf32>,
        %add3A_827 = arith.constant 32 : i32
        %add3A_828 = vector.broadcast %add3A_827 : i32 to vector<16xi32>
        %add3A_829 = arith.addi %add3A_828, %and3A_758 : vector<16xi32>
        %gather3A_830 = tpu.vector_load_idx %arg8[%add3A_818, %add3A_829] : memref<128x128xf32, #tpu.memory_space<vmem>>[vector<16xi32>, vector<16xi32>], vector<16xf32>,
        tpu.vector_store_idx %arg12[%add3A_829, %add3A_818], %gather3A_830 : memref<64x128xf32, #tpu.memory_space<vmem>>[vector<16xi32>, vector<16xi32>], vector<16xf32>,
        %add3A_831 = arith.constant 48 : i32
        %add3A_832 = vector.broadcast %add3A_831 : i32 to vector<16xi32>
        %add3A_833 = arith.addi %add3A_832, %and3A_758 : vector<16xi32>
        %gather3A_834 = tpu.vector_load_idx %arg8[%add3A_818, %add3A_833] : memref<128x128xf32, #tpu.memory_space<vmem>>[vector<16xi32>, vector<16xi32>], vector<16xf32>,
        tpu.vector_store_idx %arg12[%add3A_833, %add3A_818], %gather3A_834 : memref<64x128xf32, #tpu.memory_space<vmem>>[vector<16xi32>, vector<16xi32>], vector<16xf32>,
        %add3A_835 = arith.constant 64 : i32
        %add3A_836 = vector.broadcast %add3A_835 : i32 to vector<16xi32>
        %add3A_837 = arith.addi %add3A_836, %iota3A : vector<16xi32>
        %add3A_838 = arith.constant 0 : i32
        %add3A_839 = vector.broadcast %add3A_838 : i32 to vector<16xi32>
        %add3A_840 = arith.addi %add3A_839, %and3A_758 : vector<16xi32>
        %gather3A_841 = tpu.vector_load_idx %arg8[%add3A_837, %add3A_840] : memref<128x128xf32, #tpu.memory_space<vmem>>[vector<16xi32>, vector<16xi32>], vector<16xf32>,
        tpu.vector_store_idx %arg12[%add3A_840, %add3A_837], %gather3A_841 : memref<64x128xf32, #tpu.memory_space<vmem>>[vector<16xi32>, vector<16xi32>], vector<16xf32>,
        %add3A_842 = arith.constant 16 : i32
        %add3A_843 = vector.broadcast %add3A_842 : i32 to vector<16xi32>
        %add3A_844 = arith.addi %add3A_843, %and3A_758 : vector<16xi32>
        %gather3A_845 = tpu.vector_load_idx %arg8[%add3A_837, %add3A_844] : memref<128x128xf32, #tpu.memory_space<vmem>>[vector<16xi32>, vector<16xi32>], vector<16xf32>,
        tpu.vector_store_idx %arg12[%add3A_844, %add3A_837], %gather3A_845 : memref<64x128xf32, #tpu.memory_space<vmem>>[vector<16xi32>, vector<16xi32>], vector<16xf32>,
        %add3A_846 = arith.constant 32 : i32
        %add3A_847 = vector.broadcast %add3A_846 : i32 to vector<16xi32>
        %add3A_848 = arith.addi %add3A_847, %and3A_758 : vector<16xi32>
        %gather3A_849 = tpu.vector_load_idx %arg8[%add3A_837, %add3A_848] : memref<128x128xf32, #tpu.memory_space<vmem>>[vector<16xi32>, vector<16xi32>], vector<16xf32>,
        tpu.vector_store_idx %arg12[%add3A_848, %add3A_837], %gather3A_849 : memref<64x128xf32, #tpu.memory_space<vmem>>[vector<16xi32>, vector<16xi32>], vector<16xf32>,
        %add3A_850 = arith.constant 48 : i32
        %add3A_851 = vector.broadcast %add3A_850 : i32 to vector<16xi32>
        %add3A_852 = arith.addi %add3A_851, %and3A_758 : vector<16xi32>
        %gather3A_853 = tpu.vector_load_idx %arg8[%add3A_837, %add3A_852] : memref<128x128xf32, #tpu.memory_space<vmem>>[vector<16xi32>, vector<16xi32>], vector<16xf32>,
        tpu.vector_store_idx %arg12[%add3A_852, %add3A_837], %gather3A_853 : memref<64x128xf32, #tpu.memory_space<vmem>>[vector<16xi32>, vector<16xi32>], vector<16xf32>,
        %add3A_854 = arith.constant 80 : i32
        %add3A_855 = vector.broadcast %add3A_854 : i32 to vector<16xi32>
        %add3A_856 = arith.addi %add3A_855, %iota3A : vector<16xi32>
        %add3A_857 = arith.constant 0 : i32
        %add3A_858 = vector.broadcast %add3A_857 : i32 to vector<16xi32>
        %add3A_859 = arith.addi %add3A_858, %and3A_758 : vector<16xi32>
        %gather3A_860 = tpu.vector_load_idx %arg8[%add3A_856, %add3A_859] : memref<128x128xf32, #tpu.memory_space<vmem>>[vector<16xi32>, vector<16xi32>], vector<16xf32>,
        tpu.vector_store_idx %arg12[%add3A_859, %add3A_856], %gather3A_860 : memref<64x128xf32, #tpu.memory_space<vmem>>[vector<16xi32>, vector<16xi32>], vector<16xf32>,
        %add3A_861 = arith.constant 16 : i32
        %add3A_862 = vector.broadcast %add3A_861 : i32 to vector<16xi32>
        %add3A_863 = arith.addi %add3A_862, %and3A_758 : vector<16xi32>
        %gather3A_864 = tpu.vector_load_idx %arg8[%add3A_856, %add3A_863] : memref<128x128xf32, #tpu.memory_space<vmem>>[vector<16xi32>, vector<16xi32>], vector<16xf32>,
        tpu.vector_store_idx %arg12[%add3A_863, %add3A_856], %gather3A_864 : memref<64x128xf32, #tpu.memory_space<vmem>>[vector<16xi32>, vector<16xi32>], vector<16xf32>,
        %add3A_865 = arith.constant 32 : i32
        %add3A_866 = vector.broadcast %add3A_865 : i32 to vector<16xi32>
        %add3A_867 = arith.addi %add3A_866, %and3A_758 : vector<16xi32>
        %gather3A_868 = tpu.vector_load_idx %arg8[%add3A_856, %add3A_867] : memref<128x128xf32, #tpu.memory_space<vmem>>[vector<16xi32>, vector<16xi32>], vector<16xf32>,
        tpu.vector_store_idx %arg12[%add3A_867, %add3A_856], %gather3A_868 : memref<64x128xf32, #tpu.memory_space<vmem>>[vector<16xi32>, vector<16xi32>], vector<16xf32>,
        %add3A_869 = arith.constant 48 : i32
        %add3A_870 = vector.broadcast %add3A_869 : i32 to vector<16xi32>
        %add3A_871 = arith.addi %add3A_870, %and3A_758 : vector<16xi32>
        %gather3A_872 = tpu.vector_load_idx %arg8[%add3A_856, %add3A_871] : memref<128x128xf32, #tpu.memory_space<vmem>>[vector<16xi32>, vector<16xi32>], vector<16xf32>,
        tpu.vector_store_idx %arg12[%add3A_871, %add3A_856], %gather3A_872 : memref<64x128xf32, #tpu.memory_space<vmem>>[vector<16xi32>, vector<16xi32>], vector<16xf32>,
        %add3A_873 = arith.constant 96 : i32
        %add3A_874 = vector.broadcast %add3A_873 : i32 to vector<16xi32>
        %add3A_875 = arith.addi %add3A_874, %iota3A : vector<16xi32>
        %add3A_876 = arith.constant 0 : i32
        %add3A_877 = vector.broadcast %add3A_876 : i32 to vector<16xi32>
        %add3A_878 = arith.addi %add3A_877, %and3A_758 : vector<16xi32>
        %gather3A_879 = tpu.vector_load_idx %arg8[%add3A_875, %add3A_878] : memref<128x128xf32, #tpu.memory_space<vmem>>[vector<16xi32>, vector<16xi32>], vector<16xf32>,
        tpu.vector_store_idx %arg12[%add3A_878, %add3A_875], %gather3A_879 : memref<64x128xf32, #tpu.memory_space<vmem>>[vector<16xi32>, vector<16xi32>], vector<16xf32>,
        %add3A_880 = arith.constant 16 : i32
        %add3A_881 = vector.broadcast %add3A_880 : i32 to vector<16xi32>
        %add3A_882 = arith.addi %add3A_881, %and3A_758 : vector<16xi32>
        %gather3A_883 = tpu.vector_load_idx %arg8[%add3A_875, %add3A_882] : memref<128x128xf32, #tpu.memory_space<vmem>>[vector<16xi32>, vector<16xi32>], vector<16xf32>,
        tpu.vector_store_idx %arg12[%add3A_882, %add3A_875], %gather3A_883 : memref<64x128xf32, #tpu.memory_space<vmem>>[vector<16xi32>, vector<16xi32>], vector<16xf32>,
        %add3A_884 = arith.constant 32 : i32
        %add3A_885 = vector.broadcast %add3A_884 : i32 to vector<16xi32>
        %add3A_886 = arith.addi %add3A_885, %and3A_758 : vector<16xi32>
        %gather3A_887 = tpu.vector_load_idx %arg8[%add3A_875, %add3A_886] : memref<128x128xf32, #tpu.memory_space<vmem>>[vector<16xi32>, vector<16xi32>], vector<16xf32>,
        tpu.vector_store_idx %arg12[%add3A_886, %add3A_875], %gather3A_887 : memref<64x128xf32, #tpu.memory_space<vmem>>[vector<16xi32>, vector<16xi32>], vector<16xf32>,
        %add3A_888 = arith.constant 48 : i32
        %add3A_889 = vector.broadcast %add3A_888 : i32 to vector<16xi32>
        %add3A_890 = arith.addi %add3A_889, %and3A_758 : vector<16xi32>
        %gather3A_891 = tpu.vector_load_idx %arg8[%add3A_875, %add3A_890] : memref<128x128xf32, #tpu.memory_space<vmem>>[vector<16xi32>, vector<16xi32>], vector<16xf32>,
        tpu.vector_store_idx %arg12[%add3A_890, %add3A_875], %gather3A_891 : memref<64x128xf32, #tpu.memory_space<vmem>>[vector<16xi32>, vector<16xi32>], vector<16xf32>,
        %add3A_892 = arith.constant 112 : i32
        %add3A_893 = vector.broadcast %add3A_892 : i32 to vector<16xi32>
        %add3A_894 = arith.addi %add3A_893, %iota3A : vector<16xi32>
        %add3A_895 = arith.constant 0 : i32
        %add3A_896 = vector.broadcast %add3A_895 : i32 to vector<16xi32>
        %add3A_897 = arith.addi %add3A_896, %and3A_758 : vector<16xi32>
        %gather3A_898 = tpu.vector_load_idx %arg8[%add3A_894, %add3A_897] : memref<128x128xf32, #tpu.memory_space<vmem>>[vector<16xi32>, vector<16xi32>], vector<16xf32>,
        tpu.vector_store_idx %arg12[%add3A_897, %add3A_894], %gather3A_898 : memref<64x128xf32, #tpu.memory_space<vmem>>[vector<16xi32>, vector<16xi32>], vector<16xf32>,
        %add3A_899 = arith.constant 16 : i32
        %add3A_900 = vector.broadcast %add3A_899 : i32 to vector<16xi32>
        %add3A_901 = arith.addi %add3A_900, %and3A_758 : vector<16xi32>
        %gather3A_902 = tpu.vector_load_idx %arg8[%add3A_894, %add3A_901] : memref<128x128xf32, #tpu.memory_space<vmem>>[vector<16xi32>, vector<16xi32>], vector<16xf32>,
        tpu.vector_store_idx %arg12[%add3A_901, %add3A_894], %gather3A_902 : memref<64x128xf32, #tpu.memory_space<vmem>>[vector<16xi32>, vector<16xi32>], vector<16xf32>,
        %add3A_903 = arith.constant 32 : i32
        %add3A_904 = vector.broadcast %add3A_903 : i32 to vector<16xi32>
        %add3A_905 = arith.addi %add3A_904, %and3A_758 : vector<16xi32>
        %gather3A_906 = tpu.vector_load_idx %arg8[%add3A_894, %add3A_905] : memref<128x128xf32, #tpu.memory_space<vmem>>[vector<16xi32>, vector<16xi32>], vector<16xf32>,
        tpu.vector_store_idx %arg12[%add3A_905, %add3A_894], %gather3A_906 : memref<64x128xf32, #tpu.memory_space<vmem>>[vector<16xi32>, vector<16xi32>], vector<16xf32>,
        %add3A_907 = arith.constant 48 : i32
        %add3A_908 = vector.broadcast %add3A_907 : i32 to vector<16xi32>
        %add3A_909 = arith.addi %add3A_908, %and3A_758 : vector<16xi32>
        %gather3A_910 = tpu.vector_load_idx %arg8[%add3A_894, %add3A_909] : memref<128x128xf32, #tpu.memory_space<vmem>>[vector<16xi32>, vector<16xi32>], vector<16xf32>,
        tpu.vector_store_idx %arg12[%add3A_909, %add3A_894], %gather3A_910 : memref<64x128xf32, #tpu.memory_space<vmem>>[vector<16xi32>, vector<16xi32>], vector<16xf32>,
      }
      %scan3A_672 = arith.constant 16 : i32
      %dma_start3A_673 = arith.constant 0 : i32
      %dma_start3A_674 = tpu.memref_slice %arg4[%add3A_655, %dma_start3A_673, %mul3A_2] : memref<200x64x4096xf32, #tpu.memory_space<hbm>> -> memref<1x64x128xf32, #tpu.memory_space<hbm>>
      %dma_start3A_675 = tpu.memref_squeeze %dma_start3A_674 : memref<1x64x128xf32, #tpu.memory_space<hbm>> -> memref<64x128xf32, #tpu.memory_space<hbm>>
      %dma_start3A_676 = arith.constant 0 : i32
      %dma_start3A_677 = tpu.memref_slice %arg4[%add3A_655, %dma_start3A_676, %mul3A_2] : memref<200x64x4096xf32, #tpu.memory_space<hbm>> -> memref<1x64x128xf32, #tpu.memory_space<hbm>>
      %dma_start3A_678 = tpu.memref_squeeze %dma_start3A_677 : memref<1x64x128xf32, #tpu.memory_space<hbm>> -> memref<64x128xf32, #tpu.memory_space<hbm>>
      tpu.enqueue_dma source(%arg12 : memref<64x128xf32, #tpu.memory_space<vmem>>) target(%dma_start3A_678 : memref<64x128xf32, #tpu.memory_space<hbm>>) target_semaphore(%arg18 : memref<!tpu.dma_semaphore, #tpu.memory_space<semaphore_mem>>)
      %add3A_679 = arith.constant 4 : i32
      %add3A_680 = arith.addi %add3A_655, %add3A_679 : i32
      %lt3A_681 = arith.constant 200 : i32
      %lt3A_682 = arith.cmpi slt, %add3A_680, %lt3A_681 : i32
      %convert_element_type3A_683 = arith.extui %lt3A_682 : i1 to i32
      %cond3A_684 = arith.constant 0 : i32
      %cond3A_685 = arith.cmpi ne, %convert_element_type3A_683, %cond3A_684 : i32
      scf.if %cond3A_685 {
        %add3A_754 = arith.constant 4 : i32
        %add3A_755 = arith.addi %add3A_655, %add3A_754 : i32
        %add3A_756 = arith.constant 0 : i32
        %add3A_757 = vector.broadcast %add3A_756 : i32 to vector<16xi32>
        %add3A_758 = arith.addi %add3A_757, %iota3A : vector<16xi32>
        %broadcast_in_dim3A_759 = arith.constant 0 : i32
        %broadcast_in_dim3A_760 = vector.broadcast %broadcast_in_dim3A_759 : i32 to vector<16xi32>
        %add3A_761 = vector.broadcast %add3A_755 : i32 to vector<16xi32>
        %add3A_762 = arith.addi %broadcast_in_dim3A_760, %add3A_761 : vector<16xi32>
        %gather3A_763 = tpu.vector_load_idx %arg5[%add3A_758, %add3A_762] : memref<128x200xi32, #tpu.memory_space<vmem>>[vector<16xi32>, vector<16xi32>], vector<16xi32>,
        %mul3A_764 = arith.constant 100 : i32
        %mul3A_765 = arith.muli %add3A_755, %mul3A_764 : i32
        %add3A_766 = vector.broadcast %mul3A_765 : i32 to vector<16xi32>
        %add3A_767 = arith.addi %add3A_766, %gather3A_763 : vector<16xi32>
        %swap3A_768 = arith.constant 1 : i32
        %swap3A_769 = arith.constant 0 : i32
        %swap3A_770 = tpu.memref_slice %arg6[%swap3A_768, %swap3A_769] : memref<4x128xi32, #tpu.memory_space<vmem>> -> memref<1x128xi32, #tpu.memory_space<vmem>>
        %swap3A_771 = tpu.memref_squeeze %swap3A_770 : memref<1x128xi32, #tpu.memory_space<vmem>> -> memref<128xi32, #tpu.memory_space<vmem>>
        %swap3A_772 = arith.constant 0 : index
        %swap3A_773 = tpu.vector_load %swap3A_771[%swap3A_772] {strides = array<i32>} : memref<128xi32, #tpu.memory_space<vmem>>, vector<16xi32>,
        tpu.vector_store %swap3A_771[%swap3A_772], %add3A_767 {strides = array<i32>} : memref<128xi32, #tpu.memory_space<vmem>>, vector<16xi32>,
        %add3A_774 = arith.constant 16 : i32
        %add3A_775 = vector.broadcast %add3A_774 : i32 to vector<16xi32>
        %add3A_776 = arith.addi %add3A_775, %iota3A : vector<16xi32>
        %broadcast_in_dim3A_777 = arith.constant 0 : i32
        %broadcast_in_dim3A_778 = vector.broadcast %broadcast_in_dim3A_777 : i32 to vector<16xi32>
        %add3A_779 = vector.broadcast %add3A_755 : i32 to vector<16xi32>
        %add3A_780 = arith.addi %broadcast_in_dim3A_778, %add3A_779 : vector<16xi32>
        %gather3A_781 = tpu.vector_load_idx %arg5[%add3A_776, %add3A_780] : memref<128x200xi32, #tpu.memory_space<vmem>>[vector<16xi32>, vector<16xi32>], vector<16xi32>,
        %mul3A_782 = arith.constant 100 : i32
        %mul3A_783 = arith.muli %add3A_755, %mul3A_782 : i32
        %add3A_784 = vector.broadcast %mul3A_783 : i32 to vector<16xi32>
        %add3A_785 = arith.addi %add3A_784, %gather3A_781 : vector<16xi32>
        %swap3A_786 = arith.constant 1 : i32
        %swap3A_787 = arith.constant 0 : i32
        %swap3A_788 = tpu.memref_slice %arg6[%swap3A_786, %swap3A_787] : memref<4x128xi32, #tpu.memory_space<vmem>> -> memref<1x128xi32, #tpu.memory_space<vmem>>
        %swap3A_789 = tpu.memref_squeeze %swap3A_788 : memref<1x128xi32, #tpu.memory_space<vmem>> -> memref<128xi32, #tpu.memory_space<vmem>>
        %swap3A_790 = arith.constant 16 : index
        %swap3A_791 = tpu.vector_load %swap3A_789[%swap3A_790] {strides = array<i32>} : memref<128xi32, #tpu.memory_space<vmem>>, vector<16xi32>,
        tpu.vector_store %swap3A_789[%swap3A_790], %add3A_785 {strides = array<i32>} : memref<128xi32, #tpu.memory_space<vmem>>, vector<16xi32>,
        %add3A_792 = arith.constant 32 : i32
        %add3A_793 = vector.broadcast %add3A_792 : i32 to vector<16xi32>
        %add3A_794 = arith.addi %add3A_793, %iota3A : vector<16xi32>
        %broadcast_in_dim3A_795 = arith.constant 0 : i32
        %broadcast_in_dim3A_796 = vector.broadcast %broadcast_in_dim3A_795 : i32 to vector<16xi32>
        %add3A_797 = vector.broadcast %add3A_755 : i32 to vector<16xi32>
        %add3A_798 = arith.addi %broadcast_in_dim3A_796, %add3A_797 : vector<16xi32>
        %gather3A_799 = tpu.vector_load_idx %arg5[%add3A_794, %add3A_798] : memref<128x200xi32, #tpu.memory_space<vmem>>[vector<16xi32>, vector<16xi32>], vector<16xi32>,
        %mul3A_800 = arith.constant 100 : i32
        %mul3A_801 = arith.muli %add3A_755, %mul3A_800 : i32
        %add3A_802 = vector.broadcast %mul3A_801 : i32 to vector<16xi32>
        %add3A_803 = arith.addi %add3A_802, %gather3A_799 : vector<16xi32>
        %swap3A_804 = arith.constant 1 : i32
        %swap3A_805 = arith.constant 0 : i32
        %swap3A_806 = tpu.memref_slice %arg6[%swap3A_804, %swap3A_805] : memref<4x128xi32, #tpu.memory_space<vmem>> -> memref<1x128xi32, #tpu.memory_space<vmem>>
        %swap3A_807 = tpu.memref_squeeze %swap3A_806 : memref<1x128xi32, #tpu.memory_space<vmem>> -> memref<128xi32, #tpu.memory_space<vmem>>
        %swap3A_808 = arith.constant 32 : index
        %swap3A_809 = tpu.vector_load %swap3A_807[%swap3A_808] {strides = array<i32>} : memref<128xi32, #tpu.memory_space<vmem>>, vector<16xi32>,
        tpu.vector_store %swap3A_807[%swap3A_808], %add3A_803 {strides = array<i32>} : memref<128xi32, #tpu.memory_space<vmem>>, vector<16xi32>,
        %add3A_810 = arith.constant 48 : i32
        %add3A_811 = vector.broadcast %add3A_810 : i32 to vector<16xi32>
        %add3A_812 = arith.addi %add3A_811, %iota3A : vector<16xi32>
        %broadcast_in_dim3A_813 = arith.constant 0 : i32
        %broadcast_in_dim3A_814 = vector.broadcast %broadcast_in_dim3A_813 : i32 to vector<16xi32>
        %add3A_815 = vector.broadcast %add3A_755 : i32 to vector<16xi32>
        %add3A_816 = arith.addi %broadcast_in_dim3A_814, %add3A_815 : vector<16xi32>
        %gather3A_817 = tpu.vector_load_idx %arg5[%add3A_812, %add3A_816] : memref<128x200xi32, #tpu.memory_space<vmem>>[vector<16xi32>, vector<16xi32>], vector<16xi32>,
        %mul3A_818 = arith.constant 100 : i32
        %mul3A_819 = arith.muli %add3A_755, %mul3A_818 : i32
        %add3A_820 = vector.broadcast %mul3A_819 : i32 to vector<16xi32>
        %add3A_821 = arith.addi %add3A_820, %gather3A_817 : vector<16xi32>
        %swap3A_822 = arith.constant 1 : i32
        %swap3A_823 = arith.constant 0 : i32
        %swap3A_824 = tpu.memref_slice %arg6[%swap3A_822, %swap3A_823] : memref<4x128xi32, #tpu.memory_space<vmem>> -> memref<1x128xi32, #tpu.memory_space<vmem>>
        %swap3A_825 = tpu.memref_squeeze %swap3A_824 : memref<1x128xi32, #tpu.memory_space<vmem>> -> memref<128xi32, #tpu.memory_space<vmem>>
        %swap3A_826 = arith.constant 48 : index
        %swap3A_827 = tpu.vector_load %swap3A_825[%swap3A_826] {strides = array<i32>} : memref<128xi32, #tpu.memory_space<vmem>>, vector<16xi32>,
        tpu.vector_store %swap3A_825[%swap3A_826], %add3A_821 {strides = array<i32>} : memref<128xi32, #tpu.memory_space<vmem>>, vector<16xi32>,
        %add3A_828 = arith.constant 64 : i32
        %add3A_829 = vector.broadcast %add3A_828 : i32 to vector<16xi32>
        %add3A_830 = arith.addi %add3A_829, %iota3A : vector<16xi32>
        %broadcast_in_dim3A_831 = arith.constant 0 : i32
        %broadcast_in_dim3A_832 = vector.broadcast %broadcast_in_dim3A_831 : i32 to vector<16xi32>
        %add3A_833 = vector.broadcast %add3A_755 : i32 to vector<16xi32>
        %add3A_834 = arith.addi %broadcast_in_dim3A_832, %add3A_833 : vector<16xi32>
        %gather3A_835 = tpu.vector_load_idx %arg5[%add3A_830, %add3A_834] : memref<128x200xi32, #tpu.memory_space<vmem>>[vector<16xi32>, vector<16xi32>], vector<16xi32>,
        %mul3A_836 = arith.constant 100 : i32
        %mul3A_837 = arith.muli %add3A_755, %mul3A_836 : i32
        %add3A_838 = vector.broadcast %mul3A_837 : i32 to vector<16xi32>
        %add3A_839 = arith.addi %add3A_838, %gather3A_835 : vector<16xi32>
        %swap3A_840 = arith.constant 1 : i32
        %swap3A_841 = arith.constant 0 : i32
        %swap3A_842 = tpu.memref_slice %arg6[%swap3A_840, %swap3A_841] : memref<4x128xi32, #tpu.memory_space<vmem>> -> memref<1x128xi32, #tpu.memory_space<vmem>>
        %swap3A_843 = tpu.memref_squeeze %swap3A_842 : memref<1x128xi32, #tpu.memory_space<vmem>> -> memref<128xi32, #tpu.memory_space<vmem>>
        %swap3A_844 = arith.constant 64 : index
        %swap3A_845 = tpu.vector_load %swap3A_843[%swap3A_844] {strides = array<i32>} : memref<128xi32, #tpu.memory_space<vmem>>, vector<16xi32>,
        tpu.vector_store %swap3A_843[%swap3A_844], %add3A_839 {strides = array<i32>} : memref<128xi32, #tpu.memory_space<vmem>>, vector<16xi32>,
        %add3A_846 = arith.constant 80 : i32
        %add3A_847 = vector.broadcast %add3A_846 : i32 to vector<16xi32>
        %add3A_848 = arith.addi %add3A_847, %iota3A : vector<16xi32>
        %broadcast_in_dim3A_849 = arith.constant 0 : i32
        %broadcast_in_dim3A_850 = vector.broadcast %broadcast_in_dim3A_849 : i32 to vector<16xi32>
        %add3A_851 = vector.broadcast %add3A_755 : i32 to vector<16xi32>
        %add3A_852 = arith.addi %broadcast_in_dim3A_850, %add3A_851 : vector<16xi32>
        %gather3A_853 = tpu.vector_load_idx %arg5[%add3A_848, %add3A_852] : memref<128x200xi32, #tpu.memory_space<vmem>>[vector<16xi32>, vector<16xi32>], vector<16xi32>,
        %mul3A_854 = arith.constant 100 : i32
        %mul3A_855 = arith.muli %add3A_755, %mul3A_854 : i32
        %add3A_856 = vector.broadcast %mul3A_855 : i32 to vector<16xi32>
        %add3A_857 = arith.addi %add3A_856, %gather3A_853 : vector<16xi32>
        %swap3A_858 = arith.constant 1 : i32
        %swap3A_859 = arith.constant 0 : i32
        %swap3A_860 = tpu.memref_slice %arg6[%swap3A_858, %swap3A_859] : memref<4x128xi32, #tpu.memory_space<vmem>> -> memref<1x128xi32, #tpu.memory_space<vmem>>
        %swap3A_861 = tpu.memref_squeeze %swap3A_860 : memref<1x128xi32, #tpu.memory_space<vmem>> -> memref<128xi32, #tpu.memory_space<vmem>>
        %swap3A_862 = arith.constant 80 : index
        %swap3A_863 = tpu.vector_load %swap3A_861[%swap3A_862] {strides = array<i32>} : memref<128xi32, #tpu.memory_space<vmem>>, vector<16xi32>,
        tpu.vector_store %swap3A_861[%swap3A_862], %add3A_857 {strides = array<i32>} : memref<128xi32, #tpu.memory_space<vmem>>, vector<16xi32>,
        %add3A_864 = arith.constant 96 : i32
        %add3A_865 = vector.broadcast %add3A_864 : i32 to vector<16xi32>
        %add3A_866 = arith.addi %add3A_865, %iota3A : vector<16xi32>
        %broadcast_in_dim3A_867 = arith.constant 0 : i32
        %broadcast_in_dim3A_868 = vector.broadcast %broadcast_in_dim3A_867 : i32 to vector<16xi32>
        %add3A_869 = vector.broadcast %add3A_755 : i32 to vector<16xi32>
        %add3A_870 = arith.addi %broadcast_in_dim3A_868, %add3A_869 : vector<16xi32>
        %gather3A_871 = tpu.vector_load_idx %arg5[%add3A_866, %add3A_870] : memref<128x200xi32, #tpu.memory_space<vmem>>[vector<16xi32>, vector<16xi32>], vector<16xi32>,
        %mul3A_872 = arith.constant 100 : i32
        %mul3A_873 = arith.muli %add3A_755, %mul3A_872 : i32
        %add3A_874 = vector.broadcast %mul3A_873 : i32 to vector<16xi32>
        %add3A_875 = arith.addi %add3A_874, %gather3A_871 : vector<16xi32>
        %swap3A_876 = arith.constant 1 : i32
        %swap3A_877 = arith.constant 0 : i32
        %swap3A_878 = tpu.memref_slice %arg6[%swap3A_876, %swap3A_877] : memref<4x128xi32, #tpu.memory_space<vmem>> -> memref<1x128xi32, #tpu.memory_space<vmem>>
        %swap3A_879 = tpu.memref_squeeze %swap3A_878 : memref<1x128xi32, #tpu.memory_space<vmem>> -> memref<128xi32, #tpu.memory_space<vmem>>
        %swap3A_880 = arith.constant 96 : index
        %swap3A_881 = tpu.vector_load %swap3A_879[%swap3A_880] {strides = array<i32>} : memref<128xi32, #tpu.memory_space<vmem>>, vector<16xi32>,
        tpu.vector_store %swap3A_879[%swap3A_880], %add3A_875 {strides = array<i32>} : memref<128xi32, #tpu.memory_space<vmem>>, vector<16xi32>,
        %add3A_882 = arith.constant 112 : i32
        %add3A_883 = vector.broadcast %add3A_882 : i32 to vector<16xi32>
        %add3A_884 = arith.addi %add3A_883, %iota3A : vector<16xi32>
        %broadcast_in_dim3A_885 = arith.constant 0 : i32
        %broadcast_in_dim3A_886 = vector.broadcast %broadcast_in_dim3A_885 : i32 to vector<16xi32>
        %add3A_887 = vector.broadcast %add3A_755 : i32 to vector<16xi32>
        %add3A_888 = arith.addi %broadcast_in_dim3A_886, %add3A_887 : vector<16xi32>
        %gather3A_889 = tpu.vector_load_idx %arg5[%add3A_884, %add3A_888] : memref<128x200xi32, #tpu.memory_space<vmem>>[vector<16xi32>, vector<16xi32>], vector<16xi32>,
        %mul3A_890 = arith.constant 100 : i32
        %mul3A_891 = arith.muli %add3A_755, %mul3A_890 : i32
        %add3A_892 = vector.broadcast %mul3A_891 : i32 to vector<16xi32>
        %add3A_893 = arith.addi %add3A_892, %gather3A_889 : vector<16xi32>
        %swap3A_894 = arith.constant 1 : i32
        %swap3A_895 = arith.constant 0 : i32
        %swap3A_896 = tpu.memref_slice %arg6[%swap3A_894, %swap3A_895] : memref<4x128xi32, #tpu.memory_space<vmem>> -> memref<1x128xi32, #tpu.memory_space<vmem>>
        %swap3A_897 = tpu.memref_squeeze %swap3A_896 : memref<1x128xi32, #tpu.memory_space<vmem>> -> memref<128xi32, #tpu.memory_space<vmem>>
        %swap3A_898 = arith.constant 112 : index
        %swap3A_899 = tpu.vector_load %swap3A_897[%swap3A_898] {strides = array<i32>} : memref<128xi32, #tpu.memory_space<vmem>>, vector<16xi32>,
        tpu.vector_store %swap3A_897[%swap3A_898], %add3A_893 {strides = array<i32>} : memref<128xi32, #tpu.memory_space<vmem>>, vector<16xi32>,
        %dma_start3A_900 = arith.constant 1 : i32
        %dma_start3A_901 = arith.constant 0 : i32
        %dma_start3A_902 = tpu.memref_slice %arg6[%dma_start3A_900, %dma_start3A_901] : memref<4x128xi32, #tpu.memory_space<vmem>> -> memref<1x128xi32, #tpu.memory_space<vmem>>
        %dma_start3A_903 = tpu.memref_squeeze %dma_start3A_902 : memref<1x128xi32, #tpu.memory_space<vmem>> -> memref<128xi32, #tpu.memory_space<vmem>>
        %dma_start3A_904 = arith.constant 0 : i32
        %dma_start3A_905 = arith.constant 0 : i32
        %dma_start3A_906 = tpu.memref_slice %arg3[%dma_start3A_904, %dma_start3A_905] : memref<20000x128xf32, #tpu.memory_space<hbm>> -> memref<20000x128xf32, #tpu.memory_space<hbm>>
        tpu.enqueue_indirect_dma source(%dma_start3A_906 : memref<20000x128xf32, #tpu.memory_space<hbm>>) target(%arg8 : memref<128x128xf32, #tpu.memory_space<vmem>>) offsets(%dma_start3A_903 : memref<128xi32, #tpu.memory_space<vmem>>) semaphore(%arg14 : memref<!tpu.dma_semaphore, #tpu.memory_space<semaphore_mem>>)
      } else {
      }
      %mul3A_686 = arith.constant 4 : i32
      %mul3A_687 = arith.muli %mul3A_686, %scan3A_621 : i32
      %add3A_688 = arith.constant 2 : i32
      %add3A_689 = arith.addi %mul3A_687, %add3A_688 : i32
      %dma_wait3A_690 = arith.constant 0 : i32
      %dma_wait3A_691 = arith.constant 0 : i32
      %dma_wait3A_692 = tpu.memref_slice %arg3[%dma_wait3A_690, %dma_wait3A_691] : memref<20000x128xf32, #tpu.memory_space<hbm>> -> memref<128x128xf32, #tpu.memory_space<hbm>>
      %dma_wait3A_693 = arith.constant 0 : i32
      %dma_wait3A_694 = arith.constant 0 : i32
      %dma_wait3A_695 = tpu.memref_slice %arg3[%dma_wait3A_693, %dma_wait3A_694] : memref<20000x128xf32, #tpu.memory_space<hbm>> -> memref<128x128xf32, #tpu.memory_space<hbm>>
      tpu.wait_dma2 semaphore(%arg15 : memref<!tpu.dma_semaphore, #tpu.memory_space<semaphore_mem>>) src(%dma_wait3A_695 : memref<128x128xf32, #tpu.memory_space<hbm>>) dst(%arg9 : memref<128x128xf32, #tpu.memory_space<vmem>>)
      %ge3A_696 = arith.constant 2 : i32
      %ge3A_697 = arith.cmpi sge, %add3A_689, %ge3A_696 : i32
      %convert_element_type3A_698 = arith.extui %ge3A_697 : i1 to i32
      %cond3A_699 = arith.constant 0 : i32
      %cond3A_700 = arith.cmpi ne, %convert_element_type3A_698, %cond3A_699 : i32
      scf.if %cond3A_700 {
        %dma_wait3A_754 = arith.constant 0 : i32
        %dma_wait3A_755 = arith.constant 0 : i32
        %dma_wait3A_756 = tpu.memref_slice %arg4[%dma_wait3A_754, %dma_wait3A_755, %mul3A_2] : memref<200x64x4096xf32, #tpu.memory_space<hbm>> -> memref<1x64x128xf32, #tpu.memory_space<hbm>>
        %dma_wait3A_757 = tpu.memref_squeeze %dma_wait3A_756 : memref<1x64x128xf32, #tpu.memory_space<hbm>> -> memref<64x128xf32, #tpu.memory_space<hbm>>
        %dma_wait3A_758 = arith.constant 0 : i32
        %dma_wait3A_759 = tpu.memref_slice %arg4[%dma_wait3A_754, %dma_wait3A_758, %mul3A_2] : memref<200x64x4096xf32, #tpu.memory_space<hbm>> -> memref<1x64x128xf32, #tpu.memory_space<hbm>>
        %dma_wait3A_760 = tpu.memref_squeeze %dma_wait3A_759 : memref<1x64x128xf32, #tpu.memory_space<hbm>> -> memref<64x128xf32, #tpu.memory_space<hbm>>
        tpu.wait_dma2 semaphore(%arg17 : memref<!tpu.dma_semaphore, #tpu.memory_space<semaphore_mem>>) src(%arg11 : memref<64x128xf32, #tpu.memory_space<vmem>>) dst(%dma_wait3A_760 : memref<64x128xf32, #tpu.memory_space<hbm>>)
      } else {
      }
      %scan3A_701 = arith.constant 0 : i32
      %scan3A_702 = arith.constant 0 : i32
      %scan3A_703 = arith.constant 16 : i32
      %scan3A_704 = arith.addi %scan3A_702, %scan3A_703 : i32
      %scan3A_705 = arith.constant 1 : i32
      scf.for %scan3A_754 = %scan3A_702 to %scan3A_704 step %scan3A_705  : i32 {
        %add3A_755 = vector.broadcast %scan3A_754 : i32 to vector<16xi32>
        %add3A_756 = arith.addi %iota3A, %add3A_755 : vector<16xi32>
        %and3A = arith.constant 15 : i32
        %and3A_757 = vector.broadcast %and3A : i32 to vector<16xi32>
        %and3A_758 = arith.andi %add3A_756, %and3A_757 : vector<16xi32>
        %add3A_759 = arith.constant 0 : i32
        %add3A_760 = vector.broadcast %add3A_759 : i32 to vector<16xi32>
        %add3A_761 = arith.addi %add3A_760, %iota3A : vector<16xi32>
        %add3A_762 = arith.constant 0 : i32
        %add3A_763 = vector.broadcast %add3A_762 : i32 to vector<16xi32>
        %add3A_764 = arith.addi %add3A_763, %and3A_758 : vector<16xi32>
        %gather3A_765 = tpu.vector_load_idx %arg9[%add3A_761, %add3A_764] : memref<128x128xf32, #tpu.memory_space<vmem>>[vector<16xi32>, vector<16xi32>], vector<16xf32>,
        tpu.vector_store_idx %arg11[%add3A_764, %add3A_761], %gather3A_765 : memref<64x128xf32, #tpu.memory_space<vmem>>[vector<16xi32>, vector<16xi32>], vector<16xf32>,
        %add3A_766 = arith.constant 16 : i32
        %add3A_767 = vector.broadcast %add3A_766 : i32 to vector<16xi32>
        %add3A_768 = arith.addi %add3A_767, %and3A_758 : vector<16xi32>
        %gather3A_769 = tpu.vector_load_idx %arg9[%add3A_761, %add3A_768] : memref<128x128xf32, #tpu.memory_space<vmem>>[vector<16xi32>, vector<16xi32>], vector<16xf32>,
        tpu.vector_store_idx %arg11[%add3A_768, %add3A_761], %gather3A_769 : memref<64x128xf32, #tpu.memory_space<vmem>>[vector<16xi32>, vector<16xi32>], vector<16xf32>,
        %add3A_770 = arith.constant 32 : i32
        %add3A_771 = vector.broadcast %add3A_770 : i32 to vector<16xi32>
        %add3A_772 = arith.addi %add3A_771, %and3A_758 : vector<16xi32>
        %gather3A_773 = tpu.vector_load_idx %arg9[%add3A_761, %add3A_772] : memref<128x128xf32, #tpu.memory_space<vmem>>[vector<16xi32>, vector<16xi32>], vector<16xf32>,
        tpu.vector_store_idx %arg11[%add3A_772, %add3A_761], %gather3A_773 : memref<64x128xf32, #tpu.memory_space<vmem>>[vector<16xi32>, vector<16xi32>], vector<16xf32>,
        %add3A_774 = arith.constant 48 : i32
        %add3A_775 = vector.broadcast %add3A_774 : i32 to vector<16xi32>
        %add3A_776 = arith.addi %add3A_775, %and3A_758 : vector<16xi32>
        %gather3A_777 = tpu.vector_load_idx %arg9[%add3A_761, %add3A_776] : memref<128x128xf32, #tpu.memory_space<vmem>>[vector<16xi32>, vector<16xi32>], vector<16xf32>,
        tpu.vector_store_idx %arg11[%add3A_776, %add3A_761], %gather3A_777 : memref<64x128xf32, #tpu.memory_space<vmem>>[vector<16xi32>, vector<16xi32>], vector<16xf32>,
        %add3A_778 = arith.constant 16 : i32
        %add3A_779 = vector.broadcast %add3A_778 : i32 to vector<16xi32>
        %add3A_780 = arith.addi %add3A_779, %iota3A : vector<16xi32>
        %add3A_781 = arith.constant 0 : i32
        %add3A_782 = vector.broadcast %add3A_781 : i32 to vector<16xi32>
        %add3A_783 = arith.addi %add3A_782, %and3A_758 : vector<16xi32>
        %gather3A_784 = tpu.vector_load_idx %arg9[%add3A_780, %add3A_783] : memref<128x128xf32, #tpu.memory_space<vmem>>[vector<16xi32>, vector<16xi32>], vector<16xf32>,
        tpu.vector_store_idx %arg11[%add3A_783, %add3A_780], %gather3A_784 : memref<64x128xf32, #tpu.memory_space<vmem>>[vector<16xi32>, vector<16xi32>], vector<16xf32>,
        %add3A_785 = arith.constant 16 : i32
        %add3A_786 = vector.broadcast %add3A_785 : i32 to vector<16xi32>
        %add3A_787 = arith.addi %add3A_786, %and3A_758 : vector<16xi32>
        %gather3A_788 = tpu.vector_load_idx %arg9[%add3A_780, %add3A_787] : memref<128x128xf32, #tpu.memory_space<vmem>>[vector<16xi32>, vector<16xi32>], vector<16xf32>,
        tpu.vector_store_idx %arg11[%add3A_787, %add3A_780], %gather3A_788 : memref<64x128xf32, #tpu.memory_space<vmem>>[vector<16xi32>, vector<16xi32>], vector<16xf32>,
        %add3A_789 = arith.constant 32 : i32
        %add3A_790 = vector.broadcast %add3A_789 : i32 to vector<16xi32>
        %add3A_791 = arith.addi %add3A_790, %and3A_758 : vector<16xi32>
        %gather3A_792 = tpu.vector_load_idx %arg9[%add3A_780, %add3A_791] : memref<128x128xf32, #tpu.memory_space<vmem>>[vector<16xi32>, vector<16xi32>], vector<16xf32>,
        tpu.vector_store_idx %arg11[%add3A_791, %add3A_780], %gather3A_792 : memref<64x128xf32, #tpu.memory_space<vmem>>[vector<16xi32>, vector<16xi32>], vector<16xf32>,
        %add3A_793 = arith.constant 48 : i32
        %add3A_794 = vector.broadcast %add3A_793 : i32 to vector<16xi32>
        %add3A_795 = arith.addi %add3A_794, %and3A_758 : vector<16xi32>
        %gather3A_796 = tpu.vector_load_idx %arg9[%add3A_780, %add3A_795] : memref<128x128xf32, #tpu.memory_space<vmem>>[vector<16xi32>, vector<16xi32>], vector<16xf32>,
        tpu.vector_store_idx %arg11[%add3A_795, %add3A_780], %gather3A_796 : memref<64x128xf32, #tpu.memory_space<vmem>>[vector<16xi32>, vector<16xi32>], vector<16xf32>,
        %add3A_797 = arith.constant 32 : i32
        %add3A_798 = vector.broadcast %add3A_797 : i32 to vector<16xi32>
        %add3A_799 = arith.addi %add3A_798, %iota3A : vector<16xi32>
        %add3A_800 = arith.constant 0 : i32
        %add3A_801 = vector.broadcast %add3A_800 : i32 to vector<16xi32>
        %add3A_802 = arith.addi %add3A_801, %and3A_758 : vector<16xi32>
        %gather3A_803 = tpu.vector_load_idx %arg9[%add3A_799, %add3A_802] : memref<128x128xf32, #tpu.memory_space<vmem>>[vector<16xi32>, vector<16xi32>], vector<16xf32>,
        tpu.vector_store_idx %arg11[%add3A_802, %add3A_799], %gather3A_803 : memref<64x128xf32, #tpu.memory_space<vmem>>[vector<16xi32>, vector<16xi32>], vector<16xf32>,
        %add3A_804 = arith.constant 16 : i32
        %add3A_805 = vector.broadcast %add3A_804 : i32 to vector<16xi32>
        %add3A_806 = arith.addi %add3A_805, %and3A_758 : vector<16xi32>
        %gather3A_807 = tpu.vector_load_idx %arg9[%add3A_799, %add3A_806] : memref<128x128xf32, #tpu.memory_space<vmem>>[vector<16xi32>, vector<16xi32>], vector<16xf32>,
        tpu.vector_store_idx %arg11[%add3A_806, %add3A_799], %gather3A_807 : memref<64x128xf32, #tpu.memory_space<vmem>>[vector<16xi32>, vector<16xi32>], vector<16xf32>,
        %add3A_808 = arith.constant 32 : i32
        %add3A_809 = vector.broadcast %add3A_808 : i32 to vector<16xi32>
        %add3A_810 = arith.addi %add3A_809, %and3A_758 : vector<16xi32>
        %gather3A_811 = tpu.vector_load_idx %arg9[%add3A_799, %add3A_810] : memref<128x128xf32, #tpu.memory_space<vmem>>[vector<16xi32>, vector<16xi32>], vector<16xf32>,
        tpu.vector_store_idx %arg11[%add3A_810, %add3A_799], %gather3A_811 : memref<64x128xf32, #tpu.memory_space<vmem>>[vector<16xi32>, vector<16xi32>], vector<16xf32>,
        %add3A_812 = arith.constant 48 : i32
        %add3A_813 = vector.broadcast %add3A_812 : i32 to vector<16xi32>
        %add3A_814 = arith.addi %add3A_813, %and3A_758 : vector<16xi32>
        %gather3A_815 = tpu.vector_load_idx %arg9[%add3A_799, %add3A_814] : memref<128x128xf32, #tpu.memory_space<vmem>>[vector<16xi32>, vector<16xi32>], vector<16xf32>,
        tpu.vector_store_idx %arg11[%add3A_814, %add3A_799], %gather3A_815 : memref<64x128xf32, #tpu.memory_space<vmem>>[vector<16xi32>, vector<16xi32>], vector<16xf32>,
        %add3A_816 = arith.constant 48 : i32
        %add3A_817 = vector.broadcast %add3A_816 : i32 to vector<16xi32>
        %add3A_818 = arith.addi %add3A_817, %iota3A : vector<16xi32>
        %add3A_819 = arith.constant 0 : i32
        %add3A_820 = vector.broadcast %add3A_819 : i32 to vector<16xi32>
        %add3A_821 = arith.addi %add3A_820, %and3A_758 : vector<16xi32>
        %gather3A_822 = tpu.vector_load_idx %arg9[%add3A_818, %add3A_821] : memref<128x128xf32, #tpu.memory_space<vmem>>[vector<16xi32>, vector<16xi32>], vector<16xf32>,
        tpu.vector_store_idx %arg11[%add3A_821, %add3A_818], %gather3A_822 : memref<64x128xf32, #tpu.memory_space<vmem>>[vector<16xi32>, vector<16xi32>], vector<16xf32>,
        %add3A_823 = arith.constant 16 : i32
        %add3A_824 = vector.broadcast %add3A_823 : i32 to vector<16xi32>
        %add3A_825 = arith.addi %add3A_824, %and3A_758 : vector<16xi32>
        %gather3A_826 = tpu.vector_load_idx %arg9[%add3A_818, %add3A_825] : memref<128x128xf32, #tpu.memory_space<vmem>>[vector<16xi32>, vector<16xi32>], vector<16xf32>,
        tpu.vector_store_idx %arg11[%add3A_825, %add3A_818], %gather3A_826 : memref<64x128xf32, #tpu.memory_space<vmem>>[vector<16xi32>, vector<16xi32>], vector<16xf32>,
        %add3A_827 = arith.constant 32 : i32
        %add3A_828 = vector.broadcast %add3A_827 : i32 to vector<16xi32>
        %add3A_829 = arith.addi %add3A_828, %and3A_758 : vector<16xi32>
        %gather3A_830 = tpu.vector_load_idx %arg9[%add3A_818, %add3A_829] : memref<128x128xf32, #tpu.memory_space<vmem>>[vector<16xi32>, vector<16xi32>], vector<16xf32>,
        tpu.vector_store_idx %arg11[%add3A_829, %add3A_818], %gather3A_830 : memref<64x128xf32, #tpu.memory_space<vmem>>[vector<16xi32>, vector<16xi32>], vector<16xf32>,
        %add3A_831 = arith.constant 48 : i32
        %add3A_832 = vector.broadcast %add3A_831 : i32 to vector<16xi32>
        %add3A_833 = arith.addi %add3A_832, %and3A_758 : vector<16xi32>
        %gather3A_834 = tpu.vector_load_idx %arg9[%add3A_818, %add3A_833] : memref<128x128xf32, #tpu.memory_space<vmem>>[vector<16xi32>, vector<16xi32>], vector<16xf32>,
        tpu.vector_store_idx %arg11[%add3A_833, %add3A_818], %gather3A_834 : memref<64x128xf32, #tpu.memory_space<vmem>>[vector<16xi32>, vector<16xi32>], vector<16xf32>,
        %add3A_835 = arith.constant 64 : i32
        %add3A_836 = vector.broadcast %add3A_835 : i32 to vector<16xi32>
        %add3A_837 = arith.addi %add3A_836, %iota3A : vector<16xi32>
        %add3A_838 = arith.constant 0 : i32
        %add3A_839 = vector.broadcast %add3A_838 : i32 to vector<16xi32>
        %add3A_840 = arith.addi %add3A_839, %and3A_758 : vector<16xi32>
        %gather3A_841 = tpu.vector_load_idx %arg9[%add3A_837, %add3A_840] : memref<128x128xf32, #tpu.memory_space<vmem>>[vector<16xi32>, vector<16xi32>], vector<16xf32>,
        tpu.vector_store_idx %arg11[%add3A_840, %add3A_837], %gather3A_841 : memref<64x128xf32, #tpu.memory_space<vmem>>[vector<16xi32>, vector<16xi32>], vector<16xf32>,
        %add3A_842 = arith.constant 16 : i32
        %add3A_843 = vector.broadcast %add3A_842 : i32 to vector<16xi32>
        %add3A_844 = arith.addi %add3A_843, %and3A_758 : vector<16xi32>
        %gather3A_845 = tpu.vector_load_idx %arg9[%add3A_837, %add3A_844] : memref<128x128xf32, #tpu.memory_space<vmem>>[vector<16xi32>, vector<16xi32>], vector<16xf32>,
        tpu.vector_store_idx %arg11[%add3A_844, %add3A_837], %gather3A_845 : memref<64x128xf32, #tpu.memory_space<vmem>>[vector<16xi32>, vector<16xi32>], vector<16xf32>,
        %add3A_846 = arith.constant 32 : i32
        %add3A_847 = vector.broadcast %add3A_846 : i32 to vector<16xi32>
        %add3A_848 = arith.addi %add3A_847, %and3A_758 : vector<16xi32>
        %gather3A_849 = tpu.vector_load_idx %arg9[%add3A_837, %add3A_848] : memref<128x128xf32, #tpu.memory_space<vmem>>[vector<16xi32>, vector<16xi32>], vector<16xf32>,
        tpu.vector_store_idx %arg11[%add3A_848, %add3A_837], %gather3A_849 : memref<64x128xf32, #tpu.memory_space<vmem>>[vector<16xi32>, vector<16xi32>], vector<16xf32>,
        %add3A_850 = arith.constant 48 : i32
        %add3A_851 = vector.broadcast %add3A_850 : i32 to vector<16xi32>
        %add3A_852 = arith.addi %add3A_851, %and3A_758 : vector<16xi32>
        %gather3A_853 = tpu.vector_load_idx %arg9[%add3A_837, %add3A_852] : memref<128x128xf32, #tpu.memory_space<vmem>>[vector<16xi32>, vector<16xi32>], vector<16xf32>,
        tpu.vector_store_idx %arg11[%add3A_852, %add3A_837], %gather3A_853 : memref<64x128xf32, #tpu.memory_space<vmem>>[vector<16xi32>, vector<16xi32>], vector<16xf32>,
        %add3A_854 = arith.constant 80 : i32
        %add3A_855 = vector.broadcast %add3A_854 : i32 to vector<16xi32>
        %add3A_856 = arith.addi %add3A_855, %iota3A : vector<16xi32>
        %add3A_857 = arith.constant 0 : i32
        %add3A_858 = vector.broadcast %add3A_857 : i32 to vector<16xi32>
        %add3A_859 = arith.addi %add3A_858, %and3A_758 : vector<16xi32>
        %gather3A_860 = tpu.vector_load_idx %arg9[%add3A_856, %add3A_859] : memref<128x128xf32, #tpu.memory_space<vmem>>[vector<16xi32>, vector<16xi32>], vector<16xf32>,
        tpu.vector_store_idx %arg11[%add3A_859, %add3A_856], %gather3A_860 : memref<64x128xf32, #tpu.memory_space<vmem>>[vector<16xi32>, vector<16xi32>], vector<16xf32>,
        %add3A_861 = arith.constant 16 : i32
        %add3A_862 = vector.broadcast %add3A_861 : i32 to vector<16xi32>
        %add3A_863 = arith.addi %add3A_862, %and3A_758 : vector<16xi32>
        %gather3A_864 = tpu.vector_load_idx %arg9[%add3A_856, %add3A_863] : memref<128x128xf32, #tpu.memory_space<vmem>>[vector<16xi32>, vector<16xi32>], vector<16xf32>,
        tpu.vector_store_idx %arg11[%add3A_863, %add3A_856], %gather3A_864 : memref<64x128xf32, #tpu.memory_space<vmem>>[vector<16xi32>, vector<16xi32>], vector<16xf32>,
        %add3A_865 = arith.constant 32 : i32
        %add3A_866 = vector.broadcast %add3A_865 : i32 to vector<16xi32>
        %add3A_867 = arith.addi %add3A_866, %and3A_758 : vector<16xi32>
        %gather3A_868 = tpu.vector_load_idx %arg9[%add3A_856, %add3A_867] : memref<128x128xf32, #tpu.memory_space<vmem>>[vector<16xi32>, vector<16xi32>], vector<16xf32>,
        tpu.vector_store_idx %arg11[%add3A_867, %add3A_856], %gather3A_868 : memref<64x128xf32, #tpu.memory_space<vmem>>[vector<16xi32>, vector<16xi32>], vector<16xf32>,
        %add3A_869 = arith.constant 48 : i32
        %add3A_870 = vector.broadcast %add3A_869 : i32 to vector<16xi32>
        %add3A_871 = arith.addi %add3A_870, %and3A_758 : vector<16xi32>
        %gather3A_872 = tpu.vector_load_idx %arg9[%add3A_856, %add3A_871] : memref<128x128xf32, #tpu.memory_space<vmem>>[vector<16xi32>, vector<16xi32>], vector<16xf32>,
        tpu.vector_store_idx %arg11[%add3A_871, %add3A_856], %gather3A_872 : memref<64x128xf32, #tpu.memory_space<vmem>>[vector<16xi32>, vector<16xi32>], vector<16xf32>,
        %add3A_873 = arith.constant 96 : i32
        %add3A_874 = vector.broadcast %add3A_873 : i32 to vector<16xi32>
        %add3A_875 = arith.addi %add3A_874, %iota3A : vector<16xi32>
        %add3A_876 = arith.constant 0 : i32
        %add3A_877 = vector.broadcast %add3A_876 : i32 to vector<16xi32>
        %add3A_878 = arith.addi %add3A_877, %and3A_758 : vector<16xi32>
        %gather3A_879 = tpu.vector_load_idx %arg9[%add3A_875, %add3A_878] : memref<128x128xf32, #tpu.memory_space<vmem>>[vector<16xi32>, vector<16xi32>], vector<16xf32>,
        tpu.vector_store_idx %arg11[%add3A_878, %add3A_875], %gather3A_879 : memref<64x128xf32, #tpu.memory_space<vmem>>[vector<16xi32>, vector<16xi32>], vector<16xf32>,
        %add3A_880 = arith.constant 16 : i32
        %add3A_881 = vector.broadcast %add3A_880 : i32 to vector<16xi32>
        %add3A_882 = arith.addi %add3A_881, %and3A_758 : vector<16xi32>
        %gather3A_883 = tpu.vector_load_idx %arg9[%add3A_875, %add3A_882] : memref<128x128xf32, #tpu.memory_space<vmem>>[vector<16xi32>, vector<16xi32>], vector<16xf32>,
        tpu.vector_store_idx %arg11[%add3A_882, %add3A_875], %gather3A_883 : memref<64x128xf32, #tpu.memory_space<vmem>>[vector<16xi32>, vector<16xi32>], vector<16xf32>,
        %add3A_884 = arith.constant 32 : i32
        %add3A_885 = vector.broadcast %add3A_884 : i32 to vector<16xi32>
        %add3A_886 = arith.addi %add3A_885, %and3A_758 : vector<16xi32>
        %gather3A_887 = tpu.vector_load_idx %arg9[%add3A_875, %add3A_886] : memref<128x128xf32, #tpu.memory_space<vmem>>[vector<16xi32>, vector<16xi32>], vector<16xf32>,
        tpu.vector_store_idx %arg11[%add3A_886, %add3A_875], %gather3A_887 : memref<64x128xf32, #tpu.memory_space<vmem>>[vector<16xi32>, vector<16xi32>], vector<16xf32>,
        %add3A_888 = arith.constant 48 : i32
        %add3A_889 = vector.broadcast %add3A_888 : i32 to vector<16xi32>
        %add3A_890 = arith.addi %add3A_889, %and3A_758 : vector<16xi32>
        %gather3A_891 = tpu.vector_load_idx %arg9[%add3A_875, %add3A_890] : memref<128x128xf32, #tpu.memory_space<vmem>>[vector<16xi32>, vector<16xi32>], vector<16xf32>,
        tpu.vector_store_idx %arg11[%add3A_890, %add3A_875], %gather3A_891 : memref<64x128xf32, #tpu.memory_space<vmem>>[vector<16xi32>, vector<16xi32>], vector<16xf32>,
        %add3A_892 = arith.constant 112 : i32
        %add3A_893 = vector.broadcast %add3A_892 : i32 to vector<16xi32>
        %add3A_894 = arith.addi %add3A_893, %iota3A : vector<16xi32>
        %add3A_895 = arith.constant 0 : i32
        %add3A_896 = vector.broadcast %add3A_895 : i32 to vector<16xi32>
        %add3A_897 = arith.addi %add3A_896, %and3A_758 : vector<16xi32>
        %gather3A_898 = tpu.vector_load_idx %arg9[%add3A_894, %add3A_897] : memref<128x128xf32, #tpu.memory_space<vmem>>[vector<16xi32>, vector<16xi32>], vector<16xf32>,
        tpu.vector_store_idx %arg11[%add3A_897, %add3A_894], %gather3A_898 : memref<64x128xf32, #tpu.memory_space<vmem>>[vector<16xi32>, vector<16xi32>], vector<16xf32>,
        %add3A_899 = arith.constant 16 : i32
        %add3A_900 = vector.broadcast %add3A_899 : i32 to vector<16xi32>
        %add3A_901 = arith.addi %add3A_900, %and3A_758 : vector<16xi32>
        %gather3A_902 = tpu.vector_load_idx %arg9[%add3A_894, %add3A_901] : memref<128x128xf32, #tpu.memory_space<vmem>>[vector<16xi32>, vector<16xi32>], vector<16xf32>,
        tpu.vector_store_idx %arg11[%add3A_901, %add3A_894], %gather3A_902 : memref<64x128xf32, #tpu.memory_space<vmem>>[vector<16xi32>, vector<16xi32>], vector<16xf32>,
        %add3A_903 = arith.constant 32 : i32
        %add3A_904 = vector.broadcast %add3A_903 : i32 to vector<16xi32>
        %add3A_905 = arith.addi %add3A_904, %and3A_758 : vector<16xi32>
        %gather3A_906 = tpu.vector_load_idx %arg9[%add3A_894, %add3A_905] : memref<128x128xf32, #tpu.memory_space<vmem>>[vector<16xi32>, vector<16xi32>], vector<16xf32>,
        tpu.vector_store_idx %arg11[%add3A_905, %add3A_894], %gather3A_906 : memref<64x128xf32, #tpu.memory_space<vmem>>[vector<16xi32>, vector<16xi32>], vector<16xf32>,
        %add3A_907 = arith.constant 48 : i32
        %add3A_908 = vector.broadcast %add3A_907 : i32 to vector<16xi32>
        %add3A_909 = arith.addi %add3A_908, %and3A_758 : vector<16xi32>
        %gather3A_910 = tpu.vector_load_idx %arg9[%add3A_894, %add3A_909] : memref<128x128xf32, #tpu.memory_space<vmem>>[vector<16xi32>, vector<16xi32>], vector<16xf32>,
        tpu.vector_store_idx %arg11[%add3A_909, %add3A_894], %gather3A_910 : memref<64x128xf32, #tpu.memory_space<vmem>>[vector<16xi32>, vector<16xi32>], vector<16xf32>,
      }
      %scan3A_706 = arith.constant 16 : i32
      %dma_start3A_707 = arith.constant 0 : i32
      %dma_start3A_708 = tpu.memref_slice %arg4[%add3A_689, %dma_start3A_707, %mul3A_2] : memref<200x64x4096xf32, #tpu.memory_space<hbm>> -> memref<1x64x128xf32, #tpu.memory_space<hbm>>
      %dma_start3A_709 = tpu.memref_squeeze %dma_start3A_708 : memref<1x64x128xf32, #tpu.memory_space<hbm>> -> memref<64x128xf32, #tpu.memory_space<hbm>>
      %dma_start3A_710 = arith.constant 0 : i32
      %dma_start3A_711 = tpu.memref_slice %arg4[%add3A_689, %dma_start3A_710, %mul3A_2] : memref<200x64x4096xf32, #tpu.memory_space<hbm>> -> memref<1x64x128xf32, #tpu.memory_space<hbm>>
      %dma_start3A_712 = tpu.memref_squeeze %dma_start3A_711 : memref<1x64x128xf32, #tpu.memory_space<hbm>> -> memref<64x128xf32, #tpu.memory_space<hbm>>
      tpu.enqueue_dma source(%arg11 : memref<64x128xf32, #tpu.memory_space<vmem>>) target(%dma_start3A_712 : memref<64x128xf32, #tpu.memory_space<hbm>>) target_semaphore(%arg17 : memref<!tpu.dma_semaphore, #tpu.memory_space<semaphore_mem>>)
      %add3A_713 = arith.constant 4 : i32
      %add3A_714 = arith.addi %add3A_689, %add3A_713 : i32
      %lt3A_715 = arith.constant 200 : i32
      %lt3A_716 = arith.cmpi slt, %add3A_714, %lt3A_715 : i32
      %convert_element_type3A_717 = arith.extui %lt3A_716 : i1 to i32
      %cond3A_718 = arith.constant 0 : i32
      %cond3A_719 = arith.cmpi ne, %convert_element_type3A_717, %cond3A_718 : i32
      scf.if %cond3A_719 {
        %add3A_754 = arith.constant 4 : i32
        %add3A_755 = arith.addi %add3A_689, %add3A_754 : i32
        %add3A_756 = arith.constant 0 : i32
        %add3A_757 = vector.broadcast %add3A_756 : i32 to vector<16xi32>
        %add3A_758 = arith.addi %add3A_757, %iota3A : vector<16xi32>
        %broadcast_in_dim3A_759 = arith.constant 0 : i32
        %broadcast_in_dim3A_760 = vector.broadcast %broadcast_in_dim3A_759 : i32 to vector<16xi32>
        %add3A_761 = vector.broadcast %add3A_755 : i32 to vector<16xi32>
        %add3A_762 = arith.addi %broadcast_in_dim3A_760, %add3A_761 : vector<16xi32>
        %gather3A_763 = tpu.vector_load_idx %arg5[%add3A_758, %add3A_762] : memref<128x200xi32, #tpu.memory_space<vmem>>[vector<16xi32>, vector<16xi32>], vector<16xi32>,
        %mul3A_764 = arith.constant 100 : i32
        %mul3A_765 = arith.muli %add3A_755, %mul3A_764 : i32
        %add3A_766 = vector.broadcast %mul3A_765 : i32 to vector<16xi32>
        %add3A_767 = arith.addi %add3A_766, %gather3A_763 : vector<16xi32>
        %swap3A_768 = arith.constant 2 : i32
        %swap3A_769 = arith.constant 0 : i32
        %swap3A_770 = tpu.memref_slice %arg6[%swap3A_768, %swap3A_769] : memref<4x128xi32, #tpu.memory_space<vmem>> -> memref<1x128xi32, #tpu.memory_space<vmem>>
        %swap3A_771 = tpu.memref_squeeze %swap3A_770 : memref<1x128xi32, #tpu.memory_space<vmem>> -> memref<128xi32, #tpu.memory_space<vmem>>
        %swap3A_772 = arith.constant 0 : index
        %swap3A_773 = tpu.vector_load %swap3A_771[%swap3A_772] {strides = array<i32>} : memref<128xi32, #tpu.memory_space<vmem>>, vector<16xi32>,
        tpu.vector_store %swap3A_771[%swap3A_772], %add3A_767 {strides = array<i32>} : memref<128xi32, #tpu.memory_space<vmem>>, vector<16xi32>,
        %add3A_774 = arith.constant 16 : i32
        %add3A_775 = vector.broadcast %add3A_774 : i32 to vector<16xi32>
        %add3A_776 = arith.addi %add3A_775, %iota3A : vector<16xi32>
        %broadcast_in_dim3A_777 = arith.constant 0 : i32
        %broadcast_in_dim3A_778 = vector.broadcast %broadcast_in_dim3A_777 : i32 to vector<16xi32>
        %add3A_779 = vector.broadcast %add3A_755 : i32 to vector<16xi32>
        %add3A_780 = arith.addi %broadcast_in_dim3A_778, %add3A_779 : vector<16xi32>
        %gather3A_781 = tpu.vector_load_idx %arg5[%add3A_776, %add3A_780] : memref<128x200xi32, #tpu.memory_space<vmem>>[vector<16xi32>, vector<16xi32>], vector<16xi32>,
        %mul3A_782 = arith.constant 100 : i32
        %mul3A_783 = arith.muli %add3A_755, %mul3A_782 : i32
        %add3A_784 = vector.broadcast %mul3A_783 : i32 to vector<16xi32>
        %add3A_785 = arith.addi %add3A_784, %gather3A_781 : vector<16xi32>
        %swap3A_786 = arith.constant 2 : i32
        %swap3A_787 = arith.constant 0 : i32
        %swap3A_788 = tpu.memref_slice %arg6[%swap3A_786, %swap3A_787] : memref<4x128xi32, #tpu.memory_space<vmem>> -> memref<1x128xi32, #tpu.memory_space<vmem>>
        %swap3A_789 = tpu.memref_squeeze %swap3A_788 : memref<1x128xi32, #tpu.memory_space<vmem>> -> memref<128xi32, #tpu.memory_space<vmem>>
        %swap3A_790 = arith.constant 16 : index
        %swap3A_791 = tpu.vector_load %swap3A_789[%swap3A_790] {strides = array<i32>} : memref<128xi32, #tpu.memory_space<vmem>>, vector<16xi32>,
        tpu.vector_store %swap3A_789[%swap3A_790], %add3A_785 {strides = array<i32>} : memref<128xi32, #tpu.memory_space<vmem>>, vector<16xi32>,
        %add3A_792 = arith.constant 32 : i32
        %add3A_793 = vector.broadcast %add3A_792 : i32 to vector<16xi32>
        %add3A_794 = arith.addi %add3A_793, %iota3A : vector<16xi32>
        %broadcast_in_dim3A_795 = arith.constant 0 : i32
        %broadcast_in_dim3A_796 = vector.broadcast %broadcast_in_dim3A_795 : i32 to vector<16xi32>
        %add3A_797 = vector.broadcast %add3A_755 : i32 to vector<16xi32>
        %add3A_798 = arith.addi %broadcast_in_dim3A_796, %add3A_797 : vector<16xi32>
        %gather3A_799 = tpu.vector_load_idx %arg5[%add3A_794, %add3A_798] : memref<128x200xi32, #tpu.memory_space<vmem>>[vector<16xi32>, vector<16xi32>], vector<16xi32>,
        %mul3A_800 = arith.constant 100 : i32
        %mul3A_801 = arith.muli %add3A_755, %mul3A_800 : i32
        %add3A_802 = vector.broadcast %mul3A_801 : i32 to vector<16xi32>
        %add3A_803 = arith.addi %add3A_802, %gather3A_799 : vector<16xi32>
        %swap3A_804 = arith.constant 2 : i32
        %swap3A_805 = arith.constant 0 : i32
        %swap3A_806 = tpu.memref_slice %arg6[%swap3A_804, %swap3A_805] : memref<4x128xi32, #tpu.memory_space<vmem>> -> memref<1x128xi32, #tpu.memory_space<vmem>>
        %swap3A_807 = tpu.memref_squeeze %swap3A_806 : memref<1x128xi32, #tpu.memory_space<vmem>> -> memref<128xi32, #tpu.memory_space<vmem>>
        %swap3A_808 = arith.constant 32 : index
        %swap3A_809 = tpu.vector_load %swap3A_807[%swap3A_808] {strides = array<i32>} : memref<128xi32, #tpu.memory_space<vmem>>, vector<16xi32>,
        tpu.vector_store %swap3A_807[%swap3A_808], %add3A_803 {strides = array<i32>} : memref<128xi32, #tpu.memory_space<vmem>>, vector<16xi32>,
        %add3A_810 = arith.constant 48 : i32
        %add3A_811 = vector.broadcast %add3A_810 : i32 to vector<16xi32>
        %add3A_812 = arith.addi %add3A_811, %iota3A : vector<16xi32>
        %broadcast_in_dim3A_813 = arith.constant 0 : i32
        %broadcast_in_dim3A_814 = vector.broadcast %broadcast_in_dim3A_813 : i32 to vector<16xi32>
        %add3A_815 = vector.broadcast %add3A_755 : i32 to vector<16xi32>
        %add3A_816 = arith.addi %broadcast_in_dim3A_814, %add3A_815 : vector<16xi32>
        %gather3A_817 = tpu.vector_load_idx %arg5[%add3A_812, %add3A_816] : memref<128x200xi32, #tpu.memory_space<vmem>>[vector<16xi32>, vector<16xi32>], vector<16xi32>,
        %mul3A_818 = arith.constant 100 : i32
        %mul3A_819 = arith.muli %add3A_755, %mul3A_818 : i32
        %add3A_820 = vector.broadcast %mul3A_819 : i32 to vector<16xi32>
        %add3A_821 = arith.addi %add3A_820, %gather3A_817 : vector<16xi32>
        %swap3A_822 = arith.constant 2 : i32
        %swap3A_823 = arith.constant 0 : i32
        %swap3A_824 = tpu.memref_slice %arg6[%swap3A_822, %swap3A_823] : memref<4x128xi32, #tpu.memory_space<vmem>> -> memref<1x128xi32, #tpu.memory_space<vmem>>
        %swap3A_825 = tpu.memref_squeeze %swap3A_824 : memref<1x128xi32, #tpu.memory_space<vmem>> -> memref<128xi32, #tpu.memory_space<vmem>>
        %swap3A_826 = arith.constant 48 : index
        %swap3A_827 = tpu.vector_load %swap3A_825[%swap3A_826] {strides = array<i32>} : memref<128xi32, #tpu.memory_space<vmem>>, vector<16xi32>,
        tpu.vector_store %swap3A_825[%swap3A_826], %add3A_821 {strides = array<i32>} : memref<128xi32, #tpu.memory_space<vmem>>, vector<16xi32>,
        %add3A_828 = arith.constant 64 : i32
        %add3A_829 = vector.broadcast %add3A_828 : i32 to vector<16xi32>
        %add3A_830 = arith.addi %add3A_829, %iota3A : vector<16xi32>
        %broadcast_in_dim3A_831 = arith.constant 0 : i32
        %broadcast_in_dim3A_832 = vector.broadcast %broadcast_in_dim3A_831 : i32 to vector<16xi32>
        %add3A_833 = vector.broadcast %add3A_755 : i32 to vector<16xi32>
        %add3A_834 = arith.addi %broadcast_in_dim3A_832, %add3A_833 : vector<16xi32>
        %gather3A_835 = tpu.vector_load_idx %arg5[%add3A_830, %add3A_834] : memref<128x200xi32, #tpu.memory_space<vmem>>[vector<16xi32>, vector<16xi32>], vector<16xi32>,
        %mul3A_836 = arith.constant 100 : i32
        %mul3A_837 = arith.muli %add3A_755, %mul3A_836 : i32
        %add3A_838 = vector.broadcast %mul3A_837 : i32 to vector<16xi32>
        %add3A_839 = arith.addi %add3A_838, %gather3A_835 : vector<16xi32>
        %swap3A_840 = arith.constant 2 : i32
        %swap3A_841 = arith.constant 0 : i32
        %swap3A_842 = tpu.memref_slice %arg6[%swap3A_840, %swap3A_841] : memref<4x128xi32, #tpu.memory_space<vmem>> -> memref<1x128xi32, #tpu.memory_space<vmem>>
        %swap3A_843 = tpu.memref_squeeze %swap3A_842 : memref<1x128xi32, #tpu.memory_space<vmem>> -> memref<128xi32, #tpu.memory_space<vmem>>
        %swap3A_844 = arith.constant 64 : index
        %swap3A_845 = tpu.vector_load %swap3A_843[%swap3A_844] {strides = array<i32>} : memref<128xi32, #tpu.memory_space<vmem>>, vector<16xi32>,
        tpu.vector_store %swap3A_843[%swap3A_844], %add3A_839 {strides = array<i32>} : memref<128xi32, #tpu.memory_space<vmem>>, vector<16xi32>,
        %add3A_846 = arith.constant 80 : i32
        %add3A_847 = vector.broadcast %add3A_846 : i32 to vector<16xi32>
        %add3A_848 = arith.addi %add3A_847, %iota3A : vector<16xi32>
        %broadcast_in_dim3A_849 = arith.constant 0 : i32
        %broadcast_in_dim3A_850 = vector.broadcast %broadcast_in_dim3A_849 : i32 to vector<16xi32>
        %add3A_851 = vector.broadcast %add3A_755 : i32 to vector<16xi32>
        %add3A_852 = arith.addi %broadcast_in_dim3A_850, %add3A_851 : vector<16xi32>
        %gather3A_853 = tpu.vector_load_idx %arg5[%add3A_848, %add3A_852] : memref<128x200xi32, #tpu.memory_space<vmem>>[vector<16xi32>, vector<16xi32>], vector<16xi32>,
        %mul3A_854 = arith.constant 100 : i32
        %mul3A_855 = arith.muli %add3A_755, %mul3A_854 : i32
        %add3A_856 = vector.broadcast %mul3A_855 : i32 to vector<16xi32>
        %add3A_857 = arith.addi %add3A_856, %gather3A_853 : vector<16xi32>
        %swap3A_858 = arith.constant 2 : i32
        %swap3A_859 = arith.constant 0 : i32
        %swap3A_860 = tpu.memref_slice %arg6[%swap3A_858, %swap3A_859] : memref<4x128xi32, #tpu.memory_space<vmem>> -> memref<1x128xi32, #tpu.memory_space<vmem>>
        %swap3A_861 = tpu.memref_squeeze %swap3A_860 : memref<1x128xi32, #tpu.memory_space<vmem>> -> memref<128xi32, #tpu.memory_space<vmem>>
        %swap3A_862 = arith.constant 80 : index
        %swap3A_863 = tpu.vector_load %swap3A_861[%swap3A_862] {strides = array<i32>} : memref<128xi32, #tpu.memory_space<vmem>>, vector<16xi32>,
        tpu.vector_store %swap3A_861[%swap3A_862], %add3A_857 {strides = array<i32>} : memref<128xi32, #tpu.memory_space<vmem>>, vector<16xi32>,
        %add3A_864 = arith.constant 96 : i32
        %add3A_865 = vector.broadcast %add3A_864 : i32 to vector<16xi32>
        %add3A_866 = arith.addi %add3A_865, %iota3A : vector<16xi32>
        %broadcast_in_dim3A_867 = arith.constant 0 : i32
        %broadcast_in_dim3A_868 = vector.broadcast %broadcast_in_dim3A_867 : i32 to vector<16xi32>
        %add3A_869 = vector.broadcast %add3A_755 : i32 to vector<16xi32>
        %add3A_870 = arith.addi %broadcast_in_dim3A_868, %add3A_869 : vector<16xi32>
        %gather3A_871 = tpu.vector_load_idx %arg5[%add3A_866, %add3A_870] : memref<128x200xi32, #tpu.memory_space<vmem>>[vector<16xi32>, vector<16xi32>], vector<16xi32>,
        %mul3A_872 = arith.constant 100 : i32
        %mul3A_873 = arith.muli %add3A_755, %mul3A_872 : i32
        %add3A_874 = vector.broadcast %mul3A_873 : i32 to vector<16xi32>
        %add3A_875 = arith.addi %add3A_874, %gather3A_871 : vector<16xi32>
        %swap3A_876 = arith.constant 2 : i32
        %swap3A_877 = arith.constant 0 : i32
        %swap3A_878 = tpu.memref_slice %arg6[%swap3A_876, %swap3A_877] : memref<4x128xi32, #tpu.memory_space<vmem>> -> memref<1x128xi32, #tpu.memory_space<vmem>>
        %swap3A_879 = tpu.memref_squeeze %swap3A_878 : memref<1x128xi32, #tpu.memory_space<vmem>> -> memref<128xi32, #tpu.memory_space<vmem>>
        %swap3A_880 = arith.constant 96 : index
        %swap3A_881 = tpu.vector_load %swap3A_879[%swap3A_880] {strides = array<i32>} : memref<128xi32, #tpu.memory_space<vmem>>, vector<16xi32>,
        tpu.vector_store %swap3A_879[%swap3A_880], %add3A_875 {strides = array<i32>} : memref<128xi32, #tpu.memory_space<vmem>>, vector<16xi32>,
        %add3A_882 = arith.constant 112 : i32
        %add3A_883 = vector.broadcast %add3A_882 : i32 to vector<16xi32>
        %add3A_884 = arith.addi %add3A_883, %iota3A : vector<16xi32>
        %broadcast_in_dim3A_885 = arith.constant 0 : i32
        %broadcast_in_dim3A_886 = vector.broadcast %broadcast_in_dim3A_885 : i32 to vector<16xi32>
        %add3A_887 = vector.broadcast %add3A_755 : i32 to vector<16xi32>
        %add3A_888 = arith.addi %broadcast_in_dim3A_886, %add3A_887 : vector<16xi32>
        %gather3A_889 = tpu.vector_load_idx %arg5[%add3A_884, %add3A_888] : memref<128x200xi32, #tpu.memory_space<vmem>>[vector<16xi32>, vector<16xi32>], vector<16xi32>,
        %mul3A_890 = arith.constant 100 : i32
        %mul3A_891 = arith.muli %add3A_755, %mul3A_890 : i32
        %add3A_892 = vector.broadcast %mul3A_891 : i32 to vector<16xi32>
        %add3A_893 = arith.addi %add3A_892, %gather3A_889 : vector<16xi32>
        %swap3A_894 = arith.constant 2 : i32
        %swap3A_895 = arith.constant 0 : i32
        %swap3A_896 = tpu.memref_slice %arg6[%swap3A_894, %swap3A_895] : memref<4x128xi32, #tpu.memory_space<vmem>> -> memref<1x128xi32, #tpu.memory_space<vmem>>
        %swap3A_897 = tpu.memref_squeeze %swap3A_896 : memref<1x128xi32, #tpu.memory_space<vmem>> -> memref<128xi32, #tpu.memory_space<vmem>>
        %swap3A_898 = arith.constant 112 : index
        %swap3A_899 = tpu.vector_load %swap3A_897[%swap3A_898] {strides = array<i32>} : memref<128xi32, #tpu.memory_space<vmem>>, vector<16xi32>,
        tpu.vector_store %swap3A_897[%swap3A_898], %add3A_893 {strides = array<i32>} : memref<128xi32, #tpu.memory_space<vmem>>, vector<16xi32>,
        %dma_start3A_900 = arith.constant 2 : i32
        %dma_start3A_901 = arith.constant 0 : i32
        %dma_start3A_902 = tpu.memref_slice %arg6[%dma_start3A_900, %dma_start3A_901] : memref<4x128xi32, #tpu.memory_space<vmem>> -> memref<1x128xi32, #tpu.memory_space<vmem>>
        %dma_start3A_903 = tpu.memref_squeeze %dma_start3A_902 : memref<1x128xi32, #tpu.memory_space<vmem>> -> memref<128xi32, #tpu.memory_space<vmem>>
        %dma_start3A_904 = arith.constant 0 : i32
        %dma_start3A_905 = arith.constant 0 : i32
        %dma_start3A_906 = tpu.memref_slice %arg3[%dma_start3A_904, %dma_start3A_905] : memref<20000x128xf32, #tpu.memory_space<hbm>> -> memref<20000x128xf32, #tpu.memory_space<hbm>>
        tpu.enqueue_indirect_dma source(%dma_start3A_906 : memref<20000x128xf32, #tpu.memory_space<hbm>>) target(%arg9 : memref<128x128xf32, #tpu.memory_space<vmem>>) offsets(%dma_start3A_903 : memref<128xi32, #tpu.memory_space<vmem>>) semaphore(%arg15 : memref<!tpu.dma_semaphore, #tpu.memory_space<semaphore_mem>>)
      } else {
      }
      %mul3A_720 = arith.constant 4 : i32
      %mul3A_721 = arith.muli %mul3A_720, %scan3A_621 : i32
      %add3A_722 = arith.constant 3 : i32
      %add3A_723 = arith.addi %mul3A_721, %add3A_722 : i32
      %dma_wait3A_724 = arith.constant 0 : i32
      %dma_wait3A_725 = arith.constant 0 : i32
      %dma_wait3A_726 = tpu.memref_slice %arg3[%dma_wait3A_724, %dma_wait3A_725] : memref<20000x128xf32, #tpu.memory_space<hbm>> -> memref<128x128xf32, #tpu.memory_space<hbm>>
      %dma_wait3A_727 = arith.constant 0 : i32
      %dma_wait3A_728 = arith.constant 0 : i32
      %dma_wait3A_729 = tpu.memref_slice %arg3[%dma_wait3A_727, %dma_wait3A_728] : memref<20000x128xf32, #tpu.memory_space<hbm>> -> memref<128x128xf32, #tpu.memory_space<hbm>>
      tpu.wait_dma2 semaphore(%arg16 : memref<!tpu.dma_semaphore, #tpu.memory_space<semaphore_mem>>) src(%dma_wait3A_729 : memref<128x128xf32, #tpu.memory_space<hbm>>) dst(%arg10 : memref<128x128xf32, #tpu.memory_space<vmem>>)
      %ge3A_730 = arith.constant 2 : i32
      %ge3A_731 = arith.cmpi sge, %add3A_723, %ge3A_730 : i32
      %convert_element_type3A_732 = arith.extui %ge3A_731 : i1 to i32
      %cond3A_733 = arith.constant 0 : i32
      %cond3A_734 = arith.cmpi ne, %convert_element_type3A_732, %cond3A_733 : i32
      scf.if %cond3A_734 {
        %dma_wait3A_754 = arith.constant 0 : i32
        %dma_wait3A_755 = arith.constant 0 : i32
        %dma_wait3A_756 = tpu.memref_slice %arg4[%dma_wait3A_754, %dma_wait3A_755, %mul3A_2] : memref<200x64x4096xf32, #tpu.memory_space<hbm>> -> memref<1x64x128xf32, #tpu.memory_space<hbm>>
        %dma_wait3A_757 = tpu.memref_squeeze %dma_wait3A_756 : memref<1x64x128xf32, #tpu.memory_space<hbm>> -> memref<64x128xf32, #tpu.memory_space<hbm>>
        %dma_wait3A_758 = arith.constant 0 : i32
        %dma_wait3A_759 = tpu.memref_slice %arg4[%dma_wait3A_754, %dma_wait3A_758, %mul3A_2] : memref<200x64x4096xf32, #tpu.memory_space<hbm>> -> memref<1x64x128xf32, #tpu.memory_space<hbm>>
        %dma_wait3A_760 = tpu.memref_squeeze %dma_wait3A_759 : memref<1x64x128xf32, #tpu.memory_space<hbm>> -> memref<64x128xf32, #tpu.memory_space<hbm>>
        tpu.wait_dma2 semaphore(%arg18 : memref<!tpu.dma_semaphore, #tpu.memory_space<semaphore_mem>>) src(%arg12 : memref<64x128xf32, #tpu.memory_space<vmem>>) dst(%dma_wait3A_760 : memref<64x128xf32, #tpu.memory_space<hbm>>)
      } else {
      }
      %scan3A_735 = arith.constant 0 : i32
      %scan3A_736 = arith.constant 0 : i32
      %scan3A_737 = arith.constant 16 : i32
      %scan3A_738 = arith.addi %scan3A_736, %scan3A_737 : i32
      %scan3A_739 = arith.constant 1 : i32
      scf.for %scan3A_754 = %scan3A_736 to %scan3A_738 step %scan3A_739  : i32 {
        %add3A_755 = vector.broadcast %scan3A_754 : i32 to vector<16xi32>
        %add3A_756 = arith.addi %iota3A, %add3A_755 : vector<16xi32>
        %and3A = arith.constant 15 : i32
        %and3A_757 = vector.broadcast %and3A : i32 to vector<16xi32>
        %and3A_758 = arith.andi %add3A_756, %and3A_757 : vector<16xi32>
        %add3A_759 = arith.constant 0 : i32
        %add3A_760 = vector.broadcast %add3A_759 : i32 to vector<16xi32>
        %add3A_761 = arith.addi %add3A_760, %iota3A : vector<16xi32>
        %add3A_762 = arith.constant 0 : i32
        %add3A_763 = vector.broadcast %add3A_762 : i32 to vector<16xi32>
        %add3A_764 = arith.addi %add3A_763, %and3A_758 : vector<16xi32>
        %gather3A_765 = tpu.vector_load_idx %arg10[%add3A_761, %add3A_764] : memref<128x128xf32, #tpu.memory_space<vmem>>[vector<16xi32>, vector<16xi32>], vector<16xf32>,
        tpu.vector_store_idx %arg12[%add3A_764, %add3A_761], %gather3A_765 : memref<64x128xf32, #tpu.memory_space<vmem>>[vector<16xi32>, vector<16xi32>], vector<16xf32>,
        %add3A_766 = arith.constant 16 : i32
        %add3A_767 = vector.broadcast %add3A_766 : i32 to vector<16xi32>
        %add3A_768 = arith.addi %add3A_767, %and3A_758 : vector<16xi32>
        %gather3A_769 = tpu.vector_load_idx %arg10[%add3A_761, %add3A_768] : memref<128x128xf32, #tpu.memory_space<vmem>>[vector<16xi32>, vector<16xi32>], vector<16xf32>,
        tpu.vector_store_idx %arg12[%add3A_768, %add3A_761], %gather3A_769 : memref<64x128xf32, #tpu.memory_space<vmem>>[vector<16xi32>, vector<16xi32>], vector<16xf32>,
        %add3A_770 = arith.constant 32 : i32
        %add3A_771 = vector.broadcast %add3A_770 : i32 to vector<16xi32>
        %add3A_772 = arith.addi %add3A_771, %and3A_758 : vector<16xi32>
        %gather3A_773 = tpu.vector_load_idx %arg10[%add3A_761, %add3A_772] : memref<128x128xf32, #tpu.memory_space<vmem>>[vector<16xi32>, vector<16xi32>], vector<16xf32>,
        tpu.vector_store_idx %arg12[%add3A_772, %add3A_761], %gather3A_773 : memref<64x128xf32, #tpu.memory_space<vmem>>[vector<16xi32>, vector<16xi32>], vector<16xf32>,
        %add3A_774 = arith.constant 48 : i32
        %add3A_775 = vector.broadcast %add3A_774 : i32 to vector<16xi32>
        %add3A_776 = arith.addi %add3A_775, %and3A_758 : vector<16xi32>
        %gather3A_777 = tpu.vector_load_idx %arg10[%add3A_761, %add3A_776] : memref<128x128xf32, #tpu.memory_space<vmem>>[vector<16xi32>, vector<16xi32>], vector<16xf32>,
        tpu.vector_store_idx %arg12[%add3A_776, %add3A_761], %gather3A_777 : memref<64x128xf32, #tpu.memory_space<vmem>>[vector<16xi32>, vector<16xi32>], vector<16xf32>,
        %add3A_778 = arith.constant 16 : i32
        %add3A_779 = vector.broadcast %add3A_778 : i32 to vector<16xi32>
        %add3A_780 = arith.addi %add3A_779, %iota3A : vector<16xi32>
        %add3A_781 = arith.constant 0 : i32
        %add3A_782 = vector.broadcast %add3A_781 : i32 to vector<16xi32>
        %add3A_783 = arith.addi %add3A_782, %and3A_758 : vector<16xi32>
        %gather3A_784 = tpu.vector_load_idx %arg10[%add3A_780, %add3A_783] : memref<128x128xf32, #tpu.memory_space<vmem>>[vector<16xi32>, vector<16xi32>], vector<16xf32>,
        tpu.vector_store_idx %arg12[%add3A_783, %add3A_780], %gather3A_784 : memref<64x128xf32, #tpu.memory_space<vmem>>[vector<16xi32>, vector<16xi32>], vector<16xf32>,
        %add3A_785 = arith.constant 16 : i32
        %add3A_786 = vector.broadcast %add3A_785 : i32 to vector<16xi32>
        %add3A_787 = arith.addi %add3A_786, %and3A_758 : vector<16xi32>
        %gather3A_788 = tpu.vector_load_idx %arg10[%add3A_780, %add3A_787] : memref<128x128xf32, #tpu.memory_space<vmem>>[vector<16xi32>, vector<16xi32>], vector<16xf32>,
        tpu.vector_store_idx %arg12[%add3A_787, %add3A_780], %gather3A_788 : memref<64x128xf32, #tpu.memory_space<vmem>>[vector<16xi32>, vector<16xi32>], vector<16xf32>,
        %add3A_789 = arith.constant 32 : i32
        %add3A_790 = vector.broadcast %add3A_789 : i32 to vector<16xi32>
        %add3A_791 = arith.addi %add3A_790, %and3A_758 : vector<16xi32>
        %gather3A_792 = tpu.vector_load_idx %arg10[%add3A_780, %add3A_791] : memref<128x128xf32, #tpu.memory_space<vmem>>[vector<16xi32>, vector<16xi32>], vector<16xf32>,
        tpu.vector_store_idx %arg12[%add3A_791, %add3A_780], %gather3A_792 : memref<64x128xf32, #tpu.memory_space<vmem>>[vector<16xi32>, vector<16xi32>], vector<16xf32>,
        %add3A_793 = arith.constant 48 : i32
        %add3A_794 = vector.broadcast %add3A_793 : i32 to vector<16xi32>
        %add3A_795 = arith.addi %add3A_794, %and3A_758 : vector<16xi32>
        %gather3A_796 = tpu.vector_load_idx %arg10[%add3A_780, %add3A_795] : memref<128x128xf32, #tpu.memory_space<vmem>>[vector<16xi32>, vector<16xi32>], vector<16xf32>,
        tpu.vector_store_idx %arg12[%add3A_795, %add3A_780], %gather3A_796 : memref<64x128xf32, #tpu.memory_space<vmem>>[vector<16xi32>, vector<16xi32>], vector<16xf32>,
        %add3A_797 = arith.constant 32 : i32
        %add3A_798 = vector.broadcast %add3A_797 : i32 to vector<16xi32>
        %add3A_799 = arith.addi %add3A_798, %iota3A : vector<16xi32>
        %add3A_800 = arith.constant 0 : i32
        %add3A_801 = vector.broadcast %add3A_800 : i32 to vector<16xi32>
        %add3A_802 = arith.addi %add3A_801, %and3A_758 : vector<16xi32>
        %gather3A_803 = tpu.vector_load_idx %arg10[%add3A_799, %add3A_802] : memref<128x128xf32, #tpu.memory_space<vmem>>[vector<16xi32>, vector<16xi32>], vector<16xf32>,
        tpu.vector_store_idx %arg12[%add3A_802, %add3A_799], %gather3A_803 : memref<64x128xf32, #tpu.memory_space<vmem>>[vector<16xi32>, vector<16xi32>], vector<16xf32>,
        %add3A_804 = arith.constant 16 : i32
        %add3A_805 = vector.broadcast %add3A_804 : i32 to vector<16xi32>
        %add3A_806 = arith.addi %add3A_805, %and3A_758 : vector<16xi32>
        %gather3A_807 = tpu.vector_load_idx %arg10[%add3A_799, %add3A_806] : memref<128x128xf32, #tpu.memory_space<vmem>>[vector<16xi32>, vector<16xi32>], vector<16xf32>,
        tpu.vector_store_idx %arg12[%add3A_806, %add3A_799], %gather3A_807 : memref<64x128xf32, #tpu.memory_space<vmem>>[vector<16xi32>, vector<16xi32>], vector<16xf32>,
        %add3A_808 = arith.constant 32 : i32
        %add3A_809 = vector.broadcast %add3A_808 : i32 to vector<16xi32>
        %add3A_810 = arith.addi %add3A_809, %and3A_758 : vector<16xi32>
        %gather3A_811 = tpu.vector_load_idx %arg10[%add3A_799, %add3A_810] : memref<128x128xf32, #tpu.memory_space<vmem>>[vector<16xi32>, vector<16xi32>], vector<16xf32>,
        tpu.vector_store_idx %arg12[%add3A_810, %add3A_799], %gather3A_811 : memref<64x128xf32, #tpu.memory_space<vmem>>[vector<16xi32>, vector<16xi32>], vector<16xf32>,
        %add3A_812 = arith.constant 48 : i32
        %add3A_813 = vector.broadcast %add3A_812 : i32 to vector<16xi32>
        %add3A_814 = arith.addi %add3A_813, %and3A_758 : vector<16xi32>
        %gather3A_815 = tpu.vector_load_idx %arg10[%add3A_799, %add3A_814] : memref<128x128xf32, #tpu.memory_space<vmem>>[vector<16xi32>, vector<16xi32>], vector<16xf32>,
        tpu.vector_store_idx %arg12[%add3A_814, %add3A_799], %gather3A_815 : memref<64x128xf32, #tpu.memory_space<vmem>>[vector<16xi32>, vector<16xi32>], vector<16xf32>,
        %add3A_816 = arith.constant 48 : i32
        %add3A_817 = vector.broadcast %add3A_816 : i32 to vector<16xi32>
        %add3A_818 = arith.addi %add3A_817, %iota3A : vector<16xi32>
        %add3A_819 = arith.constant 0 : i32
        %add3A_820 = vector.broadcast %add3A_819 : i32 to vector<16xi32>
        %add3A_821 = arith.addi %add3A_820, %and3A_758 : vector<16xi32>
        %gather3A_822 = tpu.vector_load_idx %arg10[%add3A_818, %add3A_821] : memref<128x128xf32, #tpu.memory_space<vmem>>[vector<16xi32>, vector<16xi32>], vector<16xf32>,
        tpu.vector_store_idx %arg12[%add3A_821, %add3A_818], %gather3A_822 : memref<64x128xf32, #tpu.memory_space<vmem>>[vector<16xi32>, vector<16xi32>], vector<16xf32>,
        %add3A_823 = arith.constant 16 : i32
        %add3A_824 = vector.broadcast %add3A_823 : i32 to vector<16xi32>
        %add3A_825 = arith.addi %add3A_824, %and3A_758 : vector<16xi32>
        %gather3A_826 = tpu.vector_load_idx %arg10[%add3A_818, %add3A_825] : memref<128x128xf32, #tpu.memory_space<vmem>>[vector<16xi32>, vector<16xi32>], vector<16xf32>,
        tpu.vector_store_idx %arg12[%add3A_825, %add3A_818], %gather3A_826 : memref<64x128xf32, #tpu.memory_space<vmem>>[vector<16xi32>, vector<16xi32>], vector<16xf32>,
        %add3A_827 = arith.constant 32 : i32
        %add3A_828 = vector.broadcast %add3A_827 : i32 to vector<16xi32>
        %add3A_829 = arith.addi %add3A_828, %and3A_758 : vector<16xi32>
        %gather3A_830 = tpu.vector_load_idx %arg10[%add3A_818, %add3A_829] : memref<128x128xf32, #tpu.memory_space<vmem>>[vector<16xi32>, vector<16xi32>], vector<16xf32>,
        tpu.vector_store_idx %arg12[%add3A_829, %add3A_818], %gather3A_830 : memref<64x128xf32, #tpu.memory_space<vmem>>[vector<16xi32>, vector<16xi32>], vector<16xf32>,
        %add3A_831 = arith.constant 48 : i32
        %add3A_832 = vector.broadcast %add3A_831 : i32 to vector<16xi32>
        %add3A_833 = arith.addi %add3A_832, %and3A_758 : vector<16xi32>
        %gather3A_834 = tpu.vector_load_idx %arg10[%add3A_818, %add3A_833] : memref<128x128xf32, #tpu.memory_space<vmem>>[vector<16xi32>, vector<16xi32>], vector<16xf32>,
        tpu.vector_store_idx %arg12[%add3A_833, %add3A_818], %gather3A_834 : memref<64x128xf32, #tpu.memory_space<vmem>>[vector<16xi32>, vector<16xi32>], vector<16xf32>,
        %add3A_835 = arith.constant 64 : i32
        %add3A_836 = vector.broadcast %add3A_835 : i32 to vector<16xi32>
        %add3A_837 = arith.addi %add3A_836, %iota3A : vector<16xi32>
        %add3A_838 = arith.constant 0 : i32
        %add3A_839 = vector.broadcast %add3A_838 : i32 to vector<16xi32>
        %add3A_840 = arith.addi %add3A_839, %and3A_758 : vector<16xi32>
        %gather3A_841 = tpu.vector_load_idx %arg10[%add3A_837, %add3A_840] : memref<128x128xf32, #tpu.memory_space<vmem>>[vector<16xi32>, vector<16xi32>], vector<16xf32>,
        tpu.vector_store_idx %arg12[%add3A_840, %add3A_837], %gather3A_841 : memref<64x128xf32, #tpu.memory_space<vmem>>[vector<16xi32>, vector<16xi32>], vector<16xf32>,
        %add3A_842 = arith.constant 16 : i32
        %add3A_843 = vector.broadcast %add3A_842 : i32 to vector<16xi32>
        %add3A_844 = arith.addi %add3A_843, %and3A_758 : vector<16xi32>
        %gather3A_845 = tpu.vector_load_idx %arg10[%add3A_837, %add3A_844] : memref<128x128xf32, #tpu.memory_space<vmem>>[vector<16xi32>, vector<16xi32>], vector<16xf32>,
        tpu.vector_store_idx %arg12[%add3A_844, %add3A_837], %gather3A_845 : memref<64x128xf32, #tpu.memory_space<vmem>>[vector<16xi32>, vector<16xi32>], vector<16xf32>,
        %add3A_846 = arith.constant 32 : i32
        %add3A_847 = vector.broadcast %add3A_846 : i32 to vector<16xi32>
        %add3A_848 = arith.addi %add3A_847, %and3A_758 : vector<16xi32>
        %gather3A_849 = tpu.vector_load_idx %arg10[%add3A_837, %add3A_848] : memref<128x128xf32, #tpu.memory_space<vmem>>[vector<16xi32>, vector<16xi32>], vector<16xf32>,
        tpu.vector_store_idx %arg12[%add3A_848, %add3A_837], %gather3A_849 : memref<64x128xf32, #tpu.memory_space<vmem>>[vector<16xi32>, vector<16xi32>], vector<16xf32>,
        %add3A_850 = arith.constant 48 : i32
        %add3A_851 = vector.broadcast %add3A_850 : i32 to vector<16xi32>
        %add3A_852 = arith.addi %add3A_851, %and3A_758 : vector<16xi32>
        %gather3A_853 = tpu.vector_load_idx %arg10[%add3A_837, %add3A_852] : memref<128x128xf32, #tpu.memory_space<vmem>>[vector<16xi32>, vector<16xi32>], vector<16xf32>,
        tpu.vector_store_idx %arg12[%add3A_852, %add3A_837], %gather3A_853 : memref<64x128xf32, #tpu.memory_space<vmem>>[vector<16xi32>, vector<16xi32>], vector<16xf32>,
        %add3A_854 = arith.constant 80 : i32
        %add3A_855 = vector.broadcast %add3A_854 : i32 to vector<16xi32>
        %add3A_856 = arith.addi %add3A_855, %iota3A : vector<16xi32>
        %add3A_857 = arith.constant 0 : i32
        %add3A_858 = vector.broadcast %add3A_857 : i32 to vector<16xi32>
        %add3A_859 = arith.addi %add3A_858, %and3A_758 : vector<16xi32>
        %gather3A_860 = tpu.vector_load_idx %arg10[%add3A_856, %add3A_859] : memref<128x128xf32, #tpu.memory_space<vmem>>[vector<16xi32>, vector<16xi32>], vector<16xf32>,
        tpu.vector_store_idx %arg12[%add3A_859, %add3A_856], %gather3A_860 : memref<64x128xf32, #tpu.memory_space<vmem>>[vector<16xi32>, vector<16xi32>], vector<16xf32>,
        %add3A_861 = arith.constant 16 : i32
        %add3A_862 = vector.broadcast %add3A_861 : i32 to vector<16xi32>
        %add3A_863 = arith.addi %add3A_862, %and3A_758 : vector<16xi32>
        %gather3A_864 = tpu.vector_load_idx %arg10[%add3A_856, %add3A_863] : memref<128x128xf32, #tpu.memory_space<vmem>>[vector<16xi32>, vector<16xi32>], vector<16xf32>,
        tpu.vector_store_idx %arg12[%add3A_863, %add3A_856], %gather3A_864 : memref<64x128xf32, #tpu.memory_space<vmem>>[vector<16xi32>, vector<16xi32>], vector<16xf32>,
        %add3A_865 = arith.constant 32 : i32
        %add3A_866 = vector.broadcast %add3A_865 : i32 to vector<16xi32>
        %add3A_867 = arith.addi %add3A_866, %and3A_758 : vector<16xi32>
        %gather3A_868 = tpu.vector_load_idx %arg10[%add3A_856, %add3A_867] : memref<128x128xf32, #tpu.memory_space<vmem>>[vector<16xi32>, vector<16xi32>], vector<16xf32>,
        tpu.vector_store_idx %arg12[%add3A_867, %add3A_856], %gather3A_868 : memref<64x128xf32, #tpu.memory_space<vmem>>[vector<16xi32>, vector<16xi32>], vector<16xf32>,
        %add3A_869 = arith.constant 48 : i32
        %add3A_870 = vector.broadcast %add3A_869 : i32 to vector<16xi32>
        %add3A_871 = arith.addi %add3A_870, %and3A_758 : vector<16xi32>
        %gather3A_872 = tpu.vector_load_idx %arg10[%add3A_856, %add3A_871] : memref<128x128xf32, #tpu.memory_space<vmem>>[vector<16xi32>, vector<16xi32>], vector<16xf32>,
        tpu.vector_store_idx %arg12[%add3A_871, %add3A_856], %gather3A_872 : memref<64x128xf32, #tpu.memory_space<vmem>>[vector<16xi32>, vector<16xi32>], vector<16xf32>,
        %add3A_873 = arith.constant 96 : i32
        %add3A_874 = vector.broadcast %add3A_873 : i32 to vector<16xi32>
        %add3A_875 = arith.addi %add3A_874, %iota3A : vector<16xi32>
        %add3A_876 = arith.constant 0 : i32
        %add3A_877 = vector.broadcast %add3A_876 : i32 to vector<16xi32>
        %add3A_878 = arith.addi %add3A_877, %and3A_758 : vector<16xi32>
        %gather3A_879 = tpu.vector_load_idx %arg10[%add3A_875, %add3A_878] : memref<128x128xf32, #tpu.memory_space<vmem>>[vector<16xi32>, vector<16xi32>], vector<16xf32>,
        tpu.vector_store_idx %arg12[%add3A_878, %add3A_875], %gather3A_879 : memref<64x128xf32, #tpu.memory_space<vmem>>[vector<16xi32>, vector<16xi32>], vector<16xf32>,
        %add3A_880 = arith.constant 16 : i32
        %add3A_881 = vector.broadcast %add3A_880 : i32 to vector<16xi32>
        %add3A_882 = arith.addi %add3A_881, %and3A_758 : vector<16xi32>
        %gather3A_883 = tpu.vector_load_idx %arg10[%add3A_875, %add3A_882] : memref<128x128xf32, #tpu.memory_space<vmem>>[vector<16xi32>, vector<16xi32>], vector<16xf32>,
        tpu.vector_store_idx %arg12[%add3A_882, %add3A_875], %gather3A_883 : memref<64x128xf32, #tpu.memory_space<vmem>>[vector<16xi32>, vector<16xi32>], vector<16xf32>,
        %add3A_884 = arith.constant 32 : i32
        %add3A_885 = vector.broadcast %add3A_884 : i32 to vector<16xi32>
        %add3A_886 = arith.addi %add3A_885, %and3A_758 : vector<16xi32>
        %gather3A_887 = tpu.vector_load_idx %arg10[%add3A_875, %add3A_886] : memref<128x128xf32, #tpu.memory_space<vmem>>[vector<16xi32>, vector<16xi32>], vector<16xf32>,
        tpu.vector_store_idx %arg12[%add3A_886, %add3A_875], %gather3A_887 : memref<64x128xf32, #tpu.memory_space<vmem>>[vector<16xi32>, vector<16xi32>], vector<16xf32>,
        %add3A_888 = arith.constant 48 : i32
        %add3A_889 = vector.broadcast %add3A_888 : i32 to vector<16xi32>
        %add3A_890 = arith.addi %add3A_889, %and3A_758 : vector<16xi32>
        %gather3A_891 = tpu.vector_load_idx %arg10[%add3A_875, %add3A_890] : memref<128x128xf32, #tpu.memory_space<vmem>>[vector<16xi32>, vector<16xi32>], vector<16xf32>,
        tpu.vector_store_idx %arg12[%add3A_890, %add3A_875], %gather3A_891 : memref<64x128xf32, #tpu.memory_space<vmem>>[vector<16xi32>, vector<16xi32>], vector<16xf32>,
        %add3A_892 = arith.constant 112 : i32
        %add3A_893 = vector.broadcast %add3A_892 : i32 to vector<16xi32>
        %add3A_894 = arith.addi %add3A_893, %iota3A : vector<16xi32>
        %add3A_895 = arith.constant 0 : i32
        %add3A_896 = vector.broadcast %add3A_895 : i32 to vector<16xi32>
        %add3A_897 = arith.addi %add3A_896, %and3A_758 : vector<16xi32>
        %gather3A_898 = tpu.vector_load_idx %arg10[%add3A_894, %add3A_897] : memref<128x128xf32, #tpu.memory_space<vmem>>[vector<16xi32>, vector<16xi32>], vector<16xf32>,
        tpu.vector_store_idx %arg12[%add3A_897, %add3A_894], %gather3A_898 : memref<64x128xf32, #tpu.memory_space<vmem>>[vector<16xi32>, vector<16xi32>], vector<16xf32>,
        %add3A_899 = arith.constant 16 : i32
        %add3A_900 = vector.broadcast %add3A_899 : i32 to vector<16xi32>
        %add3A_901 = arith.addi %add3A_900, %and3A_758 : vector<16xi32>
        %gather3A_902 = tpu.vector_load_idx %arg10[%add3A_894, %add3A_901] : memref<128x128xf32, #tpu.memory_space<vmem>>[vector<16xi32>, vector<16xi32>], vector<16xf32>,
        tpu.vector_store_idx %arg12[%add3A_901, %add3A_894], %gather3A_902 : memref<64x128xf32, #tpu.memory_space<vmem>>[vector<16xi32>, vector<16xi32>], vector<16xf32>,
        %add3A_903 = arith.constant 32 : i32
        %add3A_904 = vector.broadcast %add3A_903 : i32 to vector<16xi32>
        %add3A_905 = arith.addi %add3A_904, %and3A_758 : vector<16xi32>
        %gather3A_906 = tpu.vector_load_idx %arg10[%add3A_894, %add3A_905] : memref<128x128xf32, #tpu.memory_space<vmem>>[vector<16xi32>, vector<16xi32>], vector<16xf32>,
        tpu.vector_store_idx %arg12[%add3A_905, %add3A_894], %gather3A_906 : memref<64x128xf32, #tpu.memory_space<vmem>>[vector<16xi32>, vector<16xi32>], vector<16xf32>,
        %add3A_907 = arith.constant 48 : i32
        %add3A_908 = vector.broadcast %add3A_907 : i32 to vector<16xi32>
        %add3A_909 = arith.addi %add3A_908, %and3A_758 : vector<16xi32>
        %gather3A_910 = tpu.vector_load_idx %arg10[%add3A_894, %add3A_909] : memref<128x128xf32, #tpu.memory_space<vmem>>[vector<16xi32>, vector<16xi32>], vector<16xf32>,
        tpu.vector_store_idx %arg12[%add3A_909, %add3A_894], %gather3A_910 : memref<64x128xf32, #tpu.memory_space<vmem>>[vector<16xi32>, vector<16xi32>], vector<16xf32>,
      }
      %scan3A_740 = arith.constant 16 : i32
      %dma_start3A_741 = arith.constant 0 : i32
      %dma_start3A_742 = tpu.memref_slice %arg4[%add3A_723, %dma_start3A_741, %mul3A_2] : memref<200x64x4096xf32, #tpu.memory_space<hbm>> -> memref<1x64x128xf32, #tpu.memory_space<hbm>>
      %dma_start3A_743 = tpu.memref_squeeze %dma_start3A_742 : memref<1x64x128xf32, #tpu.memory_space<hbm>> -> memref<64x128xf32, #tpu.memory_space<hbm>>
      %dma_start3A_744 = arith.constant 0 : i32
      %dma_start3A_745 = tpu.memref_slice %arg4[%add3A_723, %dma_start3A_744, %mul3A_2] : memref<200x64x4096xf32, #tpu.memory_space<hbm>> -> memref<1x64x128xf32, #tpu.memory_space<hbm>>
      %dma_start3A_746 = tpu.memref_squeeze %dma_start3A_745 : memref<1x64x128xf32, #tpu.memory_space<hbm>> -> memref<64x128xf32, #tpu.memory_space<hbm>>
      tpu.enqueue_dma source(%arg12 : memref<64x128xf32, #tpu.memory_space<vmem>>) target(%dma_start3A_746 : memref<64x128xf32, #tpu.memory_space<hbm>>) target_semaphore(%arg18 : memref<!tpu.dma_semaphore, #tpu.memory_space<semaphore_mem>>)
      %add3A_747 = arith.constant 4 : i32
      %add3A_748 = arith.addi %add3A_723, %add3A_747 : i32
      %lt3A_749 = arith.constant 200 : i32
      %lt3A_750 = arith.cmpi slt, %add3A_748, %lt3A_749 : i32
      %convert_element_type3A_751 = arith.extui %lt3A_750 : i1 to i32
      %cond3A_752 = arith.constant 0 : i32
      %cond3A_753 = arith.cmpi ne, %convert_element_type3A_751, %cond3A_752 : i32
      scf.if %cond3A_753 {
        %add3A_754 = arith.constant 4 : i32
        %add3A_755 = arith.addi %add3A_723, %add3A_754 : i32
        %add3A_756 = arith.constant 0 : i32
        %add3A_757 = vector.broadcast %add3A_756 : i32 to vector<16xi32>
        %add3A_758 = arith.addi %add3A_757, %iota3A : vector<16xi32>
        %broadcast_in_dim3A_759 = arith.constant 0 : i32
        %broadcast_in_dim3A_760 = vector.broadcast %broadcast_in_dim3A_759 : i32 to vector<16xi32>
        %add3A_761 = vector.broadcast %add3A_755 : i32 to vector<16xi32>
        %add3A_762 = arith.addi %broadcast_in_dim3A_760, %add3A_761 : vector<16xi32>
        %gather3A_763 = tpu.vector_load_idx %arg5[%add3A_758, %add3A_762] : memref<128x200xi32, #tpu.memory_space<vmem>>[vector<16xi32>, vector<16xi32>], vector<16xi32>,
        %mul3A_764 = arith.constant 100 : i32
        %mul3A_765 = arith.muli %add3A_755, %mul3A_764 : i32
        %add3A_766 = vector.broadcast %mul3A_765 : i32 to vector<16xi32>
        %add3A_767 = arith.addi %add3A_766, %gather3A_763 : vector<16xi32>
        %swap3A_768 = arith.constant 3 : i32
        %swap3A_769 = arith.constant 0 : i32
        %swap3A_770 = tpu.memref_slice %arg6[%swap3A_768, %swap3A_769] : memref<4x128xi32, #tpu.memory_space<vmem>> -> memref<1x128xi32, #tpu.memory_space<vmem>>
        %swap3A_771 = tpu.memref_squeeze %swap3A_770 : memref<1x128xi32, #tpu.memory_space<vmem>> -> memref<128xi32, #tpu.memory_space<vmem>>
        %swap3A_772 = arith.constant 0 : index
        %swap3A_773 = tpu.vector_load %swap3A_771[%swap3A_772] {strides = array<i32>} : memref<128xi32, #tpu.memory_space<vmem>>, vector<16xi32>,
        tpu.vector_store %swap3A_771[%swap3A_772], %add3A_767 {strides = array<i32>} : memref<128xi32, #tpu.memory_space<vmem>>, vector<16xi32>,
        %add3A_774 = arith.constant 16 : i32
        %add3A_775 = vector.broadcast %add3A_774 : i32 to vector<16xi32>
        %add3A_776 = arith.addi %add3A_775, %iota3A : vector<16xi32>
        %broadcast_in_dim3A_777 = arith.constant 0 : i32
        %broadcast_in_dim3A_778 = vector.broadcast %broadcast_in_dim3A_777 : i32 to vector<16xi32>
        %add3A_779 = vector.broadcast %add3A_755 : i32 to vector<16xi32>
        %add3A_780 = arith.addi %broadcast_in_dim3A_778, %add3A_779 : vector<16xi32>
        %gather3A_781 = tpu.vector_load_idx %arg5[%add3A_776, %add3A_780] : memref<128x200xi32, #tpu.memory_space<vmem>>[vector<16xi32>, vector<16xi32>], vector<16xi32>,
        %mul3A_782 = arith.constant 100 : i32
        %mul3A_783 = arith.muli %add3A_755, %mul3A_782 : i32
        %add3A_784 = vector.broadcast %mul3A_783 : i32 to vector<16xi32>
        %add3A_785 = arith.addi %add3A_784, %gather3A_781 : vector<16xi32>
        %swap3A_786 = arith.constant 3 : i32
        %swap3A_787 = arith.constant 0 : i32
        %swap3A_788 = tpu.memref_slice %arg6[%swap3A_786, %swap3A_787] : memref<4x128xi32, #tpu.memory_space<vmem>> -> memref<1x128xi32, #tpu.memory_space<vmem>>
        %swap3A_789 = tpu.memref_squeeze %swap3A_788 : memref<1x128xi32, #tpu.memory_space<vmem>> -> memref<128xi32, #tpu.memory_space<vmem>>
        %swap3A_790 = arith.constant 16 : index
        %swap3A_791 = tpu.vector_load %swap3A_789[%swap3A_790] {strides = array<i32>} : memref<128xi32, #tpu.memory_space<vmem>>, vector<16xi32>,
        tpu.vector_store %swap3A_789[%swap3A_790], %add3A_785 {strides = array<i32>} : memref<128xi32, #tpu.memory_space<vmem>>, vector<16xi32>,
        %add3A_792 = arith.constant 32 : i32
        %add3A_793 = vector.broadcast %add3A_792 : i32 to vector<16xi32>
        %add3A_794 = arith.addi %add3A_793, %iota3A : vector<16xi32>
        %broadcast_in_dim3A_795 = arith.constant 0 : i32
        %broadcast_in_dim3A_796 = vector.broadcast %broadcast_in_dim3A_795 : i32 to vector<16xi32>
        %add3A_797 = vector.broadcast %add3A_755 : i32 to vector<16xi32>
        %add3A_798 = arith.addi %broadcast_in_dim3A_796, %add3A_797 : vector<16xi32>
        %gather3A_799 = tpu.vector_load_idx %arg5[%add3A_794, %add3A_798] : memref<128x200xi32, #tpu.memory_space<vmem>>[vector<16xi32>, vector<16xi32>], vector<16xi32>,
        %mul3A_800 = arith.constant 100 : i32
        %mul3A_801 = arith.muli %add3A_755, %mul3A_800 : i32
        %add3A_802 = vector.broadcast %mul3A_801 : i32 to vector<16xi32>
        %add3A_803 = arith.addi %add3A_802, %gather3A_799 : vector<16xi32>
        %swap3A_804 = arith.constant 3 : i32
        %swap3A_805 = arith.constant 0 : i32
        %swap3A_806 = tpu.memref_slice %arg6[%swap3A_804, %swap3A_805] : memref<4x128xi32, #tpu.memory_space<vmem>> -> memref<1x128xi32, #tpu.memory_space<vmem>>
        %swap3A_807 = tpu.memref_squeeze %swap3A_806 : memref<1x128xi32, #tpu.memory_space<vmem>> -> memref<128xi32, #tpu.memory_space<vmem>>
        %swap3A_808 = arith.constant 32 : index
        %swap3A_809 = tpu.vector_load %swap3A_807[%swap3A_808] {strides = array<i32>} : memref<128xi32, #tpu.memory_space<vmem>>, vector<16xi32>,
        tpu.vector_store %swap3A_807[%swap3A_808], %add3A_803 {strides = array<i32>} : memref<128xi32, #tpu.memory_space<vmem>>, vector<16xi32>,
        %add3A_810 = arith.constant 48 : i32
        %add3A_811 = vector.broadcast %add3A_810 : i32 to vector<16xi32>
        %add3A_812 = arith.addi %add3A_811, %iota3A : vector<16xi32>
        %broadcast_in_dim3A_813 = arith.constant 0 : i32
        %broadcast_in_dim3A_814 = vector.broadcast %broadcast_in_dim3A_813 : i32 to vector<16xi32>
        %add3A_815 = vector.broadcast %add3A_755 : i32 to vector<16xi32>
        %add3A_816 = arith.addi %broadcast_in_dim3A_814, %add3A_815 : vector<16xi32>
        %gather3A_817 = tpu.vector_load_idx %arg5[%add3A_812, %add3A_816] : memref<128x200xi32, #tpu.memory_space<vmem>>[vector<16xi32>, vector<16xi32>], vector<16xi32>,
        %mul3A_818 = arith.constant 100 : i32
        %mul3A_819 = arith.muli %add3A_755, %mul3A_818 : i32
        %add3A_820 = vector.broadcast %mul3A_819 : i32 to vector<16xi32>
        %add3A_821 = arith.addi %add3A_820, %gather3A_817 : vector<16xi32>
        %swap3A_822 = arith.constant 3 : i32
        %swap3A_823 = arith.constant 0 : i32
        %swap3A_824 = tpu.memref_slice %arg6[%swap3A_822, %swap3A_823] : memref<4x128xi32, #tpu.memory_space<vmem>> -> memref<1x128xi32, #tpu.memory_space<vmem>>
        %swap3A_825 = tpu.memref_squeeze %swap3A_824 : memref<1x128xi32, #tpu.memory_space<vmem>> -> memref<128xi32, #tpu.memory_space<vmem>>
        %swap3A_826 = arith.constant 48 : index
        %swap3A_827 = tpu.vector_load %swap3A_825[%swap3A_826] {strides = array<i32>} : memref<128xi32, #tpu.memory_space<vmem>>, vector<16xi32>,
        tpu.vector_store %swap3A_825[%swap3A_826], %add3A_821 {strides = array<i32>} : memref<128xi32, #tpu.memory_space<vmem>>, vector<16xi32>,
        %add3A_828 = arith.constant 64 : i32
        %add3A_829 = vector.broadcast %add3A_828 : i32 to vector<16xi32>
        %add3A_830 = arith.addi %add3A_829, %iota3A : vector<16xi32>
        %broadcast_in_dim3A_831 = arith.constant 0 : i32
        %broadcast_in_dim3A_832 = vector.broadcast %broadcast_in_dim3A_831 : i32 to vector<16xi32>
        %add3A_833 = vector.broadcast %add3A_755 : i32 to vector<16xi32>
        %add3A_834 = arith.addi %broadcast_in_dim3A_832, %add3A_833 : vector<16xi32>
        %gather3A_835 = tpu.vector_load_idx %arg5[%add3A_830, %add3A_834] : memref<128x200xi32, #tpu.memory_space<vmem>>[vector<16xi32>, vector<16xi32>], vector<16xi32>,
        %mul3A_836 = arith.constant 100 : i32
        %mul3A_837 = arith.muli %add3A_755, %mul3A_836 : i32
        %add3A_838 = vector.broadcast %mul3A_837 : i32 to vector<16xi32>
        %add3A_839 = arith.addi %add3A_838, %gather3A_835 : vector<16xi32>
        %swap3A_840 = arith.constant 3 : i32
        %swap3A_841 = arith.constant 0 : i32
        %swap3A_842 = tpu.memref_slice %arg6[%swap3A_840, %swap3A_841] : memref<4x128xi32, #tpu.memory_space<vmem>> -> memref<1x128xi32, #tpu.memory_space<vmem>>
        %swap3A_843 = tpu.memref_squeeze %swap3A_842 : memref<1x128xi32, #tpu.memory_space<vmem>> -> memref<128xi32, #tpu.memory_space<vmem>>
        %swap3A_844 = arith.constant 64 : index
        %swap3A_845 = tpu.vector_load %swap3A_843[%swap3A_844] {strides = array<i32>} : memref<128xi32, #tpu.memory_space<vmem>>, vector<16xi32>,
        tpu.vector_store %swap3A_843[%swap3A_844], %add3A_839 {strides = array<i32>} : memref<128xi32, #tpu.memory_space<vmem>>, vector<16xi32>,
        %add3A_846 = arith.constant 80 : i32
        %add3A_847 = vector.broadcast %add3A_846 : i32 to vector<16xi32>
        %add3A_848 = arith.addi %add3A_847, %iota3A : vector<16xi32>
        %broadcast_in_dim3A_849 = arith.constant 0 : i32
        %broadcast_in_dim3A_850 = vector.broadcast %broadcast_in_dim3A_849 : i32 to vector<16xi32>
        %add3A_851 = vector.broadcast %add3A_755 : i32 to vector<16xi32>
        %add3A_852 = arith.addi %broadcast_in_dim3A_850, %add3A_851 : vector<16xi32>
        %gather3A_853 = tpu.vector_load_idx %arg5[%add3A_848, %add3A_852] : memref<128x200xi32, #tpu.memory_space<vmem>>[vector<16xi32>, vector<16xi32>], vector<16xi32>,
        %mul3A_854 = arith.constant 100 : i32
        %mul3A_855 = arith.muli %add3A_755, %mul3A_854 : i32
        %add3A_856 = vector.broadcast %mul3A_855 : i32 to vector<16xi32>
        %add3A_857 = arith.addi %add3A_856, %gather3A_853 : vector<16xi32>
        %swap3A_858 = arith.constant 3 : i32
        %swap3A_859 = arith.constant 0 : i32
        %swap3A_860 = tpu.memref_slice %arg6[%swap3A_858, %swap3A_859] : memref<4x128xi32, #tpu.memory_space<vmem>> -> memref<1x128xi32, #tpu.memory_space<vmem>>
        %swap3A_861 = tpu.memref_squeeze %swap3A_860 : memref<1x128xi32, #tpu.memory_space<vmem>> -> memref<128xi32, #tpu.memory_space<vmem>>
        %swap3A_862 = arith.constant 80 : index
        %swap3A_863 = tpu.vector_load %swap3A_861[%swap3A_862] {strides = array<i32>} : memref<128xi32, #tpu.memory_space<vmem>>, vector<16xi32>,
        tpu.vector_store %swap3A_861[%swap3A_862], %add3A_857 {strides = array<i32>} : memref<128xi32, #tpu.memory_space<vmem>>, vector<16xi32>,
        %add3A_864 = arith.constant 96 : i32
        %add3A_865 = vector.broadcast %add3A_864 : i32 to vector<16xi32>
        %add3A_866 = arith.addi %add3A_865, %iota3A : vector<16xi32>
        %broadcast_in_dim3A_867 = arith.constant 0 : i32
        %broadcast_in_dim3A_868 = vector.broadcast %broadcast_in_dim3A_867 : i32 to vector<16xi32>
        %add3A_869 = vector.broadcast %add3A_755 : i32 to vector<16xi32>
        %add3A_870 = arith.addi %broadcast_in_dim3A_868, %add3A_869 : vector<16xi32>
        %gather3A_871 = tpu.vector_load_idx %arg5[%add3A_866, %add3A_870] : memref<128x200xi32, #tpu.memory_space<vmem>>[vector<16xi32>, vector<16xi32>], vector<16xi32>,
        %mul3A_872 = arith.constant 100 : i32
        %mul3A_873 = arith.muli %add3A_755, %mul3A_872 : i32
        %add3A_874 = vector.broadcast %mul3A_873 : i32 to vector<16xi32>
        %add3A_875 = arith.addi %add3A_874, %gather3A_871 : vector<16xi32>
        %swap3A_876 = arith.constant 3 : i32
        %swap3A_877 = arith.constant 0 : i32
        %swap3A_878 = tpu.memref_slice %arg6[%swap3A_876, %swap3A_877] : memref<4x128xi32, #tpu.memory_space<vmem>> -> memref<1x128xi32, #tpu.memory_space<vmem>>
        %swap3A_879 = tpu.memref_squeeze %swap3A_878 : memref<1x128xi32, #tpu.memory_space<vmem>> -> memref<128xi32, #tpu.memory_space<vmem>>
        %swap3A_880 = arith.constant 96 : index
        %swap3A_881 = tpu.vector_load %swap3A_879[%swap3A_880] {strides = array<i32>} : memref<128xi32, #tpu.memory_space<vmem>>, vector<16xi32>,
        tpu.vector_store %swap3A_879[%swap3A_880], %add3A_875 {strides = array<i32>} : memref<128xi32, #tpu.memory_space<vmem>>, vector<16xi32>,
        %add3A_882 = arith.constant 112 : i32
        %add3A_883 = vector.broadcast %add3A_882 : i32 to vector<16xi32>
        %add3A_884 = arith.addi %add3A_883, %iota3A : vector<16xi32>
        %broadcast_in_dim3A_885 = arith.constant 0 : i32
        %broadcast_in_dim3A_886 = vector.broadcast %broadcast_in_dim3A_885 : i32 to vector<16xi32>
        %add3A_887 = vector.broadcast %add3A_755 : i32 to vector<16xi32>
        %add3A_888 = arith.addi %broadcast_in_dim3A_886, %add3A_887 : vector<16xi32>
        %gather3A_889 = tpu.vector_load_idx %arg5[%add3A_884, %add3A_888] : memref<128x200xi32, #tpu.memory_space<vmem>>[vector<16xi32>, vector<16xi32>], vector<16xi32>,
        %mul3A_890 = arith.constant 100 : i32
        %mul3A_891 = arith.muli %add3A_755, %mul3A_890 : i32
        %add3A_892 = vector.broadcast %mul3A_891 : i32 to vector<16xi32>
        %add3A_893 = arith.addi %add3A_892, %gather3A_889 : vector<16xi32>
        %swap3A_894 = arith.constant 3 : i32
        %swap3A_895 = arith.constant 0 : i32
        %swap3A_896 = tpu.memref_slice %arg6[%swap3A_894, %swap3A_895] : memref<4x128xi32, #tpu.memory_space<vmem>> -> memref<1x128xi32, #tpu.memory_space<vmem>>
        %swap3A_897 = tpu.memref_squeeze %swap3A_896 : memref<1x128xi32, #tpu.memory_space<vmem>> -> memref<128xi32, #tpu.memory_space<vmem>>
        %swap3A_898 = arith.constant 112 : index
        %swap3A_899 = tpu.vector_load %swap3A_897[%swap3A_898] {strides = array<i32>} : memref<128xi32, #tpu.memory_space<vmem>>, vector<16xi32>,
        tpu.vector_store %swap3A_897[%swap3A_898], %add3A_893 {strides = array<i32>} : memref<128xi32, #tpu.memory_space<vmem>>, vector<16xi32>,
        %dma_start3A_900 = arith.constant 3 : i32
        %dma_start3A_901 = arith.constant 0 : i32
        %dma_start3A_902 = tpu.memref_slice %arg6[%dma_start3A_900, %dma_start3A_901] : memref<4x128xi32, #tpu.memory_space<vmem>> -> memref<1x128xi32, #tpu.memory_space<vmem>>
        %dma_start3A_903 = tpu.memref_squeeze %dma_start3A_902 : memref<1x128xi32, #tpu.memory_space<vmem>> -> memref<128xi32, #tpu.memory_space<vmem>>
        %dma_start3A_904 = arith.constant 0 : i32
        %dma_start3A_905 = arith.constant 0 : i32
        %dma_start3A_906 = tpu.memref_slice %arg3[%dma_start3A_904, %dma_start3A_905] : memref<20000x128xf32, #tpu.memory_space<hbm>> -> memref<20000x128xf32, #tpu.memory_space<hbm>>
        tpu.enqueue_indirect_dma source(%dma_start3A_906 : memref<20000x128xf32, #tpu.memory_space<hbm>>) target(%arg10 : memref<128x128xf32, #tpu.memory_space<vmem>>) offsets(%dma_start3A_903 : memref<128xi32, #tpu.memory_space<vmem>>) semaphore(%arg16 : memref<!tpu.dma_semaphore, #tpu.memory_space<semaphore_mem>>)
      } else {
      }
    }
    %scan3A_607 = arith.constant 50 : i32
    %dma_wait3A = arith.constant 0 : i32
    %dma_wait3A_608 = arith.constant 0 : i32
    %dma_wait3A_609 = tpu.memref_slice %arg4[%dma_wait3A, %dma_wait3A_608, %mul3A_2] : memref<200x64x4096xf32, #tpu.memory_space<hbm>> -> memref<1x64x128xf32, #tpu.memory_space<hbm>>
    %dma_wait3A_610 = tpu.memref_squeeze %dma_wait3A_609 : memref<1x64x128xf32, #tpu.memory_space<hbm>> -> memref<64x128xf32, #tpu.memory_space<hbm>>
    %dma_wait3A_611 = arith.constant 0 : i32
    %dma_wait3A_612 = tpu.memref_slice %arg4[%dma_wait3A, %dma_wait3A_611, %mul3A_2] : memref<200x64x4096xf32, #tpu.memory_space<hbm>> -> memref<1x64x128xf32, #tpu.memory_space<hbm>>
    %dma_wait3A_613 = tpu.memref_squeeze %dma_wait3A_612 : memref<1x64x128xf32, #tpu.memory_space<hbm>> -> memref<64x128xf32, #tpu.memory_space<hbm>>
    tpu.wait_dma2 semaphore(%arg17 : memref<!tpu.dma_semaphore, #tpu.memory_space<semaphore_mem>>) src(%arg11 : memref<64x128xf32, #tpu.memory_space<vmem>>) dst(%dma_wait3A_613 : memref<64x128xf32, #tpu.memory_space<hbm>>)
    %dma_wait3A_614 = arith.constant 0 : i32
    %dma_wait3A_615 = arith.constant 0 : i32
    %dma_wait3A_616 = tpu.memref_slice %arg4[%dma_wait3A_614, %dma_wait3A_615, %mul3A_2] : memref<200x64x4096xf32, #tpu.memory_space<hbm>> -> memref<1x64x128xf32, #tpu.memory_space<hbm>>
    %dma_wait3A_617 = tpu.memref_squeeze %dma_wait3A_616 : memref<1x64x128xf32, #tpu.memory_space<hbm>> -> memref<64x128xf32, #tpu.memory_space<hbm>>
    %dma_wait3A_618 = arith.constant 0 : i32
    %dma_wait3A_619 = tpu.memref_slice %arg4[%dma_wait3A_614, %dma_wait3A_618, %mul3A_2] : memref<200x64x4096xf32, #tpu.memory_space<hbm>> -> memref<1x64x128xf32, #tpu.memory_space<hbm>>
    %dma_wait3A_620 = tpu.memref_squeeze %dma_wait3A_619 : memref<1x64x128xf32, #tpu.memory_space<hbm>> -> memref<64x128xf32, #tpu.memory_space<hbm>>
    tpu.wait_dma2 semaphore(%arg18 : memref<!tpu.dma_semaphore, #tpu.memory_space<semaphore_mem>>) src(%arg12 : memref<64x128xf32, #tpu.memory_space<vmem>>) dst(%dma_wait3A_620 : memref<64x128xf32, #tpu.memory_space<hbm>>)
    return
  }
}

module attributes {stable_mosaic.version = 14 : i64} {
  func.func @body(%arg0: memref<100x64xf32, #tpu.memory_space<vmem>>, %arg1: memref<200x64xf32, #tpu.memory_space<vmem>>, %arg2: memref<20000x128xf32, #tpu.memory_space<vmem>>) attributes {dimension_semantics = [], scalar_prefetch = 0 : i64, scratch_operands = 0 : i64, tpu.core_type = #tpu.core_type<tc>} {
    %get3A = arith.constant 0 : index
    %get3A_0 = arith.constant 0 : index
    %get3A_1 = vector.load %arg0[%get3A, %get3A_0] : memref<100x64xf32, #tpu.memory_space<vmem>>, vector<100x64xf32>
    %mul3A = arith.constant 8.000000e+00 : f32
    %mul3A_2 = vector.broadcast %mul3A : f32 to vector<100x64xf32>
    %mul3A_3 = arith.mulf %get3A_1, %mul3A_2 : vector<100x64xf32>
    %get3A_4 = arith.constant 0 : index
    %get3A_5 = arith.constant 0 : index
    %get3A_6 = vector.load %arg1[%get3A_4, %get3A_5] : memref<200x64xf32, #tpu.memory_space<vmem>>, vector<200x64xf32>
    %broadcast_in_dim3A = vector.shape_cast %get3A_6 : vector<200x64xf32> to vector<200x1x64xf32>
    %broadcast_in_dim3A_7 = vector.shape_cast %mul3A_3 : vector<100x64xf32> to vector<1x100x64xf32>
    %add3A = vector.broadcast %broadcast_in_dim3A : vector<200x1x64xf32> to vector<200x100x64xf32>
    %add3A_8 = vector.broadcast %broadcast_in_dim3A_7 : vector<1x100x64xf32> to vector<200x100x64xf32>
    %add3A_9 = arith.addf %add3A, %add3A_8 : vector<200x100x64xf32>
    %reshape3A = vector.shape_cast %add3A_9 : vector<200x100x64xf32> to vector<20000x64xf32>
    %jit3A = arith.constant 0 : i32
    %convert_element_type3A = arith.sitofp %jit3A : i32 to f32
    %pad3A = vector.broadcast %convert_element_type3A : f32 to vector<20000x64xf32>
    %pad3A_10 = tpu.concatenate %reshape3A, %pad3A in 1 : vector<20000x64xf32>, vector<20000x64xf32> -> vector<20000x128xf32>
    %swap3A = arith.constant 0 : index
    %swap3A_11 = arith.constant 0 : index
    %swap3A_12 = vector.load %arg2[%swap3A, %swap3A_11] : memref<20000x128xf32, #tpu.memory_space<vmem>>, vector<20000x128xf32>
    tpu.vector_store %arg2[%swap3A, %swap3A_11], %pad3A_10 {strides = array<i32>} : memref<20000x128xf32, #tpu.memory_space<vmem>>, vector<20000x128xf32>,
    return
  }
}

</mosaic_0001>

<sc_bundles>
// kernel: kernel.4.cloned.1.call-start
scs
__scs_entry_jumppad:
0x0: {  	(pc) =	sbr.rel $0x88, $3  }
0x1: {  	(tag) =	ssettag $0x0;
	lr =	simm.s32 $0x1  }
0x2: {  	[smem:$0x3F9F] =	sst lr;
	_ =	strace $0xD0000000  }
0x3: {  	_ = 	snop  }
0x4: {  	_ = 	snop  }
0x5: {  	_ = 	snop  }
0x6: {  	_ = 	snop  }
0x7: {  	_ = 	snop  }
__scs_overlays_trampoline_lowered:
0x8: {  	[smem:$0x3FAE] =	sst s0  }
0x9: {  	[smem:$0x3FAF] =	sst s1  }
0xa: {  	[smem:$0x3FB0] =	sst s2  }
0xb: {  	[smem:$0x3FB1] =	sst s3  }
0xc: {  	[smem:$0x3FB2] =	sst s4  }
0xd: {  	[smem:$0x3FB3] =	sst s5  }
0xe: {  	[smem:$0x3FB4] =	sst s6  }
0xf: {  	[smem:$0x3FB5] =	sst s7  }
0x10: {  	[smem:$0x3FB6] =	sst s8  }
0x11: {  	[smem:$0x3FB7] =	sst s9;
	s0 =	simm.s32 @!p0 $0x0  }
0x12: {  	s1 =	sld [smem:$0x3F9D];
	s0 =	simm.s32 @p0 $0x1  }
0x13: {  	[smem:$0x3FB8] =	sst s0;
	s0 =	simm.s32 @!p1 $0x0  }
0x14: {  	s2 =	sld [smem:$0x3F9C];
	s0 =	simm.s32 @p1 $0x1  }
0x15: {  	[smem:$0x3FB9] =	sst s0;
	s0 =	simm.s32 @!p2 $0x0  }
0x16: {  	s3 =	sld [smem:$0x3FDB];
	s0 =	simm.s32 @p2 $0x1  }
0x17: {  	s4 =	simm.s32 $0x1BF5;
	[smem:$0x3FBB] =	sst s0  }
0x18: {  	s0 =	sld [smem:$0x3F9E];
	_ =	swait.ge [sflag:s4], $0x0  }
0x19: {  	s7 =	sld [smem:$0x3F9F]  }
0x1a: {  	s8 =	sadd.s32 $0xFFFFE003, lr  }
0x1b: {  	s9 =	sadd.s32 $0xFFFFFEF7, lr;
	s5 =	simm.s32 $0xFFFFFFFF;
	p2 =	slt.u32 s8, $0xFFFFF086  }
0x1c: {  	p1 =	slt.u32 s9, $0xF7A;
	s5 =	simm.s32 @!p2 $0x0  }
0x1d: {  	s5 =	simm.s32 @p1 $0x1;
	p0 =	seq.s32 s7, s2  }
0x1e: {  	s7 =	smul.u32 @!p0 $0xF7A, s2;
	p2 =	seq.s32 @!p0 s5, $0x0  }
0x1f: {  	s9 =	smul.u32 $0xF7A, s1;
	s8 =	simm.s32 @!p0 $0x1BF5;
	p2 =	por !p2, p0  }
0x20: {  	[sflag:s8] =	ssyncset.s32 @!p0 $0xFFFFF086;
	s6 =	sadd.s32 @!p0 s3, s7;
	s7 =	simm.s32 @!p0 $0x108  }
0x21: {  	s3 =	sadd.s32 s3, s9;
	s6 =	sadd.s32 @!p0 $0x88, s6;
	s7 =	simm.s32 @p2 $0x1082  }
0x22: {  	[simem:s7], [sflag:s8] =	dma.local @!p0 [hbm:s6], $0xF7A  }
0x23: {  	s9 =	sor.u32 $0xD0000000, s2;
	s6 =	simm.s32 $0x108;
	_ =	swait.ge @!p0 [sflag:s8], $0x0  }
0x24: {  	s3 =	sadd.s32 $0x88, s3;
	s6 =	simm.s32 @!p1 $0x1082;
	[sflag:s4] =	ssyncset.s32 $0xFFFFF086  }
0x25: {  	[simem:s6], [sflag:s4] =	dma.local [hbm:s3], $0xF7A  }
0x26: {  	[smem:$0x3F9F] =	sst s1;
	(tag) =	ssettag s2;
	_ =	strace s9  }
0x27: {  	s1 =	sld [smem:$0x3FAF]  }
0x28: {  	s2 =	sld [smem:$0x3FB0]  }
0x29: {  	s4 =	sld [smem:$0x3FB2]  }
0x2a: {  	p0 =	seq.s32 s5, $0x0;
	s5 =	sld [smem:$0x3FB3]  }
0x2b: {  	s6 =	sld [smem:$0x3FB4]  }
0x2c: {  	s7 =	sld [smem:$0x3FB5]  }
0x2d: {  	s3 =	simm.s32 $0x108;
	s8 =	sld [smem:$0x3FB6]  }
0x2e: {  	s3 =	simm.s32 @!p0 $0x1082;
	s9 =	sld [smem:$0x3FB7]  }
0x2f: {  	lr =	sadd.s32 s0, s3;
	s0 =	sld [smem:$0x3FAE]  }
0x30: {  	s3 =	sld [smem:$0x3FB1]  }
0x31: {  	[smem:$0x3FBA] =	sst s10  }
0x32: {  	s10 =	sld [smem:$0x3FB8];
	_ =	sdelay $0x3  }
0x33: {  	p0 =	seq.s32 s10, $0x1;
	s10 =	sld [smem:$0x3FBA];
	_ =	sdelay $0x3  }
0x34: {  	[smem:$0x3FBA] =	sst s10  }
0x35: {  	s10 =	sld [smem:$0x3FB9];
	_ =	sdelay $0x3  }
0x36: {  	p1 =	seq.s32 s10, $0x1;
	s10 =	sld [smem:$0x3FBA];
	_ =	sdelay $0x3  }
0x37: {  	[smem:$0x3FBA] =	sst s10  }
0x38: {  	s10 =	sld [smem:$0x3FBB]  }
0x39: {  	_ = 	snop;
	(pc) =	sbr.ind lr, $3  }
0x3a: {  	_ = 	snop  }
0x3b: {  	_ = 	snop  }
0x3c: {  	p2 =	seq.s32 s10, $0x1;
	s10 =	sld [smem:$0x3FBA]  }
0x3d: {  	_ =	shalt  }
0x3e: {  	_ =	shalt  }
0x3f: {  	_ =	shalt  }
0x40: {  	_ =	shalt  }
0x41: {  	_ =	shalt  }
0x42: {  	_ =	shalt  }
0x43: {  	_ =	shalt  }
0x44: {  	_ =	shalt  }
0x45: {  	_ =	shalt  }
0x46: {  	_ =	shalt  }
0x47: {  	_ =	shalt  }
0x48: {  	_ =	shalt  }
0x49: {  	_ =	shalt  }
0x4a: {  	_ =	shalt  }
0x4b: {  	_ =	shalt  }
0x4c: {  	_ =	shalt  }
0x4d: {  	_ =	shalt  }
0x4e: {  	_ =	shalt  }
0x4f: {  	_ =	shalt  }
0x50: {  	_ =	shalt  }
0x51: {  	_ =	shalt  }
0x52: {  	_ =	shalt  }
0x53: {  	_ =	shalt  }
0x54: {  	_ =	shalt  }
0x55: {  	_ =	shalt  }
0x56: {  	_ =	shalt  }
0x57: {  	_ =	shalt  }
0x58: {  	_ =	shalt  }
0x59: {  	_ =	shalt  }
0x5a: {  	_ =	shalt  }
0x5b: {  	_ =	shalt  }
0x5c: {  	_ =	shalt  }
0x5d: {  	_ =	shalt  }
0x5e: {  	_ =	shalt  }
0x5f: {  	_ =	shalt  }
0x60: {  	_ =	shalt  }
0x61: {  	_ =	shalt  }
0x62: {  	_ =	shalt  }
0x63: {  	_ =	shalt  }
0x64: {  	_ =	shalt  }
0x65: {  	_ =	shalt  }
0x66: {  	_ =	shalt  }
0x67: {  	_ =	shalt  }
0x68: {  	_ =	shalt  }
0x69: {  	_ =	shalt  }
0x6a: {  	_ =	shalt  }
0x6b: {  	_ =	shalt  }
0x6c: {  	_ =	shalt  }
0x6d: {  	_ =	shalt  }
0x6e: {  	_ =	shalt  }
0x6f: {  	_ =	shalt  }
0x70: {  	_ =	shalt  }
0x71: {  	_ =	shalt  }
0x72: {  	_ =	shalt  }
0x73: {  	_ =	shalt  }
0x74: {  	_ =	shalt  }
0x75: {  	_ =	shalt  }
0x76: {  	_ =	shalt  }
0x77: {  	_ =	shalt  }
0x78: {  	_ =	shalt  }
0x79: {  	_ =	shalt  }
0x7a: {  	_ =	shalt  }
0x7b: {  	_ =	shalt  }
0x7c: {  	_ =	shalt  }
0x7d: {  	_ =	shalt  }
0x7e: {  	_ =	shalt  }
0x7f: {  	_ =	shalt  }
0x80: {  	_ =	shalt  }
0x81: {  	_ =	shalt  }
0x82: {  	_ =	shalt  }
0x83: {  	_ =	shalt  }
0x84: {  	_ =	shalt  }
0x85: {  	_ =	shalt  }
0x86: {  	_ =	shalt  }
0x87: {  	_ =	shalt  }
.Lfunc_end0:
.L_simem_size_0:
called_computation_lowered:
.L_overlay_start_0:
0x88: {  	s2 =	sld [smem:$0x3FD9]  }
0x89: {  	s3 =	sld [smem:$0x3FFE];
	_ =	sdelay $0x1  }
0x8a: {  	s1 =	srdreg.scid  }
0x8b: {  	s0 =	sand.u32 $0x1, s1  }
0x8c: {  	s17 =	sshll.u32 s0, $0xA;
	s2 =	sadd.s32 s3, s2  }
0x8d: {  	s2 =	sadd.s32 s2, s17  }
0x8e: {  	[smem:$0x3FC6] =	sst s2  }
0x8f: {  	_ = 	snop  }
0x90: {  	s2 =	sld [smem:$0x3FD0];
	(tm) =	ssettm $0x1  }
0x91: {  	s18 =	sld [smem:$0x3FFB];
	_ =	sdelay $0x3  }
0x92: {  	_ =	strace s18  }
0x93: {  	s3 =	sld [smem:$0x3FFC];
	_ =	sdelay $0x3  }
0x94: {  	_ =	strace s3  }
0x95: {  	s3 =	sld [smem:$0x3FFD];
	_ =	sdelay $0x3  }
0x96: {  	_ =	strace s3  }
0x97: {  	_ =	strace $0x8FFFFFFF  }
0x98: {  	s19 =	sld [smem:$0x3FDB];
	_ =	sdelay $0x1  }
0x99: {  	s4 =	simm.s32 $_scs_section_size  }
0x9a: {  	s5 =	simm.s32 $_size__tile_overlayer_lowered;
	s6 =	simm.s32 $_tile_overlayer_lowered  }
0x9b: {  	s22 =	simm.s32 $0x1BFF;
	s21 =	sshll.u32 s6, $0x1;
	s3 =	sadd.s32 s4, s19  }
0x9c: {  	s7 =	simm.s32 $0x0;
	s20 =	sshll.u32 s5, $0x1;
	s5 =	sadd.s32 s21, s3  }
0x9d: {  	[timem:s7], [sflag:s22] =	dma.local [hbm:s5], s20  }
0x9e: {  	_ =	swait.ge [sflag:s22], s20  }
0x9f: {  	s4 =	ssub.s32 $0x0, s20;
	[sflag:s22] =	ssyncset.done $0x0  }
0xa0: {  	[sflag:s22] =	ssyncadd.s32 s4;
	_ =	sdelay $0x1  }
0xa1: {  	s23 =	simm.s32 $0x1B8B  }
0xa2: {  	_ =	swait.ge [sflag:s23], $0x1  }
0xa3: {  	[sflag:s23] =	ssyncset.done $0x0  }
0xa4: {  	s25 =	simm.s32 $0x1B8E;
	s24 =	sld [smem:$0x3FFE];
	[sflag:s23] =	ssyncadd.s32 $0xFFFFFFFF  }
0xa5: {  	s26 =	simm.s32 $execute0_lowered;
	[smem:$0x3FD2] =	sst s25  }
0xa6: {  	s5 =	sshll.u32 s26, $0x1;
	_ =	strace $0x80000046;
	[dreg:$0x1] =	wrdreg $0xFFFFFFFF  }
0xa7: {  	s28 =	simm.s32 $_size_execute0_lowered;
	s3 =	sadd.s32 s3, s5;
	[dreg:$0x0] =	wrdreg $0x0  }
0xa8: {  	s5 =	sshll.u32 s28, $0x1;
	[dreg:$0x2] =	wrdreg s3  }
0xa9: {  	[dreg:$0x3] =	wrdreg s5  }
0xaa: {  	[dreg:$0x4] =	wrdreg $0xC0  }
0xab: {  	_ =	task [dreg:s7], $0x5FFFF  }
0xac: {  	[dreg:$0x1] =	wrdreg $0xFFFFFFFF  }
0xad: {  	[dreg:$0x0] =	wrdreg $0x60  }
0xae: {  	[dreg:$0x2] =	wrdreg s24  }
0xaf: {  	[dreg:$0x3] =	wrdreg s2  }
0xb0: {  	[dreg:$0x4] =	wrdreg $0x9  }
0xb1: {  	_ =	task.clear_ibuf [dreg:s7], $0x5FFFF;
	_ =	strace $0x90000046  }
0xb2: {  	s29 =	simm.s32 $0x9;
	_ =	strace $0x80000048  }
0xb3: {  	_ =	swait.ge [sflag:s29], $0x1  }
0xb4: {  	[sflag:s29] =	ssyncadd.s32 $0xFFFFFFFF  }
0xb5: {  	_ =	strace $0x90000048  }
0xb6: {  	_ =	sfence  }
0xb7: {  	s30 =	sld [smem:$0x0];
	_ =	sdelay $0x2  }
0xb8: {  	s31 =	sshll.u32 s1, $0xD;
	s1 =	sshrl.u32 s1, $0x2  }
0xb9: {  	s3 =	sand.u32 $0x4000, s31;
	s1 =	sadd.s32 s1, s30  }
0xba: {  	s0 =	sor.u32 s3, s0;
	s1 =	sshll.u32 s1, $0x11  }
0xbb: {  	s0 =	sor.u32 s1, s0  }
0xbc: {  	s0 =	sadd.s32 $0x8F2B, s0  }
0xbd: {  	[sflag:s0] =	ssyncadd.remote.s32 $0x1  }
0xbe: {  	_ =	sfence.sel $0xFFFF  }
0xbf: {  	[dreg:$0x0] =	wrdreg $0xFFFFFFFF;
	(pc) =	sbr.abs _section_cstart, $3  }
0xc0: {  	[dreg:$0x1] =	wrdreg $0xFFFFFFFF  }
0xc1: {  	_ =	task.clear_ibuf [dreg:s7], $0x2FFFF;
	_ =	strace $0x9FFFFFFF  }
0xc2: {  	(tm) =	ssettm $0x7FFFFFFF  }
0xc3: {  	_ =	shalt  }
tec
execute0_lowered:
.L_overlay_start_1:
0x0: {  	(tag) =	ssettag $0x1  }
0x1: {  	v0 =	vimm.s32 $0xB80;
	vm14 =	vcmask $0x300;
	vm5 =	vcmask $0x704  }
0x2: {  	v1 =	vimm.s32 $0x1B80;
	vm6 =	vcmask $0xB08;
	vm7 =	vcmask $0xF0C  }
0x3: {  	vm8 =	vcmask $0x1310;
	vm9 =	vcmask $0x1714;
	vm10 =	vcmask $0x1B18  }
0x4: {  	vm11 =	vcmask $0x1F1C;
	vm12 =	vcmask $0x2320;
	vm13 =	vcmask $0x2724  }
0x5: {  	vm4 =	vcmask $0x2B28;
	vm3 =	vcmask $0x2F2C;
	v0 =	vsel vm14, $0x0, v0  }
0x6: {  	vm2 =	vcmask $0x3330;
	vm1 =	vcmask $0x3734;
	v0 =	vsel vm5, $0x80, v0  }
0x7: {  	vm0 =	vcmask $0x3B38;
	v1 =	vsel vm14, $0x1000, v1;
	v0 =	vsel vm6, $0x100, v0  }
0x8: {  	v2 =	vimm.s32 $0x2B80;
	v1 =	vsel vm5, $0x1080, v1;
	v0 =	vsel vm7, $0x180, v0  }
0x9: {  	v41 =	vimm.s32 $0x3B80;
	v1 =	vsel vm6, $0x1100, v1;
	v0 =	vsel vm8, $0x200, v0  }
0xa: {  	v42 =	vimm.s32 $0x4B80;
	v1 =	vsel vm7, $0x1180, v1;
	v0 =	vsel vm9, $0x280, v0  }
0xb: {  	v45 =	vimm.s32 $0x5B80;
	v1 =	vsel vm8, $0x1200, v1;
	v0 =	vsel vm10, $0x300, v0  }
0xc: {  	v48 =	vimm.s32 $0x6B80;
	v1 =	vsel vm9, $0x1280, v1;
	v0 =	vsel vm11, $0x380, v0  }
0xd: {  	v49 =	vimm.s32 $0x7B80;
	v1 =	vsel vm10, $0x1300, v1;
	v0 =	vsel vm12, $0x800, v0  }
0xe: {  	v52 =	vimm.s32 $0xB81;
	v1 =	vsel vm11, $0x1380, v1;
	v0 =	vsel vm13, $0x880, v0  }
0xf: {  	v55 =	vimm.s32 $0x1B81;
	v1 =	vsel vm12, $0x1800, v1;
	v0 =	vsel vm4, $0x900, v0  }
0x10: {  	v56 =	vimm.s32 $0x2B81;
	v1 =	vsel vm13, $0x1880, v1;
	v0 =	vsel vm3, $0x980, v0  }
0x11: {  	v59 =	vimm.s32 $0x3B81;
	v1 =	vsel vm4, $0x1900, v1;
	v0 =	vsel vm2, $0xA00, v0  }
0x12: {  	v62 =	vimm.s32 $0x4B81;
	v1 =	vsel vm3, $0x1980, v1;
	v0 =	vsel vm1, $0xA80, v0  }
0x13: {  	v40 =	vsel vm14, $0x2000, v2;
	v1 =	vsel vm2, $0x1A00, v1;
	v0 =	vsel vm0, $0xB00, v0  }
0x14: {  	v63 =	vimm.s32 $0x5B81;
	v1 =	vsel vm1, $0x1A80, v1;
	[tilespmem:$0x1FC10] =	vst v0;
	v0 =	vsel vm5, $0x2080, v40  }
0x15: {  	v39 =	vsel vm0, $0x1B00, v1;
	v1 =	vsel vm14, $0x3000, v41;
	v0 =	vsel vm6, $0x2100, v0  }
0x16: {  	v22 =	vimm.s32 $0x6B81;
	v1 =	vsel vm5, $0x3080, v1;
	v0 =	vsel vm7, $0x2180, v0  }
0x17: {  	v2 =	vsel vm14, $0x4000, v42;
	v1 =	vsel vm6, $0x3100, v1;
	v0 =	vsel vm8, $0x2200, v0  }
0x18: {  	v2 =	vsel vm5, $0x4080, v2;
	v1 =	vsel vm7, $0x3180, v1;
	v0 =	vsel vm9, $0x2280, v0  }
0x19: {  	v2 =	vsel vm6, $0x4100, v2;
	v1 =	vsel vm8, $0x3200, v1;
	v0 =	vsel vm10, $0x2300, v0  }
0x1a: {  	v2 =	vsel vm7, $0x4180, v2;
	v1 =	vsel vm9, $0x3280, v1;
	v0 =	vsel vm11, $0x2380, v0  }
0x1b: {  	v2 =	vsel vm8, $0x4200, v2;
	v1 =	vsel vm10, $0x3300, v1;
	v0 =	vsel vm12, $0x2800, v0  }
0x1c: {  	v2 =	vsel vm9, $0x4280, v2;
	v1 =	vsel vm11, $0x3380, v1;
	v0 =	vsel vm13, $0x2880, v0  }
0x1d: {  	v2 =	vsel vm10, $0x4300, v2;
	v1 =	vsel vm12, $0x3800, v1;
	v0 =	vsel vm4, $0x2900, v0  }
0x1e: {  	v2 =	vsel vm11, $0x4380, v2;
	v1 =	vsel vm13, $0x3880, v1;
	v0 =	vsel vm3, $0x2980, v0  }
0x1f: {  	v2 =	vsel vm12, $0x4800, v2;
	v1 =	vsel vm4, $0x3900, v1;
	v0 =	vsel vm2, $0x2A00, v0  }
0x20: {  	v2 =	vsel vm13, $0x4880, v2;
	v1 =	vsel vm3, $0x3980, v1;
	v0 =	vsel vm1, $0x2A80, v0  }
0x21: {  	v2 =	vsel vm4, $0x4900, v2;
	v43 =	vsel vm2, $0x3A00, v1;
	v0 =	vsel vm0, $0x2B00, v0  }
0x22: {  	v25 =	vimm.s32 $0x7B81;
	v2 =	vsel vm3, $0x4980, v2;
	[tilespmem:$0x1FC30] =	vst v0;
	v0 =	vsel vm1, $0x3A80, v43  }
0x23: {  	v47 =	vsel vm14, $0x5000, v45;
	v44 =	vsel vm2, $0x4A00, v2;
	v0 =	vsel vm0, $0x3B00, v0  }
0x24: {  	v26 =	vimm.s32 $0xB82;
	v1 =	vsel vm1, $0x4A80, v44;
	[tilespmem:$0x1FC40] =	vst v0;
	v0 =	vsel vm5, $0x5080, v47  }
0x25: {  	v46 =	vsel vm0, $0x4B00, v1;
	v1 =	vsel vm14, $0x6000, v48;
	v0 =	vsel vm6, $0x5100, v0  }
0x26: {  	v29 =	vimm.s32 $0x1B82;
	v1 =	vsel vm5, $0x6080, v1;
	v0 =	vsel vm7, $0x5180, v0  }
0x27: {  	v2 =	vsel vm14, $0x7000, v49;
	v1 =	vsel vm6, $0x6100, v1;
	v0 =	vsel vm8, $0x5200, v0  }
0x28: {  	v2 =	vsel vm5, $0x7080, v2;
	v1 =	vsel vm7, $0x6180, v1;
	v0 =	vsel vm9, $0x5280, v0  }
0x29: {  	v2 =	vsel vm6, $0x7100, v2;
	v1 =	vsel vm8, $0x6200, v1;
	v0 =	vsel vm10, $0x5300, v0  }
0x2a: {  	v2 =	vsel vm7, $0x7180, v2;
	v1 =	vsel vm9, $0x6280, v1;
	v0 =	vsel vm11, $0x5380, v0  }
0x2b: {  	v2 =	vsel vm8, $0x7200, v2;
	v1 =	vsel vm10, $0x6300, v1;
	v0 =	vsel vm12, $0x5800, v0  }
0x2c: {  	v2 =	vsel vm9, $0x7280, v2;
	v1 =	vsel vm11, $0x6380, v1;
	v0 =	vsel vm13, $0x5880, v0  }
0x2d: {  	v2 =	vsel vm10, $0x7300, v2;
	v1 =	vsel vm12, $0x6800, v1;
	v0 =	vsel vm4, $0x5900, v0  }
0x2e: {  	v2 =	vsel vm11, $0x7380, v2;
	v1 =	vsel vm13, $0x6880, v1;
	v0 =	vsel vm3, $0x5980, v0  }
0x2f: {  	v2 =	vsel vm12, $0x7800, v2;
	v1 =	vsel vm4, $0x6900, v1;
	v0 =	vsel vm2, $0x5A00, v0  }
0x30: {  	v2 =	vsel vm13, $0x7880, v2;
	v1 =	vsel vm3, $0x6980, v1;
	v0 =	vsel vm1, $0x5A80, v0  }
0x31: {  	v2 =	vsel vm4, $0x7900, v2;
	v50 =	vsel vm2, $0x6A00, v1;
	v0 =	vsel vm0, $0x5B00, v0  }
0x32: {  	v32 =	vimm.s32 $0x2B82;
	v2 =	vsel vm3, $0x7980, v2;
	[tilespmem:$0x1FC60] =	vst v0;
	v0 =	vsel vm1, $0x6A80, v50  }
0x33: {  	v54 =	vsel vm14, $0x1, v52;
	v51 =	vsel vm2, $0x7A00, v2;
	v0 =	vsel vm0, $0x6B00, v0  }
0x34: {  	v33 =	vimm.s32 $0x3B82;
	v1 =	vsel vm1, $0x7A80, v51;
	[tilespmem:$0x1FC70] =	vst v0;
	v0 =	vsel vm5, $0x81, v54  }
0x35: {  	v53 =	vsel vm0, $0x7B00, v1;
	v1 =	vsel vm14, $0x1001, v55;
	v0 =	vsel vm6, $0x101, v0  }
0x36: {  	v36 =	vimm.s32 $0x4B82;
	v1 =	vsel vm5, $0x1081, v1;
	v0 =	vsel vm7, $0x181, v0  }
0x37: {  	v2 =	vsel vm14, $0x2001, v56;
	v1 =	vsel vm6, $0x1101, v1;
	v0 =	vsel vm8, $0x201, v0  }
0x38: {  	v2 =	vsel vm5, $0x2081, v2;
	v1 =	vsel vm7, $0x1181, v1;
	v0 =	vsel vm9, $0x281, v0  }
0x39: {  	v2 =	vsel vm6, $0x2101, v2;
	v1 =	vsel vm8, $0x1201, v1;
	v0 =	vsel vm10, $0x301, v0  }
0x3a: {  	v2 =	vsel vm7, $0x2181, v2;
	v1 =	vsel vm9, $0x1281, v1;
	v0 =	vsel vm11, $0x381, v0  }
0x3b: {  	v2 =	vsel vm8, $0x2201, v2;
	v1 =	vsel vm10, $0x1301, v1;
	v0 =	vsel vm12, $0x801, v0  }
0x3c: {  	v2 =	vsel vm9, $0x2281, v2;
	v1 =	vsel vm11, $0x1381, v1;
	v0 =	vsel vm13, $0x881, v0  }
0x3d: {  	v2 =	vsel vm10, $0x2301, v2;
	v1 =	vsel vm12, $0x1801, v1;
	v0 =	vsel vm4, $0x901, v0  }
0x3e: {  	v2 =	vsel vm11, $0x2381, v2;
	v1 =	vsel vm13, $0x1881, v1;
	v0 =	vsel vm3, $0x981, v0  }
0x3f: {  	v2 =	vsel vm12, $0x2801, v2;
	v1 =	vsel vm4, $0x1901, v1;
	v0 =	vsel vm2, $0xA01, v0  }
0x40: {  	v2 =	vsel vm13, $0x2881, v2;
	v1 =	vsel vm3, $0x1981, v1;
	v0 =	vsel vm1, $0xA81, v0  }
0x41: {  	v2 =	vsel vm4, $0x2901, v2;
	v57 =	vsel vm2, $0x1A01, v1;
	v0 =	vsel vm0, $0xB01, v0  }
0x42: {  	v61 =	vsel vm14, $0x3001, v59;
	v2 =	vsel vm3, $0x2981, v2;
	[tilespmem:$0x1FC90] =	vst v0;
	v0 =	vsel vm1, $0x1A81, v57  }
0x43: {  	v24 =	vsel vm14, $0x6001, v22;
	v58 =	vsel vm2, $0x2A01, v2;
	v0 =	vsel vm0, $0x1B01, v0  }
0x44: {  	v31 =	vsel vm14, $0x1002, v29;
	v1 =	vsel vm1, $0x2A81, v58;
	[tilespmem:$0x1FCA0] =	vst v0;
	v0 =	vsel vm5, $0x3081, v61  }
0x45: {  	v60 =	vsel vm0, $0x2B01, v1;
	v1 =	vsel vm14, $0x4001, v62;
	v0 =	vsel vm6, $0x3101, v0  }
0x46: {  	v38 =	vsel vm14, $0x4002, v36;
	v1 =	vsel vm5, $0x4081, v1;
	v0 =	vsel vm7, $0x3181, v0  }
0x47: {  	v2 =	vsel vm14, $0x5001, v63;
	v1 =	vsel vm6, $0x4101, v1;
	v0 =	vsel vm8, $0x3201, v0  }
0x48: {  	v2 =	vsel vm5, $0x5081, v2;
	v1 =	vsel vm7, $0x4181, v1;
	v0 =	vsel vm9, $0x3281, v0  }
0x49: {  	v2 =	vsel vm6, $0x5101, v2;
	v1 =	vsel vm8, $0x4201, v1;
	v0 =	vsel vm10, $0x3301, v0  }
0x4a: {  	v2 =	vsel vm7, $0x5181, v2;
	v1 =	vsel vm9, $0x4281, v1;
	v0 =	vsel vm11, $0x3381, v0  }
0x4b: {  	v2 =	vsel vm8, $0x5201, v2;
	v1 =	vsel vm10, $0x4301, v1;
	v0 =	vsel vm12, $0x3801, v0  }
0x4c: {  	v2 =	vsel vm9, $0x5281, v2;
	v1 =	vsel vm11, $0x4381, v1;
	v0 =	vsel vm13, $0x3881, v0  }
0x4d: {  	v2 =	vsel vm10, $0x5301, v2;
	v1 =	vsel vm12, $0x4801, v1;
	v0 =	vsel vm4, $0x3901, v0  }
0x4e: {  	v2 =	vsel vm11, $0x5381, v2;
	v1 =	vsel vm13, $0x4881, v1;
	v0 =	vsel vm3, $0x3981, v0  }
0x4f: {  	v2 =	vsel vm12, $0x5801, v2;
	v1 =	vsel vm4, $0x4901, v1;
	v0 =	vsel vm2, $0x3A01, v0  }
0x50: {  	v2 =	vsel vm13, $0x5881, v2;
	v1 =	vsel vm3, $0x4981, v1;
	v0 =	vsel vm1, $0x3A81, v0  }
0x51: {  	[tilespmem:$0x1FC20] =	vst v39;
	v2 =	vsel vm4, $0x5901, v2;
	v20 =	vsel vm2, $0x4A01, v1;
	v0 =	vsel vm0, $0x3B01, v0  }
0x52: {  	v39 =	vimm.s32 $0x5B82;
	v2 =	vsel vm3, $0x5981, v2;
	[tilespmem:$0x1FCC0] =	vst v0;
	v0 =	vsel vm1, $0x4A81, v20  }
0x53: {  	v40 =	vimm.s32 $0x6B82;
	[tilespmem:$0x1FC50] =	vst v46;
	v21 =	vsel vm2, $0x5A01, v2;
	v0 =	vsel vm0, $0x4B01, v0  }
0x54: {  	v46 =	vimm.s32 $0xB83;
	v1 =	vsel vm1, $0x5A81, v21;
	[tilespmem:$0x1FCD0] =	vst v0;
	v0 =	vsel vm5, $0x6081, v24  }
0x55: {  	v23 =	vsel vm0, $0x5B01, v1;
	v1 =	vsel vm14, $0x7001, v25;
	v0 =	vsel vm6, $0x6101, v0  }
0x56: {  	v43 =	vimm.s32 $0x7B82;
	v1 =	vsel vm5, $0x7081, v1;
	v0 =	vsel vm7, $0x6181, v0  }
0x57: {  	v2 =	vsel vm14, $0x2, v26;
	v1 =	vsel vm6, $0x7101, v1;
	v0 =	vsel vm8, $0x6201, v0  }
0x58: {  	v2 =	vsel vm5, $0x82, v2;
	v1 =	vsel vm7, $0x7181, v1;
	v0 =	vsel vm9, $0x6281, v0  }
0x59: {  	v2 =	vsel vm6, $0x102, v2;
	v1 =	vsel vm8, $0x7201, v1;
	v0 =	vsel vm10, $0x6301, v0  }
0x5a: {  	v2 =	vsel vm7, $0x182, v2;
	v1 =	vsel vm9, $0x7281, v1;
	v0 =	vsel vm11, $0x6381, v0  }
0x5b: {  	v2 =	vsel vm8, $0x202, v2;
	v1 =	vsel vm10, $0x7301, v1;
	v0 =	vsel vm12, $0x6801, v0  }
0x5c: {  	v2 =	vsel vm9, $0x282, v2;
	v1 =	vsel vm11, $0x7381, v1;
	v0 =	vsel vm13, $0x6881, v0  }
0x5d: {  	v2 =	vsel vm10, $0x302, v2;
	v1 =	vsel vm12, $0x7801, v1;
	v0 =	vsel vm4, $0x6901, v0  }
0x5e: {  	v2 =	vsel vm11, $0x382, v2;
	v1 =	vsel vm13, $0x7881, v1;
	v0 =	vsel vm3, $0x6981, v0  }
0x5f: {  	v2 =	vsel vm12, $0x802, v2;
	v1 =	vsel vm4, $0x7901, v1;
	v0 =	vsel vm2, $0x6A01, v0  }
0x60: {  	v2 =	vsel vm13, $0x882, v2;
	v1 =	vsel vm3, $0x7981, v1;
	v0 =	vsel vm1, $0x6A81, v0  }
0x61: {  	v2 =	vsel vm4, $0x902, v2;
	v27 =	vsel vm2, $0x7A01, v1;
	v0 =	vsel vm0, $0x6B01, v0  }
0x62: {  	v45 =	vsel vm14, $0x7002, v43;
	v2 =	vsel vm3, $0x982, v2;
	[tilespmem:$0x1FCF0] =	vst v0;
	v0 =	vsel vm1, $0x7A81, v27  }
0x63: {  	v47 =	vimm.s32 $0x1B83;
	[tilespmem:$0x1FC80] =	vst v53;
	v28 =	vsel vm2, $0xA02, v2;
	v0 =	vsel vm0, $0x7B01, v0  }
0x64: {  	v53 =	vimm.s32 $0x3B83;
	v1 =	vsel vm1, $0xA82, v28;
	[tilespmem:$0x1FD00] =	vst v0;
	v0 =	vsel vm5, $0x1082, v31  }
0x65: {  	v30 =	vsel vm0, $0xB02, v1;
	v1 =	vsel vm14, $0x2002, v32;
	v0 =	vsel vm6, $0x1102, v0  }
0x66: {  	v50 =	vimm.s32 $0x2B83;
	v1 =	vsel vm5, $0x2082, v1;
	v0 =	vsel vm7, $0x1182, v0  }
0x67: {  	v2 =	vsel vm14, $0x3002, v33;
	v1 =	vsel vm6, $0x2102, v1;
	v0 =	vsel vm8, $0x1202, v0  }
0x68: {  	v2 =	vsel vm5, $0x3082, v2;
	v1 =	vsel vm7, $0x2182, v1;
	v0 =	vsel vm9, $0x1282, v0  }
0x69: {  	v2 =	vsel vm6, $0x3102, v2;
	v1 =	vsel vm8, $0x2202, v1;
	v0 =	vsel vm10, $0x1302, v0  }
0x6a: {  	v2 =	vsel vm7, $0x3182, v2;
	v1 =	vsel vm9, $0x2282, v1;
	v0 =	vsel vm11, $0x1382, v0  }
0x6b: {  	v2 =	vsel vm8, $0x3202, v2;
	v1 =	vsel vm10, $0x2302, v1;
	v0 =	vsel vm12, $0x1802, v0  }
0x6c: {  	v2 =	vsel vm9, $0x3282, v2;
	v1 =	vsel vm11, $0x2382, v1;
	v0 =	vsel vm13, $0x1882, v0  }
0x6d: {  	v2 =	vsel vm10, $0x3302, v2;
	v1 =	vsel vm12, $0x2802, v1;
	v0 =	vsel vm4, $0x1902, v0  }
0x6e: {  	v2 =	vsel vm11, $0x3382, v2;
	v1 =	vsel vm13, $0x2882, v1;
	v0 =	vsel vm3, $0x1982, v0  }
0x6f: {  	v2 =	vsel vm12, $0x3802, v2;
	v1 =	vsel vm4, $0x2902, v1;
	v0 =	vsel vm2, $0x1A02, v0  }
0x70: {  	v2 =	vsel vm13, $0x3882, v2;
	v1 =	vsel vm3, $0x2982, v1;
	v0 =	vsel vm1, $0x1A82, v0  }
0x71: {  	v2 =	vsel vm4, $0x3902, v2;
	v34 =	vsel vm2, $0x2A02, v1;
	v0 =	vsel vm0, $0x1B02, v0  }
0x72: {  	v52 =	vsel vm14, $0x2003, v50;
	v2 =	vsel vm3, $0x3982, v2;
	[tilespmem:$0x1FD20] =	vst v0;
	v0 =	vsel vm1, $0x2A82, v34  }
0x73: {  	v54 =	vimm.s32 $0x4B83;
	[tilespmem:$0x1FCB0] =	vst v60;
	v35 =	vsel vm2, $0x3A02, v2;
	v0 =	vsel vm0, $0x2B02, v0  }
0x74: {  	v60 =	vimm.s32 $0x6B83;
	v1 =	vsel vm1, $0x3A82, v35;
	[tilespmem:$0x1FD30] =	vst v0;
	v0 =	vsel vm5, $0x4082, v38  }
0x75: {  	v37 =	vsel vm0, $0x3B02, v1;
	v1 =	vsel vm14, $0x5002, v39;
	v0 =	vsel vm6, $0x4102, v0  }
0x76: {  	v2 =	vsel vm14, $0x6002, v40;
	v1 =	vsel vm5, $0x5082, v1;
	v0 =	vsel vm7, $0x4182, v0  }
0x77: {  	v2 =	vsel vm5, $0x6082, v2;
	v1 =	vsel vm6, $0x5102, v1;
	v0 =	vsel vm8, $0x4202, v0  }
0x78: {  	v2 =	vsel vm6, $0x6102, v2;
	v1 =	vsel vm7, $0x5182, v1;
	v0 =	vsel vm9, $0x4282, v0  }
0x79: {  	v2 =	vsel vm7, $0x6182, v2;
	v1 =	vsel vm8, $0x5202, v1;
	v0 =	vsel vm10, $0x4302, v0  }
0x7a: {  	v2 =	vsel vm8, $0x6202, v2;
	v1 =	vsel vm9, $0x5282, v1;
	v0 =	vsel vm11, $0x4382, v0  }
0x7b: {  	v2 =	vsel vm9, $0x6282, v2;
	v1 =	vsel vm10, $0x5302, v1;
	v0 =	vsel vm12, $0x4802, v0  }
0x7c: {  	v2 =	vsel vm10, $0x6302, v2;
	v1 =	vsel vm11, $0x5382, v1;
	v0 =	vsel vm13, $0x4882, v0  }
0x7d: {  	v2 =	vsel vm11, $0x6382, v2;
	v1 =	vsel vm12, $0x5802, v1;
	v0 =	vsel vm4, $0x4902, v0  }
0x7e: {  	v2 =	vsel vm12, $0x6802, v2;
	v1 =	vsel vm13, $0x5882, v1;
	v0 =	vsel vm3, $0x4982, v0  }
0x7f: {  	v2 =	vsel vm13, $0x6882, v2;
	v1 =	vsel vm4, $0x5902, v1;
	v0 =	vsel vm2, $0x4A02, v0  }
0x80: {  	v2 =	vsel vm4, $0x6902, v2;
	v1 =	vsel vm3, $0x5982, v1;
	v0 =	vsel vm1, $0x4A82, v0  }
0x81: {  	v2 =	vsel vm3, $0x6982, v2;
	v41 =	vsel vm2, $0x5A02, v1;
	v0 =	vsel vm0, $0x4B02, v0  }
0x82: {  	v42 =	vsel vm2, $0x6A02, v2;
	v2 =	vsel vm14, $0x1003, v47;
	[tilespmem:$0x1FD50] =	vst v0;
	v0 =	vsel vm1, $0x5A82, v41  }
0x83: {  	v57 =	vimm.s32 $0x5B83;
	v2 =	vsel vm5, $0x1083, v2;
	v0 =	vsel vm0, $0x5B02, v0  }
0x84: {  	v2 =	vsel vm6, $0x1103, v2;
	v1 =	vsel vm1, $0x6A82, v42;
	[tilespmem:$0x1FD60] =	vst v0;
	v0 =	vsel vm5, $0x7082, v45  }
0x85: {  	v44 =	vsel vm0, $0x6B02, v1;
	v1 =	vsel vm14, $0x3, v46;
	v0 =	vsel vm6, $0x7102, v0  }
0x86: {  	v2 =	vsel vm7, $0x1183, v2;
	v1 =	vsel vm5, $0x83, v1;
	v0 =	vsel vm7, $0x7182, v0  }
0x87: {  	v2 =	vsel vm8, $0x1203, v2;
	v1 =	vsel vm6, $0x103, v1;
	v0 =	vsel vm8, $0x7202, v0  }
0x88: {  	v2 =	vsel vm9, $0x1283, v2;
	v1 =	vsel vm7, $0x183, v1;
	v0 =	vsel vm9, $0x7282, v0  }
0x89: {  	v2 =	vsel vm10, $0x1303, v2;
	v1 =	vsel vm8, $0x203, v1;
	v0 =	vsel vm10, $0x7302, v0  }
0x8a: {  	v2 =	vsel vm11, $0x1383, v2;
	v1 =	vsel vm9, $0x283, v1;
	v0 =	vsel vm11, $0x7382, v0  }
0x8b: {  	v2 =	vsel vm12, $0x1803, v2;
	v1 =	vsel vm10, $0x303, v1;
	v0 =	vsel vm12, $0x7802, v0  }
0x8c: {  	v2 =	vsel vm13, $0x1883, v2;
	v1 =	vsel vm11, $0x383, v1;
	v0 =	vsel vm13, $0x7882, v0  }
0x8d: {  	v2 =	vsel vm4, $0x1903, v2;
	v1 =	vsel vm12, $0x803, v1;
	v0 =	vsel vm4, $0x7902, v0  }
0x8e: {  	v2 =	vsel vm3, $0x1983, v2;
	v1 =	vsel vm13, $0x883, v1;
	v0 =	vsel vm3, $0x7982, v0  }
0x8f: {  	v49 =	vsel vm2, $0x1A03, v2;
	v1 =	vsel vm4, $0x903, v1;
	v0 =	vsel vm2, $0x7A02, v0  }
0x90: {  	v2 =	vsel vm14, $0x4003, v54;
	v1 =	vsel vm3, $0x983, v1;
	v0 =	vsel vm1, $0x7A82, v0  }
0x91: {  	v2 =	vsel vm5, $0x4083, v2;
	v48 =	vsel vm2, $0xA03, v1;
	v0 =	vsel vm0, $0x7B02, v0  }
0x92: {  	v59 =	vsel vm14, $0x5003, v57;
	v2 =	vsel vm6, $0x4103, v2;
	[tilespmem:$0x1FD80] =	vst v0;
	v0 =	vsel vm1, $0xA83, v48  }
0x93: {  	v61 =	vimm.s32 $0x7B83;
	v2 =	vsel vm7, $0x4183, v2;
	v0 =	vsel vm0, $0xB03, v0  }
0x94: {  	v2 =	vsel vm8, $0x4203, v2;
	v1 =	vsel vm1, $0x1A83, v49;
	[tilespmem:$0x1FD90] =	vst v0;
	v0 =	vsel vm5, $0x2083, v52  }
0x95: {  	v51 =	vsel vm0, $0x1B03, v1;
	v1 =	vsel vm14, $0x3003, v53;
	v0 =	vsel vm6, $0x2103, v0  }
0x96: {  	v2 =	vsel vm9, $0x4283, v2;
	v1 =	vsel vm5, $0x3083, v1;
	v0 =	vsel vm7, $0x2183, v0  }
0x97: {  	v2 =	vsel vm10, $0x4303, v2;
	v1 =	vsel vm6, $0x3103, v1;
	v0 =	vsel vm8, $0x2203, v0  }
0x98: {  	v2 =	vsel vm11, $0x4383, v2;
	v1 =	vsel vm7, $0x3183, v1;
	v0 =	vsel vm9, $0x2283, v0  }
0x99: {  	v2 =	vsel vm12, $0x4803, v2;
	v1 =	vsel vm8, $0x3203, v1;
	v0 =	vsel vm10, $0x2303, v0  }
0x9a: {  	v2 =	vsel vm13, $0x4883, v2;
	v1 =	vsel vm9, $0x3283, v1;
	v0 =	vsel vm11, $0x2383, v0  }
0x9b: {  	v2 =	vsel vm4, $0x4903, v2;
	v1 =	vsel vm10, $0x3303, v1;
	v0 =	vsel vm12, $0x2803, v0  }
0x9c: {  	v2 =	vsel vm3, $0x4983, v2;
	v1 =	vsel vm11, $0x3383, v1;
	v0 =	vsel vm13, $0x2883, v0  }
0x9d: {  	v56 =	vsel vm2, $0x4A03, v2;
	v1 =	vsel vm12, $0x3803, v1;
	v0 =	vsel vm4, $0x2903, v0  }
0x9e: {  	v2 =	vsel vm14, $0x7003, v61;
	v1 =	vsel vm13, $0x3883, v1;
	v0 =	vsel vm3, $0x2983, v0  }
0x9f: {  	v2 =	vsel vm5, $0x7083, v2;
	v1 =	vsel vm4, $0x3903, v1;
	v0 =	vsel vm2, $0x2A03, v0  }
0xa0: {  	v2 =	vsel vm6, $0x7103, v2;
	v1 =	vsel vm3, $0x3983, v1;
	v0 =	vsel vm1, $0x2A83, v0  }
0xa1: {  	v55 =	vsel vm2, $0x3A03, v1;
	v1 =	vsel vm1, $0x4A83, v56;
	v0 =	vsel vm0, $0x2B03, v0  }
0xa2: {  	v58 =	vsel vm0, $0x4B03, v1;
	v1 =	vsel vm14, $0x6003, v60;
	[tilespmem:$0x1FDB0] =	vst v0;
	v0 =	vsel vm1, $0x3A83, v55  }
0xa3: {  	v2 =	vsel vm7, $0x7183, v2;
	v1 =	vsel vm5, $0x6083, v1;
	v0 =	vsel vm0, $0x3B03, v0  }
0xa4: {  	v2 =	vsel vm8, $0x7203, v2;
	v1 =	vsel vm6, $0x6103, v1;
	[tilespmem:$0x1FDC0] =	vst v0;
	v0 =	vsel vm5, $0x5083, v59  }
0xa5: {  	v2 =	vsel vm9, $0x7283, v2;
	v1 =	vsel vm7, $0x6183, v1;
	v0 =	vsel vm6, $0x5103, v0  }
0xa6: {  	v2 =	vsel vm10, $0x7303, v2;
	v1 =	vsel vm8, $0x6203, v1;
	v0 =	vsel vm7, $0x5183, v0  }
0xa7: {  	v2 =	vsel vm11, $0x7383, v2;
	v1 =	vsel vm9, $0x6283, v1;
	v0 =	vsel vm8, $0x5203, v0  }
0xa8: {  	v2 =	vsel vm12, $0x7803, v2;
	v1 =	vsel vm10, $0x6303, v1;
	v0 =	vsel vm9, $0x5283, v0  }
0xa9: {  	v2 =	vsel vm13, $0x7883, v2;
	v1 =	vsel vm11, $0x6383, v1;
	v0 =	vsel vm10, $0x5303, v0  }
0xaa: {  	[tilespmem:$0x1FCE0] =	vst v23;
	v2 =	vsel vm4, $0x7903, v2;
	v1 =	vsel vm12, $0x6803, v1;
	v0 =	vsel vm11, $0x5383, v0  }
0xab: {  	[tilespmem:$0x1FD10] =	vst v30;
	v2 =	vsel vm3, $0x7983, v2;
	v1 =	vsel vm13, $0x6883, v1;
	v0 =	vsel vm12, $0x5803, v0  }
0xac: {  	[tilespmem:$0x1FD40] =	vst v37;
	v2 =	vsel vm2, $0x7A03, v2;
	v1 =	vsel vm4, $0x6903, v1;
	v0 =	vsel vm13, $0x5883, v0  }
0xad: {  	[tilespmem:$0x1FD70] =	vst v44;
	v2 =	vsel vm1, $0x7A83, v2;
	v1 =	vsel vm3, $0x6983, v1;
	v0 =	vsel vm4, $0x5903, v0  }
0xae: {  	[tilespmem:$0x1FDA0] =	vst v51;
	v63 =	vsel vm0, $0x7B03, v2;
	v1 =	vsel vm2, $0x6A03, v1;
	v0 =	vsel vm3, $0x5983, v0  }
0xaf: {  	v37 =	vlaneseq.u32;
	[tilespmem:$0x1FE00] =	vst v63;
	v1 =	vsel vm1, $0x6A83, v1;
	v0 =	vsel vm2, $0x5A03, v0  }
0xb0: {  	v36 =	vmul.u32 $0x80, v37;
	[tilespmem:$0x1FDD0] =	vst v58;
	v62 =	vsel vm0, $0x6B03, v1;
	v0 =	vsel vm1, $0x5A83, v0  }
0xb1: {  	s0 =	rddreg [dreg:$0x0];
	s3 =	simm.s32 $0x0;
	[tilespmem:$0x1FDF0] =	vst v62;
	v0 =	vsel vm0, $0x5B03, v0  }
0xb2: {  	[smem:$0x7FF] =	sst s3;
	v55 =	vor.u32 $0x10, v36;
	[tilespmem:$0x1FDE0] =	vst v0  }
0xb3: {  	s1 =	rddreg [dreg:$0x1];
	v52 =	vor.u32 $0x800, v37;
	_ =	strace $0x80000047;
	[tilespmem:$0x1FE10] =	vst v55  }
0xb4: {  	v41 =	vor.u32 $0x20, v36;
	[tilespmem:$0x1FE20] =	vst v52  }
0xb5: {  	v54 =	vor.u32 $0x1000, v37;
	[tilespmem:$0x1FE30] =	vst v41  }
0xb6: {  	v38 =	vor.u32 $0x30, v36;
	[tilespmem:$0x1FE40] =	vst v54  }
0xb7: {  	v56 =	vor.u32 $0x1800, v37;
	[tilespmem:$0x1FE50] =	vst v38  }
0xb8: {  	v45 =	vor.u32 $0x800, v36;
	[tilespmem:$0x1FE60] =	vst v56  }
0xb9: {  	v58 =	vor.u32 $0x10, v37;
	[tilespmem:$0x1FE70] =	vst v45  }
0xba: {  	v59 =	vor.u32 $0x810, v36;
	[tilespmem:$0x1FE80] =	vst v58  }
0xbb: {  	v42 =	vor.u32 $0x810, v37;
	[tilespmem:$0x1FE90] =	vst v59  }
0xbc: {  	v49 =	vor.u32 $0x820, v36;
	[tilespmem:$0x1FEA0] =	vst v42  }
0xbd: {  	v40 =	vor.u32 $0x1010, v37;
	[tilespmem:$0x1FEB0] =	vst v49  }
0xbe: {  	v9 =	vor.u32 $0x830, v36;
	[tilespmem:$0x1FEC0] =	vst v40  }
0xbf: {  	v46 =	vor.u32 $0x1810, v37;
	[tilespmem:$0x1FED0] =	vst v9  }
0xc0: {  	v51 =	vor.u32 $0x1000, v36;
	[tilespmem:$0x1FEE0] =	vst v46  }
0xc1: {  	v47 =	vor.u32 $0x20, v37;
	[tilespmem:$0x1FEF0] =	vst v51  }
0xc2: {  	v15 =	vor.u32 $0x1010, v36;
	[tilespmem:$0x1FF00] =	vst v47  }
0xc3: {  	v60 =	vor.u32 $0x820, v37;
	[tilespmem:$0x1FF10] =	vst v15  }
0xc4: {  	v16 =	vor.u32 $0x1020, v36;
	[tilespmem:$0x1FF20] =	vst v60  }
0xc5: {  	s2 =	srdreg.scid;
	s4 =	stileid.u32;
	s11 =	simm.s32 $0x7;
	v48 =	vor.u32 $0x1020, v37;
	[tilespmem:$0x1FF30] =	vst v16  }
0xc6: {  	s12 =	simm.s32 $0x80;
	s13 =	simm.s32 $0x8000;
	s14 =	simm.s32 $0x8200;
	v14 =	vor.u32 $0x1030, v36;
	[tilespmem:$0x1FF40] =	vst v48  }
0xc7: {  	s15 =	simm.s32 $0x8080;
	s16 =	simm.s32 $0xC200;
	s17 =	simm.s32 $0x8100;
	v50 =	vor.u32 $0x1820, v37;
	[tilespmem:$0x1FF50] =	vst v14  }
0xc8: {  	s18 =	simm.s32 $0x10200;
	s19 =	simm.s32 $0x8180;
	s20 =	simm.s32 $0x14200;
	v6 =	vor.u32 $0x1800, v36;
	[tilespmem:$0x1FF60] =	vst v50  }
0xc9: {  	s21 =	simm.s32 $0x1;
	s22 =	simm.s32 $0x18200;
	s23 =	simm.s32 $0x400;
	v10 =	vor.u32 $0x30, v37;
	[tilespmem:$0x1FF70] =	vst v6  }
0xca: {  	s24 =	simm.s32 $0x2;
	s25 =	simm.s32 $0x6;
	s28 =	simm.s32 $0x3;
	v12 =	vor.u32 $0x1810, v36;
	[tilespmem:$0x1FF80] =	vst v10  }
0xcb: {  	s29 =	simm.s32 $0x5;
	s30 =	simm.s32 $0x4;
	s2 =	sand.u32 $0x1, s2;
	v44 =	vor.u32 $0x830, v37;
	[tilespmem:$0x1FF90] =	vst v12  }
0xcc: {  	s31 =	simm.s32 $0x0;
	s4 =	sshll.u32 s4, $0x8;
	s5 =	sshll.u32 s2, $0x7;
	v11 =	vor.u32 $0x1820, v36;
	[tilespmem:$0x1FFA0] =	vst v44  }
.Ltmp0:
0xcd: {  	s2 =	ssub.s32 $0x2, s2;
	s4 =	sor.u32 s5, s4;
	v62 =	vor.u32 $0x1030, v37;
	[tilespmem:$0x1FFB0] =	vst v11;
	(pc) =	sbr.rel .LBB2_1-.Ltmp0, $4  }
0xce: {  	s8 =	sadd.s32 $0x10000, s1;
	s6 =	sshrl.u32 s2, $0x1;
	s7 =	sshll.u32 s4, $0x5;
	v8 =	vor.u32 $0x1830, v36;
	[tilespmem:$0x1FFC0] =	vst v62  }
0xcf: {  	s5 =	sadd.s32 $0x20000, s0;
	s2 =	ssub.s32 s2, s6;
	s0 =	sadd.s32 s0, s7;
	v13 =	vor.u32 $0x1830, v37;
	[tilespmem:$0x1FFD0] =	vst v8  }
0xd0: {  	s9 =	sadd.s32 $0x18000, s1;
	s26 =	smax.u32 s2, $0x1;
	[dreg:$0x3] =	wrdreg s0;
	[tilespmem:$0x1FFE0] =	vst v13  }
0xd1: {  	s7 =	sadd.s32 $0x8000, s1;
	[dreg:$0x4] =	wrdreg s26;
	s26 =	simm.s32 $0x1A200;
	[tilespmem:$0x1FFF0] =	vst v36  }
.LBB2_16:
0xd2: {  	_ =	swait.ge [sflag:s29], $0x2000  }
0xd3: {  	[sflag:s29] =	ssyncset.done $0x0  }
0xd4: {  	[sflag:s29] =	ssyncadd.s32 $0xFFFFE000  }
0xd5: {  	_ =	swait.ge [sflag:s25], $0x2000  }
0xd6: {  	v36 =	vld [tilespmem:$0x1FFF0]  }
0xd7: {  	v52 =	vld [tilespmem:$0x1FE20]  }
0xd8: {  	v54 =	vld [tilespmem:$0x1FE40]  }
0xd9: {  	v56 =	vld [tilespmem:$0x1FE60]  }
0xda: {  	v58 =	vld [tilespmem:$0x1FE80]  }
0xdb: {  	v42 =	vld [tilespmem:$0x1FEA0]  }
0xdc: {  	v40 =	vld [tilespmem:$0x1FEC0]  }
0xdd: {  	v46 =	vld [tilespmem:$0x1FEE0]  }
0xde: {  	v47 =	vld [tilespmem:$0x1FF00]  }
0xdf: {  	v60 =	vld [tilespmem:$0x1FF20]  }
0xe0: {  	s31 =	sadd.s32 $0x1, s31;
	s0 =	rddreg [dreg:$0x4];
	v48 =	vld [tilespmem:$0x1FF40]  }
0xe1: {  	v50 =	vld [tilespmem:$0x1FF60];
	p0 =	sne.s32 s31, s0  }
.Ltmp1:
0xe2: {  	v10 =	vld [tilespmem:$0x1FF80];
	(pc) =	sbr.rel @!p0 .LBB2_17-.Ltmp1, $4  }
0xe3: {  	v44 =	vld [tilespmem:$0x1FFA0]  }
0xe4: {  	v11 =	vld [tilespmem:$0x1FFB0]  }
0xe5: {  	[sflag:s25] =	ssyncset.done $0x0;
	v62 =	vld [tilespmem:$0x1FFC0]  }
0xe6: {  	v37 =	vlaneseq.u32;
	v8 =	vld [tilespmem:$0x1FFD0];
	[sflag:s25] =	ssyncadd.s32 $0xFFFFE000  }
.LBB2_1:
0xe7: {  	s0 =	rddreg [dreg:$0x3]  }
0xe8: {  	[tilespmem:s3], [sflag:$0x7] =	stream.linear.gather [hbm4b:s0+s3], $0x8000, $0x38;
	[tilespmem:$0x1C200] =	vst v63  }
0xe9: {  	_ =	swait.ge [sflag:s11], $0x8000  }
0xea: {  	v0 =	vld [tilespmem:$0x1FC10];
	_ =	sdelay $0x5  }
0xeb: {  	[sflag:s11] =	ssyncset.done $0x0;
	v33 =	vld [tilespmem:$0x1FC20]  }
0xec: {  	[sflag:s11] =	ssyncadd.s32 $0xFFFF8000  }
0xed: {  	v0 =	vld.idx.msk [tilespmem:v0+s3+$0x0], $0xffff;
	_ =	sdelay $0x3  }
0xee: {  	v34 =	vld [tilespmem:$0x1FC30]  }
0xef: {  	[tilespmem:$0x8000] =	vst v0  }
0xf0: {  	v0 =	vld.idx.msk [tilespmem:v33+s3+$0x0], $0xffff;
	_ =	sdelay $0x3  }
0xf1: {  	v35 =	vld [tilespmem:$0x1FC40]  }
0xf2: {  	[tilespmem:$0x8010] =	vst v0  }
0xf3: {  	v0 =	vld.idx.msk [tilespmem:v34+s3+$0x0], $0xffff;
	_ =	sdelay $0x3  }
0xf4: {  	v39 =	vld [tilespmem:$0x1FC50]  }
0xf5: {  	[tilespmem:$0x8020] =	vst v0  }
0xf6: {  	v0 =	vld.idx.msk [tilespmem:v35+s3+$0x0], $0xffff;
	_ =	sdelay $0x3  }
0xf7: {  	v43 =	vld [tilespmem:$0x1FC60]  }
0xf8: {  	[tilespmem:$0x8030] =	vst v0  }
0xf9: {  	v0 =	vld.idx.msk [tilespmem:v39+s3+$0x0], $0xffff;
	_ =	sdelay $0x3  }
0xfa: {  	v53 =	vld [tilespmem:$0x1FC70]  }
0xfb: {  	[tilespmem:$0x8040] =	vst v0  }
0xfc: {  	v0 =	vld.idx.msk [tilespmem:v43+s3+$0x0], $0xffff;
	_ =	sdelay $0x3  }
0xfd: {  	v57 =	vld [tilespmem:$0x1FC80]  }
0xfe: {  	[tilespmem:$0x8050] =	vst v0  }
0xff: {  	v0 =	vld.idx.msk [tilespmem:v53+s3+$0x0], $0xffff;
	_ =	sdelay $0x4  }
0x100: {  	v61 =	vld [tilespmem:$0x1FC90];
	[tilespmem:$0x8060] =	vst v0  }
0x101: {  	v0 =	vld.idx.msk [tilespmem:v57+s3+$0x0], $0xffff;
	_ =	sdelay $0x4  }
0x102: {  	[tilespmem:$0x8070] =	vst v0  }
0x103: {  	v63 =	vld [tilespmem:$0x1FCA0];
	[tilespmem:s14], [sflag:$0x1] =	stream.indirect.gather [hbm4b:s5+s12], $0x80, s13, s12, $0xb8  }
0x104: {  	v0 =	vld.idx.msk [tilespmem:v61+s3+$0x0], $0xffff;
	_ =	sdelay $0x4  }
0x105: {  	v0 =	vadd.s32 $0x64, v0  }
0x106: {  	v20 =	vld [tilespmem:$0x1FCB0];
	[tilespmem:$0x8080] =	vst v0  }
0x107: {  	v0 =	vld.idx.msk [tilespmem:v63+s3+$0x0], $0xffff;
	_ =	sdelay $0x4  }
0x108: {  	v0 =	vadd.s32 $0x64, v0  }
0x109: {  	v21 =	vld [tilespmem:$0x1FCC0];
	[tilespmem:$0x8090] =	vst v0  }
0x10a: {  	v0 =	vld.idx.msk [tilespmem:v20+s3+$0x0], $0xffff;
	_ =	sdelay $0x4  }
0x10b: {  	v0 =	vadd.s32 $0x64, v0  }
0x10c: {  	v22 =	vld [tilespmem:$0x1FCD0];
	[tilespmem:$0x80A0] =	vst v0  }
0x10d: {  	v0 =	vld.idx.msk [tilespmem:v21+s3+$0x0], $0xffff;
	_ =	sdelay $0x4  }
0x10e: {  	v0 =	vadd.s32 $0x64, v0  }
0x10f: {  	v23 =	vld [tilespmem:$0x1FCE0];
	[tilespmem:$0x80B0] =	vst v0  }
0x110: {  	v0 =	vld.idx.msk [tilespmem:v22+s3+$0x0], $0xffff;
	_ =	sdelay $0x4  }
0x111: {  	v0 =	vadd.s32 $0x64, v0  }
0x112: {  	v24 =	vld [tilespmem:$0x1FCF0];
	[tilespmem:$0x80C0] =	vst v0  }
0x113: {  	v0 =	vld.idx.msk [tilespmem:v23+s3+$0x0], $0xffff;
	_ =	sdelay $0x4  }
0x114: {  	v0 =	vadd.s32 $0x64, v0  }
0x115: {  	v25 =	vld [tilespmem:$0x1FD00];
	[tilespmem:$0x80D0] =	vst v0  }
0x116: {  	v0 =	vld.idx.msk [tilespmem:v24+s3+$0x0], $0xffff;
	_ =	sdelay $0x4  }
0x117: {  	v0 =	vadd.s32 $0x64, v0  }
0x118: {  	v26 =	vld [tilespmem:$0x1FD10];
	[tilespmem:$0x80E0] =	vst v0  }
0x119: {  	v0 =	vld.idx.msk [tilespmem:v25+s3+$0x0], $0xffff;
	_ =	sdelay $0x4  }
0x11a: {  	v0 =	vadd.s32 $0x64, v0  }
0x11b: {  	[tilespmem:$0x80F0] =	vst v0  }
0x11c: {  	v27 =	vld [tilespmem:$0x1FD20];
	[tilespmem:s16], [sflag:$0x2] =	stream.indirect.gather [hbm4b:s5+s12], $0x80, s15, s12, $0xb8  }
0x11d: {  	v0 =	vld.idx.msk [tilespmem:v26+s3+$0x0], $0xffff;
	_ =	sdelay $0x4  }
0x11e: {  	v0 =	vadd.s32 $0xC8, v0  }
0x11f: {  	v28 =	vld [tilespmem:$0x1FD30];
	[tilespmem:$0x8100] =	vst v0  }
0x120: {  	v0 =	vld.idx.msk [tilespmem:v27+s3+$0x0], $0xffff;
	_ =	sdelay $0x4  }
0x121: {  	v0 =	vadd.s32 $0xC8, v0  }
0x122: {  	v29 =	vld [tilespmem:$0x1FD40];
	[tilespmem:$0x8110] =	vst v0  }
0x123: {  	v0 =	vld.idx.msk [tilespmem:v28+s3+$0x0], $0xffff;
	_ =	sdelay $0x4  }
0x124: {  	v0 =	vadd.s32 $0xC8, v0  }
0x125: {  	v30 =	vld [tilespmem:$0x1FD50];
	[tilespmem:$0x8120] =	vst v0  }
0x126: {  	v0 =	vld.idx.msk [tilespmem:v29+s3+$0x0], $0xffff;
	_ =	sdelay $0x4  }
0x127: {  	v0 =	vadd.s32 $0xC8, v0  }
0x128: {  	v31 =	vld [tilespmem:$0x1FD60];
	[tilespmem:$0x8130] =	vst v0  }
0x129: {  	v0 =	vld.idx.msk [tilespmem:v30+s3+$0x0], $0xffff;
	_ =	sdelay $0x4  }
0x12a: {  	v0 =	vadd.s32 $0xC8, v0  }
0x12b: {  	v32 =	vld [tilespmem:$0x1FD70];
	[tilespmem:$0x8140] =	vst v0  }
0x12c: {  	v0 =	vld.idx.msk [tilespmem:v31+s3+$0x0], $0xffff;
	_ =	sdelay $0x4  }
0x12d: {  	v0 =	vadd.s32 $0xC8, v0  }
0x12e: {  	v33 =	vld [tilespmem:$0x1FD80];
	[tilespmem:$0x8150] =	vst v0  }
0x12f: {  	v0 =	vld.idx.msk [tilespmem:v32+s3+$0x0], $0xffff;
	_ =	sdelay $0x4  }
0x130: {  	v0 =	vadd.s32 $0xC8, v0  }
0x131: {  	v34 =	vld [tilespmem:$0x1FD90];
	[tilespmem:$0x8160] =	vst v0  }
0x132: {  	v0 =	vld.idx.msk [tilespmem:v33+s3+$0x0], $0xffff;
	_ =	sdelay $0x4  }
0x133: {  	v0 =	vadd.s32 $0xC8, v0  }
0x134: {  	[tilespmem:$0x8170] =	vst v0  }
0x135: {  	v35 =	vld [tilespmem:$0x1FDA0];
	[tilespmem:s18], [sflag:$0x3] =	stream.indirect.gather [hbm4b:s5+s12], $0x80, s17, s12, $0xb8  }
0x136: {  	v0 =	vld.idx.msk [tilespmem:v34+s3+$0x0], $0xffff;
	_ =	sdelay $0x4  }
0x137: {  	v0 =	vadd.s32 $0x12C, v0  }
0x138: {  	v39 =	vld [tilespmem:$0x1FDB0];
	[tilespmem:$0x8180] =	vst v0  }
0x139: {  	v0 =	vld.idx.msk [tilespmem:v35+s3+$0x0], $0xffff;
	_ =	sdelay $0x4  }
0x13a: {  	v0 =	vadd.s32 $0x12C, v0  }
0x13b: {  	v43 =	vld [tilespmem:$0x1FDC0];
	[tilespmem:$0x8190] =	vst v0  }
0x13c: {  	v0 =	vld.idx.msk [tilespmem:v39+s3+$0x0], $0xffff;
	_ =	sdelay $0x4  }
0x13d: {  	v0 =	vadd.s32 $0x12C, v0  }
0x13e: {  	v53 =	vld [tilespmem:$0x1FDD0];
	[tilespmem:$0x81A0] =	vst v0  }
0x13f: {  	v0 =	vld.idx.msk [tilespmem:v43+s3+$0x0], $0xffff;
	_ =	sdelay $0x4  }
0x140: {  	v0 =	vadd.s32 $0x12C, v0  }
0x141: {  	v57 =	vld [tilespmem:$0x1FDE0];
	[tilespmem:$0x81B0] =	vst v0  }
0x142: {  	v0 =	vld.idx.msk [tilespmem:v53+s3+$0x0], $0xffff;
	_ =	sdelay $0x4  }
0x143: {  	v0 =	vadd.s32 $0x12C, v0  }
0x144: {  	v61 =	vld [tilespmem:$0x1FDF0];
	[tilespmem:$0x81C0] =	vst v0  }
0x145: {  	v0 =	vld.idx.msk [tilespmem:v57+s3+$0x0], $0xffff;
	_ =	sdelay $0x4  }
0x146: {  	v0 =	vadd.s32 $0x12C, v0  }
0x147: {  	v63 =	vld [tilespmem:$0x1FE00];
	[tilespmem:$0x81D0] =	vst v0  }
0x148: {  	v0 =	vld.idx.msk [tilespmem:v61+s3+$0x0], $0xffff;
	_ =	sdelay $0x4  }
0x149: {  	v0 =	vadd.s32 $0x12C, v0  }
0x14a: {  	[tilespmem:$0x81E0] =	vst v0  }
0x14b: {  	v0 =	vld.idx.msk [tilespmem:v63+s3+$0x0], $0xffff;
	_ =	sdelay $0x4  }
0x14c: {  	v0 =	vadd.s32 $0x12C, v0  }
0x14d: {  	s0 =	simm.s32 $0x0;
	[tilespmem:$0x81F0] =	vst v0  }
0x14e: {  	[tilespmem:s20], [sflag:$0x4] =	stream.indirect.gather [hbm4b:s5+s12], $0x80, s19, s12, $0xb8;
	[tilespmem:$0x1C200] =	vst v63  }
.LBB2_2:
0x14f: {  	s2 =	simm.s32 $0x0  }
0x150: {  	v7 =	vadd.s32 s2, v37  }
0x151: {  	_ =	swait.ge [sflag:s21], $0x4000;
	v5 =	vand.u32 $0xF, v7  }
0x152: {  	p0 =	seq.s32 s0, $0x0;
	[sflag:s21] =	ssyncset.done $0x0;
	v0 =	vor.u32 v36, v5  }
0x153: {  	s2 =	simm.s32 @!p0 $0x5;
	[sflag:s21] =	ssyncadd.s32 $0xFFFFC000  }
0x154: {  	_ =	swait.ge @!p0 [sflag:s2], $0x2000  }
0x155: {  	[sflag:s2] =	ssyncset.done @!p0 $0x0  }
0x156: {  	v29 =	vshll.u32 v5, $0x7;
	[sflag:s2] =	ssyncadd.s32 @!p0 $0xFFFFE000  }
0x157: {  	v1 =	vor.u32 v37, v29;
	v0 =	vld.idx.msk [tilespmem:v0+s14+$0x0], $0xffff  }
0x158: {  	v2 =	vor.u32 v55, v7;
	_ =	sdelay $0x3  }
0x159: {  	[tilespmem:v1+s22+$0x0] =	vst.idx.msk $0xffff, v0  }
0x15a: {  	v1 =	vor.u32 v52, v29;
	v0 =	vld.idx.msk [tilespmem:v2+s14+$0x0], $0xffff  }
0x15b: {  	v2 =	vor.u32 v41, v5;
	_ =	sdelay $0x3  }
0x15c: {  	[tilespmem:v1+s22+$0x0] =	vst.idx.msk $0xffff, v0  }
0x15d: {  	v1 =	vor.u32 v54, v29;
	v0 =	vld.idx.msk [tilespmem:v2+s14+$0x0], $0xffff  }
0x15e: {  	v2 =	vor.u32 v38, v7;
	_ =	sdelay $0x3  }
0x15f: {  	[tilespmem:v1+s22+$0x0] =	vst.idx.msk $0xffff, v0  }
0x160: {  	v1 =	vor.u32 v56, v29;
	v0 =	vld.idx.msk [tilespmem:v2+s14+$0x0], $0xffff  }
0x161: {  	v2 =	vor.u32 v45, v5;
	_ =	sdelay $0x3  }
0x162: {  	[tilespmem:v1+s22+$0x0] =	vst.idx.msk $0xffff, v0  }
0x163: {  	v1 =	vor.u32 v58, v29;
	v0 =	vld.idx.msk [tilespmem:v2+s14+$0x0], $0xffff  }
0x164: {  	v2 =	vor.u32 v59, v7;
	_ =	sdelay $0x3  }
0x165: {  	[tilespmem:v1+s22+$0x0] =	vst.idx.msk $0xffff, v0  }
0x166: {  	v1 =	vor.u32 v42, v29;
	v0 =	vld.idx.msk [tilespmem:v2+s14+$0x0], $0xffff  }
0x167: {  	v2 =	vor.u32 v49, v5;
	_ =	sdelay $0x3  }
0x168: {  	[tilespmem:v1+s22+$0x0] =	vst.idx.msk $0xffff, v0  }
0x169: {  	v1 =	vor.u32 v40, v29;
	v0 =	vld.idx.msk [tilespmem:v2+s14+$0x0], $0xffff  }
0x16a: {  	v2 =	vor.u32 v9, v7;
	_ =	sdelay $0x3  }
0x16b: {  	[tilespmem:v1+s22+$0x0] =	vst.idx.msk $0xffff, v0  }
0x16c: {  	v1 =	vor.u32 v46, v29;
	v0 =	vld.idx.msk [tilespmem:v2+s14+$0x0], $0xffff  }
0x16d: {  	v2 =	vor.u32 v51, v5;
	_ =	sdelay $0x3  }
0x16e: {  	[tilespmem:v1+s22+$0x0] =	vst.idx.msk $0xffff, v0  }
0x16f: {  	v1 =	vor.u32 v47, v29;
	v0 =	vld.idx.msk [tilespmem:v2+s14+$0x0], $0xffff  }
0x170: {  	v2 =	vor.u32 v15, v7;
	_ =	sdelay $0x3  }
0x171: {  	[tilespmem:v1+s22+$0x0] =	vst.idx.msk $0xffff, v0  }
0x172: {  	v1 =	vor.u32 v60, v29;
	v0 =	vld.idx.msk [tilespmem:v2+s14+$0x0], $0xffff  }
0x173: {  	v2 =	vor.u32 v16, v5;
	_ =	sdelay $0x3  }
0x174: {  	[tilespmem:v1+s22+$0x0] =	vst.idx.msk $0xffff, v0  }
0x175: {  	v1 =	vor.u32 v48, v29;
	v0 =	vld.idx.msk [tilespmem:v2+s14+$0x0], $0xffff  }
0x176: {  	v2 =	vor.u32 v14, v7;
	_ =	sdelay $0x3  }
0x177: {  	[tilespmem:v1+s22+$0x0] =	vst.idx.msk $0xffff, v0  }
0x178: {  	v1 =	vor.u32 v50, v29;
	v0 =	vld.idx.msk [tilespmem:v2+s14+$0x0], $0xffff  }
0x179: {  	v2 =	vor.u32 v6, v5;
	_ =	sdelay $0x3  }
0x17a: {  	[tilespmem:v1+s22+$0x0] =	vst.idx.msk $0xffff, v0  }
0x17b: {  	v1 =	vor.u32 v10, v29;
	v0 =	vld.idx.msk [tilespmem:v2+s14+$0x0], $0xffff  }
0x17c: {  	v2 =	vor.u32 v12, v7;
	_ =	sdelay $0x3  }
0x17d: {  	[tilespmem:v1+s22+$0x0] =	vst.idx.msk $0xffff, v0  }
0x17e: {  	v1 =	vor.u32 v44, v29;
	v0 =	vld.idx.msk [tilespmem:v2+s14+$0x0], $0xffff  }
0x17f: {  	v2 =	vor.u32 v11, v5;
	_ =	sdelay $0x3  }
0x180: {  	[tilespmem:v1+s22+$0x0] =	vst.idx.msk $0xffff, v0  }
0x181: {  	v1 =	vor.u32 v62, v29;
	v0 =	vld.idx.msk [tilespmem:v2+s14+$0x0], $0xffff  }
0x182: {  	v2 =	vor.u32 v8, v7;
	_ =	sdelay $0x3  }
0x183: {  	[tilespmem:v1+s22+$0x0] =	vst.idx.msk $0xffff, v0  }
0x184: {  	v1 =	vor.u32 v13, v29;
	v0 =	vld.idx.msk [tilespmem:v2+s14+$0x0], $0xffff;
	v2 =	vor.u32 $0x2000, v36  }
0x185: {  	[tilespmem:$0x1FBD0] =	vst v2;
	v2 =	vor.u32 v2, v5;
	_ =	sdelay $0x3  }
0x186: {  	[tilespmem:v1+s22+$0x0] =	vst.idx.msk $0xffff, v0;
	v1 =	vor.u32 $0x40, v37  }
0x187: {  	v0 =	vld.idx.msk [tilespmem:v2+s14+$0x0], $0xffff;
	[tilespmem:$0x1FBE0] =	vst v1;
	v1 =	vor.u32 v1, v29;
	v2 =	vor.u32 $0x2010, v36  }
0x188: {  	[tilespmem:$0x1FBF0] =	vst v2;
	v2 =	vor.u32 v2, v7;
	_ =	sdelay $0x3  }
0x189: {  	[tilespmem:v1+s22+$0x0] =	vst.idx.msk $0xffff, v0;
	v1 =	vor.u32 $0x840, v37  }
0x18a: {  	v0 =	vld.idx.msk [tilespmem:v2+s14+$0x0], $0xffff;
	v20 =	vmov v1;
	v1 =	vor.u32 v1, v29;
	v2 =	vor.u32 $0x2020, v36  }
0x18b: {  	v21 =	vmov v2;
	v2 =	vor.u32 v2, v5;
	_ =	sdelay $0x3  }
0x18c: {  	[tilespmem:v1+s22+$0x0] =	vst.idx.msk $0xffff, v0;
	v1 =	vor.u32 $0x1040, v37  }
0x18d: {  	v0 =	vld.idx.msk [tilespmem:v2+s14+$0x0], $0xffff;
	v22 =	vmov v1;
	v1 =	vor.u32 v1, v29;
	v2 =	vor.u32 $0x2030, v36  }
0x18e: {  	v23 =	vmov v2;
	v2 =	vor.u32 v2, v7;
	_ =	sdelay $0x3  }
0x18f: {  	[tilespmem:v1+s22+$0x0] =	vst.idx.msk $0xffff, v0;
	v1 =	vor.u32 $0x1840, v37  }
0x190: {  	v0 =	vld.idx.msk [tilespmem:v2+s14+$0x0], $0xffff;
	v24 =	vmov v1;
	v1 =	vor.u32 v1, v29;
	v2 =	vor.u32 $0x2800, v36  }
0x191: {  	v25 =	vmov v2;
	v2 =	vor.u32 v2, v5;
	_ =	sdelay $0x3  }
0x192: {  	[tilespmem:v1+s22+$0x0] =	vst.idx.msk $0xffff, v0;
	v1 =	vor.u32 $0x50, v37  }
0x193: {  	v0 =	vld.idx.msk [tilespmem:v2+s14+$0x0], $0xffff;
	v26 =	vmov v1;
	v1 =	vor.u32 v1, v29;
	v2 =	vor.u32 $0x2810, v36  }
0x194: {  	v27 =	vmov v2;
	v2 =	vor.u32 v2, v7;
	_ =	sdelay $0x3  }
0x195: {  	[tilespmem:v1+s22+$0x0] =	vst.idx.msk $0xffff, v0;
	v1 =	vor.u32 $0x850, v37  }
0x196: {  	v0 =	vld.idx.msk [tilespmem:v2+s14+$0x0], $0xffff;
	v28 =	vmov v1;
	v1 =	vor.u32 v1, v29;
	v2 =	vor.u32 $0x2820, v36  }
0x197: {  	v31 =	vmov v2;
	v2 =	vor.u32 v2, v5;
	_ =	sdelay $0x3  }
0x198: {  	[tilespmem:v1+s22+$0x0] =	vst.idx.msk $0xffff, v0;
	v1 =	vor.u32 $0x1050, v37  }
0x199: {  	v0 =	vld.idx.msk [tilespmem:v2+s14+$0x0], $0xffff;
	v32 =	vmov v1;
	v1 =	vor.u32 v1, v29;
	v2 =	vor.u32 $0x2830, v36  }
0x19a: {  	v33 =	vmov v2;
	v2 =	vor.u32 v2, v7;
	_ =	sdelay $0x3  }
0x19b: {  	[tilespmem:v1+s22+$0x0] =	vst.idx.msk $0xffff, v0;
	v1 =	vor.u32 $0x1850, v37  }
0x19c: {  	v34 =	vor.u32 $0x3000, v36;
	v30 =	vld.idx.msk [tilespmem:v2+s14+$0x0], $0xffff;
	v0 =	vmov v1;
	v1 =	vor.u32 v1, v29  }
0x19d: {  	v2 =	vmov v34;
	v34 =	vor.u32 v34, v5;
	_ =	sdelay $0x3  }
0x19e: {  	v35 =	vor.u32 $0x60, v37;
	[tilespmem:v1+s22+$0x0] =	vst.idx.msk $0xffff, v30  }
0x19f: {  	v63 =	vor.u32 v35, v29;
	v13 =	vor.u32 $0x3010, v36;
	v30 =	vld.idx.msk [tilespmem:v34+s14+$0x0], $0xffff  }
0x1a0: {  	v39 =	vor.u32 v13, v7;
	_ =	sdelay $0x3  }
0x1a1: {  	v43 =	vmov v13;
	v13 =	vor.u32 $0x860, v37;
	[tilespmem:v63+s22+$0x0] =	vst.idx.msk $0xffff, v30  }
0x1a2: {  	v57 =	vmov v45;
	v45 =	vor.u32 v13, v29;
	v30 =	vld.idx.msk [tilespmem:v39+s14+$0x0], $0xffff;
	v39 =	vor.u32 $0x3020, v36  }
0x1a3: {  	v3 =	vmov v51;
	v51 =	vor.u32 v39, v5;
	_ =	sdelay $0x3  }
0x1a4: {  	v53 =	vmov v41;
	v41 =	vor.u32 $0x1060, v37;
	[tilespmem:v45+s22+$0x0] =	vst.idx.msk $0xffff, v30  }
0x1a5: {  	v61 =	vor.u32 v41, v29;
	v1 =	vmov v35;
	v30 =	vor.u32 $0x3030, v36;
	v35 =	vld.idx.msk [tilespmem:v51+s14+$0x0], $0xffff  }
0x1a6: {  	v17 =	vor.u32 v30, v7;
	_ =	sdelay $0x3  }
0x1a7: {  	v34 =	vor.u32 $0x1860, v37;
	[tilespmem:v61+s22+$0x0] =	vst.idx.msk $0xffff, v35  }
0x1a8: {  	v51 =	vor.u32 v34, v29;
	v61 =	vor.u32 $0x3800, v36;
	v63 =	vld.idx.msk [tilespmem:v17+s14+$0x0], $0xffff  }
0x1a9: {  	v17 =	vor.u32 v61, v5;
	_ =	sdelay $0x3  }
0x1aa: {  	v45 =	vor.u32 $0x70, v37;
	[tilespmem:v51+s22+$0x0] =	vst.idx.msk $0xffff, v63  }
0x1ab: {  	v19 =	vor.u32 $0x3810, v36;
	v18 =	vor.u32 v45, v29;
	v17 =	vld.idx.msk [tilespmem:v17+s14+$0x0], $0xffff  }
0x1ac: {  	v63 =	vor.u32 v19, v7;
	_ =	sdelay $0x3  }
0x1ad: {  	[tilespmem:v18+s22+$0x0] =	vst.idx.msk $0xffff, v17;
	v18 =	vor.u32 $0x870, v37  }
0x1ae: {  	[tilespmem:$0x1FC00] =	vst v19;
	v19 =	vmov v30;
	v51 =	vor.u32 $0x3820, v36;
	v17 =	vld.idx.msk [tilespmem:v63+s14+$0x0], $0xffff;
	v30 =	vor.u32 v18, v29  }
0x1af: {  	v4 =	vmov v49;
	v49 =	vmov v34;
	v34 =	vor.u32 v51, v5;
	_ =	sdelay $0x3  }
0x1b0: {  	v5 =	vmov v61;
	v61 =	vor.u32 $0x1070, v37;
	[tilespmem:v30+s22+$0x0] =	vst.idx.msk $0xffff, v17  }
0x1b1: {  	v63 =	vor.u32 $0x3830, v36;
	v30 =	vld.idx.msk [tilespmem:v34+s14+$0x0], $0xffff;
	v34 =	vor.u32 v61, v29  }
0x1b2: {  	v7 =	vor.u32 v63, v7;
	_ =	sdelay $0x3  }
0x1b3: {  	[tilespmem:v34+s22+$0x0] =	vst.idx.msk $0xffff, v30  }
0x1b4: {  	s6 =	simm.s32 $0x1;
	v30 =	vld.idx.msk [tilespmem:v7+s14+$0x0], $0xffff  }
0x1b5: {  	s2 =	sshll.u32 s0, $0x2;
	v17 =	vor.u32 $0x1870, v37;
	v34 =	vadd.s32 s6, v37;
	s6 =	simm.s32 $0x2;
	v7 =	vld [tilespmem:$0x1FC00]  }
.LBB2_3:
0x1b6: {  	v36 =	vld [tilespmem:$0x1FFF0];
	_ =	sdelay $0x3  }
0x1b7: {  	v35 =	vand.u32 $0xF, v34;
	v29 =	vor.u32 v17, v29  }
0x1b8: {  	v36 =	vor.u32 v36, v35;
	_ =	sdelay $0x3  }
0x1b9: {  	[tilespmem:v29+s22+$0x0] =	vst.idx.msk $0xffff, v30;
	v29 =	vshll.u32 v35, $0x7  }
0x1ba: {  	v30 =	vld.idx.msk [tilespmem:v36+s14+$0x0], $0xffff;
	v36 =	vor.u32 v37, v29  }
0x1bb: {  	v37 =	vor.u32 v55, v34;
	_ =	sdelay $0x3  }
0x1bc: {  	[tilespmem:v36+s22+$0x0] =	vst.idx.msk $0xffff, v30  }
0x1bd: {  	v36 =	vor.u32 v52, v29;
	v30 =	vld.idx.msk [tilespmem:v37+s14+$0x0], $0xffff  }
0x1be: {  	v37 =	vor.u32 v53, v35;
	_ =	sdelay $0x3  }
0x1bf: {  	[tilespmem:v36+s22+$0x0] =	vst.idx.msk $0xffff, v30  }
0x1c0: {  	v36 =	vor.u32 v54, v29;
	v30 =	vld.idx.msk [tilespmem:v37+s14+$0x0], $0xffff  }
0x1c1: {  	v37 =	vor.u32 v38, v34;
	_ =	sdelay $0x3  }
0x1c2: {  	[tilespmem:v36+s22+$0x0] =	vst.idx.msk $0xffff, v30  }
0x1c3: {  	v36 =	vor.u32 v56, v29;
	v30 =	vld.idx.msk [tilespmem:v37+s14+$0x0], $0xffff  }
0x1c4: {  	v37 =	vor.u32 v57, v35;
	_ =	sdelay $0x3  }
0x1c5: {  	[tilespmem:v36+s22+$0x0] =	vst.idx.msk $0xffff, v30  }
0x1c6: {  	v36 =	vor.u32 v58, v29;
	v30 =	vld.idx.msk [tilespmem:v37+s14+$0x0], $0xffff  }
0x1c7: {  	v37 =	vor.u32 v59, v34;
	_ =	sdelay $0x3  }
0x1c8: {  	[tilespmem:v36+s22+$0x0] =	vst.idx.msk $0xffff, v30  }
0x1c9: {  	v36 =	vor.u32 v42, v29;
	v30 =	vld.idx.msk [tilespmem:v37+s14+$0x0], $0xffff  }
0x1ca: {  	v37 =	vor.u32 v4, v35;
	_ =	sdelay $0x3  }
0x1cb: {  	[tilespmem:v36+s22+$0x0] =	vst.idx.msk $0xffff, v30  }
0x1cc: {  	v36 =	vor.u32 v40, v29;
	v30 =	vld.idx.msk [tilespmem:v37+s14+$0x0], $0xffff  }
0x1cd: {  	v37 =	vor.u32 v9, v34;
	_ =	sdelay $0x3  }
0x1ce: {  	[tilespmem:v36+s22+$0x0] =	vst.idx.msk $0xffff, v30  }
0x1cf: {  	v36 =	vor.u32 v46, v29;
	v30 =	vld.idx.msk [tilespmem:v37+s14+$0x0], $0xffff  }
0x1d0: {  	v37 =	vor.u32 v3, v35;
	_ =	sdelay $0x3  }
0x1d1: {  	[tilespmem:v36+s22+$0x0] =	vst.idx.msk $0xffff, v30  }
0x1d2: {  	v36 =	vor.u32 v47, v29;
	v30 =	vld.idx.msk [tilespmem:v37+s14+$0x0], $0xffff  }
0x1d3: {  	v37 =	vor.u32 v15, v34;
	_ =	sdelay $0x3  }
0x1d4: {  	[tilespmem:v36+s22+$0x0] =	vst.idx.msk $0xffff, v30  }
0x1d5: {  	v36 =	vor.u32 v60, v29;
	v30 =	vld.idx.msk [tilespmem:v37+s14+$0x0], $0xffff  }
0x1d6: {  	v37 =	vor.u32 v16, v35;
	_ =	sdelay $0x3  }
0x1d7: {  	[tilespmem:v36+s22+$0x0] =	vst.idx.msk $0xffff, v30  }
0x1d8: {  	v36 =	vor.u32 v48, v29;
	v30 =	vld.idx.msk [tilespmem:v37+s14+$0x0], $0xffff  }
0x1d9: {  	v37 =	vor.u32 v14, v34;
	_ =	sdelay $0x3  }
0x1da: {  	[tilespmem:v36+s22+$0x0] =	vst.idx.msk $0xffff, v30  }
0x1db: {  	v36 =	vor.u32 v50, v29;
	v30 =	vld.idx.msk [tilespmem:v37+s14+$0x0], $0xffff  }
0x1dc: {  	v37 =	vor.u32 v6, v35;
	_ =	sdelay $0x3  }
0x1dd: {  	[tilespmem:v36+s22+$0x0] =	vst.idx.msk $0xffff, v30  }
0x1de: {  	v36 =	vor.u32 v10, v29;
	v30 =	vld.idx.msk [tilespmem:v37+s14+$0x0], $0xffff  }
0x1df: {  	v37 =	vor.u32 v12, v34;
	_ =	sdelay $0x3  }
0x1e0: {  	[tilespmem:v36+s22+$0x0] =	vst.idx.msk $0xffff, v30  }
0x1e1: {  	v36 =	vor.u32 v44, v29;
	v30 =	vld.idx.msk [tilespmem:v37+s14+$0x0], $0xffff  }
0x1e2: {  	v37 =	vor.u32 v11, v35;
	_ =	sdelay $0x3  }
0x1e3: {  	[tilespmem:v36+s22+$0x0] =	vst.idx.msk $0xffff, v30  }
0x1e4: {  	v36 =	vor.u32 v62, v29;
	v30 =	vld.idx.msk [tilespmem:v37+s14+$0x0], $0xffff  }
0x1e5: {  	v37 =	vor.u32 v8, v34;
	_ =	sdelay $0x3  }
0x1e6: {  	[tilespmem:v36+s22+$0x0] =	vst.idx.msk $0xffff, v30;
	v36 =	vld [tilespmem:$0x1FFE0]  }
0x1e7: {  	v30 =	vld.idx.msk [tilespmem:v37+s14+$0x0], $0xffff  }
0x1e8: {  	v37 =	vld [tilespmem:$0x1FBD0];
	_ =	sdelay $0x3  }
0x1e9: {  	v36 =	vor.u32 v36, v29  }
0x1ea: {  	v37 =	vor.u32 v37, v35;
	_ =	sdelay $0x3  }
0x1eb: {  	[tilespmem:v36+s22+$0x0] =	vst.idx.msk $0xffff, v30;
	v36 =	vld [tilespmem:$0x1FBE0]  }
0x1ec: {  	v30 =	vld.idx.msk [tilespmem:v37+s14+$0x0], $0xffff  }
0x1ed: {  	v37 =	vld [tilespmem:$0x1FBF0];
	_ =	sdelay $0x3  }
0x1ee: {  	v36 =	vor.u32 v36, v29  }
0x1ef: {  	v37 =	vor.u32 v37, v34;
	_ =	sdelay $0x3  }
0x1f0: {  	[tilespmem:v36+s22+$0x0] =	vst.idx.msk $0xffff, v30  }
0x1f1: {  	v36 =	vor.u32 v20, v29;
	v30 =	vld.idx.msk [tilespmem:v37+s14+$0x0], $0xffff  }
0x1f2: {  	v37 =	vor.u32 v21, v35;
	_ =	sdelay $0x3  }
0x1f3: {  	[tilespmem:v36+s22+$0x0] =	vst.idx.msk $0xffff, v30  }
0x1f4: {  	v36 =	vor.u32 v22, v29;
	v30 =	vld.idx.msk [tilespmem:v37+s14+$0x0], $0xffff  }
0x1f5: {  	v37 =	vor.u32 v23, v34;
	_ =	sdelay $0x3  }
0x1f6: {  	[tilespmem:v36+s22+$0x0] =	vst.idx.msk $0xffff, v30  }
0x1f7: {  	v36 =	vor.u32 v24, v29;
	v30 =	vld.idx.msk [tilespmem:v37+s14+$0x0], $0xffff  }
0x1f8: {  	v37 =	vor.u32 v25, v35;
	_ =	sdelay $0x3  }
0x1f9: {  	[tilespmem:v36+s22+$0x0] =	vst.idx.msk $0xffff, v30  }
0x1fa: {  	v36 =	vor.u32 v26, v29;
	v30 =	vld.idx.msk [tilespmem:v37+s14+$0x0], $0xffff  }
0x1fb: {  	v37 =	vor.u32 v27, v34;
	_ =	sdelay $0x3  }
0x1fc: {  	[tilespmem:v36+s22+$0x0] =	vst.idx.msk $0xffff, v30  }
0x1fd: {  	v36 =	vor.u32 v28, v29;
	v30 =	vld.idx.msk [tilespmem:v37+s14+$0x0], $0xffff  }
0x1fe: {  	v37 =	vor.u32 v31, v35;
	_ =	sdelay $0x3  }
0x1ff: {  	[tilespmem:v36+s22+$0x0] =	vst.idx.msk $0xffff, v30  }
0x200: {  	v36 =	vor.u32 v32, v29;
	v30 =	vld.idx.msk [tilespmem:v37+s14+$0x0], $0xffff  }
0x201: {  	v37 =	vor.u32 v33, v34;
	_ =	sdelay $0x3  }
0x202: {  	[tilespmem:v36+s22+$0x0] =	vst.idx.msk $0xffff, v30  }
0x203: {  	v36 =	vor.u32 v0, v29;
	v30 =	vld.idx.msk [tilespmem:v37+s14+$0x0], $0xffff  }
0x204: {  	v37 =	vor.u32 v2, v35;
	_ =	sdelay $0x3  }
0x205: {  	[tilespmem:v36+s22+$0x0] =	vst.idx.msk $0xffff, v30  }
0x206: {  	v36 =	vor.u32 v1, v29;
	v30 =	vld.idx.msk [tilespmem:v37+s14+$0x0], $0xffff  }
0x207: {  	v37 =	vor.u32 v43, v34;
	_ =	sdelay $0x3  }
0x208: {  	[tilespmem:v36+s22+$0x0] =	vst.idx.msk $0xffff, v30  }
0x209: {  	v36 =	vor.u32 v13, v29;
	v30 =	vld.idx.msk [tilespmem:v37+s14+$0x0], $0xffff  }
0x20a: {  	v37 =	vor.u32 v39, v35;
	_ =	sdelay $0x3  }
0x20b: {  	[tilespmem:v36+s22+$0x0] =	vst.idx.msk $0xffff, v30  }
0x20c: {  	v36 =	vor.u32 v41, v29;
	v30 =	vld.idx.msk [tilespmem:v37+s14+$0x0], $0xffff  }
0x20d: {  	v37 =	vor.u32 v19, v34;
	_ =	sdelay $0x3  }
0x20e: {  	[tilespmem:v36+s22+$0x0] =	vst.idx.msk $0xffff, v30  }
0x20f: {  	v36 =	vor.u32 v49, v29;
	v30 =	vld.idx.msk [tilespmem:v37+s14+$0x0], $0xffff  }
0x210: {  	v37 =	vor.u32 v5, v35;
	_ =	sdelay $0x3  }
0x211: {  	[tilespmem:v36+s22+$0x0] =	vst.idx.msk $0xffff, v30  }
0x212: {  	v36 =	vor.u32 v45, v29;
	v30 =	vld.idx.msk [tilespmem:v37+s14+$0x0], $0xffff  }
0x213: {  	v37 =	vor.u32 v7, v34;
	_ =	sdelay $0x3  }
0x214: {  	[tilespmem:v36+s22+$0x0] =	vst.idx.msk $0xffff, v30  }
0x215: {  	v36 =	vor.u32 v18, v29;
	v30 =	vld.idx.msk [tilespmem:v37+s14+$0x0], $0xffff  }
0x216: {  	v35 =	vor.u32 v51, v35;
	_ =	sdelay $0x3  }
0x217: {  	[tilespmem:v36+s22+$0x0] =	vst.idx.msk $0xffff, v30  }
0x218: {  	v30 =	vld.idx.msk [tilespmem:v35+s14+$0x0], $0xffff;
	v35 =	vor.u32 v61, v29  }
0x219: {  	v36 =	vor.u32 v63, v34  }
0x21a: {  	p1 =	sne.s32 s6, $0xF  }
.Ltmp2:
0x21b: {  	_ = 	snop;
	(pc) =	sbr.rel @p1 .LBB2_3-.Ltmp2, $4  }
0x21c: {  	_ = 	snop  }
0x21d: {  	[tilespmem:v35+s22+$0x0] =	vst.idx.msk $0xffff, v30  }
0x21e: {  	v37 =	vlaneseq.u32;
	v30 =	vld.idx.msk [tilespmem:v36+s14+$0x0], $0xffff  }
0x21f: {  	v34 =	vadd.s32 s6, v37;
	s6 =	sadd.s32 $0x1, s6;
	v36 =	vld [tilespmem:$0x1FFF0]  }
0x220: {  	_ =	sdelay $0x2  }
0x221: {  	v35 =	vand.u32 $0xF, v34;
	v29 =	vor.u32 v17, v29  }
0x222: {  	v36 =	vor.u32 v36, v35;
	_ =	sdelay $0x3  }
0x223: {  	[tilespmem:v29+s22+$0x0] =	vst.idx.msk $0xffff, v30;
	v29 =	vshll.u32 v35, $0x7  }
0x224: {  	v30 =	vld.idx.msk [tilespmem:v36+s14+$0x0], $0xffff;
	v36 =	vor.u32 v37, v29  }
0x225: {  	v55 =	vor.u32 v55, v34;
	_ =	sdelay $0x3  }
0x226: {  	[tilespmem:v36+s22+$0x0] =	vst.idx.msk $0xffff, v30  }
0x227: {  	v52 =	vor.u32 v52, v29;
	v30 =	vld.idx.msk [tilespmem:v55+s14+$0x0], $0xffff  }
0x228: {  	v53 =	vor.u32 v53, v35;
	_ =	sdelay $0x3  }
0x229: {  	[tilespmem:v52+s22+$0x0] =	vst.idx.msk $0xffff, v30  }
0x22a: {  	v54 =	vor.u32 v54, v29;
	v30 =	vld.idx.msk [tilespmem:v53+s14+$0x0], $0xffff  }
0x22b: {  	v55 =	vor.u32 v38, v34;
	_ =	sdelay $0x3  }
0x22c: {  	[tilespmem:v54+s22+$0x0] =	vst.idx.msk $0xffff, v30  }
0x22d: {  	v56 =	vor.u32 v56, v29;
	v30 =	vld.idx.msk [tilespmem:v55+s14+$0x0], $0xffff  }
0x22e: {  	v57 =	vor.u32 v57, v35;
	_ =	sdelay $0x3  }
0x22f: {  	[tilespmem:v56+s22+$0x0] =	vst.idx.msk $0xffff, v30  }
0x230: {  	v52 =	vor.u32 v58, v29;
	v30 =	vld.idx.msk [tilespmem:v57+s14+$0x0], $0xffff  }
0x231: {  	v53 =	vor.u32 v59, v34;
	_ =	sdelay $0x3  }
0x232: {  	[tilespmem:v52+s22+$0x0] =	vst.idx.msk $0xffff, v30  }
0x233: {  	v54 =	vor.u32 v42, v29;
	v30 =	vld.idx.msk [tilespmem:v53+s14+$0x0], $0xffff  }
0x234: {  	v55 =	vor.u32 v4, v35;
	_ =	sdelay $0x3  }
0x235: {  	[tilespmem:v54+s22+$0x0] =	vst.idx.msk $0xffff, v30  }
0x236: {  	v56 =	vor.u32 v40, v29;
	v30 =	vld.idx.msk [tilespmem:v55+s14+$0x0], $0xffff  }
0x237: {  	v57 =	vor.u32 v9, v34;
	_ =	sdelay $0x3  }
0x238: {  	[tilespmem:v56+s22+$0x0] =	vst.idx.msk $0xffff, v30  }
0x239: {  	v58 =	vor.u32 v46, v29;
	v30 =	vld.idx.msk [tilespmem:v57+s14+$0x0], $0xffff  }
0x23a: {  	v59 =	vor.u32 v3, v35;
	_ =	sdelay $0x3  }
0x23b: {  	[tilespmem:v58+s22+$0x0] =	vst.idx.msk $0xffff, v30  }
0x23c: {  	v3 =	vor.u32 v47, v29;
	v30 =	vld.idx.msk [tilespmem:v59+s14+$0x0], $0xffff  }
0x23d: {  	v4 =	vor.u32 v15, v34;
	_ =	sdelay $0x3  }
0x23e: {  	[tilespmem:v3+s22+$0x0] =	vst.idx.msk $0xffff, v30  }
0x23f: {  	v9 =	vor.u32 v60, v29;
	v30 =	vld.idx.msk [tilespmem:v4+s14+$0x0], $0xffff  }
0x240: {  	v15 =	vor.u32 v16, v35;
	_ =	sdelay $0x3  }
0x241: {  	[tilespmem:v9+s22+$0x0] =	vst.idx.msk $0xffff, v30  }
0x242: {  	v16 =	vor.u32 v48, v29;
	v30 =	vld.idx.msk [tilespmem:v15+s14+$0x0], $0xffff  }
0x243: {  	v40 =	vor.u32 v14, v34;
	_ =	sdelay $0x3  }
0x244: {  	[tilespmem:v16+s22+$0x0] =	vst.idx.msk $0xffff, v30  }
0x245: {  	v42 =	vor.u32 v50, v29;
	v30 =	vld.idx.msk [tilespmem:v40+s14+$0x0], $0xffff  }
0x246: {  	v46 =	vor.u32 v6, v35;
	_ =	sdelay $0x3  }
0x247: {  	[tilespmem:v42+s22+$0x0] =	vst.idx.msk $0xffff, v30  }
0x248: {  	v47 =	vor.u32 v10, v29;
	v30 =	vld.idx.msk [tilespmem:v46+s14+$0x0], $0xffff  }
0x249: {  	v48 =	vor.u32 v12, v34;
	_ =	sdelay $0x3  }
0x24a: {  	[tilespmem:v47+s22+$0x0] =	vst.idx.msk $0xffff, v30  }
0x24b: {  	v50 =	vor.u32 v44, v29;
	v30 =	vld.idx.msk [tilespmem:v48+s14+$0x0], $0xffff  }
0x24c: {  	v52 =	vor.u32 v11, v35;
	_ =	sdelay $0x3  }
0x24d: {  	[tilespmem:v50+s22+$0x0] =	vst.idx.msk $0xffff, v30  }
0x24e: {  	v53 =	vor.u32 v62, v29;
	v30 =	vld.idx.msk [tilespmem:v52+s14+$0x0], $0xffff  }
0x24f: {  	v54 =	vor.u32 v8, v34;
	v55 =	vld [tilespmem:$0x1FFE0]  }
0x250: {  	v57 =	vld [tilespmem:$0x1FBD0];
	_ =	sdelay $0x2  }
0x251: {  	[tilespmem:v53+s22+$0x0] =	vst.idx.msk $0xffff, v30  }
0x252: {  	v56 =	vor.u32 v55, v29;
	v30 =	vld.idx.msk [tilespmem:v54+s14+$0x0], $0xffff  }
0x253: {  	v58 =	vor.u32 v57, v35;
	v59 =	vld [tilespmem:$0x1FBE0]  }
0x254: {  	v62 =	vld [tilespmem:$0x1FBF0];
	_ =	sdelay $0x2  }
0x255: {  	[tilespmem:v56+s22+$0x0] =	vst.idx.msk $0xffff, v30  }
0x256: {  	v60 =	vor.u32 v59, v29;
	v30 =	vld.idx.msk [tilespmem:v58+s14+$0x0], $0xffff  }
0x257: {  	v3 =	vor.u32 v62, v34;
	_ =	sdelay $0x3  }
0x258: {  	[tilespmem:v60+s22+$0x0] =	vst.idx.msk $0xffff, v30  }
0x259: {  	v4 =	vor.u32 v20, v29;
	v30 =	vld.idx.msk [tilespmem:v3+s14+$0x0], $0xffff  }
0x25a: {  	v6 =	vor.u32 v21, v35;
	_ =	sdelay $0x3  }
0x25b: {  	[tilespmem:v4+s22+$0x0] =	vst.idx.msk $0xffff, v30  }
0x25c: {  	v8 =	vor.u32 v22, v29;
	v30 =	vld.idx.msk [tilespmem:v6+s14+$0x0], $0xffff  }
0x25d: {  	v9 =	vor.u32 v23, v34;
	_ =	sdelay $0x3  }
0x25e: {  	[tilespmem:v8+s22+$0x0] =	vst.idx.msk $0xffff, v30  }
0x25f: {  	v10 =	vor.u32 v24, v29;
	v30 =	vld.idx.msk [tilespmem:v9+s14+$0x0], $0xffff  }
0x260: {  	v11 =	vor.u32 v25, v35;
	_ =	sdelay $0x3  }
0x261: {  	[tilespmem:v10+s22+$0x0] =	vst.idx.msk $0xffff, v30  }
0x262: {  	v12 =	vor.u32 v26, v29;
	v30 =	vld.idx.msk [tilespmem:v11+s14+$0x0], $0xffff  }
0x263: {  	v14 =	vor.u32 v27, v34;
	_ =	sdelay $0x3  }
0x264: {  	[tilespmem:v12+s22+$0x0] =	vst.idx.msk $0xffff, v30  }
0x265: {  	v15 =	vor.u32 v28, v29;
	v30 =	vld.idx.msk [tilespmem:v14+s14+$0x0], $0xffff  }
0x266: {  	v16 =	vor.u32 v31, v35;
	_ =	sdelay $0x3  }
0x267: {  	[tilespmem:v15+s22+$0x0] =	vst.idx.msk $0xffff, v30  }
0x268: {  	v40 =	vor.u32 v32, v29;
	v30 =	vld.idx.msk [tilespmem:v16+s14+$0x0], $0xffff  }
0x269: {  	v42 =	vor.u32 v33, v34;
	_ =	sdelay $0x3  }
0x26a: {  	[tilespmem:v40+s22+$0x0] =	vst.idx.msk $0xffff, v30  }
0x26b: {  	v44 =	vor.u32 v0, v29;
	v30 =	vld.idx.msk [tilespmem:v42+s14+$0x0], $0xffff  }
0x26c: {  	v46 =	vor.u32 v2, v35;
	_ =	sdelay $0x3  }
0x26d: {  	[tilespmem:v44+s22+$0x0] =	vst.idx.msk $0xffff, v30  }
0x26e: {  	v47 =	vor.u32 v1, v29;
	v30 =	vld.idx.msk [tilespmem:v46+s14+$0x0], $0xffff  }
0x26f: {  	v48 =	vor.u32 v43, v34;
	_ =	sdelay $0x3  }
0x270: {  	[tilespmem:v47+s22+$0x0] =	vst.idx.msk $0xffff, v30  }
0x271: {  	v50 =	vor.u32 v13, v29;
	v30 =	vld.idx.msk [tilespmem:v48+s14+$0x0], $0xffff  }
0x272: {  	v52 =	vor.u32 v39, v35;
	_ =	sdelay $0x3  }
0x273: {  	[tilespmem:v50+s22+$0x0] =	vst.idx.msk $0xffff, v30  }
0x274: {  	v53 =	vor.u32 v41, v29;
	v30 =	vld.idx.msk [tilespmem:v52+s14+$0x0], $0xffff  }
0x275: {  	v54 =	vor.u32 v19, v34  }
0x276: {  	[tilespmem:$0x1FA10] =	vst v20  }
0x277: {  	[tilespmem:$0x1FA20] =	vst v21  }
0x278: {  	[tilespmem:$0x1FA30] =	vst v22  }
0x279: {  	[tilespmem:v53+s22+$0x0] =	vst.idx.msk $0xffff, v30  }
0x27a: {  	[tilespmem:$0x1FA40] =	vst v23;
	v55 =	vor.u32 v49, v29;
	v30 =	vld.idx.msk [tilespmem:v54+s14+$0x0], $0xffff  }
0x27b: {  	[tilespmem:$0x1FA50] =	vst v24;
	v56 =	vor.u32 v5, v35  }
0x27c: {  	[tilespmem:$0x1FA60] =	vst v25  }
0x27d: {  	[tilespmem:$0x1FA70] =	vst v26  }
0x27e: {  	[tilespmem:$0x1FA80] =	vst v27  }
0x27f: {  	[tilespmem:v55+s22+$0x0] =	vst.idx.msk $0xffff, v30  }
0x280: {  	[tilespmem:$0x1FA90] =	vst v28;
	v57 =	vor.u32 v45, v29;
	v30 =	vld.idx.msk [tilespmem:v56+s14+$0x0], $0xffff  }
0x281: {  	[tilespmem:$0x1FAA0] =	vst v31;
	v58 =	vor.u32 v7, v34  }
0x282: {  	[tilespmem:$0x1FAB0] =	vst v32  }
0x283: {  	[tilespmem:$0x1FAC0] =	vst v33  }
0x284: {  	[tilespmem:$0x1FAD0] =	vst v0  }
0x285: {  	[tilespmem:v57+s22+$0x0] =	vst.idx.msk $0xffff, v30  }
0x286: {  	[tilespmem:$0x1FAE0] =	vst v2;
	v59 =	vor.u32 v18, v29;
	v30 =	vld.idx.msk [tilespmem:v58+s14+$0x0], $0xffff  }
0x287: {  	[tilespmem:$0x1FAF0] =	vst v1;
	v35 =	vor.u32 v51, v35  }
0x288: {  	[tilespmem:$0x1FB00] =	vst v43  }
0x289: {  	[tilespmem:$0x1FB10] =	vst v13  }
0x28a: {  	[tilespmem:$0x1FB20] =	vst v39  }
0x28b: {  	[tilespmem:v59+s22+$0x0] =	vst.idx.msk $0xffff, v30  }
0x28c: {  	[tilespmem:$0x1FB30] =	vst v41;
	v60 =	vor.u32 v61, v29;
	v30 =	vld.idx.msk [tilespmem:v35+s14+$0x0], $0xffff  }
0x28d: {  	[tilespmem:$0x1FB40] =	vst v19;
	v62 =	vor.u32 v63, v34  }
0x28e: {  	[tilespmem:$0x1FB50] =	vst v49  }
0x28f: {  	[tilespmem:$0x1FB60] =	vst v5  }
0x290: {  	[tilespmem:$0x1FB70] =	vst v45  }
0x291: {  	[tilespmem:v60+s22+$0x0] =	vst.idx.msk $0xffff, v30  }
0x292: {  	[tilespmem:$0x1FB80] =	vst v18;
	v29 =	vor.u32 v17, v29;
	v30 =	vld.idx.msk [tilespmem:v62+s14+$0x0], $0xffff  }
0x293: {  	p1 =	sne.s32 s0, $0x31;
	[tilespmem:$0x1FB90] =	vst v51  }
.Ltmp3:
0x294: {  	[tilespmem:$0x1FBA0] =	vst v61;
	(pc) =	sbr.rel @p1 .LBB2_6-.Ltmp3, $4  }
0x295: {  	s6 =	sshll.u32 s0, $0x11;
	[tilespmem:$0x1FBB0] =	vst v63  }
0x296: {  	[tilespmem:$0x1FBC0] =	vst v17;
	s6 =	sor.u32 s4, s6  }
0x297: {  	s10 =	sadd.s32 s1, s6;
	[tilespmem:v29+s22+$0x0] =	vst.idx.msk $0xffff, v30  }
0x298: {  	[hbm4b:s10+s23] =	stream.strided.scatter [tilespmem:s22], [sflag:$0x5], $0x2000, s13, s23, $0x38;
	[tilespmem:$0x1C200] =	vst v63  }
.Ltmp4:
0x299: {  	(pc) =	sbr.rel .LBB2_7-.Ltmp4, $4  }
0x29a: {  	_ = 	snop  }
0x29b: {  	_ =	swait.ge [sflag:s24], $0x4000  }
0x29c: {  	[sflag:s24] =	ssyncset.done $0x0  }
0x29d: {  	[sflag:s24] =	ssyncadd.s32 $0xFFFFC000  }
.LBB2_6:
0x29e: {  	s10 =	sadd.s32 $0x4, s2;
	v57 =	vld [tilespmem:$0x1FC10]  }
0x29f: {  	v29 =	vmov s10  }
0x2a0: {  	v30 =	vshll.u32 v29, $0x3  }
0x2a1: {  	v29 =	vand.u32 $0x7C, v29;
	v30 =	vand.u32 $0xC00, v30  }
0x2a2: {  	v29 =	vor.u32 v29, v30  }
0x2a3: {  	v30 =	vadd.s32 v57, v29;
	_ =	sdelay $0x1  }
0x2a4: {  	v34 =	vld [tilespmem:$0x1FC20];
	_ =	sdelay $0x2  }
0x2a5: {  	v30 =	vld.idx.msk [tilespmem:v30+s3+$0x0], $0xffff;
	_ =	sdelay $0x1  }
0x2a6: {  	v34 =	vadd.s32 v34, v29  }
0x2a7: {  	s10 =	smul.u32 $0x64, s10  }
0x2a8: {  	v58 =	vld [tilespmem:$0x1FC30]  }
0x2a9: {  	v30 =	vadd.s32 s10, v30  }
0x2aa: {  	[tilespmem:$0x8000] =	vst v30  }
0x2ab: {  	v30 =	vld.idx.msk [tilespmem:v34+s3+$0x0], $0xffff;
	_ =	sdelay $0x1  }
0x2ac: {  	v34 =	vadd.s32 v58, v29;
	_ =	sdelay $0x1  }
0x2ad: {  	v59 =	vld [tilespmem:$0x1FC40]  }
0x2ae: {  	v30 =	vadd.s32 s10, v30  }
0x2af: {  	[tilespmem:$0x8010] =	vst v30  }
0x2b0: {  	v30 =	vld.idx.msk [tilespmem:v34+s3+$0x0], $0xffff;
	_ =	sdelay $0x1  }
0x2b1: {  	v34 =	vadd.s32 v59, v29;
	_ =	sdelay $0x1  }
0x2b2: {  	v60 =	vld [tilespmem:$0x1FC50]  }
0x2b3: {  	v30 =	vadd.s32 s10, v30  }
0x2b4: {  	[tilespmem:$0x8020] =	vst v30  }
0x2b5: {  	v30 =	vld.idx.msk [tilespmem:v34+s3+$0x0], $0xffff;
	_ =	sdelay $0x1  }
0x2b6: {  	v34 =	vadd.s32 v60, v29;
	_ =	sdelay $0x1  }
0x2b7: {  	v61 =	vld [tilespmem:$0x1FC60]  }
0x2b8: {  	v30 =	vadd.s32 s10, v30  }
0x2b9: {  	[tilespmem:$0x8030] =	vst v30  }
0x2ba: {  	v30 =	vld.idx.msk [tilespmem:v34+s3+$0x0], $0xffff;
	_ =	sdelay $0x1  }
0x2bb: {  	v34 =	vadd.s32 v61, v29;
	_ =	sdelay $0x1  }
0x2bc: {  	v62 =	vld [tilespmem:$0x1FC70]  }
0x2bd: {  	v30 =	vadd.s32 s10, v30  }
0x2be: {  	[tilespmem:$0x8040] =	vst v30  }
0x2bf: {  	v30 =	vld.idx.msk [tilespmem:v34+s3+$0x0], $0xffff;
	_ =	sdelay $0x1  }
0x2c0: {  	v34 =	vadd.s32 v62, v29;
	_ =	sdelay $0x1  }
0x2c1: {  	v63 =	vld [tilespmem:$0x1FC80]  }
0x2c2: {  	v30 =	vadd.s32 s10, v30  }
0x2c3: {  	[tilespmem:$0x8050] =	vst v30  }
0x2c4: {  	v30 =	vld.idx.msk [tilespmem:v34+s3+$0x0], $0xffff;
	_ =	sdelay $0x1  }
0x2c5: {  	v29 =	vadd.s32 v63, v29;
	_ =	sdelay $0x2  }
0x2c6: {  	v30 =	vadd.s32 s10, v30  }
0x2c7: {  	[tilespmem:$0x8060] =	vst v30  }
0x2c8: {  	v29 =	vld.idx.msk [tilespmem:v29+s3+$0x0], $0xffff;
	_ =	sdelay $0x4  }
0x2c9: {  	v29 =	vadd.s32 s10, v29  }
.Ltmp5:
0x2ca: {  	[tilespmem:$0x8070] =	vst v29;
	(pc) =	sbr.rel @p0 .LBB2_8-.Ltmp5, $4  }
0x2cb: {  	[tilespmem:s14], [sflag:$0x1] =	stream.indirect.gather [hbm4b:s5+s12], $0x80, s13, s12, $0xb8;
	[tilespmem:$0x1C200] =	vst v63  }
0x2cc: {  	_ =	swait.ge [sflag:s24], $0x4000  }
0x2cd: {  	[sflag:s24] =	ssyncset.done $0x0  }
0x2ce: {  	[sflag:s24] =	ssyncadd.s32 $0xFFFFC000  }
.LBB2_7:
0x2cf: {  	_ =	swait.ge [sflag:s25], $0x2000  }
0x2d0: {  	[sflag:s25] =	ssyncset.done $0x0  }
0x2d1: {  	[sflag:s25] =	ssyncadd.s32 $0xFFFFE000  }
.LBB2_8:
0x2d2: {  	v0 =	vld [tilespmem:$0x1FFF0];
	_ =	sdelay $0x1  }
0x2d3: {  	s10 =	simm.s32 $0x0;
	v36 =	vlaneseq.u32  }
0x2d4: {  	v29 =	vadd.s32 s10, v36  }
0x2d5: {  	v30 =	vand.u32 $0xF, v29  }
0x2d6: {  	v9 =	vmov v0;
	v35 =	vor.u32 v0, v30;
	v0 =	vld [tilespmem:$0x1FE10];
	_ =	sdelay $0x4  }
0x2d7: {  	v6 =	vmov v0;
	v37 =	vor.u32 v0, v29;
	v0 =	vld [tilespmem:$0x1FE20];
	_ =	sdelay $0x3  }
0x2d8: {  	v34 =	vshll.u32 v30, $0x7  }
0x2d9: {  	v11 =	vmov v0;
	v52 =	vor.u32 v0, v34;
	v0 =	vld [tilespmem:$0x1FE30];
	_ =	sdelay $0x4  }
0x2da: {  	v12 =	vmov v0;
	v53 =	vor.u32 v0, v30;
	v0 =	vld [tilespmem:$0x1FE40];
	_ =	sdelay $0x4  }
0x2db: {  	v45 =	vmov v0;
	v54 =	vor.u32 v0, v34;
	v0 =	vld [tilespmem:$0x1FE50];
	_ =	sdelay $0x4  }
0x2dc: {  	v28 =	vmov v0;
	v55 =	vor.u32 v0, v29;
	v0 =	vld [tilespmem:$0x1FE60];
	_ =	sdelay $0x4  }
0x2dd: {  	v46 =	vmov v0;
	v56 =	vor.u32 v0, v34;
	v0 =	vld [tilespmem:$0x1FE70];
	_ =	sdelay $0x4  }
0x2de: {  	v47 =	vmov v0;
	v57 =	vor.u32 v0, v30;
	v0 =	vld [tilespmem:$0x1FE80];
	_ =	sdelay $0x4  }
0x2df: {  	v48 =	vmov v0;
	v58 =	vor.u32 v0, v34;
	v0 =	vld [tilespmem:$0x1FE90];
	_ =	sdelay $0x4  }
0x2e0: {  	v49 =	vmov v0;
	v59 =	vor.u32 v0, v29;
	v0 =	vld [tilespmem:$0x1FEA0];
	_ =	sdelay $0x2  }
0x2e1: {  	v36 =	vor.u32 v36, v34;
	v35 =	vld.idx.msk [tilespmem:v35+s16+$0x0], $0xffff;
	_ =	sdelay $0x1  }
0x2e2: {  	v50 =	vmov v0;
	v60 =	vor.u32 v0, v34;
	v0 =	vld [tilespmem:$0x1FEB0];
	_ =	sdelay $0x2  }
0x2e3: {  	[tilespmem:v36+s26+$0x0] =	vst.idx.msk $0xffff, v35  }
0x2e4: {  	v35 =	vld.idx.msk [tilespmem:v37+s16+$0x0], $0xffff  }
0x2e5: {  	v51 =	vmov v0;
	v61 =	vor.u32 v0, v30;
	v0 =	vld [tilespmem:$0x1FEC0];
	_ =	sdelay $0x4  }
0x2e6: {  	[tilespmem:v52+s26+$0x0] =	vst.idx.msk $0xffff, v35;
	v52 =	vmov v0;
	v62 =	vor.u32 v0, v34;
	v0 =	vld [tilespmem:$0x1FED0];
	_ =	sdelay $0x3  }
0x2e7: {  	v35 =	vld.idx.msk [tilespmem:v53+s16+$0x0], $0xffff  }
0x2e8: {  	v53 =	vmov v0;
	v63 =	vor.u32 v0, v29;
	v0 =	vld [tilespmem:$0x1FEE0];
	_ =	sdelay $0x4  }
0x2e9: {  	[tilespmem:v54+s26+$0x0] =	vst.idx.msk $0xffff, v35;
	v54 =	vmov v0;
	v32 =	vor.u32 v0, v34;
	v0 =	vld [tilespmem:$0x1FEF0];
	_ =	sdelay $0x3  }
0x2ea: {  	v35 =	vld.idx.msk [tilespmem:v55+s16+$0x0], $0xffff  }
0x2eb: {  	v55 =	vmov v0;
	v33 =	vor.u32 v0, v30;
	v0 =	vld [tilespmem:$0x1FF00];
	_ =	sdelay $0x4  }
0x2ec: {  	[tilespmem:v56+s26+$0x0] =	vst.idx.msk $0xffff, v35;
	v56 =	vmov v0;
	v40 =	vor.u32 v0, v34;
	v0 =	vld [tilespmem:$0x1FF10]  }
0x2ed: {  	v35 =	vld.idx.msk [tilespmem:v57+s16+$0x0], $0xffff;
	_ =	sdelay $0x3  }
0x2ee: {  	v57 =	vmov v0;
	v41 =	vor.u32 v0, v29;
	v0 =	vld [tilespmem:$0x1FF20]  }
0x2ef: {  	[tilespmem:v58+s26+$0x0] =	vst.idx.msk $0xffff, v35  }
0x2f0: {  	v35 =	vld.idx.msk [tilespmem:v59+s16+$0x0], $0xffff;
	_ =	sdelay $0x2  }
0x2f1: {  	v58 =	vmov v0;
	v42 =	vor.u32 v0, v34;
	v0 =	vld [tilespmem:$0x1FF30];
	_ =	sdelay $0x1  }
0x2f2: {  	[tilespmem:v60+s26+$0x0] =	vst.idx.msk $0xffff, v35  }
0x2f3: {  	v35 =	vld.idx.msk [tilespmem:v61+s16+$0x0], $0xffff;
	_ =	sdelay $0x1  }
0x2f4: {  	v59 =	vmov v0;
	v43 =	vor.u32 v0, v30;
	v0 =	vld [tilespmem:$0x1FF40];
	_ =	sdelay $0x2  }
0x2f5: {  	[tilespmem:v62+s26+$0x0] =	vst.idx.msk $0xffff, v35  }
0x2f6: {  	v35 =	vld.idx.msk [tilespmem:v63+s16+$0x0], $0xffff  }
0x2f7: {  	v60 =	vmov v0;
	v44 =	vor.u32 v0, v34;
	v0 =	vld [tilespmem:$0x1FF50];
	_ =	sdelay $0x4  }
0x2f8: {  	[tilespmem:v32+s26+$0x0] =	vst.idx.msk $0xffff, v35;
	v61 =	vmov v0;
	v32 =	vor.u32 v0, v29;
	v0 =	vld [tilespmem:$0x1FF60];
	_ =	sdelay $0x1  }
0x2f9: {  	v35 =	vld.idx.msk [tilespmem:v33+s16+$0x0], $0xffff;
	_ =	sdelay $0x2  }
0x2fa: {  	v62 =	vmov v0;
	v33 =	vor.u32 v0, v34;
	v0 =	vld [tilespmem:$0x1FF70];
	_ =	sdelay $0x1  }
0x2fb: {  	[tilespmem:v40+s26+$0x0] =	vst.idx.msk $0xffff, v35  }
0x2fc: {  	v35 =	vld.idx.msk [tilespmem:v41+s16+$0x0], $0xffff;
	_ =	sdelay $0x1  }
0x2fd: {  	v63 =	vmov v0;
	v40 =	vor.u32 v0, v30;
	v0 =	vld [tilespmem:$0x1FF80];
	_ =	sdelay $0x2  }
0x2fe: {  	[tilespmem:v42+s26+$0x0] =	vst.idx.msk $0xffff, v35  }
0x2ff: {  	v35 =	vld.idx.msk [tilespmem:v43+s16+$0x0], $0xffff  }
0x300: {  	v38 =	vmov v0;
	v41 =	vor.u32 v0, v34;
	v0 =	vld [tilespmem:$0x1FF90];
	_ =	sdelay $0x4  }
0x301: {  	[tilespmem:v44+s26+$0x0] =	vst.idx.msk $0xffff, v35;
	v44 =	vmov v0;
	v42 =	vor.u32 v0, v29;
	v0 =	vld [tilespmem:$0x1FFA0];
	_ =	sdelay $0x1  }
0x302: {  	v35 =	vld.idx.msk [tilespmem:v32+s16+$0x0], $0xffff;
	_ =	sdelay $0x2  }
0x303: {  	v14 =	vmov v0;
	v43 =	vor.u32 v0, v34;
	v0 =	vld [tilespmem:$0x1FFB0];
	_ =	sdelay $0x1  }
0x304: {  	[tilespmem:v33+s26+$0x0] =	vst.idx.msk $0xffff, v35  }
0x305: {  	v35 =	vld.idx.msk [tilespmem:v40+s16+$0x0], $0xffff;
	_ =	sdelay $0x1  }
0x306: {  	v13 =	vmov v0;
	v32 =	vor.u32 v0, v30;
	v0 =	vld [tilespmem:$0x1FFC0];
	_ =	sdelay $0x2  }
0x307: {  	[tilespmem:v41+s26+$0x0] =	vst.idx.msk $0xffff, v35  }
0x308: {  	v35 =	vld.idx.msk [tilespmem:v42+s16+$0x0], $0xffff  }
0x309: {  	v15 =	vmov v0;
	v33 =	vor.u32 v0, v34;
	v0 =	vld [tilespmem:$0x1FFD0];
	_ =	sdelay $0x4  }
0x30a: {  	[tilespmem:v43+s26+$0x0] =	vst.idx.msk $0xffff, v35;
	v43 =	vmov v0;
	v42 =	vor.u32 v0, v29;
	v0 =	vld [tilespmem:$0x1FFE0];
	_ =	sdelay $0x2  }
0x30b: {  	v35 =	vld.idx.msk [tilespmem:v32+s16+$0x0], $0xffff;
	_ =	sdelay $0x1  }
0x30c: {  	v41 =	vmov v0;
	v32 =	vor.u32 v0, v34;
	v0 =	vld [tilespmem:$0x1FBD0];
	_ =	sdelay $0x2  }
0x30d: {  	[tilespmem:v33+s26+$0x0] =	vst.idx.msk $0xffff, v35  }
0x30e: {  	v35 =	vld.idx.msk [tilespmem:v42+s16+$0x0], $0xffff  }
0x30f: {  	v42 =	vmov v0;
	v33 =	vor.u32 v0, v30;
	v0 =	vld [tilespmem:$0x1FBE0];
	_ =	sdelay $0x4  }
0x310: {  	v16 =	vmov v0;
	v40 =	vor.u32 v0, v34;
	v0 =	vld [tilespmem:$0x1FBF0];
	_ =	sdelay $0x4  }
0x311: {  	[tilespmem:v32+s26+$0x0] =	vst.idx.msk $0xffff, v35;
	v17 =	vmov v0;
	v32 =	vor.u32 v0, v29;
	v0 =	vld [tilespmem:$0x1FA10];
	_ =	sdelay $0x3  }
0x312: {  	v35 =	vld.idx.msk [tilespmem:v33+s16+$0x0], $0xffff  }
0x313: {  	v18 =	vmov v0;
	v33 =	vor.u32 v0, v34;
	v0 =	vld [tilespmem:$0x1FA20];
	_ =	sdelay $0x4  }
0x314: {  	[tilespmem:v40+s26+$0x0] =	vst.idx.msk $0xffff, v35;
	v19 =	vmov v0;
	v40 =	vor.u32 v0, v30;
	v0 =	vld [tilespmem:$0x1FA30];
	_ =	sdelay $0x3  }
0x315: {  	v35 =	vld.idx.msk [tilespmem:v32+s16+$0x0], $0xffff  }
0x316: {  	v20 =	vmov v0;
	v32 =	vor.u32 v0, v34;
	v0 =	vld [tilespmem:$0x1FA40];
	_ =	sdelay $0x4  }
0x317: {  	[tilespmem:v33+s26+$0x0] =	vst.idx.msk $0xffff, v35;
	v21 =	vmov v0;
	v33 =	vor.u32 v0, v29;
	v0 =	vld [tilespmem:$0x1FA50];
	_ =	sdelay $0x3  }
0x318: {  	v35 =	vld.idx.msk [tilespmem:v40+s16+$0x0], $0xffff  }
0x319: {  	v22 =	vmov v0;
	v40 =	vor.u32 v0, v34;
	v0 =	vld [tilespmem:$0x1FA60];
	_ =	sdelay $0x4  }
0x31a: {  	[tilespmem:v32+s26+$0x0] =	vst.idx.msk $0xffff, v35;
	v23 =	vmov v0;
	v32 =	vor.u32 v0, v30;
	v0 =	vld [tilespmem:$0x1FA70];
	_ =	sdelay $0x3  }
0x31b: {  	v35 =	vld.idx.msk [tilespmem:v33+s16+$0x0], $0xffff  }
0x31c: {  	v24 =	vmov v0;
	v33 =	vor.u32 v0, v34;
	v0 =	vld [tilespmem:$0x1FA80];
	_ =	sdelay $0x4  }
0x31d: {  	[tilespmem:v40+s26+$0x0] =	vst.idx.msk $0xffff, v35;
	v25 =	vmov v0;
	v40 =	vor.u32 v0, v29;
	v0 =	vld [tilespmem:$0x1FA90];
	_ =	sdelay $0x3  }
0x31e: {  	v35 =	vld.idx.msk [tilespmem:v32+s16+$0x0], $0xffff  }
0x31f: {  	v26 =	vmov v0;
	v32 =	vor.u32 v0, v34;
	v0 =	vld [tilespmem:$0x1FAA0];
	_ =	sdelay $0x4  }
0x320: {  	[tilespmem:v33+s26+$0x0] =	vst.idx.msk $0xffff, v35;
	v27 =	vmov v0;
	v33 =	vor.u32 v0, v30;
	v0 =	vld [tilespmem:$0x1FAB0];
	_ =	sdelay $0x2  }
0x321: {  	v35 =	vld.idx.msk [tilespmem:v40+s16+$0x0], $0xffff;
	_ =	sdelay $0x1  }
0x322: {  	v31 =	vmov v0;
	v36 =	vor.u32 v0, v34;
	v0 =	vld [tilespmem:$0x1FAC0];
	_ =	sdelay $0x2  }
0x323: {  	[tilespmem:v32+s26+$0x0] =	vst.idx.msk $0xffff, v35  }
0x324: {  	v35 =	vld.idx.msk [tilespmem:v33+s16+$0x0], $0xffff  }
0x325: {  	v40 =	vor.u32 v0, v29  }
0x326: {  	v33 =	vmov v0;
	v0 =	vld [tilespmem:$0x1FAD0];
	_ =	sdelay $0x2  }
0x327: {  	[tilespmem:v36+s26+$0x0] =	vst.idx.msk $0xffff, v35  }
0x328: {  	v35 =	vld.idx.msk [tilespmem:v40+s16+$0x0], $0xffff  }
0x329: {  	v40 =	vmov v0;
	v36 =	vor.u32 v0, v34;
	v0 =	vld [tilespmem:$0x1FAE0];
	_ =	sdelay $0x4  }
0x32a: {  	v32 =	vor.u32 v0, v30  }
0x32b: {  	v1 =	vmov v0;
	v0 =	vld [tilespmem:$0x1FAF0];
	_ =	sdelay $0x2  }
0x32c: {  	[tilespmem:v36+s26+$0x0] =	vst.idx.msk $0xffff, v35  }
0x32d: {  	v35 =	vld.idx.msk [tilespmem:v32+s16+$0x0], $0xffff  }
0x32e: {  	v32 =	vmov v0;
	v36 =	vor.u32 v0, v34;
	v0 =	vld [tilespmem:$0x1FB00];
	_ =	sdelay $0x3  }
0x32f: {  	v2 =	vld [tilespmem:$0x1FB10]  }
0x330: {  	v37 =	vor.u32 v0, v29;
	_ =	sdelay $0x2  }
0x331: {  	v4 =	vld [tilespmem:$0x1FB30]  }
0x332: {  	v3 =	vmov v0;
	[tilespmem:v36+s26+$0x0] =	vst.idx.msk $0xffff, v35;
	v0 =	vmov v2;
	v36 =	vor.u32 v2, v34;
	v2 =	vld [tilespmem:$0x1FB20]  }
0x333: {  	v35 =	vld.idx.msk [tilespmem:v37+s16+$0x0], $0xffff;
	_ =	sdelay $0x3  }
0x334: {  	v37 =	vor.u32 v2, v30  }
0x335: {  	v5 =	vmov v2;
	v2 =	vmov v4;
	[tilespmem:v36+s26+$0x0] =	vst.idx.msk $0xffff, v35;
	v36 =	vor.u32 v4, v34;
	v4 =	vld [tilespmem:$0x1FB40];
	_ =	sdelay $0x3  }
0x336: {  	v35 =	vld.idx.msk [tilespmem:v37+s16+$0x0], $0xffff  }
0x337: {  	v8 =	vld [tilespmem:$0x1FB50];
	v37 =	vor.u32 v4, v29  }
0x338: {  	v10 =	vld [tilespmem:$0x1FB60];
	_ =	sdelay $0x2  }
0x339: {  	[tilespmem:v36+s26+$0x0] =	vst.idx.msk $0xffff, v35  }
0x33a: {  	v35 =	vld.idx.msk [tilespmem:v37+s16+$0x0], $0xffff  }
0x33b: {  	v7 =	vmovc v4;
	v4 =	vmovc v8;
	v36 =	vor.u32 v8, v34;
	v8 =	vmov v10;
	v37 =	vor.u32 v10, v30;
	v10 =	vld [tilespmem:$0x1FB70];
	_ =	sdelay $0x4  }
0x33c: {  	[tilespmem:v36+s26+$0x0] =	vst.idx.msk $0xffff, v35;
	v36 =	vor.u32 v10, v34;
	v10 =	vld [tilespmem:$0x1FC00];
	_ =	sdelay $0x3  }
0x33d: {  	v35 =	vld.idx.msk [tilespmem:v37+s16+$0x0], $0xffff  }
0x33e: {  	v37 =	vor.u32 v10, v29;
	v10 =	vld [tilespmem:$0x1FB80];
	_ =	sdelay $0x3  }
0x33f: {  	[tilespmem:v36+s26+$0x0] =	vst.idx.msk $0xffff, v35;
	v35 =	vld [tilespmem:$0x1FB90]  }
0x340: {  	v39 =	vld.idx.msk [tilespmem:v37+s16+$0x0], $0xffff;
	v36 =	vor.u32 v10, v34;
	_ =	sdelay $0x4  }
0x341: {  	v30 =	vor.u32 v35, v30;
	[tilespmem:v36+s26+$0x0] =	vst.idx.msk $0xffff, v39;
	v39 =	vld [tilespmem:$0x1FBA0]  }
0x342: {  	v36 =	vld [tilespmem:$0x1FBB0];
	_ =	sdelay $0x3  }
0x343: {  	v30 =	vld.idx.msk [tilespmem:v30+s16+$0x0], $0xffff;
	v35 =	vor.u32 v39, v34  }
0x344: {  	v36 =	vor.u32 v36, v29  }
0x345: {  	v10 =	vld [tilespmem:$0x1FBC0];
	_ =	sdelay $0x2  }
0x346: {  	s10 =	simm.s32 $0x1;
	v37 =	vlaneseq.u32;
	[tilespmem:v35+s26+$0x0] =	vst.idx.msk $0xffff, v30  }
0x347: {  	v29 =	vadd.s32 s10, v37;
	s10 =	simm.s32 $0x2;
	v30 =	vld.idx.msk [tilespmem:v36+s16+$0x0], $0xffff  }
.LBB2_9:
0x348: {  	v35 =	vand.u32 $0xF, v29;
	v34 =	vor.u32 v10, v34  }
0x349: {  	v36 =	vor.u32 v9, v35;
	_ =	sdelay $0x3  }
0x34a: {  	[tilespmem:v34+s26+$0x0] =	vst.idx.msk $0xffff, v30;
	v34 =	vshll.u32 v35, $0x7  }
0x34b: {  	v30 =	vld.idx.msk [tilespmem:v36+s16+$0x0], $0xffff;
	v36 =	vor.u32 v37, v34  }
0x34c: {  	v37 =	vor.u32 v6, v29;
	_ =	sdelay $0x3  }
0x34d: {  	[tilespmem:v36+s26+$0x0] =	vst.idx.msk $0xffff, v30  }
0x34e: {  	v36 =	vor.u32 v11, v34;
	v30 =	vld.idx.msk [tilespmem:v37+s16+$0x0], $0xffff  }
0x34f: {  	v37 =	vor.u32 v12, v35;
	_ =	sdelay $0x3  }
0x350: {  	[tilespmem:v36+s26+$0x0] =	vst.idx.msk $0xffff, v30  }
0x351: {  	v36 =	vor.u32 v45, v34;
	v30 =	vld.idx.msk [tilespmem:v37+s16+$0x0], $0xffff  }
0x352: {  	v37 =	vor.u32 v28, v29;
	_ =	sdelay $0x3  }
0x353: {  	[tilespmem:v36+s26+$0x0] =	vst.idx.msk $0xffff, v30  }
0x354: {  	v36 =	vor.u32 v46, v34;
	v30 =	vld.idx.msk [tilespmem:v37+s16+$0x0], $0xffff  }
0x355: {  	v37 =	vor.u32 v47, v35;
	_ =	sdelay $0x3  }
0x356: {  	[tilespmem:v36+s26+$0x0] =	vst.idx.msk $0xffff, v30  }
0x357: {  	v36 =	vor.u32 v48, v34;
	v30 =	vld.idx.msk [tilespmem:v37+s16+$0x0], $0xffff  }
0x358: {  	v37 =	vor.u32 v49, v29;
	_ =	sdelay $0x3  }
0x359: {  	[tilespmem:v36+s26+$0x0] =	vst.idx.msk $0xffff, v30  }
0x35a: {  	v36 =	vor.u32 v50, v34;
	v30 =	vld.idx.msk [tilespmem:v37+s16+$0x0], $0xffff  }
0x35b: {  	v37 =	vor.u32 v51, v35;
	_ =	sdelay $0x3  }
0x35c: {  	[tilespmem:v36+s26+$0x0] =	vst.idx.msk $0xffff, v30  }
0x35d: {  	v36 =	vor.u32 v52, v34;
	v30 =	vld.idx.msk [tilespmem:v37+s16+$0x0], $0xffff  }
0x35e: {  	v37 =	vor.u32 v53, v29;
	_ =	sdelay $0x3  }
0x35f: {  	[tilespmem:v36+s26+$0x0] =	vst.idx.msk $0xffff, v30  }
0x360: {  	v36 =	vor.u32 v54, v34;
	v30 =	vld.idx.msk [tilespmem:v37+s16+$0x0], $0xffff  }
0x361: {  	v37 =	vor.u32 v55, v35;
	_ =	sdelay $0x3  }
0x362: {  	[tilespmem:v36+s26+$0x0] =	vst.idx.msk $0xffff, v30  }
0x363: {  	v36 =	vor.u32 v56, v34;
	v30 =	vld.idx.msk [tilespmem:v37+s16+$0x0], $0xffff  }
0x364: {  	v37 =	vor.u32 v57, v29;
	_ =	sdelay $0x3  }
0x365: {  	[tilespmem:v36+s26+$0x0] =	vst.idx.msk $0xffff, v30  }
0x366: {  	v36 =	vor.u32 v58, v34;
	v30 =	vld.idx.msk [tilespmem:v37+s16+$0x0], $0xffff  }
0x367: {  	v37 =	vor.u32 v59, v35;
	_ =	sdelay $0x3  }
0x368: {  	[tilespmem:v36+s26+$0x0] =	vst.idx.msk $0xffff, v30  }
0x369: {  	v36 =	vor.u32 v60, v34;
	v30 =	vld.idx.msk [tilespmem:v37+s16+$0x0], $0xffff  }
0x36a: {  	v37 =	vor.u32 v61, v29;
	_ =	sdelay $0x3  }
0x36b: {  	[tilespmem:v36+s26+$0x0] =	vst.idx.msk $0xffff, v30  }
0x36c: {  	v36 =	vor.u32 v62, v34;
	v30 =	vld.idx.msk [tilespmem:v37+s16+$0x0], $0xffff  }
0x36d: {  	v37 =	vor.u32 v63, v35;
	_ =	sdelay $0x3  }
0x36e: {  	[tilespmem:v36+s26+$0x0] =	vst.idx.msk $0xffff, v30  }
0x36f: {  	v36 =	vor.u32 v38, v34;
	v30 =	vld.idx.msk [tilespmem:v37+s16+$0x0], $0xffff  }
0x370: {  	v37 =	vor.u32 v44, v29;
	_ =	sdelay $0x3  }
0x371: {  	[tilespmem:v36+s26+$0x0] =	vst.idx.msk $0xffff, v30  }
0x372: {  	v36 =	vor.u32 v14, v34;
	v30 =	vld.idx.msk [tilespmem:v37+s16+$0x0], $0xffff  }
0x373: {  	v37 =	vor.u32 v13, v35;
	_ =	sdelay $0x3  }
0x374: {  	[tilespmem:v36+s26+$0x0] =	vst.idx.msk $0xffff, v30  }
0x375: {  	v36 =	vor.u32 v15, v34;
	v30 =	vld.idx.msk [tilespmem:v37+s16+$0x0], $0xffff  }
0x376: {  	v37 =	vor.u32 v43, v29;
	_ =	sdelay $0x3  }
0x377: {  	[tilespmem:v36+s26+$0x0] =	vst.idx.msk $0xffff, v30  }
0x378: {  	v36 =	vor.u32 v41, v34;
	v30 =	vld.idx.msk [tilespmem:v37+s16+$0x0], $0xffff  }
0x379: {  	v37 =	vor.u32 v42, v35;
	_ =	sdelay $0x3  }
0x37a: {  	[tilespmem:v36+s26+$0x0] =	vst.idx.msk $0xffff, v30  }
0x37b: {  	v36 =	vor.u32 v16, v34;
	v30 =	vld.idx.msk [tilespmem:v37+s16+$0x0], $0xffff  }
0x37c: {  	v37 =	vor.u32 v17, v29;
	_ =	sdelay $0x3  }
0x37d: {  	[tilespmem:v36+s26+$0x0] =	vst.idx.msk $0xffff, v30  }
0x37e: {  	v36 =	vor.u32 v18, v34;
	v30 =	vld.idx.msk [tilespmem:v37+s16+$0x0], $0xffff  }
0x37f: {  	v37 =	vor.u32 v19, v35;
	_ =	sdelay $0x3  }
0x380: {  	[tilespmem:v36+s26+$0x0] =	vst.idx.msk $0xffff, v30  }
0x381: {  	v36 =	vor.u32 v20, v34;
	v30 =	vld.idx.msk [tilespmem:v37+s16+$0x0], $0xffff  }
0x382: {  	v37 =	vor.u32 v21, v29;
	_ =	sdelay $0x3  }
0x383: {  	[tilespmem:v36+s26+$0x0] =	vst.idx.msk $0xffff, v30  }
0x384: {  	v36 =	vor.u32 v22, v34;
	v30 =	vld.idx.msk [tilespmem:v37+s16+$0x0], $0xffff  }
0x385: {  	v37 =	vor.u32 v23, v35;
	_ =	sdelay $0x3  }
0x386: {  	[tilespmem:v36+s26+$0x0] =	vst.idx.msk $0xffff, v30  }
0x387: {  	v36 =	vor.u32 v24, v34;
	v30 =	vld.idx.msk [tilespmem:v37+s16+$0x0], $0xffff  }
0x388: {  	v37 =	vor.u32 v25, v29;
	_ =	sdelay $0x3  }
0x389: {  	[tilespmem:v36+s26+$0x0] =	vst.idx.msk $0xffff, v30  }
0x38a: {  	v36 =	vor.u32 v26, v34;
	v30 =	vld.idx.msk [tilespmem:v37+s16+$0x0], $0xffff  }
0x38b: {  	v37 =	vor.u32 v27, v35;
	_ =	sdelay $0x3  }
0x38c: {  	[tilespmem:v36+s26+$0x0] =	vst.idx.msk $0xffff, v30  }
0x38d: {  	v36 =	vor.u32 v31, v34;
	v30 =	vld.idx.msk [tilespmem:v37+s16+$0x0], $0xffff  }
0x38e: {  	v37 =	vor.u32 v33, v29;
	_ =	sdelay $0x3  }
0x38f: {  	[tilespmem:v36+s26+$0x0] =	vst.idx.msk $0xffff, v30  }
0x390: {  	v36 =	vor.u32 v40, v34;
	v30 =	vld.idx.msk [tilespmem:v37+s16+$0x0], $0xffff  }
0x391: {  	v37 =	vor.u32 v1, v35;
	_ =	sdelay $0x3  }
0x392: {  	[tilespmem:v36+s26+$0x0] =	vst.idx.msk $0xffff, v30  }
0x393: {  	v36 =	vor.u32 v32, v34;
	v30 =	vld.idx.msk [tilespmem:v37+s16+$0x0], $0xffff  }
0x394: {  	v37 =	vor.u32 v3, v29;
	_ =	sdelay $0x3  }
0x395: {  	[tilespmem:v36+s26+$0x0] =	vst.idx.msk $0xffff, v30  }
0x396: {  	v36 =	vor.u32 v0, v34;
	v30 =	vld.idx.msk [tilespmem:v37+s16+$0x0], $0xffff  }
0x397: {  	v37 =	vor.u32 v5, v35;
	_ =	sdelay $0x3  }
0x398: {  	[tilespmem:v36+s26+$0x0] =	vst.idx.msk $0xffff, v30  }
0x399: {  	v36 =	vor.u32 v2, v34;
	v30 =	vld.idx.msk [tilespmem:v37+s16+$0x0], $0xffff  }
0x39a: {  	v37 =	vor.u32 v7, v29;
	_ =	sdelay $0x3  }
0x39b: {  	[tilespmem:v36+s26+$0x0] =	vst.idx.msk $0xffff, v30  }
0x39c: {  	v36 =	vor.u32 v4, v34;
	v30 =	vld.idx.msk [tilespmem:v37+s16+$0x0], $0xffff;
	_ =	sdelay $0x3  }
0x39d: {  	v37 =	vor.u32 v8, v35  }
0x39e: {  	[tilespmem:v36+s26+$0x0] =	vst.idx.msk $0xffff, v30;
	v36 =	vld [tilespmem:$0x1FB70];
	_ =	sdelay $0x3  }
0x39f: {  	v30 =	vld.idx.msk [tilespmem:v37+s16+$0x0], $0xffff  }
0x3a0: {  	v37 =	vld [tilespmem:$0x1FC00];
	v36 =	vor.u32 v36, v34;
	_ =	sdelay $0x4  }
0x3a1: {  	v37 =	vor.u32 v37, v29;
	[tilespmem:v36+s26+$0x0] =	vst.idx.msk $0xffff, v30;
	v36 =	vld [tilespmem:$0x1FB80];
	_ =	sdelay $0x3  }
0x3a2: {  	v39 =	vld [tilespmem:$0x1FB90]  }
0x3a3: {  	v30 =	vld.idx.msk [tilespmem:v37+s16+$0x0], $0xffff;
	v36 =	vor.u32 v36, v34;
	_ =	sdelay $0x3  }
0x3a4: {  	v35 =	vor.u32 v39, v35;
	v39 =	vld [tilespmem:$0x1FBA0]  }
0x3a5: {  	[tilespmem:v36+s26+$0x0] =	vst.idx.msk $0xffff, v30;
	v36 =	vld [tilespmem:$0x1FBB0];
	_ =	sdelay $0x3  }
0x3a6: {  	v30 =	vld.idx.msk [tilespmem:v35+s16+$0x0], $0xffff;
	v35 =	vor.u32 v39, v34  }
0x3a7: {  	p0 =	sne.s32 s10, $0xF;
	v36 =	vor.u32 v36, v29  }
.Ltmp6:
0x3a8: {  	_ = 	snop;
	(pc) =	sbr.rel @p0 .LBB2_9-.Ltmp6, $3  }
0x3a9: {  	_ =	sdelay $0x1  }
0x3aa: {  	v37 =	vlaneseq.u32;
	[tilespmem:v35+s26+$0x0] =	vst.idx.msk $0xffff, v30  }
0x3ab: {  	v29 =	vadd.s32 s10, v37;
	s10 =	sadd.s32 $0x1, s10;
	v30 =	vld.idx.msk [tilespmem:v36+s16+$0x0], $0xffff  }
0x3ac: {  	v35 =	vand.u32 $0xF, v29;
	v34 =	vor.u32 v10, v34  }
0x3ad: {  	v36 =	vor.u32 v9, v35;
	_ =	sdelay $0x3  }
0x3ae: {  	[tilespmem:v34+s26+$0x0] =	vst.idx.msk $0xffff, v30;
	v30 =	vshll.u32 v35, $0x7  }
0x3af: {  	v34 =	vld.idx.msk [tilespmem:v36+s16+$0x0], $0xffff;
	v36 =	vor.u32 v37, v30  }
0x3b0: {  	v37 =	vor.u32 v6, v29;
	_ =	sdelay $0x3  }
0x3b1: {  	[tilespmem:v36+s26+$0x0] =	vst.idx.msk $0xffff, v34  }
0x3b2: {  	v36 =	vor.u32 v11, v30;
	v34 =	vld.idx.msk [tilespmem:v37+s16+$0x0], $0xffff  }
0x3b3: {  	v37 =	vor.u32 v12, v35;
	_ =	sdelay $0x3  }
0x3b4: {  	[tilespmem:v36+s26+$0x0] =	vst.idx.msk $0xffff, v34  }
0x3b5: {  	v36 =	vor.u32 v45, v30;
	v34 =	vld.idx.msk [tilespmem:v37+s16+$0x0], $0xffff  }
0x3b6: {  	v45 =	vor.u32 v28, v29;
	_ =	sdelay $0x3  }
0x3b7: {  	[tilespmem:v36+s26+$0x0] =	vst.idx.msk $0xffff, v34  }
0x3b8: {  	v46 =	vor.u32 v46, v30;
	v34 =	vld.idx.msk [tilespmem:v45+s16+$0x0], $0xffff  }
0x3b9: {  	v47 =	vor.u32 v47, v35;
	_ =	sdelay $0x3  }
0x3ba: {  	[tilespmem:v46+s26+$0x0] =	vst.idx.msk $0xffff, v34  }
0x3bb: {  	v48 =	vor.u32 v48, v30;
	v34 =	vld.idx.msk [tilespmem:v47+s16+$0x0], $0xffff  }
0x3bc: {  	v49 =	vor.u32 v49, v29;
	_ =	sdelay $0x3  }
0x3bd: {  	[tilespmem:v48+s26+$0x0] =	vst.idx.msk $0xffff, v34  }
0x3be: {  	v50 =	vor.u32 v50, v30;
	v34 =	vld.idx.msk [tilespmem:v49+s16+$0x0], $0xffff  }
0x3bf: {  	v51 =	vor.u32 v51, v35;
	_ =	sdelay $0x3  }
0x3c0: {  	[tilespmem:v50+s26+$0x0] =	vst.idx.msk $0xffff, v34  }
0x3c1: {  	v45 =	vor.u32 v52, v30;
	v34 =	vld.idx.msk [tilespmem:v51+s16+$0x0], $0xffff  }
0x3c2: {  	v46 =	vor.u32 v53, v29;
	_ =	sdelay $0x3  }
0x3c3: {  	[tilespmem:v45+s26+$0x0] =	vst.idx.msk $0xffff, v34  }
0x3c4: {  	v47 =	vor.u32 v54, v30;
	v34 =	vld.idx.msk [tilespmem:v46+s16+$0x0], $0xffff  }
0x3c5: {  	v48 =	vor.u32 v55, v35;
	_ =	sdelay $0x3  }
0x3c6: {  	[tilespmem:v47+s26+$0x0] =	vst.idx.msk $0xffff, v34  }
0x3c7: {  	v49 =	vor.u32 v56, v30;
	v34 =	vld.idx.msk [tilespmem:v48+s16+$0x0], $0xffff  }
0x3c8: {  	v50 =	vor.u32 v57, v29;
	_ =	sdelay $0x3  }
0x3c9: {  	[tilespmem:v49+s26+$0x0] =	vst.idx.msk $0xffff, v34  }
0x3ca: {  	v51 =	vor.u32 v58, v30;
	v34 =	vld.idx.msk [tilespmem:v50+s16+$0x0], $0xffff  }
0x3cb: {  	v52 =	vor.u32 v59, v35;
	_ =	sdelay $0x3  }
0x3cc: {  	[tilespmem:v51+s26+$0x0] =	vst.idx.msk $0xffff, v34  }
0x3cd: {  	v53 =	vor.u32 v60, v30;
	v34 =	vld.idx.msk [tilespmem:v52+s16+$0x0], $0xffff  }
0x3ce: {  	v54 =	vor.u32 v61, v29;
	_ =	sdelay $0x3  }
0x3cf: {  	[tilespmem:v53+s26+$0x0] =	vst.idx.msk $0xffff, v34  }
0x3d0: {  	v55 =	vor.u32 v62, v30;
	v34 =	vld.idx.msk [tilespmem:v54+s16+$0x0], $0xffff  }
0x3d1: {  	v56 =	vor.u32 v63, v35;
	_ =	sdelay $0x3  }
0x3d2: {  	[tilespmem:v55+s26+$0x0] =	vst.idx.msk $0xffff, v34  }
0x3d3: {  	v57 =	vor.u32 v38, v30;
	v34 =	vld.idx.msk [tilespmem:v56+s16+$0x0], $0xffff  }
0x3d4: {  	v58 =	vor.u32 v44, v29;
	_ =	sdelay $0x3  }
0x3d5: {  	[tilespmem:v57+s26+$0x0] =	vst.idx.msk $0xffff, v34  }
0x3d6: {  	v59 =	vor.u32 v14, v30;
	v34 =	vld.idx.msk [tilespmem:v58+s16+$0x0], $0xffff  }
0x3d7: {  	v60 =	vor.u32 v13, v35;
	_ =	sdelay $0x3  }
0x3d8: {  	[tilespmem:v59+s26+$0x0] =	vst.idx.msk $0xffff, v34  }
0x3d9: {  	v61 =	vor.u32 v15, v30;
	v34 =	vld.idx.msk [tilespmem:v60+s16+$0x0], $0xffff  }
0x3da: {  	v62 =	vor.u32 v43, v29;
	_ =	sdelay $0x3  }
0x3db: {  	[tilespmem:v61+s26+$0x0] =	vst.idx.msk $0xffff, v34  }
0x3dc: {  	v63 =	vor.u32 v41, v30;
	v34 =	vld.idx.msk [tilespmem:v62+s16+$0x0], $0xffff  }
0x3dd: {  	v41 =	vor.u32 v42, v35;
	_ =	sdelay $0x3  }
0x3de: {  	[tilespmem:v63+s26+$0x0] =	vst.idx.msk $0xffff, v34  }
0x3df: {  	v42 =	vor.u32 v16, v30;
	v34 =	vld.idx.msk [tilespmem:v41+s16+$0x0], $0xffff  }
0x3e0: {  	v43 =	vor.u32 v17, v29;
	_ =	sdelay $0x3  }
0x3e1: {  	[tilespmem:v42+s26+$0x0] =	vst.idx.msk $0xffff, v34  }
0x3e2: {  	v44 =	vor.u32 v18, v30;
	v34 =	vld.idx.msk [tilespmem:v43+s16+$0x0], $0xffff  }
0x3e3: {  	v45 =	vor.u32 v19, v35;
	_ =	sdelay $0x3  }
0x3e4: {  	[tilespmem:v44+s26+$0x0] =	vst.idx.msk $0xffff, v34  }
0x3e5: {  	v46 =	vor.u32 v20, v30;
	v34 =	vld.idx.msk [tilespmem:v45+s16+$0x0], $0xffff  }
0x3e6: {  	v47 =	vor.u32 v21, v29;
	_ =	sdelay $0x3  }
0x3e7: {  	[tilespmem:v46+s26+$0x0] =	vst.idx.msk $0xffff, v34  }
0x3e8: {  	v48 =	vor.u32 v22, v30;
	v34 =	vld.idx.msk [tilespmem:v47+s16+$0x0], $0xffff  }
0x3e9: {  	v49 =	vor.u32 v23, v35;
	_ =	sdelay $0x3  }
0x3ea: {  	[tilespmem:v48+s26+$0x0] =	vst.idx.msk $0xffff, v34  }
0x3eb: {  	v50 =	vor.u32 v24, v30;
	v34 =	vld.idx.msk [tilespmem:v49+s16+$0x0], $0xffff  }
0x3ec: {  	v51 =	vor.u32 v25, v29;
	_ =	sdelay $0x3  }
0x3ed: {  	[tilespmem:v50+s26+$0x0] =	vst.idx.msk $0xffff, v34  }
0x3ee: {  	v52 =	vor.u32 v26, v30;
	v34 =	vld.idx.msk [tilespmem:v51+s16+$0x0], $0xffff  }
0x3ef: {  	v53 =	vor.u32 v27, v35;
	_ =	sdelay $0x3  }
0x3f0: {  	[tilespmem:v52+s26+$0x0] =	vst.idx.msk $0xffff, v34  }
0x3f1: {  	v54 =	vor.u32 v31, v30;
	v34 =	vld.idx.msk [tilespmem:v53+s16+$0x0], $0xffff  }
0x3f2: {  	v55 =	vor.u32 v33, v29;
	_ =	sdelay $0x3  }
0x3f3: {  	[tilespmem:v54+s26+$0x0] =	vst.idx.msk $0xffff, v34  }
0x3f4: {  	v56 =	vor.u32 v40, v30;
	v34 =	vld.idx.msk [tilespmem:v55+s16+$0x0], $0xffff  }
0x3f5: {  	v57 =	vor.u32 v1, v35;
	_ =	sdelay $0x3  }
0x3f6: {  	[tilespmem:v56+s26+$0x0] =	vst.idx.msk $0xffff, v34  }
0x3f7: {  	v58 =	vor.u32 v32, v30;
	v34 =	vld.idx.msk [tilespmem:v57+s16+$0x0], $0xffff  }
0x3f8: {  	v59 =	vor.u32 v3, v29;
	_ =	sdelay $0x3  }
0x3f9: {  	v60 =	vor.u32 v0, v30;
	v0 =	vld [tilespmem:$0x1FB70];
	[tilespmem:v58+s26+$0x0] =	vst.idx.msk $0xffff, v34  }
0x3fa: {  	v34 =	vld.idx.msk [tilespmem:v59+s16+$0x0], $0xffff  }
0x3fb: {  	v61 =	vor.u32 v5, v35;
	_ =	sdelay $0x3  }
0x3fc: {  	v40 =	vor.u32 v0, v30;
	v0 =	vld [tilespmem:$0x1FC00];
	[tilespmem:v60+s26+$0x0] =	vst.idx.msk $0xffff, v34  }
0x3fd: {  	v62 =	vor.u32 v2, v30;
	v34 =	vld.idx.msk [tilespmem:v61+s16+$0x0], $0xffff  }
0x3fe: {  	v63 =	vor.u32 v7, v29;
	_ =	sdelay $0x3  }
0x3ff: {  	v41 =	vor.u32 v0, v29;
	v0 =	vld [tilespmem:$0x1FB80];
	[tilespmem:v62+s26+$0x0] =	vst.idx.msk $0xffff, v34  }
0x400: {  	v32 =	vor.u32 v4, v30;
	v34 =	vld.idx.msk [tilespmem:v63+s16+$0x0], $0xffff  }
0x401: {  	v33 =	vor.u32 v8, v35;
	_ =	sdelay $0x2  }
0x402: {  	v42 =	vor.u32 v0, v30;
	v0 =	vld [tilespmem:$0x1FB90]  }
0x403: {  	[tilespmem:v32+s26+$0x0] =	vst.idx.msk $0xffff, v34  }
0x404: {  	v34 =	vld.idx.msk [tilespmem:v33+s16+$0x0], $0xffff;
	_ =	sdelay $0x2  }
0x405: {  	v35 =	vor.u32 v0, v35;
	v0 =	vld [tilespmem:$0x1FBA0];
	_ =	sdelay $0x1  }
0x406: {  	[tilespmem:v40+s26+$0x0] =	vst.idx.msk $0xffff, v34  }
0x407: {  	v34 =	vld.idx.msk [tilespmem:v41+s16+$0x0], $0xffff;
	_ =	sdelay $0x1  }
0x408: {  	v43 =	vor.u32 v0, v30;
	v0 =	vld [tilespmem:$0x1FBB0];
	_ =	sdelay $0x2  }
0x409: {  	[tilespmem:v42+s26+$0x0] =	vst.idx.msk $0xffff, v34  }
0x40a: {  	v34 =	vld.idx.msk [tilespmem:v35+s16+$0x0], $0xffff  }
0x40b: {  	v29 =	vor.u32 v0, v29;
	_ =	sdelay $0x3  }
0x40c: {  	[tilespmem:v43+s26+$0x0] =	vst.idx.msk $0xffff, v34  }
0x40d: {  	v30 =	vor.u32 v10, v30;
	v29 =	vld.idx.msk [tilespmem:v29+s16+$0x0], $0xffff;
	_ =	sdelay $0x4  }
0x40e: {  	s10 =	sadd.s32 s6, s7;
	p0 =	seq.s32 s0, $0x31;
	[tilespmem:v30+s26+$0x0] =	vst.idx.msk $0xffff, v29  }
0x40f: {  	[hbm4b:s10+s23] =	stream.strided.scatter [tilespmem:s26], [sflag:$0x6], $0x2000, s13, s23, $0x38;
	[tilespmem:$0x1C200] =	vst v63  }
0x410: {  	s10 =	sadd.s32 @!p0 $0x5, s2  }
0x411: {  	v29 =	vmov @!p0 s10  }
0x412: {  	v30 =	vshll.u32 @!p0 v29, $0x3  }
0x413: {  	v29 =	vand.u32 @!p0 $0x7D, v29;
	v30 =	vand.u32 @!p0 $0xC00, v30  }
0x414: {  	v29 =	vor.u32 @!p0 v29, v30;
	v30 =	vld @!p0 [tilespmem:$0x1FC10];
	_ =	sdelay $0x4  }
0x415: {  	v30 =	vadd.s32 @!p0 v30, v29;
	_ =	sdelay $0x1  }
0x416: {  	v34 =	vld @!p0 [tilespmem:$0x1FC20];
	_ =	sdelay $0x2  }
0x417: {  	v30 =	vld.idx.msk @!p0 [tilespmem:v30+s3+$0x0], $0xffff;
	_ =	sdelay $0x1  }
0x418: {  	v34 =	vadd.s32 @!p0 v34, v29  }
0x419: {  	s10 =	smul.u32 @!p0 $0x64, s10;
	_ =	sdelay $0x1  }
0x41a: {  	v30 =	vadd.s32 @!p0 s10, v30  }
0x41b: {  	[tilespmem:$0x8080] =	vst @!p0 v30  }
0x41c: {  	v30 =	vld.idx.msk @!p0 [tilespmem:v34+s3+$0x0], $0xffff  }
0x41d: {  	v34 =	vld @!p0 [tilespmem:$0x1FC30];
	_ =	sdelay $0x4  }
0x41e: {  	v34 =	vadd.s32 @!p0 v34, v29;
	_ =	sdelay $0x2  }
0x41f: {  	v30 =	vadd.s32 @!p0 s10, v30  }
0x420: {  	[tilespmem:$0x8090] =	vst @!p0 v30  }
0x421: {  	v30 =	vld.idx.msk @!p0 [tilespmem:v34+s3+$0x0], $0xffff  }
0x422: {  	v34 =	vld @!p0 [tilespmem:$0x1FC40];
	_ =	sdelay $0x4  }
0x423: {  	v34 =	vadd.s32 @!p0 v34, v29;
	_ =	sdelay $0x2  }
0x424: {  	v30 =	vadd.s32 @!p0 s10, v30  }
0x425: {  	[tilespmem:$0x80A0] =	vst @!p0 v30  }
0x426: {  	v30 =	vld.idx.msk @!p0 [tilespmem:v34+s3+$0x0], $0xffff  }
0x427: {  	v34 =	vld @!p0 [tilespmem:$0x1FC50];
	_ =	sdelay $0x4  }
0x428: {  	v34 =	vadd.s32 @!p0 v34, v29;
	_ =	sdelay $0x2  }
0x429: {  	v30 =	vadd.s32 @!p0 s10, v30  }
0x42a: {  	[tilespmem:$0x80B0] =	vst @!p0 v30  }
0x42b: {  	v30 =	vld.idx.msk @!p0 [tilespmem:v34+s3+$0x0], $0xffff  }
0x42c: {  	v34 =	vld @!p0 [tilespmem:$0x1FC60];
	_ =	sdelay $0x4  }
0x42d: {  	v34 =	vadd.s32 @!p0 v34, v29;
	_ =	sdelay $0x2  }
0x42e: {  	v30 =	vadd.s32 @!p0 s10, v30  }
0x42f: {  	[tilespmem:$0x80C0] =	vst @!p0 v30  }
0x430: {  	v30 =	vld.idx.msk @!p0 [tilespmem:v34+s3+$0x0], $0xffff  }
0x431: {  	v34 =	vld @!p0 [tilespmem:$0x1FC70];
	_ =	sdelay $0x4  }
0x432: {  	v34 =	vadd.s32 @!p0 v34, v29;
	_ =	sdelay $0x2  }
0x433: {  	v30 =	vadd.s32 @!p0 s10, v30  }
0x434: {  	[tilespmem:$0x80D0] =	vst @!p0 v30  }
0x435: {  	v30 =	vld.idx.msk @!p0 [tilespmem:v34+s3+$0x0], $0xffff  }
0x436: {  	v34 =	vld @!p0 [tilespmem:$0x1FC80];
	_ =	sdelay $0x4  }
0x437: {  	v29 =	vadd.s32 @!p0 v34, v29;
	_ =	sdelay $0x2  }
0x438: {  	v30 =	vadd.s32 @!p0 s10, v30  }
0x439: {  	[tilespmem:$0x80E0] =	vst @!p0 v30  }
0x43a: {  	v29 =	vld.idx.msk @!p0 [tilespmem:v29+s3+$0x0], $0xffff;
	_ =	sdelay $0x4  }
0x43b: {  	v29 =	vadd.s32 @!p0 s10, v29  }
0x43c: {  	[tilespmem:$0x80F0] =	vst @!p0 v29  }
0x43d: {  	[tilespmem:s16], [sflag:$0x2] =	stream.indirect.gather @!p0 [hbm4b:s5+s12], $0x80, s15, s12, $0xb8;
	[tilespmem:$0x1C200] =	vst v63  }
0x43e: {  	_ =	swait.ge [sflag:s28], $0x4000  }
0x43f: {  	v0 =	vld [tilespmem:$0x1FFF0];
	_ =	sdelay $0x1  }
0x440: {  	v44 =	vlaneseq.u32;
	s10 =	simm.s32 $0x0  }
0x441: {  	v29 =	vadd.s32 s10, v44;
	[sflag:s28] =	ssyncset.done $0x0  }
0x442: {  	v30 =	vand.u32 $0xF, v29;
	[sflag:s28] =	ssyncadd.s32 $0xFFFFC000  }
0x443: {  	_ =	swait.ge [sflag:s29], $0x2000;
	v45 =	vor.u32 v0, v30  }
0x444: {  	v40 =	vld [tilespmem:$0x1FE10];
	_ =	sdelay $0x1  }
0x445: {  	[sflag:s29] =	ssyncset.done $0x0  }
0x446: {  	v34 =	vshll.u32 v30, $0x7;
	[sflag:s29] =	ssyncadd.s32 $0xFFFFE000  }
0x447: {  	v36 =	vor.u32 v44, v34;
	v35 =	vld.idx.msk [tilespmem:v45+s18+$0x0], $0xffff  }
0x448: {  	v41 =	vld [tilespmem:$0x1FE20];
	v46 =	vor.u32 v40, v29  }
0x449: {  	v42 =	vld [tilespmem:$0x1FE30];
	_ =	sdelay $0x2  }
0x44a: {  	[tilespmem:v36+s22+$0x0] =	vst.idx.msk $0xffff, v35  }
0x44b: {  	v47 =	vor.u32 v41, v34;
	v35 =	vld.idx.msk [tilespmem:v46+s18+$0x0], $0xffff  }
0x44c: {  	v43 =	vld [tilespmem:$0x1FE40];
	v48 =	vor.u32 v42, v30  }
0x44d: {  	v44 =	vld [tilespmem:$0x1FE50];
	_ =	sdelay $0x2  }
0x44e: {  	[tilespmem:v47+s22+$0x0] =	vst.idx.msk $0xffff, v35  }
0x44f: {  	v49 =	vor.u32 v43, v34;
	v35 =	vld.idx.msk [tilespmem:v48+s18+$0x0], $0xffff  }
0x450: {  	v50 =	vor.u32 v44, v29;
	v45 =	vld [tilespmem:$0x1FE60]  }
0x451: {  	v46 =	vld [tilespmem:$0x1FE70];
	_ =	sdelay $0x2  }
0x452: {  	[tilespmem:v49+s22+$0x0] =	vst.idx.msk $0xffff, v35  }
0x453: {  	v51 =	vor.u32 v45, v34;
	v35 =	vld.idx.msk [tilespmem:v50+s18+$0x0], $0xffff  }
0x454: {  	v52 =	vor.u32 v46, v30;
	v47 =	vld [tilespmem:$0x1FE80]  }
0x455: {  	v48 =	vld [tilespmem:$0x1FE90];
	_ =	sdelay $0x2  }
0x456: {  	[tilespmem:v51+s22+$0x0] =	vst.idx.msk $0xffff, v35  }
0x457: {  	v53 =	vor.u32 v47, v34;
	v35 =	vld.idx.msk [tilespmem:v52+s18+$0x0], $0xffff  }
0x458: {  	v54 =	vor.u32 v48, v29;
	v49 =	vld [tilespmem:$0x1FEA0]  }
0x459: {  	v50 =	vld [tilespmem:$0x1FEB0];
	_ =	sdelay $0x2  }
0x45a: {  	[tilespmem:v53+s22+$0x0] =	vst.idx.msk $0xffff, v35  }
0x45b: {  	v55 =	vor.u32 v49, v34;
	v35 =	vld.idx.msk [tilespmem:v54+s18+$0x0], $0xffff  }
0x45c: {  	v56 =	vor.u32 v50, v30;
	v51 =	vld [tilespmem:$0x1FEC0]  }
0x45d: {  	v52 =	vld [tilespmem:$0x1FED0];
	_ =	sdelay $0x2  }
0x45e: {  	[tilespmem:v55+s22+$0x0] =	vst.idx.msk $0xffff, v35  }
0x45f: {  	v57 =	vor.u32 v51, v34;
	v35 =	vld.idx.msk [tilespmem:v56+s18+$0x0], $0xffff  }
0x460: {  	v58 =	vor.u32 v52, v29;
	v53 =	vld [tilespmem:$0x1FEE0]  }
0x461: {  	v54 =	vld [tilespmem:$0x1FEF0];
	_ =	sdelay $0x2  }
0x462: {  	[tilespmem:v57+s22+$0x0] =	vst.idx.msk $0xffff, v35  }
0x463: {  	v59 =	vor.u32 v53, v34;
	v35 =	vld.idx.msk [tilespmem:v58+s18+$0x0], $0xffff  }
0x464: {  	v60 =	vor.u32 v54, v30;
	v55 =	vld [tilespmem:$0x1FF00]  }
0x465: {  	v56 =	vld [tilespmem:$0x1FF10];
	_ =	sdelay $0x2  }
0x466: {  	[tilespmem:v59+s22+$0x0] =	vst.idx.msk $0xffff, v35  }
0x467: {  	v61 =	vor.u32 v55, v34;
	v35 =	vld.idx.msk [tilespmem:v60+s18+$0x0], $0xffff  }
0x468: {  	v62 =	vor.u32 v56, v29;
	v57 =	vld [tilespmem:$0x1FF20]  }
0x469: {  	v58 =	vld [tilespmem:$0x1FF30];
	_ =	sdelay $0x2  }
0x46a: {  	[tilespmem:v61+s22+$0x0] =	vst.idx.msk $0xffff, v35  }
0x46b: {  	v63 =	vor.u32 v57, v34;
	v35 =	vld.idx.msk [tilespmem:v62+s18+$0x0], $0xffff  }
0x46c: {  	v32 =	vor.u32 v58, v30;
	v59 =	vld [tilespmem:$0x1FF40]  }
0x46d: {  	v60 =	vld [tilespmem:$0x1FF50];
	_ =	sdelay $0x2  }
0x46e: {  	[tilespmem:v63+s22+$0x0] =	vst.idx.msk $0xffff, v35  }
0x46f: {  	v33 =	vor.u32 v59, v34;
	v35 =	vld.idx.msk [tilespmem:v32+s18+$0x0], $0xffff  }
0x470: {  	v61 =	vld [tilespmem:$0x1FF60];
	v32 =	vor.u32 v60, v29  }
0x471: {  	v62 =	vld [tilespmem:$0x1FF70];
	_ =	sdelay $0x2  }
0x472: {  	[tilespmem:v33+s22+$0x0] =	vst.idx.msk $0xffff, v35  }
0x473: {  	v33 =	vor.u32 v61, v34;
	v35 =	vld.idx.msk [tilespmem:v32+s18+$0x0], $0xffff  }
0x474: {  	v63 =	vld [tilespmem:$0x1FF80];
	v32 =	vor.u32 v62, v30  }
0x475: {  	v11 =	vld [tilespmem:$0x1FF90];
	_ =	sdelay $0x2  }
0x476: {  	[tilespmem:v33+s22+$0x0] =	vst.idx.msk $0xffff, v35  }
0x477: {  	v33 =	vor.u32 v63, v34;
	v35 =	vld.idx.msk [tilespmem:v32+s18+$0x0], $0xffff  }
0x478: {  	v9 =	vld [tilespmem:$0x1FFA0];
	v32 =	vor.u32 v11, v29  }
0x479: {  	v8 =	vld [tilespmem:$0x1FFB0];
	_ =	sdelay $0x2  }
0x47a: {  	[tilespmem:v33+s22+$0x0] =	vst.idx.msk $0xffff, v35  }
0x47b: {  	v33 =	vor.u32 v9, v34;
	v35 =	vld.idx.msk [tilespmem:v32+s18+$0x0], $0xffff  }
0x47c: {  	v10 =	vld [tilespmem:$0x1FFC0];
	v32 =	vor.u32 v8, v30  }
0x47d: {  	v12 =	vld [tilespmem:$0x1FFD0];
	_ =	sdelay $0x2  }
0x47e: {  	[tilespmem:v33+s22+$0x0] =	vst.idx.msk $0xffff, v35  }
0x47f: {  	v33 =	vor.u32 v10, v34;
	v35 =	vld.idx.msk [tilespmem:v32+s18+$0x0], $0xffff  }
0x480: {  	v13 =	vld [tilespmem:$0x1FFE0];
	v32 =	vor.u32 v12, v29  }
0x481: {  	v14 =	vld [tilespmem:$0x1FBD0];
	_ =	sdelay $0x2  }
0x482: {  	[tilespmem:v33+s22+$0x0] =	vst.idx.msk $0xffff, v35  }
0x483: {  	v33 =	vor.u32 v13, v34;
	v35 =	vld.idx.msk [tilespmem:v32+s18+$0x0], $0xffff  }
0x484: {  	v15 =	vld [tilespmem:$0x1FBE0];
	v32 =	vor.u32 v14, v30  }
0x485: {  	v16 =	vld [tilespmem:$0x1FBF0];
	_ =	sdelay $0x2  }
0x486: {  	[tilespmem:v33+s22+$0x0] =	vst.idx.msk $0xffff, v35  }
0x487: {  	v33 =	vor.u32 v15, v34;
	v35 =	vld.idx.msk [tilespmem:v32+s18+$0x0], $0xffff  }
0x488: {  	v17 =	vld [tilespmem:$0x1FA10];
	v32 =	vor.u32 v16, v29  }
0x489: {  	v18 =	vld [tilespmem:$0x1FA20];
	_ =	sdelay $0x2  }
0x48a: {  	[tilespmem:v33+s22+$0x0] =	vst.idx.msk $0xffff, v35  }
0x48b: {  	v33 =	vor.u32 v17, v34;
	v35 =	vld.idx.msk [tilespmem:v32+s18+$0x0], $0xffff  }
0x48c: {  	v19 =	vld [tilespmem:$0x1FA30];
	v32 =	vor.u32 v18, v30  }
0x48d: {  	v20 =	vld [tilespmem:$0x1FA40];
	_ =	sdelay $0x2  }
0x48e: {  	[tilespmem:v33+s22+$0x0] =	vst.idx.msk $0xffff, v35  }
0x48f: {  	v33 =	vor.u32 v19, v34;
	v35 =	vld.idx.msk [tilespmem:v32+s18+$0x0], $0xffff  }
0x490: {  	v21 =	vld [tilespmem:$0x1FA50];
	v32 =	vor.u32 v20, v29  }
0x491: {  	v22 =	vld [tilespmem:$0x1FA60];
	_ =	sdelay $0x2  }
0x492: {  	[tilespmem:v33+s22+$0x0] =	vst.idx.msk $0xffff, v35  }
0x493: {  	v33 =	vor.u32 v21, v34;
	v35 =	vld.idx.msk [tilespmem:v32+s18+$0x0], $0xffff  }
0x494: {  	v23 =	vld [tilespmem:$0x1FA70];
	v32 =	vor.u32 v22, v30  }
0x495: {  	v24 =	vld [tilespmem:$0x1FA80];
	_ =	sdelay $0x2  }
0x496: {  	[tilespmem:v33+s22+$0x0] =	vst.idx.msk $0xffff, v35  }
0x497: {  	v33 =	vor.u32 v23, v34;
	v35 =	vld.idx.msk [tilespmem:v32+s18+$0x0], $0xffff  }
0x498: {  	v25 =	vld [tilespmem:$0x1FA90];
	v32 =	vor.u32 v24, v29  }
0x499: {  	v26 =	vld [tilespmem:$0x1FAA0];
	_ =	sdelay $0x2  }
0x49a: {  	[tilespmem:v33+s22+$0x0] =	vst.idx.msk $0xffff, v35  }
0x49b: {  	v33 =	vor.u32 v25, v34;
	v35 =	vld.idx.msk [tilespmem:v32+s18+$0x0], $0xffff  }
0x49c: {  	v27 =	vld [tilespmem:$0x1FAB0];
	v32 =	vor.u32 v26, v30  }
0x49d: {  	v28 =	vld [tilespmem:$0x1FAC0];
	_ =	sdelay $0x2  }
0x49e: {  	[tilespmem:v33+s22+$0x0] =	vst.idx.msk $0xffff, v35  }
0x49f: {  	v33 =	vor.u32 v27, v34;
	v35 =	vld.idx.msk [tilespmem:v32+s18+$0x0], $0xffff  }
0x4a0: {  	v32 =	vor.u32 v28, v29;
	_ =	sdelay $0x3  }
0x4a1: {  	v31 =	vld [tilespmem:$0x1FAD0];
	[tilespmem:v33+s22+$0x0] =	vst.idx.msk $0xffff, v35  }
0x4a2: {  	v35 =	vld.idx.msk [tilespmem:v32+s18+$0x0], $0xffff  }
0x4a3: {  	v32 =	vld [tilespmem:$0x1FAE0];
	_ =	sdelay $0x3  }
0x4a4: {  	v36 =	vor.u32 v31, v34  }
0x4a5: {  	v33 =	vor.u32 v32, v30;
	_ =	sdelay $0x3  }
0x4a6: {  	[tilespmem:v36+s22+$0x0] =	vst.idx.msk $0xffff, v35  }
0x4a7: {  	v35 =	vld.idx.msk [tilespmem:v33+s18+$0x0], $0xffff  }
0x4a8: {  	v33 =	vld [tilespmem:$0x1FAF0]  }
0x4a9: {  	v0 =	vld [tilespmem:$0x1FB00];
	_ =	sdelay $0x3  }
0x4aa: {  	v36 =	vor.u32 v33, v34  }
0x4ab: {  	v37 =	vor.u32 v0, v29;
	v0 =	vld [tilespmem:$0x1FB10]  }
0x4ac: {  	v2 =	vld [tilespmem:$0x1FB20];
	_ =	sdelay $0x2  }
0x4ad: {  	[tilespmem:v36+s22+$0x0] =	vst.idx.msk $0xffff, v35  }
0x4ae: {  	v36 =	vor.u32 v0, v34;
	v35 =	vld.idx.msk [tilespmem:v37+s18+$0x0], $0xffff  }
0x4af: {  	v3 =	vld [tilespmem:$0x1FB30];
	v37 =	vor.u32 v2, v30  }
0x4b0: {  	v4 =	vld [tilespmem:$0x1FB40];
	_ =	sdelay $0x2  }
0x4b1: {  	[tilespmem:v36+s22+$0x0] =	vst.idx.msk $0xffff, v35  }
0x4b2: {  	v36 =	vor.u32 v3, v34;
	v35 =	vld.idx.msk [tilespmem:v37+s18+$0x0], $0xffff  }
0x4b3: {  	v5 =	vld [tilespmem:$0x1FB50];
	v37 =	vor.u32 v4, v29  }
0x4b4: {  	v6 =	vld [tilespmem:$0x1FB60];
	_ =	sdelay $0x2  }
0x4b5: {  	[tilespmem:v36+s22+$0x0] =	vst.idx.msk $0xffff, v35  }
0x4b6: {  	v36 =	vor.u32 v5, v34;
	v35 =	vld.idx.msk [tilespmem:v37+s18+$0x0], $0xffff  }
0x4b7: {  	v7 =	vld [tilespmem:$0x1FB70];
	v37 =	vor.u32 v6, v30  }
0x4b8: {  	v39 =	vld [tilespmem:$0x1FC00];
	_ =	sdelay $0x2  }
0x4b9: {  	v0 =	vld [tilespmem:$0x1FB90];
	[tilespmem:v36+s22+$0x0] =	vst.idx.msk $0xffff, v35  }
0x4ba: {  	v36 =	vor.u32 v7, v34;
	v35 =	vld.idx.msk [tilespmem:v37+s18+$0x0], $0xffff  }
0x4bb: {  	v38 =	vld [tilespmem:$0x1FB80];
	v37 =	vor.u32 v39, v29;
	_ =	sdelay $0x3  }
0x4bc: {  	v30 =	vor.u32 v0, v30;
	v0 =	vld [tilespmem:$0x1FBA0];
	[tilespmem:v36+s22+$0x0] =	vst.idx.msk $0xffff, v35  }
0x4bd: {  	v36 =	vor.u32 v38, v34;
	v35 =	vld.idx.msk [tilespmem:v37+s18+$0x0], $0xffff;
	_ =	sdelay $0x4  }
0x4be: {  	[tilespmem:v36+s22+$0x0] =	vst.idx.msk $0xffff, v35;
	v35 =	vor.u32 v0, v34;
	v0 =	vld [tilespmem:$0x1FBB0];
	_ =	sdelay $0x3  }
0x4bf: {  	v30 =	vld.idx.msk [tilespmem:v30+s18+$0x0], $0xffff  }
0x4c0: {  	v36 =	vor.u32 v0, v29;
	_ =	sdelay $0x3  }
0x4c1: {  	s10 =	simm.s32 $0x1;
	v37 =	vlaneseq.u32;
	v0 =	vld [tilespmem:$0x1FBC0];
	[tilespmem:v35+s22+$0x0] =	vst.idx.msk $0xffff, v30  }
0x4c2: {  	v29 =	vadd.s32 s10, v37;
	s10 =	simm.s32 $0x2;
	v30 =	vld.idx.msk [tilespmem:v36+s18+$0x0], $0xffff  }
.LBB2_11:
0x4c3: {  	v36 =	vld [tilespmem:$0x1FFF0];
	_ =	sdelay $0x3  }
0x4c4: {  	v35 =	vand.u32 $0xF, v29;
	v34 =	vor.u32 v0, v34  }
0x4c5: {  	v36 =	vor.u32 v36, v35;
	_ =	sdelay $0x3  }
0x4c6: {  	[tilespmem:v34+s22+$0x0] =	vst.idx.msk $0xffff, v30;
	v34 =	vshll.u32 v35, $0x7  }
0x4c7: {  	v30 =	vld.idx.msk [tilespmem:v36+s18+$0x0], $0xffff;
	v36 =	vor.u32 v37, v34  }
0x4c8: {  	v37 =	vor.u32 v40, v29;
	_ =	sdelay $0x3  }
0x4c9: {  	[tilespmem:v36+s22+$0x0] =	vst.idx.msk $0xffff, v30  }
0x4ca: {  	v36 =	vor.u32 v41, v34;
	v30 =	vld.idx.msk [tilespmem:v37+s18+$0x0], $0xffff  }
0x4cb: {  	v37 =	vor.u32 v42, v35;
	_ =	sdelay $0x3  }
0x4cc: {  	[tilespmem:v36+s22+$0x0] =	vst.idx.msk $0xffff, v30  }
0x4cd: {  	v36 =	vor.u32 v43, v34;
	v30 =	vld.idx.msk [tilespmem:v37+s18+$0x0], $0xffff  }
0x4ce: {  	v37 =	vor.u32 v44, v29;
	_ =	sdelay $0x3  }
0x4cf: {  	[tilespmem:v36+s22+$0x0] =	vst.idx.msk $0xffff, v30  }
0x4d0: {  	v36 =	vor.u32 v45, v34;
	v30 =	vld.idx.msk [tilespmem:v37+s18+$0x0], $0xffff  }
0x4d1: {  	v37 =	vor.u32 v46, v35;
	_ =	sdelay $0x3  }
0x4d2: {  	[tilespmem:v36+s22+$0x0] =	vst.idx.msk $0xffff, v30  }
0x4d3: {  	v36 =	vor.u32 v47, v34;
	v30 =	vld.idx.msk [tilespmem:v37+s18+$0x0], $0xffff  }
0x4d4: {  	v37 =	vor.u32 v48, v29;
	_ =	sdelay $0x3  }
0x4d5: {  	[tilespmem:v36+s22+$0x0] =	vst.idx.msk $0xffff, v30  }
0x4d6: {  	v36 =	vor.u32 v49, v34;
	v30 =	vld.idx.msk [tilespmem:v37+s18+$0x0], $0xffff  }
0x4d7: {  	v37 =	vor.u32 v50, v35;
	_ =	sdelay $0x3  }
0x4d8: {  	[tilespmem:v36+s22+$0x0] =	vst.idx.msk $0xffff, v30  }
0x4d9: {  	v36 =	vor.u32 v51, v34;
	v30 =	vld.idx.msk [tilespmem:v37+s18+$0x0], $0xffff  }
0x4da: {  	v37 =	vor.u32 v52, v29;
	_ =	sdelay $0x3  }
0x4db: {  	[tilespmem:v36+s22+$0x0] =	vst.idx.msk $0xffff, v30  }
0x4dc: {  	v36 =	vor.u32 v53, v34;
	v30 =	vld.idx.msk [tilespmem:v37+s18+$0x0], $0xffff  }
0x4dd: {  	v37 =	vor.u32 v54, v35;
	_ =	sdelay $0x3  }
0x4de: {  	[tilespmem:v36+s22+$0x0] =	vst.idx.msk $0xffff, v30  }
0x4df: {  	v36 =	vor.u32 v55, v34;
	v30 =	vld.idx.msk [tilespmem:v37+s18+$0x0], $0xffff  }
0x4e0: {  	v37 =	vor.u32 v56, v29;
	_ =	sdelay $0x3  }
0x4e1: {  	[tilespmem:v36+s22+$0x0] =	vst.idx.msk $0xffff, v30  }
0x4e2: {  	v36 =	vor.u32 v57, v34;
	v30 =	vld.idx.msk [tilespmem:v37+s18+$0x0], $0xffff  }
0x4e3: {  	v37 =	vor.u32 v58, v35;
	_ =	sdelay $0x3  }
0x4e4: {  	[tilespmem:v36+s22+$0x0] =	vst.idx.msk $0xffff, v30  }
0x4e5: {  	v36 =	vor.u32 v59, v34;
	v30 =	vld.idx.msk [tilespmem:v37+s18+$0x0], $0xffff  }
0x4e6: {  	v37 =	vor.u32 v60, v29;
	_ =	sdelay $0x3  }
0x4e7: {  	[tilespmem:v36+s22+$0x0] =	vst.idx.msk $0xffff, v30  }
0x4e8: {  	v36 =	vor.u32 v61, v34;
	v30 =	vld.idx.msk [tilespmem:v37+s18+$0x0], $0xffff  }
0x4e9: {  	v37 =	vor.u32 v62, v35;
	_ =	sdelay $0x3  }
0x4ea: {  	[tilespmem:v36+s22+$0x0] =	vst.idx.msk $0xffff, v30  }
0x4eb: {  	v36 =	vor.u32 v63, v34;
	v30 =	vld.idx.msk [tilespmem:v37+s18+$0x0], $0xffff  }
0x4ec: {  	v37 =	vor.u32 v11, v29;
	_ =	sdelay $0x3  }
0x4ed: {  	[tilespmem:v36+s22+$0x0] =	vst.idx.msk $0xffff, v30  }
0x4ee: {  	v36 =	vor.u32 v9, v34;
	v30 =	vld.idx.msk [tilespmem:v37+s18+$0x0], $0xffff  }
0x4ef: {  	v37 =	vor.u32 v8, v35;
	_ =	sdelay $0x3  }
0x4f0: {  	[tilespmem:v36+s22+$0x0] =	vst.idx.msk $0xffff, v30  }
0x4f1: {  	v36 =	vor.u32 v10, v34;
	v30 =	vld.idx.msk [tilespmem:v37+s18+$0x0], $0xffff  }
0x4f2: {  	v37 =	vor.u32 v12, v29;
	_ =	sdelay $0x3  }
0x4f3: {  	[tilespmem:v36+s22+$0x0] =	vst.idx.msk $0xffff, v30  }
0x4f4: {  	v36 =	vor.u32 v13, v34;
	v30 =	vld.idx.msk [tilespmem:v37+s18+$0x0], $0xffff  }
0x4f5: {  	v37 =	vor.u32 v14, v35;
	_ =	sdelay $0x3  }
0x4f6: {  	[tilespmem:v36+s22+$0x0] =	vst.idx.msk $0xffff, v30  }
0x4f7: {  	v36 =	vor.u32 v15, v34;
	v30 =	vld.idx.msk [tilespmem:v37+s18+$0x0], $0xffff  }
0x4f8: {  	v37 =	vor.u32 v16, v29;
	_ =	sdelay $0x3  }
0x4f9: {  	[tilespmem:v36+s22+$0x0] =	vst.idx.msk $0xffff, v30  }
0x4fa: {  	v36 =	vor.u32 v17, v34;
	v30 =	vld.idx.msk [tilespmem:v37+s18+$0x0], $0xffff  }
0x4fb: {  	v37 =	vor.u32 v18, v35;
	_ =	sdelay $0x3  }
0x4fc: {  	[tilespmem:v36+s22+$0x0] =	vst.idx.msk $0xffff, v30  }
0x4fd: {  	v36 =	vor.u32 v19, v34;
	v30 =	vld.idx.msk [tilespmem:v37+s18+$0x0], $0xffff  }
0x4fe: {  	v37 =	vor.u32 v20, v29;
	_ =	sdelay $0x3  }
0x4ff: {  	[tilespmem:v36+s22+$0x0] =	vst.idx.msk $0xffff, v30  }
0x500: {  	v36 =	vor.u32 v21, v34;
	v30 =	vld.idx.msk [tilespmem:v37+s18+$0x0], $0xffff  }
0x501: {  	v37 =	vor.u32 v22, v35;
	_ =	sdelay $0x3  }
0x502: {  	[tilespmem:v36+s22+$0x0] =	vst.idx.msk $0xffff, v30  }
0x503: {  	v36 =	vor.u32 v23, v34;
	v30 =	vld.idx.msk [tilespmem:v37+s18+$0x0], $0xffff  }
0x504: {  	v37 =	vor.u32 v24, v29;
	_ =	sdelay $0x3  }
0x505: {  	[tilespmem:v36+s22+$0x0] =	vst.idx.msk $0xffff, v30  }
0x506: {  	v36 =	vor.u32 v25, v34;
	v30 =	vld.idx.msk [tilespmem:v37+s18+$0x0], $0xffff  }
0x507: {  	v37 =	vor.u32 v26, v35;
	_ =	sdelay $0x3  }
0x508: {  	[tilespmem:v36+s22+$0x0] =	vst.idx.msk $0xffff, v30  }
0x509: {  	v36 =	vor.u32 v27, v34;
	v30 =	vld.idx.msk [tilespmem:v37+s18+$0x0], $0xffff  }
0x50a: {  	v37 =	vor.u32 v28, v29;
	_ =	sdelay $0x3  }
0x50b: {  	[tilespmem:v36+s22+$0x0] =	vst.idx.msk $0xffff, v30  }
0x50c: {  	v36 =	vor.u32 v31, v34;
	v30 =	vld.idx.msk [tilespmem:v37+s18+$0x0], $0xffff  }
0x50d: {  	v37 =	vor.u32 v32, v35;
	_ =	sdelay $0x3  }
0x50e: {  	[tilespmem:v36+s22+$0x0] =	vst.idx.msk $0xffff, v30  }
0x50f: {  	v30 =	vld.idx.msk [tilespmem:v37+s18+$0x0], $0xffff  }
0x510: {  	v37 =	vld [tilespmem:$0x1FB00];
	_ =	sdelay $0x3  }
0x511: {  	v36 =	vor.u32 v33, v34  }
0x512: {  	v1 =	vld [tilespmem:$0x1FB10];
	v37 =	vor.u32 v37, v29;
	_ =	sdelay $0x3  }
0x513: {  	[tilespmem:v36+s22+$0x0] =	vst.idx.msk $0xffff, v30  }
0x514: {  	v36 =	vor.u32 v1, v34;
	v30 =	vld.idx.msk [tilespmem:v37+s18+$0x0], $0xffff  }
0x515: {  	v37 =	vor.u32 v2, v35;
	_ =	sdelay $0x3  }
0x516: {  	[tilespmem:v36+s22+$0x0] =	vst.idx.msk $0xffff, v30  }
0x517: {  	v36 =	vor.u32 v3, v34;
	v30 =	vld.idx.msk [tilespmem:v37+s18+$0x0], $0xffff  }
0x518: {  	v37 =	vor.u32 v4, v29;
	_ =	sdelay $0x3  }
0x519: {  	[tilespmem:v36+s22+$0x0] =	vst.idx.msk $0xffff, v30  }
0x51a: {  	v36 =	vor.u32 v5, v34;
	v30 =	vld.idx.msk [tilespmem:v37+s18+$0x0], $0xffff  }
0x51b: {  	v37 =	vor.u32 v6, v35;
	_ =	sdelay $0x3  }
0x51c: {  	[tilespmem:v36+s22+$0x0] =	vst.idx.msk $0xffff, v30  }
0x51d: {  	v36 =	vor.u32 v7, v34;
	v30 =	vld.idx.msk [tilespmem:v37+s18+$0x0], $0xffff  }
0x51e: {  	v37 =	vor.u32 v39, v29  }
0x51f: {  	v1 =	vld [tilespmem:$0x1FB90];
	_ =	sdelay $0x2  }
0x520: {  	[tilespmem:v36+s22+$0x0] =	vst.idx.msk $0xffff, v30  }
0x521: {  	v36 =	vor.u32 v38, v34;
	v30 =	vld.idx.msk [tilespmem:v37+s18+$0x0], $0xffff  }
0x522: {  	v35 =	vor.u32 v1, v35  }
0x523: {  	v1 =	vld [tilespmem:$0x1FBA0];
	_ =	sdelay $0x2  }
0x524: {  	[tilespmem:v36+s22+$0x0] =	vst.idx.msk $0xffff, v30  }
0x525: {  	v30 =	vld.idx.msk [tilespmem:v35+s18+$0x0], $0xffff  }
0x526: {  	v35 =	vor.u32 v1, v34;
	v1 =	vld [tilespmem:$0x1FBB0];
	_ =	sdelay $0x4  }
0x527: {  	p1 =	sne.s32 s10, $0xF;
	v36 =	vor.u32 v1, v29  }
.Ltmp7:
0x528: {  	_ = 	snop;
	(pc) =	sbr.rel @p1 .LBB2_11-.Ltmp7, $3  }
0x529: {  	_ =	sdelay $0x1  }
0x52a: {  	v37 =	vlaneseq.u32;
	[tilespmem:v35+s22+$0x0] =	vst.idx.msk $0xffff, v30  }
0x52b: {  	v29 =	vadd.s32 s10, v37;
	s10 =	sadd.s32 $0x1, s10;
	v30 =	vld.idx.msk [tilespmem:v36+s18+$0x0], $0xffff  }
0x52c: {  	v36 =	vld [tilespmem:$0x1FFF0];
	_ =	sdelay $0x3  }
0x52d: {  	v35 =	vand.u32 $0xF, v29;
	v34 =	vor.u32 v0, v34  }
0x52e: {  	v36 =	vor.u32 v36, v35;
	_ =	sdelay $0x3  }
0x52f: {  	[tilespmem:v34+s22+$0x0] =	vst.idx.msk $0xffff, v30;
	v30 =	vshll.u32 v35, $0x7  }
0x530: {  	v34 =	vld.idx.msk [tilespmem:v36+s18+$0x0], $0xffff;
	v36 =	vor.u32 v37, v30  }
0x531: {  	v40 =	vor.u32 v40, v29;
	_ =	sdelay $0x3  }
0x532: {  	[tilespmem:v36+s22+$0x0] =	vst.idx.msk $0xffff, v34  }
0x533: {  	v41 =	vor.u32 v41, v30;
	v34 =	vld.idx.msk [tilespmem:v40+s18+$0x0], $0xffff  }
0x534: {  	v42 =	vor.u32 v42, v35;
	_ =	sdelay $0x3  }
0x535: {  	[tilespmem:v41+s22+$0x0] =	vst.idx.msk $0xffff, v34  }
0x536: {  	v43 =	vor.u32 v43, v30;
	v34 =	vld.idx.msk [tilespmem:v42+s18+$0x0], $0xffff  }
0x537: {  	v44 =	vor.u32 v44, v29;
	_ =	sdelay $0x3  }
0x538: {  	[tilespmem:v43+s22+$0x0] =	vst.idx.msk $0xffff, v34  }
0x539: {  	v45 =	vor.u32 v45, v30;
	v34 =	vld.idx.msk [tilespmem:v44+s18+$0x0], $0xffff  }
0x53a: {  	v46 =	vor.u32 v46, v35;
	_ =	sdelay $0x3  }
0x53b: {  	[tilespmem:v45+s22+$0x0] =	vst.idx.msk $0xffff, v34  }
0x53c: {  	v47 =	vor.u32 v47, v30;
	v34 =	vld.idx.msk [tilespmem:v46+s18+$0x0], $0xffff  }
0x53d: {  	v48 =	vor.u32 v48, v29;
	_ =	sdelay $0x3  }
0x53e: {  	[tilespmem:v47+s22+$0x0] =	vst.idx.msk $0xffff, v34  }
0x53f: {  	v49 =	vor.u32 v49, v30;
	v34 =	vld.idx.msk [tilespmem:v48+s18+$0x0], $0xffff  }
0x540: {  	v50 =	vor.u32 v50, v35;
	_ =	sdelay $0x3  }
0x541: {  	[tilespmem:v49+s22+$0x0] =	vst.idx.msk $0xffff, v34  }
0x542: {  	v51 =	vor.u32 v51, v30;
	v34 =	vld.idx.msk [tilespmem:v50+s18+$0x0], $0xffff  }
0x543: {  	v52 =	vor.u32 v52, v29;
	_ =	sdelay $0x3  }
0x544: {  	[tilespmem:v51+s22+$0x0] =	vst.idx.msk $0xffff, v34  }
0x545: {  	v53 =	vor.u32 v53, v30;
	v34 =	vld.idx.msk [tilespmem:v52+s18+$0x0], $0xffff  }
0x546: {  	v54 =	vor.u32 v54, v35;
	_ =	sdelay $0x3  }
0x547: {  	[tilespmem:v53+s22+$0x0] =	vst.idx.msk $0xffff, v34  }
0x548: {  	v55 =	vor.u32 v55, v30;
	v34 =	vld.idx.msk [tilespmem:v54+s18+$0x0], $0xffff  }
0x549: {  	v56 =	vor.u32 v56, v29;
	_ =	sdelay $0x3  }
0x54a: {  	[tilespmem:v55+s22+$0x0] =	vst.idx.msk $0xffff, v34  }
0x54b: {  	v40 =	vor.u32 v57, v30;
	v34 =	vld.idx.msk [tilespmem:v56+s18+$0x0], $0xffff  }
0x54c: {  	v41 =	vor.u32 v58, v35;
	_ =	sdelay $0x3  }
0x54d: {  	[tilespmem:v40+s22+$0x0] =	vst.idx.msk $0xffff, v34  }
0x54e: {  	v42 =	vor.u32 v59, v30;
	v34 =	vld.idx.msk [tilespmem:v41+s18+$0x0], $0xffff  }
0x54f: {  	v43 =	vor.u32 v60, v29;
	_ =	sdelay $0x3  }
0x550: {  	[tilespmem:v42+s22+$0x0] =	vst.idx.msk $0xffff, v34  }
0x551: {  	v44 =	vor.u32 v61, v30;
	v34 =	vld.idx.msk [tilespmem:v43+s18+$0x0], $0xffff  }
0x552: {  	v45 =	vor.u32 v62, v35;
	_ =	sdelay $0x3  }
0x553: {  	[tilespmem:v44+s22+$0x0] =	vst.idx.msk $0xffff, v34  }
0x554: {  	v46 =	vor.u32 v63, v30;
	v34 =	vld.idx.msk [tilespmem:v45+s18+$0x0], $0xffff  }
0x555: {  	v47 =	vor.u32 v11, v29;
	_ =	sdelay $0x3  }
0x556: {  	[tilespmem:v46+s22+$0x0] =	vst.idx.msk $0xffff, v34  }
0x557: {  	v48 =	vor.u32 v9, v30;
	v34 =	vld.idx.msk [tilespmem:v47+s18+$0x0], $0xffff  }
0x558: {  	v49 =	vor.u32 v8, v35;
	_ =	sdelay $0x3  }
0x559: {  	[tilespmem:v48+s22+$0x0] =	vst.idx.msk $0xffff, v34  }
0x55a: {  	v50 =	vor.u32 v10, v30;
	v34 =	vld.idx.msk [tilespmem:v49+s18+$0x0], $0xffff  }
0x55b: {  	v51 =	vor.u32 v12, v29;
	_ =	sdelay $0x3  }
0x55c: {  	[tilespmem:v50+s22+$0x0] =	vst.idx.msk $0xffff, v34  }
0x55d: {  	v52 =	vor.u32 v13, v30;
	v34 =	vld.idx.msk [tilespmem:v51+s18+$0x0], $0xffff  }
0x55e: {  	v53 =	vor.u32 v14, v35;
	_ =	sdelay $0x3  }
0x55f: {  	[tilespmem:v52+s22+$0x0] =	vst.idx.msk $0xffff, v34  }
0x560: {  	v54 =	vor.u32 v15, v30;
	v34 =	vld.idx.msk [tilespmem:v53+s18+$0x0], $0xffff  }
0x561: {  	v55 =	vor.u32 v16, v29;
	_ =	sdelay $0x3  }
0x562: {  	[tilespmem:v54+s22+$0x0] =	vst.idx.msk $0xffff, v34  }
0x563: {  	v56 =	vor.u32 v17, v30;
	v34 =	vld.idx.msk [tilespmem:v55+s18+$0x0], $0xffff  }
0x564: {  	v57 =	vor.u32 v18, v35;
	_ =	sdelay $0x3  }
0x565: {  	[tilespmem:v56+s22+$0x0] =	vst.idx.msk $0xffff, v34  }
0x566: {  	v58 =	vor.u32 v19, v30;
	v34 =	vld.idx.msk [tilespmem:v57+s18+$0x0], $0xffff  }
0x567: {  	v59 =	vor.u32 v20, v29;
	_ =	sdelay $0x3  }
0x568: {  	[tilespmem:v58+s22+$0x0] =	vst.idx.msk $0xffff, v34  }
0x569: {  	v60 =	vor.u32 v21, v30;
	v34 =	vld.idx.msk [tilespmem:v59+s18+$0x0], $0xffff  }
0x56a: {  	v61 =	vor.u32 v22, v35;
	_ =	sdelay $0x3  }
0x56b: {  	[tilespmem:v60+s22+$0x0] =	vst.idx.msk $0xffff, v34  }
0x56c: {  	v62 =	vor.u32 v23, v30;
	v34 =	vld.idx.msk [tilespmem:v61+s18+$0x0], $0xffff  }
0x56d: {  	v63 =	vor.u32 v24, v29;
	_ =	sdelay $0x3  }
0x56e: {  	[tilespmem:v62+s22+$0x0] =	vst.idx.msk $0xffff, v34  }
0x56f: {  	v40 =	vor.u32 v25, v30;
	v34 =	vld.idx.msk [tilespmem:v63+s18+$0x0], $0xffff  }
0x570: {  	v41 =	vor.u32 v26, v35;
	_ =	sdelay $0x3  }
0x571: {  	[tilespmem:v40+s22+$0x0] =	vst.idx.msk $0xffff, v34  }
0x572: {  	v42 =	vor.u32 v27, v30;
	v34 =	vld.idx.msk [tilespmem:v41+s18+$0x0], $0xffff  }
0x573: {  	v43 =	vor.u32 v28, v29;
	_ =	sdelay $0x3  }
0x574: {  	[tilespmem:v42+s22+$0x0] =	vst.idx.msk $0xffff, v34  }
0x575: {  	v44 =	vor.u32 v31, v30;
	v34 =	vld.idx.msk [tilespmem:v43+s18+$0x0], $0xffff  }
0x576: {  	v45 =	vor.u32 v32, v35  }
0x577: {  	v8 =	vld [tilespmem:$0x1FB00];
	_ =	sdelay $0x2  }
0x578: {  	[tilespmem:v44+s22+$0x0] =	vst.idx.msk $0xffff, v34  }
0x579: {  	v46 =	vor.u32 v33, v30;
	v34 =	vld.idx.msk [tilespmem:v45+s18+$0x0], $0xffff  }
0x57a: {  	v1 =	vld [tilespmem:$0x1FB10];
	v47 =	vor.u32 v8, v29;
	_ =	sdelay $0x3  }
0x57b: {  	[tilespmem:v46+s22+$0x0] =	vst.idx.msk $0xffff, v34  }
0x57c: {  	v48 =	vor.u32 v1, v30;
	v34 =	vld.idx.msk [tilespmem:v47+s18+$0x0], $0xffff  }
0x57d: {  	v49 =	vor.u32 v2, v35;
	_ =	sdelay $0x3  }
0x57e: {  	[tilespmem:v48+s22+$0x0] =	vst.idx.msk $0xffff, v34  }
0x57f: {  	v50 =	vor.u32 v3, v30;
	v34 =	vld.idx.msk [tilespmem:v49+s18+$0x0], $0xffff  }
0x580: {  	v51 =	vor.u32 v4, v29;
	_ =	sdelay $0x3  }
0x581: {  	[tilespmem:v50+s22+$0x0] =	vst.idx.msk $0xffff, v34  }
0x582: {  	v52 =	vor.u32 v5, v30;
	v34 =	vld.idx.msk [tilespmem:v51+s18+$0x0], $0xffff  }
0x583: {  	v53 =	vor.u32 v6, v35;
	_ =	sdelay $0x2  }
0x584: {  	v1 =	vld [tilespmem:$0x1FB90]  }
0x585: {  	[tilespmem:v52+s22+$0x0] =	vst.idx.msk $0xffff, v34  }
0x586: {  	v54 =	vor.u32 v7, v30;
	v34 =	vld.idx.msk [tilespmem:v53+s18+$0x0], $0xffff  }
0x587: {  	v55 =	vor.u32 v39, v29;
	_ =	sdelay $0x1  }
0x588: {  	v35 =	vor.u32 v1, v35;
	v1 =	vld [tilespmem:$0x1FBA0];
	_ =	sdelay $0x1  }
0x589: {  	[tilespmem:v54+s22+$0x0] =	vst.idx.msk $0xffff, v34  }
0x58a: {  	v56 =	vor.u32 v38, v30;
	v34 =	vld.idx.msk [tilespmem:v55+s18+$0x0], $0xffff;
	_ =	sdelay $0x1  }
0x58b: {  	v57 =	vor.u32 v1, v30;
	v1 =	vld [tilespmem:$0x1FBB0];
	_ =	sdelay $0x2  }
0x58c: {  	[tilespmem:v56+s22+$0x0] =	vst.idx.msk $0xffff, v34  }
0x58d: {  	v34 =	vld.idx.msk [tilespmem:v35+s18+$0x0], $0xffff  }
0x58e: {  	v29 =	vor.u32 v1, v29;
	_ =	sdelay $0x3  }
0x58f: {  	[tilespmem:v57+s22+$0x0] =	vst.idx.msk $0xffff, v34  }
0x590: {  	v30 =	vor.u32 v0, v30;
	v29 =	vld.idx.msk [tilespmem:v29+s18+$0x0], $0xffff;
	_ =	sdelay $0x4  }
0x591: {  	s10 =	sadd.s32 s6, s8;
	[tilespmem:v30+s22+$0x0] =	vst.idx.msk $0xffff, v29  }
0x592: {  	[hbm4b:s10+s23] =	stream.strided.scatter [tilespmem:s22], [sflag:$0x5], $0x2000, s13, s23, $0x38;
	[tilespmem:$0x1C200] =	vst v63  }
0x593: {  	s10 =	sadd.s32 @!p0 $0x6, s2  }
0x594: {  	v29 =	vmov @!p0 s10  }
0x595: {  	v30 =	vshll.u32 @!p0 v29, $0x3  }
0x596: {  	v29 =	vand.u32 @!p0 $0x7E, v29;
	v30 =	vand.u32 @!p0 $0xC00, v30  }
0x597: {  	v29 =	vor.u32 @!p0 v29, v30;
	v30 =	vld @!p0 [tilespmem:$0x1FC10];
	_ =	sdelay $0x4  }
0x598: {  	v30 =	vadd.s32 @!p0 v30, v29;
	_ =	sdelay $0x1  }
0x599: {  	v34 =	vld @!p0 [tilespmem:$0x1FC20];
	_ =	sdelay $0x2  }
0x59a: {  	v30 =	vld.idx.msk @!p0 [tilespmem:v30+s3+$0x0], $0xffff;
	_ =	sdelay $0x1  }
0x59b: {  	v34 =	vadd.s32 @!p0 v34, v29  }
0x59c: {  	s10 =	smul.u32 @!p0 $0x64, s10;
	_ =	sdelay $0x1  }
0x59d: {  	v30 =	vadd.s32 @!p0 s10, v30  }
0x59e: {  	[tilespmem:$0x8100] =	vst @!p0 v30  }
0x59f: {  	v30 =	vld.idx.msk @!p0 [tilespmem:v34+s3+$0x0], $0xffff  }
0x5a0: {  	v34 =	vld @!p0 [tilespmem:$0x1FC30];
	_ =	sdelay $0x4  }
0x5a1: {  	v34 =	vadd.s32 @!p0 v34, v29;
	_ =	sdelay $0x2  }
0x5a2: {  	v30 =	vadd.s32 @!p0 s10, v30  }
0x5a3: {  	[tilespmem:$0x8110] =	vst @!p0 v30  }
0x5a4: {  	v30 =	vld.idx.msk @!p0 [tilespmem:v34+s3+$0x0], $0xffff  }
0x5a5: {  	v34 =	vld @!p0 [tilespmem:$0x1FC40];
	_ =	sdelay $0x4  }
0x5a6: {  	v34 =	vadd.s32 @!p0 v34, v29;
	_ =	sdelay $0x2  }
0x5a7: {  	v30 =	vadd.s32 @!p0 s10, v30  }
0x5a8: {  	[tilespmem:$0x8120] =	vst @!p0 v30  }
0x5a9: {  	v30 =	vld.idx.msk @!p0 [tilespmem:v34+s3+$0x0], $0xffff  }
0x5aa: {  	v34 =	vld @!p0 [tilespmem:$0x1FC50];
	_ =	sdelay $0x4  }
0x5ab: {  	v34 =	vadd.s32 @!p0 v34, v29;
	_ =	sdelay $0x2  }
0x5ac: {  	v30 =	vadd.s32 @!p0 s10, v30  }
0x5ad: {  	[tilespmem:$0x8130] =	vst @!p0 v30  }
0x5ae: {  	v30 =	vld.idx.msk @!p0 [tilespmem:v34+s3+$0x0], $0xffff  }
0x5af: {  	v34 =	vld @!p0 [tilespmem:$0x1FC60];
	_ =	sdelay $0x4  }
0x5b0: {  	v34 =	vadd.s32 @!p0 v34, v29;
	_ =	sdelay $0x2  }
0x5b1: {  	v30 =	vadd.s32 @!p0 s10, v30  }
0x5b2: {  	[tilespmem:$0x8140] =	vst @!p0 v30  }
0x5b3: {  	v30 =	vld.idx.msk @!p0 [tilespmem:v34+s3+$0x0], $0xffff  }
0x5b4: {  	v34 =	vld @!p0 [tilespmem:$0x1FC70];
	_ =	sdelay $0x4  }
0x5b5: {  	v34 =	vadd.s32 @!p0 v34, v29;
	_ =	sdelay $0x2  }
0x5b6: {  	v30 =	vadd.s32 @!p0 s10, v30  }
0x5b7: {  	[tilespmem:$0x8150] =	vst @!p0 v30  }
0x5b8: {  	v30 =	vld.idx.msk @!p0 [tilespmem:v34+s3+$0x0], $0xffff  }
0x5b9: {  	v34 =	vld @!p0 [tilespmem:$0x1FC80];
	_ =	sdelay $0x4  }
0x5ba: {  	v29 =	vadd.s32 @!p0 v34, v29;
	_ =	sdelay $0x2  }
0x5bb: {  	v30 =	vadd.s32 @!p0 s10, v30  }
0x5bc: {  	[tilespmem:$0x8160] =	vst @!p0 v30  }
0x5bd: {  	v29 =	vld.idx.msk @!p0 [tilespmem:v29+s3+$0x0], $0xffff;
	_ =	sdelay $0x4  }
0x5be: {  	v29 =	vadd.s32 @!p0 s10, v29  }
0x5bf: {  	[tilespmem:$0x8170] =	vst @!p0 v29  }
0x5c0: {  	[tilespmem:s18], [sflag:$0x3] =	stream.indirect.gather @!p0 [hbm4b:s5+s12], $0x80, s17, s12, $0xb8;
	[tilespmem:$0x1C200] =	vst v63  }
0x5c1: {  	_ =	swait.ge [sflag:s30], $0x4000  }
0x5c2: {  	v0 =	vld [tilespmem:$0x1FFF0];
	_ =	sdelay $0x1  }
0x5c3: {  	v58 =	vlaneseq.u32;
	s10 =	simm.s32 $0x0;
	[sflag:s30] =	ssyncset.done $0x0  }
0x5c4: {  	v29 =	vadd.s32 s10, v58;
	[sflag:s30] =	ssyncadd.s32 $0xFFFFC000  }
0x5c5: {  	v30 =	vand.u32 $0xF, v29;
	_ =	swait.ge [sflag:s25], $0x2000  }
0x5c6: {  	v59 =	vor.u32 v0, v30;
	v0 =	vld [tilespmem:$0x1FE10];
	_ =	sdelay $0x4  }
0x5c7: {  	v38 =	vmov v0;
	v60 =	vor.u32 v0, v29;
	v0 =	vld [tilespmem:$0x1FE20];
	_ =	sdelay $0x3  }
0x5c8: {  	v34 =	vshll.u32 v30, $0x7  }
0x5c9: {  	v61 =	vor.u32 v0, v34;
	v0 =	vld [tilespmem:$0x1FE30];
	_ =	sdelay $0x4  }
0x5ca: {  	v41 =	vmov v0;
	v62 =	vor.u32 v0, v30;
	v0 =	vld [tilespmem:$0x1FE40];
	_ =	sdelay $0x1  }
0x5cb: {  	[sflag:s25] =	ssyncset.done $0x0  }
0x5cc: {  	[sflag:s25] =	ssyncadd.s32 $0xFFFFE000  }
0x5cd: {  	v35 =	vld.idx.msk [tilespmem:v59+s20+$0x0], $0xffff  }
0x5ce: {  	v36 =	vor.u32 v58, v34;
	v63 =	vor.u32 v0, v34;
	v0 =	vld [tilespmem:$0x1FE50];
	_ =	sdelay $0x4  }
0x5cf: {  	[tilespmem:v36+s26+$0x0] =	vst.idx.msk $0xffff, v35;
	v43 =	vmov v0;
	v32 =	vor.u32 v0, v29;
	v0 =	vld [tilespmem:$0x1FE60]  }
0x5d0: {  	v35 =	vld.idx.msk [tilespmem:v60+s20+$0x0], $0xffff;
	_ =	sdelay $0x3  }
0x5d1: {  	v33 =	vor.u32 v0, v34;
	v0 =	vld [tilespmem:$0x1FE70]  }
0x5d2: {  	[tilespmem:v61+s26+$0x0] =	vst.idx.msk $0xffff, v35  }
0x5d3: {  	v35 =	vld.idx.msk [tilespmem:v62+s20+$0x0], $0xffff;
	_ =	sdelay $0x2  }
0x5d4: {  	v45 =	vmov v0;
	v40 =	vor.u32 v0, v30;
	v0 =	vld [tilespmem:$0x1FE80];
	_ =	sdelay $0x1  }
0x5d5: {  	[tilespmem:v63+s26+$0x0] =	vst.idx.msk $0xffff, v35  }
0x5d6: {  	v35 =	vld.idx.msk [tilespmem:v32+s20+$0x0], $0xffff;
	_ =	sdelay $0x1  }
0x5d7: {  	v42 =	vor.u32 v0, v34;
	v0 =	vld [tilespmem:$0x1FE90];
	_ =	sdelay $0x2  }
0x5d8: {  	[tilespmem:v33+s26+$0x0] =	vst.idx.msk $0xffff, v35  }
0x5d9: {  	v35 =	vld.idx.msk [tilespmem:v40+s20+$0x0], $0xffff  }
0x5da: {  	v60 =	vld [tilespmem:$0x1FEA0];
	v44 =	vor.u32 v0, v29  }
0x5db: {  	v47 =	vmov v0;
	v0 =	vld [tilespmem:$0x1FEB0];
	_ =	sdelay $0x2  }
0x5dc: {  	[tilespmem:v42+s26+$0x0] =	vst.idx.msk $0xffff, v35  }
0x5dd: {  	v46 =	vor.u32 v60, v34;
	v35 =	vld.idx.msk [tilespmem:v44+s20+$0x0], $0xffff  }
0x5de: {  	v62 =	vld [tilespmem:$0x1FEC0];
	v52 =	vor.u32 v0, v30;
	_ =	sdelay $0x3  }
0x5df: {  	v49 =	vmov v0;
	v0 =	vld [tilespmem:$0x1FED0];
	[tilespmem:v46+s26+$0x0] =	vst.idx.msk $0xffff, v35  }
0x5e0: {  	v53 =	vor.u32 v62, v34;
	v35 =	vld.idx.msk [tilespmem:v52+s20+$0x0], $0xffff;
	_ =	sdelay $0x4  }
0x5e1: {  	v54 =	vor.u32 v0, v29;
	[tilespmem:v53+s26+$0x0] =	vst.idx.msk $0xffff, v35;
	v53 =	vld [tilespmem:$0x1FEE0];
	_ =	sdelay $0x3  }
0x5e2: {  	v50 =	vmov v0;
	v0 =	vld [tilespmem:$0x1FEF0]  }
0x5e3: {  	v35 =	vld.idx.msk [tilespmem:v54+s20+$0x0], $0xffff;
	v55 =	vor.u32 v53, v34;
	_ =	sdelay $0x4  }
0x5e4: {  	v56 =	vor.u32 v0, v30;
	[tilespmem:v55+s26+$0x0] =	vst.idx.msk $0xffff, v35;
	v55 =	vld [tilespmem:$0x1FF00];
	_ =	sdelay $0x3  }
0x5e5: {  	v51 =	vmov v0;
	v0 =	vld [tilespmem:$0x1FF10]  }
0x5e6: {  	v35 =	vld.idx.msk [tilespmem:v56+s20+$0x0], $0xffff;
	v57 =	vor.u32 v55, v34;
	_ =	sdelay $0x4  }
0x5e7: {  	v58 =	vor.u32 v0, v29;
	[tilespmem:v57+s26+$0x0] =	vst.idx.msk $0xffff, v35;
	v57 =	vld [tilespmem:$0x1FF20];
	_ =	sdelay $0x3  }
0x5e8: {  	v11 =	vmov v0;
	v0 =	vld [tilespmem:$0x1FF30]  }
0x5e9: {  	v35 =	vld.idx.msk [tilespmem:v58+s20+$0x0], $0xffff;
	v59 =	vor.u32 v57, v34;
	_ =	sdelay $0x4  }
0x5ea: {  	v61 =	vor.u32 v0, v30;
	[tilespmem:v59+s26+$0x0] =	vst.idx.msk $0xffff, v35;
	v59 =	vld [tilespmem:$0x1FF40]  }
0x5eb: {  	v13 =	vmov v0;
	v0 =	vld [tilespmem:$0x1FF50];
	_ =	sdelay $0x3  }
0x5ec: {  	v35 =	vld.idx.msk [tilespmem:v61+s20+$0x0], $0xffff;
	v63 =	vor.u32 v59, v34  }
0x5ed: {  	v32 =	vor.u32 v0, v29;
	v61 =	vld [tilespmem:$0x1FF60]  }
0x5ee: {  	v52 =	vmov v0;
	v0 =	vld [tilespmem:$0x1FF70];
	_ =	sdelay $0x2  }
0x5ef: {  	[tilespmem:v63+s26+$0x0] =	vst.idx.msk $0xffff, v35  }
0x5f0: {  	v33 =	vor.u32 v61, v34;
	v35 =	vld.idx.msk [tilespmem:v32+s20+$0x0], $0xffff  }
0x5f1: {  	v40 =	vor.u32 v0, v30;
	v63 =	vld [tilespmem:$0x1FF80]  }
0x5f2: {  	v54 =	vmov v0;
	v0 =	vld [tilespmem:$0x1FF90];
	_ =	sdelay $0x2  }
0x5f3: {  	[tilespmem:v33+s26+$0x0] =	vst.idx.msk $0xffff, v35  }
0x5f4: {  	v42 =	vor.u32 v63, v34;
	v35 =	vld.idx.msk [tilespmem:v40+s20+$0x0], $0xffff  }
0x5f5: {  	v9 =	vld [tilespmem:$0x1FFA0];
	v44 =	vor.u32 v0, v29  }
0x5f6: {  	v8 =	vld [tilespmem:$0x1FFB0];
	_ =	sdelay $0x2  }
0x5f7: {  	[tilespmem:v42+s26+$0x0] =	vst.idx.msk $0xffff, v35  }
0x5f8: {  	v46 =	vor.u32 v9, v34;
	v35 =	vld.idx.msk [tilespmem:v44+s20+$0x0], $0xffff  }
0x5f9: {  	v10 =	vld [tilespmem:$0x1FFC0];
	v48 =	vor.u32 v8, v30  }
0x5fa: {  	v12 =	vld [tilespmem:$0x1FFD0];
	_ =	sdelay $0x2  }
0x5fb: {  	[tilespmem:v46+s26+$0x0] =	vst.idx.msk $0xffff, v35  }
0x5fc: {  	v58 =	vor.u32 v10, v34;
	v35 =	vld.idx.msk [tilespmem:v48+s20+$0x0], $0xffff  }
0x5fd: {  	v56 =	vmov v0;
	v0 =	vld [tilespmem:$0x1FFE0];
	v32 =	vor.u32 v12, v29  }
0x5fe: {  	v14 =	vld [tilespmem:$0x1FBD0];
	_ =	sdelay $0x2  }
0x5ff: {  	[tilespmem:v58+s26+$0x0] =	vst.idx.msk $0xffff, v35  }
0x600: {  	v33 =	vor.u32 v0, v34;
	v35 =	vld.idx.msk [tilespmem:v32+s20+$0x0], $0xffff  }
0x601: {  	v15 =	vld [tilespmem:$0x1FBE0];
	v40 =	vor.u32 v14, v30  }
0x602: {  	v16 =	vld [tilespmem:$0x1FBF0];
	_ =	sdelay $0x2  }
0x603: {  	[tilespmem:v33+s26+$0x0] =	vst.idx.msk $0xffff, v35  }
0x604: {  	v42 =	vor.u32 v15, v34;
	v35 =	vld.idx.msk [tilespmem:v40+s20+$0x0], $0xffff  }
0x605: {  	v17 =	vld [tilespmem:$0x1FA10];
	v44 =	vor.u32 v16, v29  }
0x606: {  	v18 =	vld [tilespmem:$0x1FA20];
	_ =	sdelay $0x2  }
0x607: {  	[tilespmem:v42+s26+$0x0] =	vst.idx.msk $0xffff, v35  }
0x608: {  	v46 =	vor.u32 v17, v34;
	v35 =	vld.idx.msk [tilespmem:v44+s20+$0x0], $0xffff  }
0x609: {  	v19 =	vld [tilespmem:$0x1FA30];
	v48 =	vor.u32 v18, v30  }
0x60a: {  	v20 =	vld [tilespmem:$0x1FA40];
	_ =	sdelay $0x2  }
0x60b: {  	[tilespmem:v46+s26+$0x0] =	vst.idx.msk $0xffff, v35  }
0x60c: {  	v32 =	vor.u32 v19, v34;
	v35 =	vld.idx.msk [tilespmem:v48+s20+$0x0], $0xffff  }
0x60d: {  	v21 =	vld [tilespmem:$0x1FA50];
	v33 =	vor.u32 v20, v29  }
0x60e: {  	v22 =	vld [tilespmem:$0x1FA60];
	_ =	sdelay $0x2  }
0x60f: {  	[tilespmem:v32+s26+$0x0] =	vst.idx.msk $0xffff, v35  }
0x610: {  	v40 =	vor.u32 v21, v34;
	v35 =	vld.idx.msk [tilespmem:v33+s20+$0x0], $0xffff  }
0x611: {  	v23 =	vld [tilespmem:$0x1FA70];
	v42 =	vor.u32 v22, v30  }
0x612: {  	v24 =	vld [tilespmem:$0x1FA80];
	_ =	sdelay $0x2  }
0x613: {  	[tilespmem:v40+s26+$0x0] =	vst.idx.msk $0xffff, v35  }
0x614: {  	v44 =	vor.u32 v23, v34;
	v35 =	vld.idx.msk [tilespmem:v42+s20+$0x0], $0xffff  }
0x615: {  	v25 =	vld [tilespmem:$0x1FA90];
	v46 =	vor.u32 v24, v29  }
0x616: {  	v26 =	vld [tilespmem:$0x1FAA0];
	_ =	sdelay $0x2  }
0x617: {  	[tilespmem:v44+s26+$0x0] =	vst.idx.msk $0xffff, v35  }
0x618: {  	v48 =	vor.u32 v25, v34;
	v35 =	vld.idx.msk [tilespmem:v46+s20+$0x0], $0xffff  }
0x619: {  	v27 =	vld [tilespmem:$0x1FAB0];
	v32 =	vor.u32 v26, v30  }
0x61a: {  	v28 =	vld [tilespmem:$0x1FAC0];
	_ =	sdelay $0x2  }
0x61b: {  	[tilespmem:v48+s26+$0x0] =	vst.idx.msk $0xffff, v35  }
0x61c: {  	v33 =	vor.u32 v27, v34;
	v35 =	vld.idx.msk [tilespmem:v32+s20+$0x0], $0xffff  }
0x61d: {  	v31 =	vld [tilespmem:$0x1FAD0];
	v40 =	vor.u32 v28, v29  }
0x61e: {  	v32 =	vld [tilespmem:$0x1FAE0];
	_ =	sdelay $0x2  }
0x61f: {  	[tilespmem:v33+s26+$0x0] =	vst.idx.msk $0xffff, v35  }
0x620: {  	v42 =	vor.u32 v31, v34;
	v35 =	vld.idx.msk [tilespmem:v40+s20+$0x0], $0xffff  }
0x621: {  	v44 =	vor.u32 v32, v30;
	v33 =	vld [tilespmem:$0x1FAF0]  }
0x622: {  	v58 =	vmov v0;
	v0 =	vld [tilespmem:$0x1FB00];
	_ =	sdelay $0x2  }
0x623: {  	[tilespmem:v42+s26+$0x0] =	vst.idx.msk $0xffff, v35  }
0x624: {  	v46 =	vor.u32 v33, v34;
	v35 =	vld.idx.msk [tilespmem:v44+s20+$0x0], $0xffff  }
0x625: {  	v1 =	vld [tilespmem:$0x1FB10];
	v48 =	vor.u32 v0, v29  }
0x626: {  	v2 =	vld [tilespmem:$0x1FB20];
	_ =	sdelay $0x2  }
0x627: {  	[tilespmem:v46+s26+$0x0] =	vst.idx.msk $0xffff, v35  }
0x628: {  	v40 =	vor.u32 v1, v34;
	v35 =	vld.idx.msk [tilespmem:v48+s20+$0x0], $0xffff  }
0x629: {  	v3 =	vld [tilespmem:$0x1FB30];
	v42 =	vor.u32 v2, v30  }
0x62a: {  	v4 =	vld [tilespmem:$0x1FB40];
	_ =	sdelay $0x2  }
0x62b: {  	[tilespmem:v40+s26+$0x0] =	vst.idx.msk $0xffff, v35  }
0x62c: {  	v44 =	vor.u32 v3, v34;
	v35 =	vld.idx.msk [tilespmem:v42+s20+$0x0], $0xffff  }
0x62d: {  	v5 =	vld [tilespmem:$0x1FB50];
	v46 =	vor.u32 v4, v29  }
0x62e: {  	v6 =	vld [tilespmem:$0x1FB60];
	_ =	sdelay $0x2  }
0x62f: {  	[tilespmem:v44+s26+$0x0] =	vst.idx.msk $0xffff, v35  }
0x630: {  	v48 =	vor.u32 v5, v34;
	v35 =	vld.idx.msk [tilespmem:v46+s20+$0x0], $0xffff  }
0x631: {  	v7 =	vld [tilespmem:$0x1FB70];
	v40 =	vor.u32 v6, v30  }
0x632: {  	v39 =	vld [tilespmem:$0x1FC00];
	_ =	sdelay $0x2  }
0x633: {  	[tilespmem:v48+s26+$0x0] =	vst.idx.msk $0xffff, v35  }
0x634: {  	v42 =	vor.u32 v7, v34;
	v35 =	vld.idx.msk [tilespmem:v40+s20+$0x0], $0xffff  }
0x635: {  	v44 =	vor.u32 v39, v29;
	v40 =	vld [tilespmem:$0x1FB80];
	_ =	sdelay $0x3  }
0x636: {  	[tilespmem:v42+s26+$0x0] =	vst.idx.msk $0xffff, v35;
	v42 =	vld [tilespmem:$0x1FB90]  }
0x637: {  	v46 =	vor.u32 v40, v34;
	v35 =	vld.idx.msk [tilespmem:v44+s20+$0x0], $0xffff;
	_ =	sdelay $0x3  }
0x638: {  	v44 =	vld [tilespmem:$0x1FBA0];
	v30 =	vor.u32 v42, v30  }
0x639: {  	[tilespmem:v46+s26+$0x0] =	vst.idx.msk $0xffff, v35;
	v46 =	vld [tilespmem:$0x1FBB0];
	_ =	sdelay $0x3  }
0x63a: {  	v35 =	vor.u32 v44, v34;
	v30 =	vld.idx.msk [tilespmem:v30+s20+$0x0], $0xffff  }
0x63b: {  	v48 =	vor.u32 v46, v29;
	_ =	sdelay $0x3  }
0x63c: {  	[tilespmem:v35+s26+$0x0] =	vst.idx.msk $0xffff, v30  }
0x63d: {  	v37 =	vlaneseq.u32;
	s10 =	simm.s32 $0x1;
	v30 =	vld.idx.msk [tilespmem:v48+s20+$0x0], $0xffff  }
0x63e: {  	v29 =	vadd.s32 s10, v37;
	s10 =	simm.s32 $0x2;
	v48 =	vld [tilespmem:$0x1FBC0]  }
.LBB2_13:
0x63f: {  	v36 =	vld [tilespmem:$0x1FFF0];
	_ =	sdelay $0x3  }
0x640: {  	v35 =	vand.u32 $0xF, v29;
	v34 =	vor.u32 v48, v34  }
0x641: {  	v36 =	vor.u32 v36, v35;
	_ =	sdelay $0x3  }
0x642: {  	[tilespmem:v34+s26+$0x0] =	vst.idx.msk $0xffff, v30;
	v34 =	vshll.u32 v35, $0x7  }
0x643: {  	v30 =	vld.idx.msk [tilespmem:v36+s20+$0x0], $0xffff;
	v36 =	vor.u32 v37, v34;
	_ =	sdelay $0x4  }
0x644: {  	v37 =	vor.u32 v38, v29;
	[tilespmem:v36+s26+$0x0] =	vst.idx.msk $0xffff, v30;
	v36 =	vld [tilespmem:$0x1FE20];
	_ =	sdelay $0x4  }
0x645: {  	v30 =	vld.idx.msk [tilespmem:v37+s20+$0x0], $0xffff;
	v36 =	vor.u32 v36, v34;
	_ =	sdelay $0x4  }
0x646: {  	v37 =	vor.u32 v41, v35;
	[tilespmem:v36+s26+$0x0] =	vst.idx.msk $0xffff, v30;
	v36 =	vld [tilespmem:$0x1FE40];
	_ =	sdelay $0x4  }
0x647: {  	v30 =	vld.idx.msk [tilespmem:v37+s20+$0x0], $0xffff;
	v36 =	vor.u32 v36, v34;
	_ =	sdelay $0x4  }
0x648: {  	v37 =	vor.u32 v43, v29;
	[tilespmem:v36+s26+$0x0] =	vst.idx.msk $0xffff, v30;
	v36 =	vld [tilespmem:$0x1FE60];
	_ =	sdelay $0x4  }
0x649: {  	v30 =	vld.idx.msk [tilespmem:v37+s20+$0x0], $0xffff;
	v36 =	vor.u32 v36, v34;
	_ =	sdelay $0x4  }
0x64a: {  	v37 =	vor.u32 v45, v35;
	[tilespmem:v36+s26+$0x0] =	vst.idx.msk $0xffff, v30;
	v36 =	vld [tilespmem:$0x1FE80];
	_ =	sdelay $0x4  }
0x64b: {  	v30 =	vld.idx.msk [tilespmem:v37+s20+$0x0], $0xffff;
	v36 =	vor.u32 v36, v34  }
0x64c: {  	v37 =	vor.u32 v47, v29;
	_ =	sdelay $0x3  }
0x64d: {  	[tilespmem:v36+s26+$0x0] =	vst.idx.msk $0xffff, v30  }
0x64e: {  	v36 =	vor.u32 v60, v34;
	v30 =	vld.idx.msk [tilespmem:v37+s20+$0x0], $0xffff  }
0x64f: {  	v37 =	vor.u32 v49, v35;
	_ =	sdelay $0x3  }
0x650: {  	[tilespmem:v36+s26+$0x0] =	vst.idx.msk $0xffff, v30  }
0x651: {  	v36 =	vor.u32 v62, v34;
	v30 =	vld.idx.msk [tilespmem:v37+s20+$0x0], $0xffff  }
0x652: {  	v37 =	vor.u32 v50, v29;
	_ =	sdelay $0x3  }
0x653: {  	[tilespmem:v36+s26+$0x0] =	vst.idx.msk $0xffff, v30  }
0x654: {  	v36 =	vor.u32 v53, v34;
	v30 =	vld.idx.msk [tilespmem:v37+s20+$0x0], $0xffff  }
0x655: {  	v37 =	vor.u32 v51, v35;
	_ =	sdelay $0x3  }
0x656: {  	[tilespmem:v36+s26+$0x0] =	vst.idx.msk $0xffff, v30  }
0x657: {  	v36 =	vor.u32 v55, v34;
	v30 =	vld.idx.msk [tilespmem:v37+s20+$0x0], $0xffff  }
0x658: {  	v37 =	vor.u32 v11, v29;
	_ =	sdelay $0x3  }
0x659: {  	[tilespmem:v36+s26+$0x0] =	vst.idx.msk $0xffff, v30  }
0x65a: {  	v36 =	vor.u32 v57, v34;
	v30 =	vld.idx.msk [tilespmem:v37+s20+$0x0], $0xffff  }
0x65b: {  	v37 =	vor.u32 v13, v35;
	_ =	sdelay $0x3  }
0x65c: {  	[tilespmem:v36+s26+$0x0] =	vst.idx.msk $0xffff, v30  }
0x65d: {  	v36 =	vor.u32 v59, v34;
	v30 =	vld.idx.msk [tilespmem:v37+s20+$0x0], $0xffff  }
0x65e: {  	v37 =	vor.u32 v52, v29;
	_ =	sdelay $0x3  }
0x65f: {  	[tilespmem:v36+s26+$0x0] =	vst.idx.msk $0xffff, v30  }
0x660: {  	v36 =	vor.u32 v61, v34;
	v30 =	vld.idx.msk [tilespmem:v37+s20+$0x0], $0xffff  }
0x661: {  	v37 =	vor.u32 v54, v35;
	_ =	sdelay $0x3  }
0x662: {  	[tilespmem:v36+s26+$0x0] =	vst.idx.msk $0xffff, v30  }
0x663: {  	v36 =	vor.u32 v63, v34;
	v30 =	vld.idx.msk [tilespmem:v37+s20+$0x0], $0xffff  }
0x664: {  	v37 =	vor.u32 v56, v29;
	_ =	sdelay $0x3  }
0x665: {  	[tilespmem:v36+s26+$0x0] =	vst.idx.msk $0xffff, v30  }
0x666: {  	v36 =	vor.u32 v9, v34;
	v30 =	vld.idx.msk [tilespmem:v37+s20+$0x0], $0xffff  }
0x667: {  	v37 =	vor.u32 v8, v35;
	_ =	sdelay $0x3  }
0x668: {  	[tilespmem:v36+s26+$0x0] =	vst.idx.msk $0xffff, v30  }
0x669: {  	v36 =	vor.u32 v10, v34;
	v30 =	vld.idx.msk [tilespmem:v37+s20+$0x0], $0xffff  }
0x66a: {  	v37 =	vor.u32 v12, v29;
	_ =	sdelay $0x3  }
0x66b: {  	[tilespmem:v36+s26+$0x0] =	vst.idx.msk $0xffff, v30  }
0x66c: {  	v36 =	vor.u32 v58, v34;
	v30 =	vld.idx.msk [tilespmem:v37+s20+$0x0], $0xffff  }
0x66d: {  	v37 =	vor.u32 v14, v35;
	_ =	sdelay $0x3  }
0x66e: {  	[tilespmem:v36+s26+$0x0] =	vst.idx.msk $0xffff, v30  }
0x66f: {  	v36 =	vor.u32 v15, v34;
	v30 =	vld.idx.msk [tilespmem:v37+s20+$0x0], $0xffff  }
0x670: {  	v37 =	vor.u32 v16, v29;
	_ =	sdelay $0x3  }
0x671: {  	[tilespmem:v36+s26+$0x0] =	vst.idx.msk $0xffff, v30  }
0x672: {  	v36 =	vor.u32 v17, v34;
	v30 =	vld.idx.msk [tilespmem:v37+s20+$0x0], $0xffff  }
0x673: {  	v37 =	vor.u32 v18, v35;
	_ =	sdelay $0x3  }
0x674: {  	[tilespmem:v36+s26+$0x0] =	vst.idx.msk $0xffff, v30  }
0x675: {  	v36 =	vor.u32 v19, v34;
	v30 =	vld.idx.msk [tilespmem:v37+s20+$0x0], $0xffff  }
0x676: {  	v37 =	vor.u32 v20, v29;
	_ =	sdelay $0x3  }
0x677: {  	[tilespmem:v36+s26+$0x0] =	vst.idx.msk $0xffff, v30  }
0x678: {  	v36 =	vor.u32 v21, v34;
	v30 =	vld.idx.msk [tilespmem:v37+s20+$0x0], $0xffff  }
0x679: {  	v37 =	vor.u32 v22, v35;
	_ =	sdelay $0x3  }
0x67a: {  	[tilespmem:v36+s26+$0x0] =	vst.idx.msk $0xffff, v30  }
0x67b: {  	v36 =	vor.u32 v23, v34;
	v30 =	vld.idx.msk [tilespmem:v37+s20+$0x0], $0xffff  }
0x67c: {  	v37 =	vor.u32 v24, v29;
	_ =	sdelay $0x3  }
0x67d: {  	[tilespmem:v36+s26+$0x0] =	vst.idx.msk $0xffff, v30  }
0x67e: {  	v36 =	vor.u32 v25, v34;
	v30 =	vld.idx.msk [tilespmem:v37+s20+$0x0], $0xffff  }
0x67f: {  	v37 =	vor.u32 v26, v35;
	_ =	sdelay $0x3  }
0x680: {  	[tilespmem:v36+s26+$0x0] =	vst.idx.msk $0xffff, v30  }
0x681: {  	v36 =	vor.u32 v27, v34;
	v30 =	vld.idx.msk [tilespmem:v37+s20+$0x0], $0xffff  }
0x682: {  	v37 =	vor.u32 v28, v29;
	_ =	sdelay $0x3  }
0x683: {  	[tilespmem:v36+s26+$0x0] =	vst.idx.msk $0xffff, v30  }
0x684: {  	v36 =	vor.u32 v31, v34;
	v30 =	vld.idx.msk [tilespmem:v37+s20+$0x0], $0xffff  }
0x685: {  	v37 =	vor.u32 v32, v35;
	_ =	sdelay $0x3  }
0x686: {  	[tilespmem:v36+s26+$0x0] =	vst.idx.msk $0xffff, v30  }
0x687: {  	v36 =	vor.u32 v33, v34;
	v30 =	vld.idx.msk [tilespmem:v37+s20+$0x0], $0xffff  }
0x688: {  	v37 =	vor.u32 v0, v29;
	_ =	sdelay $0x3  }
0x689: {  	[tilespmem:v36+s26+$0x0] =	vst.idx.msk $0xffff, v30  }
0x68a: {  	v36 =	vor.u32 v1, v34;
	v30 =	vld.idx.msk [tilespmem:v37+s20+$0x0], $0xffff  }
0x68b: {  	v37 =	vor.u32 v2, v35;
	_ =	sdelay $0x3  }
0x68c: {  	[tilespmem:v36+s26+$0x0] =	vst.idx.msk $0xffff, v30  }
0x68d: {  	v36 =	vor.u32 v3, v34;
	v30 =	vld.idx.msk [tilespmem:v37+s20+$0x0], $0xffff  }
0x68e: {  	v37 =	vor.u32 v4, v29;
	_ =	sdelay $0x3  }
0x68f: {  	[tilespmem:v36+s26+$0x0] =	vst.idx.msk $0xffff, v30  }
0x690: {  	v36 =	vor.u32 v5, v34;
	v30 =	vld.idx.msk [tilespmem:v37+s20+$0x0], $0xffff  }
0x691: {  	v37 =	vor.u32 v6, v35;
	_ =	sdelay $0x3  }
0x692: {  	[tilespmem:v36+s26+$0x0] =	vst.idx.msk $0xffff, v30  }
0x693: {  	v36 =	vor.u32 v7, v34;
	v30 =	vld.idx.msk [tilespmem:v37+s20+$0x0], $0xffff  }
0x694: {  	v37 =	vor.u32 v39, v29;
	_ =	sdelay $0x3  }
0x695: {  	[tilespmem:v36+s26+$0x0] =	vst.idx.msk $0xffff, v30  }
0x696: {  	v36 =	vor.u32 v40, v34;
	v30 =	vld.idx.msk [tilespmem:v37+s20+$0x0], $0xffff  }
0x697: {  	v35 =	vor.u32 v42, v35;
	_ =	sdelay $0x3  }
0x698: {  	[tilespmem:v36+s26+$0x0] =	vst.idx.msk $0xffff, v30  }
0x699: {  	v30 =	vld.idx.msk [tilespmem:v35+s20+$0x0], $0xffff;
	v35 =	vor.u32 v44, v34  }
0x69a: {  	p1 =	sne.s32 s10, $0xF;
	v36 =	vor.u32 v46, v29  }
.Ltmp8:
0x69b: {  	_ = 	snop;
	(pc) =	sbr.rel @p1 .LBB2_13-.Ltmp8, $3  }
0x69c: {  	_ =	sdelay $0x1  }
0x69d: {  	v37 =	vlaneseq.u32;
	[tilespmem:v35+s26+$0x0] =	vst.idx.msk $0xffff, v30  }
0x69e: {  	v29 =	vadd.s32 s10, v37;
	s10 =	sadd.s32 $0x1, s10;
	v30 =	vld.idx.msk [tilespmem:v36+s20+$0x0], $0xffff  }
0x69f: {  	v36 =	vld [tilespmem:$0x1FFF0];
	_ =	sdelay $0x3  }
0x6a0: {  	v35 =	vand.u32 $0xF, v29;
	v34 =	vor.u32 v48, v34  }
0x6a1: {  	v36 =	vor.u32 v36, v35;
	_ =	sdelay $0x3  }
0x6a2: {  	[tilespmem:v34+s26+$0x0] =	vst.idx.msk $0xffff, v30;
	v30 =	vshll.u32 v35, $0x7  }
0x6a3: {  	v34 =	vld.idx.msk [tilespmem:v36+s20+$0x0], $0xffff;
	v36 =	vor.u32 v37, v30;
	_ =	sdelay $0x4  }
0x6a4: {  	v37 =	vor.u32 v38, v29;
	[tilespmem:v36+s26+$0x0] =	vst.idx.msk $0xffff, v34;
	v36 =	vld [tilespmem:$0x1FE20];
	_ =	sdelay $0x4  }
0x6a5: {  	v34 =	vld.idx.msk [tilespmem:v37+s20+$0x0], $0xffff;
	v36 =	vor.u32 v36, v30;
	_ =	sdelay $0x4  }
0x6a6: {  	v37 =	vor.u32 v41, v35;
	[tilespmem:v36+s26+$0x0] =	vst.idx.msk $0xffff, v34;
	v36 =	vld [tilespmem:$0x1FE40];
	_ =	sdelay $0x4  }
0x6a7: {  	v34 =	vld.idx.msk [tilespmem:v37+s20+$0x0], $0xffff;
	v36 =	vor.u32 v36, v30;
	_ =	sdelay $0x4  }
0x6a8: {  	v37 =	vor.u32 v43, v29;
	[tilespmem:v36+s26+$0x0] =	vst.idx.msk $0xffff, v34;
	v36 =	vld [tilespmem:$0x1FE60];
	_ =	sdelay $0x4  }
0x6a9: {  	v34 =	vld.idx.msk [tilespmem:v37+s20+$0x0], $0xffff;
	v36 =	vor.u32 v36, v30;
	_ =	sdelay $0x4  }
0x6aa: {  	v37 =	vor.u32 v45, v35;
	[tilespmem:v36+s26+$0x0] =	vst.idx.msk $0xffff, v34;
	v36 =	vld [tilespmem:$0x1FE80];
	_ =	sdelay $0x4  }
0x6ab: {  	v34 =	vld.idx.msk [tilespmem:v37+s20+$0x0], $0xffff;
	v36 =	vor.u32 v36, v30  }
0x6ac: {  	v37 =	vor.u32 v47, v29;
	_ =	sdelay $0x3  }
0x6ad: {  	[tilespmem:v36+s26+$0x0] =	vst.idx.msk $0xffff, v34  }
0x6ae: {  	v36 =	vor.u32 v60, v30;
	v34 =	vld.idx.msk [tilespmem:v37+s20+$0x0], $0xffff  }
0x6af: {  	v60 =	vor.u32 v49, v35;
	_ =	sdelay $0x3  }
0x6b0: {  	[tilespmem:v36+s26+$0x0] =	vst.idx.msk $0xffff, v34  }
0x6b1: {  	v34 =	vld.idx.msk [tilespmem:v60+s20+$0x0], $0xffff;
	v60 =	vor.u32 v62, v30  }
0x6b2: {  	v62 =	vor.u32 v50, v29;
	_ =	sdelay $0x3  }
0x6b3: {  	[tilespmem:v60+s26+$0x0] =	vst.idx.msk $0xffff, v34  }
0x6b4: {  	v53 =	vor.u32 v53, v30;
	v34 =	vld.idx.msk [tilespmem:v62+s20+$0x0], $0xffff  }
0x6b5: {  	v60 =	vor.u32 v51, v35;
	_ =	sdelay $0x3  }
0x6b6: {  	[tilespmem:v53+s26+$0x0] =	vst.idx.msk $0xffff, v34  }
0x6b7: {  	v62 =	vor.u32 v55, v30;
	v34 =	vld.idx.msk [tilespmem:v60+s20+$0x0], $0xffff  }
0x6b8: {  	v53 =	vor.u32 v11, v29;
	_ =	sdelay $0x3  }
0x6b9: {  	[tilespmem:v62+s26+$0x0] =	vst.idx.msk $0xffff, v34  }
0x6ba: {  	v55 =	vor.u32 v57, v30;
	v34 =	vld.idx.msk [tilespmem:v53+s20+$0x0], $0xffff  }
0x6bb: {  	v57 =	vor.u32 v13, v35;
	_ =	sdelay $0x3  }
0x6bc: {  	[tilespmem:v55+s26+$0x0] =	vst.idx.msk $0xffff, v34  }
0x6bd: {  	v59 =	vor.u32 v59, v30;
	v34 =	vld.idx.msk [tilespmem:v57+s20+$0x0], $0xffff  }
0x6be: {  	v60 =	vor.u32 v52, v29;
	_ =	sdelay $0x3  }
0x6bf: {  	[tilespmem:v59+s26+$0x0] =	vst.idx.msk $0xffff, v34  }
0x6c0: {  	v61 =	vor.u32 v61, v30;
	v34 =	vld.idx.msk [tilespmem:v60+s20+$0x0], $0xffff  }
0x6c1: {  	v62 =	vor.u32 v54, v35;
	_ =	sdelay $0x3  }
0x6c2: {  	[tilespmem:v61+s26+$0x0] =	vst.idx.msk $0xffff, v34  }
0x6c3: {  	v53 =	vor.u32 v63, v30;
	v34 =	vld.idx.msk [tilespmem:v62+s20+$0x0], $0xffff  }
0x6c4: {  	v55 =	vor.u32 v56, v29;
	_ =	sdelay $0x3  }
0x6c5: {  	[tilespmem:v53+s26+$0x0] =	vst.idx.msk $0xffff, v34  }
0x6c6: {  	v57 =	vor.u32 v9, v30;
	v34 =	vld.idx.msk [tilespmem:v55+s20+$0x0], $0xffff  }
0x6c7: {  	v59 =	vor.u32 v8, v35;
	_ =	sdelay $0x3  }
0x6c8: {  	[tilespmem:v57+s26+$0x0] =	vst.idx.msk $0xffff, v34  }
0x6c9: {  	v60 =	vor.u32 v10, v30;
	v34 =	vld.idx.msk [tilespmem:v59+s20+$0x0], $0xffff  }
0x6ca: {  	v61 =	vor.u32 v12, v29;
	_ =	sdelay $0x3  }
0x6cb: {  	[tilespmem:v60+s26+$0x0] =	vst.idx.msk $0xffff, v34  }
0x6cc: {  	v62 =	vor.u32 v58, v30;
	v34 =	vld.idx.msk [tilespmem:v61+s20+$0x0], $0xffff  }
0x6cd: {  	v63 =	vor.u32 v14, v35;
	_ =	sdelay $0x3  }
0x6ce: {  	[tilespmem:v62+s26+$0x0] =	vst.idx.msk $0xffff, v34  }
0x6cf: {  	v9 =	vor.u32 v15, v30;
	v34 =	vld.idx.msk [tilespmem:v63+s20+$0x0], $0xffff  }
0x6d0: {  	v10 =	vor.u32 v16, v29;
	_ =	sdelay $0x3  }
0x6d1: {  	[tilespmem:v9+s26+$0x0] =	vst.idx.msk $0xffff, v34  }
0x6d2: {  	v9 =	vor.u32 v17, v30;
	v34 =	vld.idx.msk [tilespmem:v10+s20+$0x0], $0xffff  }
0x6d3: {  	v10 =	vor.u32 v18, v35;
	_ =	sdelay $0x3  }
0x6d4: {  	[tilespmem:v9+s26+$0x0] =	vst.idx.msk $0xffff, v34  }
0x6d5: {  	v9 =	vor.u32 v19, v30;
	v8 =	vld.idx.msk [tilespmem:v10+s20+$0x0], $0xffff  }
0x6d6: {  	v10 =	vor.u32 v20, v29;
	_ =	sdelay $0x3  }
0x6d7: {  	[tilespmem:v9+s26+$0x0] =	vst.idx.msk $0xffff, v8  }
0x6d8: {  	v9 =	vor.u32 v21, v30;
	v8 =	vld.idx.msk [tilespmem:v10+s20+$0x0], $0xffff  }
0x6d9: {  	v10 =	vor.u32 v22, v35;
	_ =	sdelay $0x3  }
0x6da: {  	[tilespmem:v9+s26+$0x0] =	vst.idx.msk $0xffff, v8  }
0x6db: {  	v9 =	vor.u32 v23, v30;
	v8 =	vld.idx.msk [tilespmem:v10+s20+$0x0], $0xffff  }
0x6dc: {  	v10 =	vor.u32 v24, v29;
	_ =	sdelay $0x3  }
0x6dd: {  	[tilespmem:v9+s26+$0x0] =	vst.idx.msk $0xffff, v8  }
0x6de: {  	v9 =	vor.u32 v25, v30;
	v8 =	vld.idx.msk [tilespmem:v10+s20+$0x0], $0xffff  }
0x6df: {  	v10 =	vor.u32 v26, v35;
	_ =	sdelay $0x3  }
0x6e0: {  	[tilespmem:v9+s26+$0x0] =	vst.idx.msk $0xffff, v8  }
0x6e1: {  	v9 =	vor.u32 v27, v30;
	v8 =	vld.idx.msk [tilespmem:v10+s20+$0x0], $0xffff  }
0x6e2: {  	v10 =	vor.u32 v28, v29;
	_ =	sdelay $0x3  }
0x6e3: {  	[tilespmem:v9+s26+$0x0] =	vst.idx.msk $0xffff, v8  }
0x6e4: {  	v9 =	vor.u32 v31, v30;
	v8 =	vld.idx.msk [tilespmem:v10+s20+$0x0], $0xffff  }
0x6e5: {  	v10 =	vor.u32 v32, v35;
	_ =	sdelay $0x3  }
0x6e6: {  	[tilespmem:v9+s26+$0x0] =	vst.idx.msk $0xffff, v8  }
0x6e7: {  	v9 =	vor.u32 v33, v30;
	v8 =	vld.idx.msk [tilespmem:v10+s20+$0x0], $0xffff  }
0x6e8: {  	v10 =	vor.u32 v0, v29;
	_ =	sdelay $0x3  }
0x6e9: {  	[tilespmem:v9+s26+$0x0] =	vst.idx.msk $0xffff, v8  }
0x6ea: {  	v9 =	vor.u32 v1, v30;
	v8 =	vld.idx.msk [tilespmem:v10+s20+$0x0], $0xffff  }
0x6eb: {  	v10 =	vor.u32 v2, v35;
	_ =	sdelay $0x3  }
0x6ec: {  	[tilespmem:v9+s26+$0x0] =	vst.idx.msk $0xffff, v8  }
0x6ed: {  	v9 =	vor.u32 v3, v30;
	v8 =	vld.idx.msk [tilespmem:v10+s20+$0x0], $0xffff  }
0x6ee: {  	v10 =	vor.u32 v4, v29;
	_ =	sdelay $0x3  }
0x6ef: {  	[tilespmem:v9+s26+$0x0] =	vst.idx.msk $0xffff, v8  }
0x6f0: {  	v9 =	vor.u32 v5, v30;
	v8 =	vld.idx.msk [tilespmem:v10+s20+$0x0], $0xffff  }
0x6f1: {  	v53 =	vor.u32 v6, v35;
	_ =	sdelay $0x3  }
0x6f2: {  	[tilespmem:v9+s26+$0x0] =	vst.idx.msk $0xffff, v8  }
0x6f3: {  	v55 =	vor.u32 v7, v30;
	v0 =	vld.idx.msk [tilespmem:v53+s20+$0x0], $0xffff  }
0x6f4: {  	v57 =	vor.u32 v39, v29;
	_ =	sdelay $0x3  }
0x6f5: {  	[tilespmem:v55+s26+$0x0] =	vst.idx.msk $0xffff, v0  }
0x6f6: {  	v59 =	vor.u32 v40, v30;
	v0 =	vld.idx.msk [tilespmem:v57+s20+$0x0], $0xffff  }
0x6f7: {  	v60 =	vor.u32 v42, v35;
	_ =	sdelay $0x3  }
0x6f8: {  	[tilespmem:v59+s26+$0x0] =	vst.idx.msk $0xffff, v0  }
0x6f9: {  	v61 =	vor.u32 v44, v30;
	v0 =	vld.idx.msk [tilespmem:v60+s20+$0x0], $0xffff  }
0x6fa: {  	v62 =	vor.u32 v46, v29;
	_ =	sdelay $0x3  }
0x6fb: {  	[tilespmem:v61+s26+$0x0] =	vst.idx.msk $0xffff, v0  }
0x6fc: {  	v63 =	vor.u32 v48, v30;
	v1 =	vld.idx.msk [tilespmem:v62+s20+$0x0], $0xffff;
	_ =	sdelay $0x1  }
.Ltmp9:
0x6fd: {  	_ = 	snop;
	(pc) =	sbr.rel @p0 .LBB2_16-.Ltmp9, $3  }
0x6fe: {  	_ =	sdelay $0x1  }
0x6ff: {  	s6 =	sadd.s32 s6, s9;
	v14 =	vmovc v52;
	v15 =	vmovc v11;
	v16 =	vmov v13;
	v13 =	vmov v58;
	v12 =	vmov v56;
	[tilespmem:v63+s26+$0x0] =	vst.idx.msk $0xffff, v1  }
0x700: {  	v6 =	vmovc v54;
	v9 =	vmovc v50;
	v55 =	vmov v38;
	v38 =	vmov v43;
	v59 =	vmov v47;
	[hbm4b:s6+s23] =	stream.strided.scatter [tilespmem:s26], [sflag:$0x6], $0x2000, s13, s23, $0x38;
	[tilespmem:$0x1C200] =	vst v63  }
0x701: {  	s2 =	sadd.s32 $0x7, s2;
	v56 =	vld [tilespmem:$0x1FC10]  }
0x702: {  	v0 =	vmov s2  }
0x703: {  	v1 =	vshll.u32 v0, $0x3  }
0x704: {  	v0 =	vand.u32 $0x7F, v0;
	v1 =	vand.u32 $0xC00, v1  }
0x705: {  	v0 =	vor.u32 v0, v1  }
0x706: {  	v1 =	vadd.s32 v56, v0;
	_ =	sdelay $0x1  }
0x707: {  	v2 =	vld [tilespmem:$0x1FC20];
	_ =	sdelay $0x2  }
0x708: {  	v1 =	vld.idx.msk [tilespmem:v1+s3+$0x0], $0xffff;
	_ =	sdelay $0x1  }
0x709: {  	v2 =	vadd.s32 v2, v0  }
0x70a: {  	s2 =	smul.u32 $0x64, s2  }
0x70b: {  	v57 =	vld [tilespmem:$0x1FC30]  }
0x70c: {  	v1 =	vadd.s32 s2, v1  }
0x70d: {  	[tilespmem:$0x8180] =	vst v1  }
0x70e: {  	v1 =	vld.idx.msk [tilespmem:v2+s3+$0x0], $0xffff;
	_ =	sdelay $0x1  }
0x70f: {  	v2 =	vadd.s32 v57, v0;
	_ =	sdelay $0x1  }
0x710: {  	v58 =	vld [tilespmem:$0x1FC40]  }
0x711: {  	v1 =	vadd.s32 s2, v1  }
0x712: {  	[tilespmem:$0x8190] =	vst v1  }
0x713: {  	v1 =	vld.idx.msk [tilespmem:v2+s3+$0x0], $0xffff;
	_ =	sdelay $0x1  }
0x714: {  	v2 =	vadd.s32 v58, v0;
	_ =	sdelay $0x1  }
0x715: {  	v60 =	vld [tilespmem:$0x1FC50]  }
0x716: {  	v1 =	vadd.s32 s2, v1  }
0x717: {  	[tilespmem:$0x81A0] =	vst v1  }
0x718: {  	v1 =	vld.idx.msk [tilespmem:v2+s3+$0x0], $0xffff;
	_ =	sdelay $0x1  }
0x719: {  	v2 =	vadd.s32 v60, v0;
	_ =	sdelay $0x1  }
0x71a: {  	v61 =	vld [tilespmem:$0x1FC60]  }
0x71b: {  	v1 =	vadd.s32 s2, v1  }
0x71c: {  	[tilespmem:$0x81B0] =	vst v1  }
0x71d: {  	v1 =	vld.idx.msk [tilespmem:v2+s3+$0x0], $0xffff;
	_ =	sdelay $0x1  }
0x71e: {  	v2 =	vadd.s32 v61, v0;
	_ =	sdelay $0x1  }
0x71f: {  	v62 =	vld [tilespmem:$0x1FC70]  }
0x720: {  	v1 =	vadd.s32 s2, v1  }
0x721: {  	[tilespmem:$0x81C0] =	vst v1  }
0x722: {  	v1 =	vld.idx.msk [tilespmem:v2+s3+$0x0], $0xffff;
	_ =	sdelay $0x1  }
0x723: {  	v63 =	vld [tilespmem:$0x1FC80];
	v2 =	vadd.s32 v62, v0  }
0x724: {  	v36 =	vld [tilespmem:$0x1FFF0]  }
0x725: {  	v52 =	vld [tilespmem:$0x1FE20]  }
0x726: {  	v54 =	vld [tilespmem:$0x1FE40];
	v1 =	vadd.s32 s2, v1  }
0x727: {  	v42 =	vld [tilespmem:$0x1FEA0];
	[tilespmem:$0x81D0] =	vst v1  }
0x728: {  	v1 =	vld.idx.msk [tilespmem:v2+s3+$0x0], $0xffff  }
0x729: {  	v40 =	vld [tilespmem:$0x1FEC0]  }
0x72a: {  	v46 =	vld [tilespmem:$0x1FEE0];
	v0 =	vadd.s32 v63, v0  }
0x72b: {  	v47 =	vld [tilespmem:$0x1FF00]  }
0x72c: {  	v48 =	vld [tilespmem:$0x1FF40]  }
0x72d: {  	v50 =	vld [tilespmem:$0x1FF60];
	v1 =	vadd.s32 s2, v1  }
0x72e: {  	v10 =	vld [tilespmem:$0x1FF80];
	[tilespmem:$0x81E0] =	vst v1  }
0x72f: {  	v0 =	vld.idx.msk [tilespmem:v0+s3+$0x0], $0xffff  }
0x730: {  	v44 =	vld [tilespmem:$0x1FFA0]  }
0x731: {  	v11 =	vld [tilespmem:$0x1FFB0]  }
.Ltmp10:
0x732: {  	v8 =	vld [tilespmem:$0x1FFD0];
	(pc) =	sbr.rel .LBB2_2-.Ltmp10, $4  }
0x733: {  	v56 =	vld [tilespmem:$0x1FE60]  }
0x734: {  	v58 =	vld [tilespmem:$0x1FE80];
	v0 =	vadd.s32 s2, v0  }
0x735: {  	s0 =	sadd.s32 $0x1, s0;
	v60 =	vld [tilespmem:$0x1FF20];
	[tilespmem:$0x81F0] =	vst v0  }
0x736: {  	v37 =	vlaneseq.u32;
	v62 =	vld [tilespmem:$0x1FFC0];
	[tilespmem:s20], [sflag:$0x4] =	stream.indirect.gather [hbm4b:s5+s12], $0x80, s19, s12, $0xb8  }
.LBB2_17:
0x737: {  	_ =	sfence.sel $0x180000  }
0x738: {  	[bflag:$0x0] =	sbarrier.arrive $0xFFFF  }
0x739: {  	_ =	strace $0x90000047  }
0x73a: {  	s0 =	stileid.u32;
	[bflag:$0x2] =	sbarrier.arrive $0xFFFF  }
0x73b: {  	p0 =	sne.s32 s0, $0x0;
	s0 =	rddreg [dreg:$0x2]  }
0x73c: {  	s0 =	sadd.s32 @!p0 $0x100000, s0  }
0x73d: {  	[sflag:s0] =	ssyncadd.tile.s32 @!p0 $0x1;
	_ =	shalt  }
.Lfunc_end2:
_tile_overlayer_lowered:
.L_overlay_start_2:
0x73e: {  	(tag) =	ssettag $0x2  }
0x73f: {  	s0 =	rddreg [dreg:$0x0];
	s2 =	stileid.u32  }
0x740: {  	s1 =	rddreg [dreg:$0x1];
	p0 =	sne.s32 s2, $0x0  }
0x741: {  	s3 =	rddreg [dreg:$0x2];
	[bflag:$0x3] =	sbarrier.arrive $0xFFFF;
	s2 =	simm.s32 @!p0 $0x1C07  }
0x742: {  	[timem:s3], [sflag:s2] =	dma.local @!p0 [hbm:s0], s1  }
0x743: {  	s0 =	simm.s32 @!p0 $0x7  }
0x744: {  	_ =	swait.ge @!p0 [sflag:s0], s1  }
0x745: {  	s1 =	ssub.s32 @!p0 $0x0, s1;
	[sflag:s0] =	ssyncset.done @!p0 $0x0  }
0x746: {  	[sflag:s0] =	ssyncadd.s32 @!p0 s1  }
0x747: {  	[bflag:$0x3] =	sbarrier.arrive $0xFFFF  }
0x748: {  	_ =	shalt  }

</sc_bundles>
